<compile_context>
chip_gen: v7x
topology: tpu7x:2x2x1
jax: 0.10.2.dev20260603
libtpu: 0.0.44.dev20260713+nightly
codegen_flags: <defaults>
</compile_context>

<pallas_src>
import jax
import jax.numpy as jnp
import numpy as np
from jax import lax
from jax.experimental import pallas as pl
from jax.experimental.pallas import tpu as pltpu
from jax.experimental.pallas import tpu_sc as plsc

NM = 512
NC = NM * (NM - 1) // 2
LP = 20
H = 64
HID = 128
NPOS = NM * NM

P = 64
N_CHUNKS = NC // P
N_TILES = 32
CHUNKS_PER_TILE = 64
KH = LP // 2

_row_of_pair = np.repeat(np.arange(1, NM), np.arange(1, NM))
_off = (np.arange(NM) * (np.arange(NM) - 1)) // 2
_col = np.arange(NC) - _off[_row_of_pair]
_SCAT_POS = (NM * _row_of_pair
             + np.where(_col < NM // 2, 2 * _col, 2 * _col - (NM - 1))) \
    .astype(np.int32).reshape(N_CHUNKS, 1, P)


def _sc_pool_body(emb_p_hbm, idx_p_hbm, scat_hbm, emb_a_hbm, idx_a_hbm,
                  hp_hbm, ha_hbm, idx_v, buf_a, buf_b, acc_v, scat_v,
                  sem_a, sem_b):
    wid = lax.axis_index("s") * 2 + lax.axis_index("c")

    def accum(buf, init):
        @pl.loop(0, P)
        def _(j):
            for c4 in range(H // 16):
                sl = pl.ds(c4 * 16, 16)
                v = buf[0, j, sl]
                for k in range(1, KH):
                    v = v + buf[k, j, sl]
                if not init:
                    v = v + acc_v[j, sl]
                acc_v[j, sl] = v

    @pl.when(wid < NM // P)
    def _():
        pltpu.sync_copy(idx_a_hbm.at[wid], idx_v.at[0])
        for half, buf in ((0, buf_a), (1, buf_b)):
            for k in range(KH):
                pltpu.async_copy(
                    emb_a_hbm.at[idx_v.at[0, half * KH + k]], buf.at[k],
                    sem_a).wait()
            accum(buf, init=(half == 0))
        pltpu.sync_copy(acc_v, ha_hbm.at[pl.ds(wid * P, P)])

    def fire(buf, idx_slot, half, sem):
        for k in range(KH):
            pltpu.async_copy(
                emb_p_hbm.at[idx_v.at[idx_slot, half * KH + k]], buf.at[k],
                sem)

    def drain(buf, sem):
        for k in range(KH):
            pltpu.make_async_copy(
                emb_p_hbm.at[pl.ds(0, P)], buf.at[k], sem).wait()

    first = wid * CHUNKS_PER_TILE
    cnt = jnp.minimum(N_CHUNKS - first, CHUNKS_PER_TILE)

    @pl.when(cnt > 0)
    def _():
        pltpu.sync_copy(idx_p_hbm.at[first], idx_v.at[0])
        fire(buf_a, 0, 0, sem_a)

    @pl.loop(0, CHUNKS_PER_TILE)
    def _(g):
        @pl.when(g < cnt)
        def _():
            chunk = first + g
            s = lax.rem(g, 2)
            drain(buf_a, sem_a)
            fire(buf_b, s, 1, sem_b)
            accum(buf_a, init=True)
            drain(buf_b, sem_b)

            @pl.when(g < cnt - 1)
            def _():
                pltpu.sync_copy(idx_p_hbm.at[chunk + 1], idx_v.at[1 - s])
                fire(buf_a, 1 - s, 0, sem_a)

            accum(buf_b, init=False)
            pltpu.sync_copy(scat_hbm.at[chunk], scat_v)
            pltpu.sync_copy(acc_v, hp_hbm.at[scat_v.at[0]])


def _sc_pool(emb_p, idx_p, scat_pos, emb_a, idx_a):
    mesh = plsc.VectorSubcoreMesh(core_axis_name="c", subcore_axis_name="s")
    kern = pl.kernel(
        _sc_pool_body,
        out_type=[
            jax.ShapeDtypeStruct((NPOS, H), jnp.float32),
            jax.ShapeDtypeStruct((NM, H), jnp.float32),
        ],
        mesh=mesh,
        scratch_types=[
            pltpu.VMEM((2, LP, P), jnp.int32),
            pltpu.VMEM((KH, P, H), jnp.float32),
            pltpu.VMEM((KH, P, H), jnp.float32),
            pltpu.VMEM((P, H), jnp.float32),
            pltpu.VMEM((1, P), jnp.int32),
            pltpu.SemaphoreType.DMA,
            pltpu.SemaphoreType.DMA,
        ],
        compiler_params=pltpu.CompilerParams(use_tc_tiling_on_sc=False),
    )
    return kern(emb_p, idx_p, scat_pos, emb_a, idx_a)


def _tc_score_body(hp_ref, ha_ref, bias_a_ref, bias_p2_ref, w1at_ref, w1pt_ref,
                   b1_ref, we_ref, be_ref, w2_ref, b2_ref, out_ref,
                   a_scr, eps_scr):
    b = pl.program_id(0)

    @pl.when(b == 0)
    def _():
        h_a = jnp.tanh(ha_ref[...] + bias_a_ref[...])
        a_scr[...] = jnp.dot(h_a, w1at_ref[...],
                             preferred_element_type=jnp.float32) + b1_ref[...]
        eps_scr[...] = jnp.dot(we_ref[...], h_a.T,
                               preferred_element_type=jnp.float32) + be_ref[...]

    hpt = jnp.tanh(hp_ref[...] + bias_p2_ref[...])
    HM = NM // 2
    hp2e = jnp.dot(hpt[:, :H], w1pt_ref[...], preferred_element_type=jnp.float32)
    hp2o = jnp.dot(hpt[:, H:], w1pt_ref[...], preferred_element_type=jnp.float32)

    for t in range(8):
        r = b * 8 + t
        a_row = a_scr[pl.ds(r, 1), :]
        halves = []
        for half, hp2 in ((0, hp2e), (1, hp2o)):
            hid = jnp.tanh(hp2[t * HM:(t + 1) * HM, :] + a_row)
            ana = jnp.dot(w2_ref[...], hid.T,
                          preferred_element_type=jnp.float32) + b2_ref[...]
            jl = (lax.broadcasted_iota(jnp.int32, (1, HM), 1) + half * HM)
            eps_h = eps_scr[:, half * HM:(half + 1) * HM]
            halves.append(jnp.where(jl < r, ana, 0.0)
                          + jnp.where(jl == r, eps_h, 0.0))
        out_ref[pl.ds(t, 1), :] = jnp.concatenate(halves, axis=1)


def _tc_score(hp_pad, ha_pre, bias_a, bias_p, w1at, w1pt, b1, we, be, w2, b2):
    rep = lambda shape: pl.BlockSpec(shape, lambda b: tuple(0 for _ in shape))
    return pl.pallas_call(
        _tc_score_body,
        grid=(NM // 8,),
        in_specs=[
            pl.BlockSpec((4 * NM, 2 * H), lambda b: (b, 0)),
            rep((NM, H)),
            rep((1, H)),
            rep((1, 2 * H)),
            rep((H, HID)),
            rep((H, HID)),
            rep((1, HID)),
            rep((1, H)),
            rep((1, 1)),
            rep((1, HID)),
            rep((1, 1)),
        ],
        out_specs=pl.BlockSpec((8, NM), lambda b: (b, 0)),
        out_shape=jax.ShapeDtypeStruct((NM, NM), jnp.float32),
        scratch_shapes=[
            pltpu.VMEM((NM, HID), jnp.float32),
            pltpu.VMEM((1, NM), jnp.float32),
        ],
    )(hp_pad, ha_pre, bias_a, bias_p, w1at, w1pt, b1, we, be, w2, b2)


def kernel(phi_a, all_phi_p, emb_a, bias_a, emb_p, bias_p, W1, b1, W2, b2, We, be):
    scat_pos = jnp.asarray(_SCAT_POS)
    idx_p = all_phi_p.astype(jnp.int32) \
        .reshape(N_CHUNKS, P, LP).transpose(0, 2, 1)
    idx_a = phi_a.astype(jnp.int32) \
        .reshape(NM // P, P, LP).transpose(0, 2, 1)

    hp_pad, ha_pre = _sc_pool(emb_p, idx_p, scat_pos, emb_a, idx_a)

    scores = _tc_score(
        hp_pad.reshape(NPOS // 2, 2 * H), ha_pre,
        bias_a.reshape(1, H),
        jnp.concatenate([bias_p, bias_p]).reshape(1, 2 * H),
        W1[:, :H].T, W1[:, H:].T,
        b1.reshape(1, HID),
        We.reshape(1, H), be.reshape(1, 1),
        W2.reshape(1, HID), b2.reshape(1, 1),
    )
    return scores

# --- scband reference (transcript-rebuilt; emitter-appended) ---
"""Pipeline reference for scband-mention-ranking-model-49091476193753 (READ-ONLY COPY).

The authoritative reference and input builder live on the scoring server;
editing this copy changes nothing except your own understanding.
"""

import jax, jax.numpy as jnp
import numpy as np

NM = 512
NC = NM * (NM - 1) // 2  # 130816
LA = 20
LP = 20
HA = 64
HP = 64
HID = 128
VA = 100000 + 1  # phi_a_size + 1 (padding_idx=0)
VP = 100000 + 1  # phi_p_size + 1 (padding_idx=0)


def setup_inputs(seed: int = 0) -> dict:
    key = jax.random.key(seed)
    ks = jax.random.split(key, 12)
    phi_a = jax.random.randint(ks[0], (NM, LA), 0, 100000)
    all_phi_p = jax.random.randint(ks[1], (NC, LP), 0, 100000)
    emb_a = jax.random.normal(ks[2], (VA, HA), jnp.float32) * 0.02
    emb_a = emb_a.at[0].set(0.0)  # padding_idx=0
    bias_a = jax.random.normal(ks[3], (HA,), jnp.float32) * 0.02
    emb_p = jax.random.normal(ks[4], (VP, HP), jnp.float32) * 0.02
    emb_p = emb_p.at[0].set(0.0)  # padding_idx=0
    bias_p = jax.random.normal(ks[5], (HP,), jnp.float32) * 0.02
    W1 = jax.random.normal(ks[6], (HID, HA + HP), jnp.float32) * (1.0 / np.sqrt(HA + HP))
    b1 = jax.random.normal(ks[7], (HID,), jnp.float32) * 0.02
    W2 = jax.random.normal(ks[8], (1, HID), jnp.float32) * (1.0 / np.sqrt(HID))
    b2 = jax.random.normal(ks[9], (1,), jnp.float32) * 0.02
    We = jax.random.normal(ks[10], (1, HA), jnp.float32) * (1.0 / np.sqrt(HA))
    be = jax.random.normal(ks[11], (1,), jnp.float32) * 0.02
    return {
        "phi_a": phi_a,
        "all_phi_p": all_phi_p,
        "emb_a": emb_a,
        "bias_a": bias_a,
        "emb_p": emb_p,
        "bias_p": bias_p,
        "W1": W1,
        "b1": b1,
        "W2": W2,
        "b2": b2,
        "We": We,
        "be": be,
    }


def reference(phi_a, all_phi_p, emb_a, bias_a, emb_p, bias_p, W1, b1, W2, b2, We, be):
    nm = phi_a.shape[0]
    # HModel for antecedent features
    h_a = jnp.tanh(jnp.sum(jnp.take(emb_a, phi_a, axis=0), axis=1) + bias_a)  # [nm, HA]
    eps_scores = h_a @ We.T + be  # [nm, 1]
    # HModel for pair features
    h_p = jnp.tanh(jnp.sum(jnp.take(emb_p, all_phi_p, axis=0), axis=1) + bias_p)  # [NC, HP]
    # h_combined: row block i:i+j gets h_a[j] expanded j times (j = 1..nm-1)
    counts = jnp.arange(1, nm)
    mention_idx = jnp.repeat(jnp.arange(1, nm), counts, total_repeat_length=NC)
    h_combined = jnp.concatenate([h_a[mention_idx], h_p], axis=1)  # [NC, HA+HP]
    hid = jnp.tanh(h_combined @ W1.T + b1)
    ana_scores = hid @ W2.T + b2  # [NC, 1]
    # assemble score matrix
    diag = jnp.arange(nm)
    rows, cols = jnp.tril_indices(nm, -1)  # row-major order matches torch boolean mask fill
    all_scores = jnp.zeros((nm, nm), jnp.float32)
    all_scores = all_scores.at[diag, diag].set(eps_scores[:, 0])
    all_scores = all_scores.at[rows, cols].set(ana_scores[:, 0])
    return all_scores

if __name__ == "__main__":
    import jax
    _d = setup_inputs()
    print(jax.jit(kernel)(*tuple(_d.values())))

</pallas_src>

<mosaic_0001>
#map = affine_map<(d0, d1) -> (0, 0)>
#map1 = affine_map<(d0, d1) -> (0, 0, 0)>
module attributes {stable_mosaic.version = 14 : i64} {
  func.func @_sc_pool_body(%arg0: i32, %arg1: i32, %arg2: memref<100001x64xf32, #tpu.memory_space<hbm>>, %arg3: memref<2044x20x64xi32, #tpu.memory_space<hbm>>, %arg4: memref<2044x1x64xi32, #tpu.memory_space<hbm>>, %arg5: memref<100001x64xf32, #tpu.memory_space<hbm>>, %arg6: memref<8x20x64xi32, #tpu.memory_space<hbm>>, %arg7: memref<262144x64xf32, #tpu.memory_space<hbm>>, %arg8: memref<512x64xf32, #tpu.memory_space<hbm>>, %arg9: memref<2x20x64xi32, #tpu.memory_space<vmem>>, %arg10: memref<10x64x64xf32, #tpu.memory_space<vmem>>, %arg11: memref<10x64x64xf32, #tpu.memory_space<vmem>>, %arg12: memref<64x64xf32, #tpu.memory_space<vmem>>, %arg13: memref<1x64xi32, #tpu.memory_space<vmem>>, %arg14: memref<!tpu.dma_semaphore, #tpu.memory_space<semaphore_mem>>, %arg15: memref<!tpu.dma_semaphore, #tpu.memory_space<semaphore_mem>>) attributes {dimension_semantics = [#tpu.dimension_semantics<core_parallel>, #tpu.dimension_semantics<subcore_parallel>], iteration_bounds = array<i64: 2, 16>, scalar_prefetch = 0 : i64, scratch_operands = 7 : i64, tpu.core_type = #tpu.core_type<sc_vector_subcore>, window_params = [{transform_indices = #map}, {transform_indices = #map1}, {transform_indices = #map1}, {transform_indices = #map}, {transform_indices = #map1}, {transform_indices = #map}, {transform_indices = #map}]} {
    %mul3A = arith.constant 2 : i32
    %mul3A_0 = arith.muli %arg1, %mul3A : i32
    %add3A = arith.addi %mul3A_0, %arg0 : i32
    %lt3A = arith.constant 8 : i32
    %lt3A_1 = arith.cmpi slt, %add3A, %lt3A : i32
    %convert_element_type3A = arith.extui %lt3A_1 : i1 to i32
    %cond3A = arith.constant 0 : i32
    %cond3A_2 = arith.cmpi ne, %convert_element_type3A, %cond3A : i32
    scf.if %cond3A_2 {
      %run_scoped3A = arith.constant 0 : i32
      "tpu.region"() ({
        %run_scoped3A_545 = tpu.sem_alloc : memref<!tpu.dma_semaphore, #tpu.memory_space<semaphore_mem>>
        %dma_start3A_546 = arith.constant 0 : i32
        %dma_start3A_547 = arith.constant 0 : i32
        %dma_start3A_548 = tpu.memref_slice %arg9[%run_scoped3A, %dma_start3A_546, %dma_start3A_547] : memref<2x20x64xi32, #tpu.memory_space<vmem>> -> memref<1x20x64xi32, #tpu.memory_space<vmem>>
        %dma_start3A_549 = tpu.memref_squeeze %dma_start3A_548 : memref<1x20x64xi32, #tpu.memory_space<vmem>> -> memref<20x64xi32, #tpu.memory_space<vmem>>
        %dma_start3A_550 = arith.constant 0 : i32
        %dma_start3A_551 = arith.constant 0 : i32
        %dma_start3A_552 = tpu.memref_slice %arg6[%add3A, %dma_start3A_550, %dma_start3A_551] : memref<8x20x64xi32, #tpu.memory_space<hbm>> -> memref<1x20x64xi32, #tpu.memory_space<hbm>>
        %dma_start3A_553 = tpu.memref_squeeze %dma_start3A_552 : memref<1x20x64xi32, #tpu.memory_space<hbm>> -> memref<20x64xi32, #tpu.memory_space<hbm>>
        %dma_start3A_554 = arith.constant 0 : i32
        %dma_start3A_555 = arith.constant 0 : i32
        %dma_start3A_556 = tpu.memref_slice %arg9[%run_scoped3A, %dma_start3A_554, %dma_start3A_555] : memref<2x20x64xi32, #tpu.memory_space<vmem>> -> memref<1x20x64xi32, #tpu.memory_space<vmem>>
        %dma_start3A_557 = tpu.memref_squeeze %dma_start3A_556 : memref<1x20x64xi32, #tpu.memory_space<vmem>> -> memref<20x64xi32, #tpu.memory_space<vmem>>
        %dma_start3A_558 = arith.constant 0 : i32
        %dma_start3A_559 = arith.constant 0 : i32
        %dma_start3A_560 = tpu.memref_slice %arg6[%add3A, %dma_start3A_558, %dma_start3A_559] : memref<8x20x64xi32, #tpu.memory_space<hbm>> -> memref<1x20x64xi32, #tpu.memory_space<hbm>>
        %dma_start3A_561 = tpu.memref_squeeze %dma_start3A_560 : memref<1x20x64xi32, #tpu.memory_space<hbm>> -> memref<20x64xi32, #tpu.memory_space<hbm>>
        tpu.enqueue_dma source(%dma_start3A_561 : memref<20x64xi32, #tpu.memory_space<hbm>>) target(%dma_start3A_557 : memref<20x64xi32, #tpu.memory_space<vmem>>) target_semaphore(%run_scoped3A_545 : memref<!tpu.dma_semaphore, #tpu.memory_space<semaphore_mem>>)
        %dma_wait3A_562 = arith.constant 0 : i32
        %dma_wait3A_563 = arith.constant 0 : i32
        %dma_wait3A_564 = tpu.memref_slice %arg9[%run_scoped3A, %dma_wait3A_562, %dma_wait3A_563] : memref<2x20x64xi32, #tpu.memory_space<vmem>> -> memref<1x20x64xi32, #tpu.memory_space<vmem>>
        %dma_wait3A_565 = tpu.memref_squeeze %dma_wait3A_564 : memref<1x20x64xi32, #tpu.memory_space<vmem>> -> memref<20x64xi32, #tpu.memory_space<vmem>>
        %dma_wait3A_566 = arith.constant 0 : i32
        %dma_wait3A_567 = arith.constant 0 : i32
        %dma_wait3A_568 = tpu.memref_slice %arg6[%add3A, %dma_wait3A_566, %dma_wait3A_567] : memref<8x20x64xi32, #tpu.memory_space<hbm>> -> memref<1x20x64xi32, #tpu.memory_space<hbm>>
        %dma_wait3A_569 = tpu.memref_squeeze %dma_wait3A_568 : memref<1x20x64xi32, #tpu.memory_space<hbm>> -> memref<20x64xi32, #tpu.memory_space<hbm>>
        %dma_wait3A_570 = arith.constant 0 : i32
        %dma_wait3A_571 = arith.constant 0 : i32
        %dma_wait3A_572 = tpu.memref_slice %arg9[%run_scoped3A, %dma_wait3A_570, %dma_wait3A_571] : memref<2x20x64xi32, #tpu.memory_space<vmem>> -> memref<1x20x64xi32, #tpu.memory_space<vmem>>
        %dma_wait3A_573 = tpu.memref_squeeze %dma_wait3A_572 : memref<1x20x64xi32, #tpu.memory_space<vmem>> -> memref<20x64xi32, #tpu.memory_space<vmem>>
        %dma_wait3A_574 = arith.constant 0 : i32
        %dma_wait3A_575 = arith.constant 0 : i32
        %dma_wait3A_576 = tpu.memref_slice %arg6[%add3A, %dma_wait3A_574, %dma_wait3A_575] : memref<8x20x64xi32, #tpu.memory_space<hbm>> -> memref<1x20x64xi32, #tpu.memory_space<hbm>>
        %dma_wait3A_577 = tpu.memref_squeeze %dma_wait3A_576 : memref<1x20x64xi32, #tpu.memory_space<hbm>> -> memref<20x64xi32, #tpu.memory_space<hbm>>
        tpu.wait_dma2 semaphore(%run_scoped3A_545 : memref<!tpu.dma_semaphore, #tpu.memory_space<semaphore_mem>>) src(%dma_wait3A_577 : memref<20x64xi32, #tpu.memory_space<hbm>>) dst(%dma_wait3A_573 : memref<20x64xi32, #tpu.memory_space<vmem>>)
        tpu.yield
      }) : () -> ()
      %dma_start3A = arith.constant 0 : i32
      %dma_start3A_15 = arith.constant 0 : i32
      %dma_start3A_16 = arith.constant 0 : i32
      %dma_start3A_17 = arith.constant 0 : i32
      %dma_start3A_18 = arith.constant 0 : i32
      %dma_start3A_19 = tpu.memref_slice %arg10[%dma_start3A_16, %dma_start3A_17, %dma_start3A_18] : memref<10x64x64xf32, #tpu.memory_space<vmem>> -> memref<1x64x64xf32, #tpu.memory_space<vmem>>
      %dma_start3A_20 = tpu.memref_squeeze %dma_start3A_19 : memref<1x64x64xf32, #tpu.memory_space<vmem>> -> memref<64x64xf32, #tpu.memory_space<vmem>>
      %dma_start3A_21 = arith.constant 0 : i32
      %dma_start3A_22 = tpu.memref_slice %arg9[%dma_start3A, %dma_start3A_15, %dma_start3A_21] : memref<2x20x64xi32, #tpu.memory_space<vmem>> -> memref<1x1x64xi32, #tpu.memory_space<vmem>>
      %dma_start3A_23 = tpu.memref_squeeze %dma_start3A_22 : memref<1x1x64xi32, #tpu.memory_space<vmem>> -> memref<64xi32, #tpu.memory_space<vmem>>
      %dma_start3A_24 = arith.constant 0 : i32
      %dma_start3A_25 = arith.constant 0 : i32
      %dma_start3A_26 = tpu.memref_slice %arg5[%dma_start3A_24, %dma_start3A_25] : memref<100001x64xf32, #tpu.memory_space<hbm>> -> memref<100001x64xf32, #tpu.memory_space<hbm>>
      tpu.enqueue_indirect_dma source(%dma_start3A_26 : memref<100001x64xf32, #tpu.memory_space<hbm>>) target(%dma_start3A_20 : memref<64x64xf32, #tpu.memory_space<vmem>>) offsets(%dma_start3A_23 : memref<64xi32, #tpu.memory_space<vmem>>) semaphore(%arg14 : memref<!tpu.dma_semaphore, #tpu.memory_space<semaphore_mem>>)
      %dma_wait3A = arith.constant 0 : i32
      %dma_wait3A_27 = arith.constant 0 : i32
      %dma_wait3A_28 = arith.constant 0 : i32
      %dma_wait3A_29 = arith.constant 0 : i32
      %dma_wait3A_30 = arith.constant 0 : i32
      %dma_wait3A_31 = tpu.memref_slice %arg10[%dma_wait3A_28, %dma_wait3A_29, %dma_wait3A_30] : memref<10x64x64xf32, #tpu.memory_space<vmem>> -> memref<1x64x64xf32, #tpu.memory_space<vmem>>
      %dma_wait3A_32 = tpu.memref_squeeze %dma_wait3A_31 : memref<1x64x64xf32, #tpu.memory_space<vmem>> -> memref<64x64xf32, #tpu.memory_space<vmem>>
      %dma_wait3A_33 = arith.constant 0 : i32
      %dma_wait3A_34 = tpu.memref_slice %arg9[%dma_wait3A, %dma_wait3A_27, %dma_wait3A_33] : memref<2x20x64xi32, #tpu.memory_space<vmem>> -> memref<1x1x64xi32, #tpu.memory_space<vmem>>
      %dma_wait3A_35 = tpu.memref_squeeze %dma_wait3A_34 : memref<1x1x64xi32, #tpu.memory_space<vmem>> -> memref<64xi32, #tpu.memory_space<vmem>>
      %dma_wait3A_36 = arith.constant 0 : i32
      %dma_wait3A_37 = arith.constant 0 : i32
      %dma_wait3A_38 = tpu.memref_slice %arg5[%dma_wait3A_36, %dma_wait3A_37] : memref<100001x64xf32, #tpu.memory_space<hbm>> -> memref<100001x64xf32, #tpu.memory_space<hbm>>
      tpu.wait_indirect_dma semaphore(%arg14 : memref<!tpu.dma_semaphore, #tpu.memory_space<semaphore_mem>>) src(%dma_wait3A_38 : memref<100001x64xf32, #tpu.memory_space<hbm>>) dst(%dma_wait3A_32 : memref<64x64xf32, #tpu.memory_space<vmem>>)
      %dma_start3A_39 = arith.constant 0 : i32
      %dma_start3A_40 = arith.constant 1 : i32
      %dma_start3A_41 = arith.constant 1 : i32
      %dma_start3A_42 = arith.constant 0 : i32
      %dma_start3A_43 = arith.constant 0 : i32
      %dma_start3A_44 = tpu.memref_slice %arg10[%dma_start3A_41, %dma_start3A_42, %dma_start3A_43] : memref<10x64x64xf32, #tpu.memory_space<vmem>> -> memref<1x64x64xf32, #tpu.memory_space<vmem>>
      %dma_start3A_45 = tpu.memref_squeeze %dma_start3A_44 : memref<1x64x64xf32, #tpu.memory_space<vmem>> -> memref<64x64xf32, #tpu.memory_space<vmem>>
      %dma_start3A_46 = arith.constant 0 : i32
      %dma_start3A_47 = tpu.memref_slice %arg9[%dma_start3A_39, %dma_start3A_40, %dma_start3A_46] : memref<2x20x64xi32, #tpu.memory_space<vmem>> -> memref<1x1x64xi32, #tpu.memory_space<vmem>>
      %dma_start3A_48 = tpu.memref_squeeze %dma_start3A_47 : memref<1x1x64xi32, #tpu.memory_space<vmem>> -> memref<64xi32, #tpu.memory_space<vmem>>
      %dma_start3A_49 = arith.constant 0 : i32
      %dma_start3A_50 = arith.constant 0 : i32
      %dma_start3A_51 = tpu.memref_slice %arg5[%dma_start3A_49, %dma_start3A_50] : memref<100001x64xf32, #tpu.memory_space<hbm>> -> memref<100001x64xf32, #tpu.memory_space<hbm>>
      tpu.enqueue_indirect_dma source(%dma_start3A_51 : memref<100001x64xf32, #tpu.memory_space<hbm>>) target(%dma_start3A_45 : memref<64x64xf32, #tpu.memory_space<vmem>>) offsets(%dma_start3A_48 : memref<64xi32, #tpu.memory_space<vmem>>) semaphore(%arg14 : memref<!tpu.dma_semaphore, #tpu.memory_space<semaphore_mem>>)
      %dma_wait3A_52 = arith.constant 0 : i32
      %dma_wait3A_53 = arith.constant 1 : i32
      %dma_wait3A_54 = arith.constant 1 : i32
      %dma_wait3A_55 = arith.constant 0 : i32
      %dma_wait3A_56 = arith.constant 0 : i32
      %dma_wait3A_57 = tpu.memref_slice %arg10[%dma_wait3A_54, %dma_wait3A_55, %dma_wait3A_56] : memref<10x64x64xf32, #tpu.memory_space<vmem>> -> memref<1x64x64xf32, #tpu.memory_space<vmem>>
      %dma_wait3A_58 = tpu.memref_squeeze %dma_wait3A_57 : memref<1x64x64xf32, #tpu.memory_space<vmem>> -> memref<64x64xf32, #tpu.memory_space<vmem>>
      %dma_wait3A_59 = arith.constant 0 : i32
      %dma_wait3A_60 = tpu.memref_slice %arg9[%dma_wait3A_52, %dma_wait3A_53, %dma_wait3A_59] : memref<2x20x64xi32, #tpu.memory_space<vmem>> -> memref<1x1x64xi32, #tpu.memory_space<vmem>>
      %dma_wait3A_61 = tpu.memref_squeeze %dma_wait3A_60 : memref<1x1x64xi32, #tpu.memory_space<vmem>> -> memref<64xi32, #tpu.memory_space<vmem>>
      %dma_wait3A_62 = arith.constant 0 : i32
      %dma_wait3A_63 = arith.constant 0 : i32
      %dma_wait3A_64 = tpu.memref_slice %arg5[%dma_wait3A_62, %dma_wait3A_63] : memref<100001x64xf32, #tpu.memory_space<hbm>> -> memref<100001x64xf32, #tpu.memory_space<hbm>>
      tpu.wait_indirect_dma semaphore(%arg14 : memref<!tpu.dma_semaphore, #tpu.memory_space<semaphore_mem>>) src(%dma_wait3A_64 : memref<100001x64xf32, #tpu.memory_space<hbm>>) dst(%dma_wait3A_58 : memref<64x64xf32, #tpu.memory_space<vmem>>)
      %dma_start3A_65 = arith.constant 0 : i32
      %dma_start3A_66 = arith.constant 2 : i32
      %dma_start3A_67 = arith.constant 2 : i32
      %dma_start3A_68 = arith.constant 0 : i32
      %dma_start3A_69 = arith.constant 0 : i32
      %dma_start3A_70 = tpu.memref_slice %arg10[%dma_start3A_67, %dma_start3A_68, %dma_start3A_69] : memref<10x64x64xf32, #tpu.memory_space<vmem>> -> memref<1x64x64xf32, #tpu.memory_space<vmem>>
      %dma_start3A_71 = tpu.memref_squeeze %dma_start3A_70 : memref<1x64x64xf32, #tpu.memory_space<vmem>> -> memref<64x64xf32, #tpu.memory_space<vmem>>
      %dma_start3A_72 = arith.constant 0 : i32
      %dma_start3A_73 = tpu.memref_slice %arg9[%dma_start3A_65, %dma_start3A_66, %dma_start3A_72] : memref<2x20x64xi32, #tpu.memory_space<vmem>> -> memref<1x1x64xi32, #tpu.memory_space<vmem>>
      %dma_start3A_74 = tpu.memref_squeeze %dma_start3A_73 : memref<1x1x64xi32, #tpu.memory_space<vmem>> -> memref<64xi32, #tpu.memory_space<vmem>>
      %dma_start3A_75 = arith.constant 0 : i32
      %dma_start3A_76 = arith.constant 0 : i32
      %dma_start3A_77 = tpu.memref_slice %arg5[%dma_start3A_75, %dma_start3A_76] : memref<100001x64xf32, #tpu.memory_space<hbm>> -> memref<100001x64xf32, #tpu.memory_space<hbm>>
      tpu.enqueue_indirect_dma source(%dma_start3A_77 : memref<100001x64xf32, #tpu.memory_space<hbm>>) target(%dma_start3A_71 : memref<64x64xf32, #tpu.memory_space<vmem>>) offsets(%dma_start3A_74 : memref<64xi32, #tpu.memory_space<vmem>>) semaphore(%arg14 : memref<!tpu.dma_semaphore, #tpu.memory_space<semaphore_mem>>)
      %dma_wait3A_78 = arith.constant 0 : i32
      %dma_wait3A_79 = arith.constant 2 : i32
      %dma_wait3A_80 = arith.constant 2 : i32
      %dma_wait3A_81 = arith.constant 0 : i32
      %dma_wait3A_82 = arith.constant 0 : i32
      %dma_wait3A_83 = tpu.memref_slice %arg10[%dma_wait3A_80, %dma_wait3A_81, %dma_wait3A_82] : memref<10x64x64xf32, #tpu.memory_space<vmem>> -> memref<1x64x64xf32, #tpu.memory_space<vmem>>
      %dma_wait3A_84 = tpu.memref_squeeze %dma_wait3A_83 : memref<1x64x64xf32, #tpu.memory_space<vmem>> -> memref<64x64xf32, #tpu.memory_space<vmem>>
      %dma_wait3A_85 = arith.constant 0 : i32
      %dma_wait3A_86 = tpu.memref_slice %arg9[%dma_wait3A_78, %dma_wait3A_79, %dma_wait3A_85] : memref<2x20x64xi32, #tpu.memory_space<vmem>> -> memref<1x1x64xi32, #tpu.memory_space<vmem>>
      %dma_wait3A_87 = tpu.memref_squeeze %dma_wait3A_86 : memref<1x1x64xi32, #tpu.memory_space<vmem>> -> memref<64xi32, #tpu.memory_space<vmem>>
      %dma_wait3A_88 = arith.constant 0 : i32
      %dma_wait3A_89 = arith.constant 0 : i32
      %dma_wait3A_90 = tpu.memref_slice %arg5[%dma_wait3A_88, %dma_wait3A_89] : memref<100001x64xf32, #tpu.memory_space<hbm>> -> memref<100001x64xf32, #tpu.memory_space<hbm>>
      tpu.wait_indirect_dma semaphore(%arg14 : memref<!tpu.dma_semaphore, #tpu.memory_space<semaphore_mem>>) src(%dma_wait3A_90 : memref<100001x64xf32, #tpu.memory_space<hbm>>) dst(%dma_wait3A_84 : memref<64x64xf32, #tpu.memory_space<vmem>>)
      %dma_start3A_91 = arith.constant 0 : i32
      %dma_start3A_92 = arith.constant 3 : i32
      %dma_start3A_93 = arith.constant 3 : i32
      %dma_start3A_94 = arith.constant 0 : i32
      %dma_start3A_95 = arith.constant 0 : i32
      %dma_start3A_96 = tpu.memref_slice %arg10[%dma_start3A_93, %dma_start3A_94, %dma_start3A_95] : memref<10x64x64xf32, #tpu.memory_space<vmem>> -> memref<1x64x64xf32, #tpu.memory_space<vmem>>
      %dma_start3A_97 = tpu.memref_squeeze %dma_start3A_96 : memref<1x64x64xf32, #tpu.memory_space<vmem>> -> memref<64x64xf32, #tpu.memory_space<vmem>>
      %dma_start3A_98 = arith.constant 0 : i32
      %dma_start3A_99 = tpu.memref_slice %arg9[%dma_start3A_91, %dma_start3A_92, %dma_start3A_98] : memref<2x20x64xi32, #tpu.memory_space<vmem>> -> memref<1x1x64xi32, #tpu.memory_space<vmem>>
      %dma_start3A_100 = tpu.memref_squeeze %dma_start3A_99 : memref<1x1x64xi32, #tpu.memory_space<vmem>> -> memref<64xi32, #tpu.memory_space<vmem>>
      %dma_start3A_101 = arith.constant 0 : i32
      %dma_start3A_102 = arith.constant 0 : i32
      %dma_start3A_103 = tpu.memref_slice %arg5[%dma_start3A_101, %dma_start3A_102] : memref<100001x64xf32, #tpu.memory_space<hbm>> -> memref<100001x64xf32, #tpu.memory_space<hbm>>
      tpu.enqueue_indirect_dma source(%dma_start3A_103 : memref<100001x64xf32, #tpu.memory_space<hbm>>) target(%dma_start3A_97 : memref<64x64xf32, #tpu.memory_space<vmem>>) offsets(%dma_start3A_100 : memref<64xi32, #tpu.memory_space<vmem>>) semaphore(%arg14 : memref<!tpu.dma_semaphore, #tpu.memory_space<semaphore_mem>>)
      %dma_wait3A_104 = arith.constant 0 : i32
      %dma_wait3A_105 = arith.constant 3 : i32
      %dma_wait3A_106 = arith.constant 3 : i32
      %dma_wait3A_107 = arith.constant 0 : i32
      %dma_wait3A_108 = arith.constant 0 : i32
      %dma_wait3A_109 = tpu.memref_slice %arg10[%dma_wait3A_106, %dma_wait3A_107, %dma_wait3A_108] : memref<10x64x64xf32, #tpu.memory_space<vmem>> -> memref<1x64x64xf32, #tpu.memory_space<vmem>>
      %dma_wait3A_110 = tpu.memref_squeeze %dma_wait3A_109 : memref<1x64x64xf32, #tpu.memory_space<vmem>> -> memref<64x64xf32, #tpu.memory_space<vmem>>
      %dma_wait3A_111 = arith.constant 0 : i32
      %dma_wait3A_112 = tpu.memref_slice %arg9[%dma_wait3A_104, %dma_wait3A_105, %dma_wait3A_111] : memref<2x20x64xi32, #tpu.memory_space<vmem>> -> memref<1x1x64xi32, #tpu.memory_space<vmem>>
      %dma_wait3A_113 = tpu.memref_squeeze %dma_wait3A_112 : memref<1x1x64xi32, #tpu.memory_space<vmem>> -> memref<64xi32, #tpu.memory_space<vmem>>
      %dma_wait3A_114 = arith.constant 0 : i32
      %dma_wait3A_115 = arith.constant 0 : i32
      %dma_wait3A_116 = tpu.memref_slice %arg5[%dma_wait3A_114, %dma_wait3A_115] : memref<100001x64xf32, #tpu.memory_space<hbm>> -> memref<100001x64xf32, #tpu.memory_space<hbm>>
      tpu.wait_indirect_dma semaphore(%arg14 : memref<!tpu.dma_semaphore, #tpu.memory_space<semaphore_mem>>) src(%dma_wait3A_116 : memref<100001x64xf32, #tpu.memory_space<hbm>>) dst(%dma_wait3A_110 : memref<64x64xf32, #tpu.memory_space<vmem>>)
      %dma_start3A_117 = arith.constant 0 : i32
      %dma_start3A_118 = arith.constant 4 : i32
      %dma_start3A_119 = arith.constant 4 : i32
      %dma_start3A_120 = arith.constant 0 : i32
      %dma_start3A_121 = arith.constant 0 : i32
      %dma_start3A_122 = tpu.memref_slice %arg10[%dma_start3A_119, %dma_start3A_120, %dma_start3A_121] : memref<10x64x64xf32, #tpu.memory_space<vmem>> -> memref<1x64x64xf32, #tpu.memory_space<vmem>>
      %dma_start3A_123 = tpu.memref_squeeze %dma_start3A_122 : memref<1x64x64xf32, #tpu.memory_space<vmem>> -> memref<64x64xf32, #tpu.memory_space<vmem>>
      %dma_start3A_124 = arith.constant 0 : i32
      %dma_start3A_125 = tpu.memref_slice %arg9[%dma_start3A_117, %dma_start3A_118, %dma_start3A_124] : memref<2x20x64xi32, #tpu.memory_space<vmem>> -> memref<1x1x64xi32, #tpu.memory_space<vmem>>
      %dma_start3A_126 = tpu.memref_squeeze %dma_start3A_125 : memref<1x1x64xi32, #tpu.memory_space<vmem>> -> memref<64xi32, #tpu.memory_space<vmem>>
      %dma_start3A_127 = arith.constant 0 : i32
      %dma_start3A_128 = arith.constant 0 : i32
      %dma_start3A_129 = tpu.memref_slice %arg5[%dma_start3A_127, %dma_start3A_128] : memref<100001x64xf32, #tpu.memory_space<hbm>> -> memref<100001x64xf32, #tpu.memory_space<hbm>>
      tpu.enqueue_indirect_dma source(%dma_start3A_129 : memref<100001x64xf32, #tpu.memory_space<hbm>>) target(%dma_start3A_123 : memref<64x64xf32, #tpu.memory_space<vmem>>) offsets(%dma_start3A_126 : memref<64xi32, #tpu.memory_space<vmem>>) semaphore(%arg14 : memref<!tpu.dma_semaphore, #tpu.memory_space<semaphore_mem>>)
      %dma_wait3A_130 = arith.constant 0 : i32
      %dma_wait3A_131 = arith.constant 4 : i32
      %dma_wait3A_132 = arith.constant 4 : i32
      %dma_wait3A_133 = arith.constant 0 : i32
      %dma_wait3A_134 = arith.constant 0 : i32
      %dma_wait3A_135 = tpu.memref_slice %arg10[%dma_wait3A_132, %dma_wait3A_133, %dma_wait3A_134] : memref<10x64x64xf32, #tpu.memory_space<vmem>> -> memref<1x64x64xf32, #tpu.memory_space<vmem>>
      %dma_wait3A_136 = tpu.memref_squeeze %dma_wait3A_135 : memref<1x64x64xf32, #tpu.memory_space<vmem>> -> memref<64x64xf32, #tpu.memory_space<vmem>>
      %dma_wait3A_137 = arith.constant 0 : i32
      %dma_wait3A_138 = tpu.memref_slice %arg9[%dma_wait3A_130, %dma_wait3A_131, %dma_wait3A_137] : memref<2x20x64xi32, #tpu.memory_space<vmem>> -> memref<1x1x64xi32, #tpu.memory_space<vmem>>
      %dma_wait3A_139 = tpu.memref_squeeze %dma_wait3A_138 : memref<1x1x64xi32, #tpu.memory_space<vmem>> -> memref<64xi32, #tpu.memory_space<vmem>>
      %dma_wait3A_140 = arith.constant 0 : i32
      %dma_wait3A_141 = arith.constant 0 : i32
      %dma_wait3A_142 = tpu.memref_slice %arg5[%dma_wait3A_140, %dma_wait3A_141] : memref<100001x64xf32, #tpu.memory_space<hbm>> -> memref<100001x64xf32, #tpu.memory_space<hbm>>
      tpu.wait_indirect_dma semaphore(%arg14 : memref<!tpu.dma_semaphore, #tpu.memory_space<semaphore_mem>>) src(%dma_wait3A_142 : memref<100001x64xf32, #tpu.memory_space<hbm>>) dst(%dma_wait3A_136 : memref<64x64xf32, #tpu.memory_space<vmem>>)
      %dma_start3A_143 = arith.constant 0 : i32
      %dma_start3A_144 = arith.constant 5 : i32
      %dma_start3A_145 = arith.constant 5 : i32
      %dma_start3A_146 = arith.constant 0 : i32
      %dma_start3A_147 = arith.constant 0 : i32
      %dma_start3A_148 = tpu.memref_slice %arg10[%dma_start3A_145, %dma_start3A_146, %dma_start3A_147] : memref<10x64x64xf32, #tpu.memory_space<vmem>> -> memref<1x64x64xf32, #tpu.memory_space<vmem>>
      %dma_start3A_149 = tpu.memref_squeeze %dma_start3A_148 : memref<1x64x64xf32, #tpu.memory_space<vmem>> -> memref<64x64xf32, #tpu.memory_space<vmem>>
      %dma_start3A_150 = arith.constant 0 : i32
      %dma_start3A_151 = tpu.memref_slice %arg9[%dma_start3A_143, %dma_start3A_144, %dma_start3A_150] : memref<2x20x64xi32, #tpu.memory_space<vmem>> -> memref<1x1x64xi32, #tpu.memory_space<vmem>>
      %dma_start3A_152 = tpu.memref_squeeze %dma_start3A_151 : memref<1x1x64xi32, #tpu.memory_space<vmem>> -> memref<64xi32, #tpu.memory_space<vmem>>
      %dma_start3A_153 = arith.constant 0 : i32
      %dma_start3A_154 = arith.constant 0 : i32
      %dma_start3A_155 = tpu.memref_slice %arg5[%dma_start3A_153, %dma_start3A_154] : memref<100001x64xf32, #tpu.memory_space<hbm>> -> memref<100001x64xf32, #tpu.memory_space<hbm>>
      tpu.enqueue_indirect_dma source(%dma_start3A_155 : memref<100001x64xf32, #tpu.memory_space<hbm>>) target(%dma_start3A_149 : memref<64x64xf32, #tpu.memory_space<vmem>>) offsets(%dma_start3A_152 : memref<64xi32, #tpu.memory_space<vmem>>) semaphore(%arg14 : memref<!tpu.dma_semaphore, #tpu.memory_space<semaphore_mem>>)
      %dma_wait3A_156 = arith.constant 0 : i32
      %dma_wait3A_157 = arith.constant 5 : i32
      %dma_wait3A_158 = arith.constant 5 : i32
      %dma_wait3A_159 = arith.constant 0 : i32
      %dma_wait3A_160 = arith.constant 0 : i32
      %dma_wait3A_161 = tpu.memref_slice %arg10[%dma_wait3A_158, %dma_wait3A_159, %dma_wait3A_160] : memref<10x64x64xf32, #tpu.memory_space<vmem>> -> memref<1x64x64xf32, #tpu.memory_space<vmem>>
      %dma_wait3A_162 = tpu.memref_squeeze %dma_wait3A_161 : memref<1x64x64xf32, #tpu.memory_space<vmem>> -> memref<64x64xf32, #tpu.memory_space<vmem>>
      %dma_wait3A_163 = arith.constant 0 : i32
      %dma_wait3A_164 = tpu.memref_slice %arg9[%dma_wait3A_156, %dma_wait3A_157, %dma_wait3A_163] : memref<2x20x64xi32, #tpu.memory_space<vmem>> -> memref<1x1x64xi32, #tpu.memory_space<vmem>>
      %dma_wait3A_165 = tpu.memref_squeeze %dma_wait3A_164 : memref<1x1x64xi32, #tpu.memory_space<vmem>> -> memref<64xi32, #tpu.memory_space<vmem>>
      %dma_wait3A_166 = arith.constant 0 : i32
      %dma_wait3A_167 = arith.constant 0 : i32
      %dma_wait3A_168 = tpu.memref_slice %arg5[%dma_wait3A_166, %dma_wait3A_167] : memref<100001x64xf32, #tpu.memory_space<hbm>> -> memref<100001x64xf32, #tpu.memory_space<hbm>>
      tpu.wait_indirect_dma semaphore(%arg14 : memref<!tpu.dma_semaphore, #tpu.memory_space<semaphore_mem>>) src(%dma_wait3A_168 : memref<100001x64xf32, #tpu.memory_space<hbm>>) dst(%dma_wait3A_162 : memref<64x64xf32, #tpu.memory_space<vmem>>)
      %dma_start3A_169 = arith.constant 0 : i32
      %dma_start3A_170 = arith.constant 6 : i32
      %dma_start3A_171 = arith.constant 6 : i32
      %dma_start3A_172 = arith.constant 0 : i32
      %dma_start3A_173 = arith.constant 0 : i32
      %dma_start3A_174 = tpu.memref_slice %arg10[%dma_start3A_171, %dma_start3A_172, %dma_start3A_173] : memref<10x64x64xf32, #tpu.memory_space<vmem>> -> memref<1x64x64xf32, #tpu.memory_space<vmem>>
      %dma_start3A_175 = tpu.memref_squeeze %dma_start3A_174 : memref<1x64x64xf32, #tpu.memory_space<vmem>> -> memref<64x64xf32, #tpu.memory_space<vmem>>
      %dma_start3A_176 = arith.constant 0 : i32
      %dma_start3A_177 = tpu.memref_slice %arg9[%dma_start3A_169, %dma_start3A_170, %dma_start3A_176] : memref<2x20x64xi32, #tpu.memory_space<vmem>> -> memref<1x1x64xi32, #tpu.memory_space<vmem>>
      %dma_start3A_178 = tpu.memref_squeeze %dma_start3A_177 : memref<1x1x64xi32, #tpu.memory_space<vmem>> -> memref<64xi32, #tpu.memory_space<vmem>>
      %dma_start3A_179 = arith.constant 0 : i32
      %dma_start3A_180 = arith.constant 0 : i32
      %dma_start3A_181 = tpu.memref_slice %arg5[%dma_start3A_179, %dma_start3A_180] : memref<100001x64xf32, #tpu.memory_space<hbm>> -> memref<100001x64xf32, #tpu.memory_space<hbm>>
      tpu.enqueue_indirect_dma source(%dma_start3A_181 : memref<100001x64xf32, #tpu.memory_space<hbm>>) target(%dma_start3A_175 : memref<64x64xf32, #tpu.memory_space<vmem>>) offsets(%dma_start3A_178 : memref<64xi32, #tpu.memory_space<vmem>>) semaphore(%arg14 : memref<!tpu.dma_semaphore, #tpu.memory_space<semaphore_mem>>)
      %dma_wait3A_182 = arith.constant 0 : i32
      %dma_wait3A_183 = arith.constant 6 : i32
      %dma_wait3A_184 = arith.constant 6 : i32
      %dma_wait3A_185 = arith.constant 0 : i32
      %dma_wait3A_186 = arith.constant 0 : i32
      %dma_wait3A_187 = tpu.memref_slice %arg10[%dma_wait3A_184, %dma_wait3A_185, %dma_wait3A_186] : memref<10x64x64xf32, #tpu.memory_space<vmem>> -> memref<1x64x64xf32, #tpu.memory_space<vmem>>
      %dma_wait3A_188 = tpu.memref_squeeze %dma_wait3A_187 : memref<1x64x64xf32, #tpu.memory_space<vmem>> -> memref<64x64xf32, #tpu.memory_space<vmem>>
      %dma_wait3A_189 = arith.constant 0 : i32
      %dma_wait3A_190 = tpu.memref_slice %arg9[%dma_wait3A_182, %dma_wait3A_183, %dma_wait3A_189] : memref<2x20x64xi32, #tpu.memory_space<vmem>> -> memref<1x1x64xi32, #tpu.memory_space<vmem>>
      %dma_wait3A_191 = tpu.memref_squeeze %dma_wait3A_190 : memref<1x1x64xi32, #tpu.memory_space<vmem>> -> memref<64xi32, #tpu.memory_space<vmem>>
      %dma_wait3A_192 = arith.constant 0 : i32
      %dma_wait3A_193 = arith.constant 0 : i32
      %dma_wait3A_194 = tpu.memref_slice %arg5[%dma_wait3A_192, %dma_wait3A_193] : memref<100001x64xf32, #tpu.memory_space<hbm>> -> memref<100001x64xf32, #tpu.memory_space<hbm>>
      tpu.wait_indirect_dma semaphore(%arg14 : memref<!tpu.dma_semaphore, #tpu.memory_space<semaphore_mem>>) src(%dma_wait3A_194 : memref<100001x64xf32, #tpu.memory_space<hbm>>) dst(%dma_wait3A_188 : memref<64x64xf32, #tpu.memory_space<vmem>>)
      %dma_start3A_195 = arith.constant 0 : i32
      %dma_start3A_196 = arith.constant 7 : i32
      %dma_start3A_197 = arith.constant 7 : i32
      %dma_start3A_198 = arith.constant 0 : i32
      %dma_start3A_199 = arith.constant 0 : i32
      %dma_start3A_200 = tpu.memref_slice %arg10[%dma_start3A_197, %dma_start3A_198, %dma_start3A_199] : memref<10x64x64xf32, #tpu.memory_space<vmem>> -> memref<1x64x64xf32, #tpu.memory_space<vmem>>
      %dma_start3A_201 = tpu.memref_squeeze %dma_start3A_200 : memref<1x64x64xf32, #tpu.memory_space<vmem>> -> memref<64x64xf32, #tpu.memory_space<vmem>>
      %dma_start3A_202 = arith.constant 0 : i32
      %dma_start3A_203 = tpu.memref_slice %arg9[%dma_start3A_195, %dma_start3A_196, %dma_start3A_202] : memref<2x20x64xi32, #tpu.memory_space<vmem>> -> memref<1x1x64xi32, #tpu.memory_space<vmem>>
      %dma_start3A_204 = tpu.memref_squeeze %dma_start3A_203 : memref<1x1x64xi32, #tpu.memory_space<vmem>> -> memref<64xi32, #tpu.memory_space<vmem>>
      %dma_start3A_205 = arith.constant 0 : i32
      %dma_start3A_206 = arith.constant 0 : i32
      %dma_start3A_207 = tpu.memref_slice %arg5[%dma_start3A_205, %dma_start3A_206] : memref<100001x64xf32, #tpu.memory_space<hbm>> -> memref<100001x64xf32, #tpu.memory_space<hbm>>
      tpu.enqueue_indirect_dma source(%dma_start3A_207 : memref<100001x64xf32, #tpu.memory_space<hbm>>) target(%dma_start3A_201 : memref<64x64xf32, #tpu.memory_space<vmem>>) offsets(%dma_start3A_204 : memref<64xi32, #tpu.memory_space<vmem>>) semaphore(%arg14 : memref<!tpu.dma_semaphore, #tpu.memory_space<semaphore_mem>>)
      %dma_wait3A_208 = arith.constant 0 : i32
      %dma_wait3A_209 = arith.constant 7 : i32
      %dma_wait3A_210 = arith.constant 7 : i32
      %dma_wait3A_211 = arith.constant 0 : i32
      %dma_wait3A_212 = arith.constant 0 : i32
      %dma_wait3A_213 = tpu.memref_slice %arg10[%dma_wait3A_210, %dma_wait3A_211, %dma_wait3A_212] : memref<10x64x64xf32, #tpu.memory_space<vmem>> -> memref<1x64x64xf32, #tpu.memory_space<vmem>>
      %dma_wait3A_214 = tpu.memref_squeeze %dma_wait3A_213 : memref<1x64x64xf32, #tpu.memory_space<vmem>> -> memref<64x64xf32, #tpu.memory_space<vmem>>
      %dma_wait3A_215 = arith.constant 0 : i32
      %dma_wait3A_216 = tpu.memref_slice %arg9[%dma_wait3A_208, %dma_wait3A_209, %dma_wait3A_215] : memref<2x20x64xi32, #tpu.memory_space<vmem>> -> memref<1x1x64xi32, #tpu.memory_space<vmem>>
      %dma_wait3A_217 = tpu.memref_squeeze %dma_wait3A_216 : memref<1x1x64xi32, #tpu.memory_space<vmem>> -> memref<64xi32, #tpu.memory_space<vmem>>
      %dma_wait3A_218 = arith.constant 0 : i32
      %dma_wait3A_219 = arith.constant 0 : i32
      %dma_wait3A_220 = tpu.memref_slice %arg5[%dma_wait3A_218, %dma_wait3A_219] : memref<100001x64xf32, #tpu.memory_space<hbm>> -> memref<100001x64xf32, #tpu.memory_space<hbm>>
      tpu.wait_indirect_dma semaphore(%arg14 : memref<!tpu.dma_semaphore, #tpu.memory_space<semaphore_mem>>) src(%dma_wait3A_220 : memref<100001x64xf32, #tpu.memory_space<hbm>>) dst(%dma_wait3A_214 : memref<64x64xf32, #tpu.memory_space<vmem>>)
      %dma_start3A_221 = arith.constant 0 : i32
      %dma_start3A_222 = arith.constant 8 : i32
      %dma_start3A_223 = arith.constant 8 : i32
      %dma_start3A_224 = arith.constant 0 : i32
      %dma_start3A_225 = arith.constant 0 : i32
      %dma_start3A_226 = tpu.memref_slice %arg10[%dma_start3A_223, %dma_start3A_224, %dma_start3A_225] : memref<10x64x64xf32, #tpu.memory_space<vmem>> -> memref<1x64x64xf32, #tpu.memory_space<vmem>>
      %dma_start3A_227 = tpu.memref_squeeze %dma_start3A_226 : memref<1x64x64xf32, #tpu.memory_space<vmem>> -> memref<64x64xf32, #tpu.memory_space<vmem>>
      %dma_start3A_228 = arith.constant 0 : i32
      %dma_start3A_229 = tpu.memref_slice %arg9[%dma_start3A_221, %dma_start3A_222, %dma_start3A_228] : memref<2x20x64xi32, #tpu.memory_space<vmem>> -> memref<1x1x64xi32, #tpu.memory_space<vmem>>
      %dma_start3A_230 = tpu.memref_squeeze %dma_start3A_229 : memref<1x1x64xi32, #tpu.memory_space<vmem>> -> memref<64xi32, #tpu.memory_space<vmem>>
      %dma_start3A_231 = arith.constant 0 : i32
      %dma_start3A_232 = arith.constant 0 : i32
      %dma_start3A_233 = tpu.memref_slice %arg5[%dma_start3A_231, %dma_start3A_232] : memref<100001x64xf32, #tpu.memory_space<hbm>> -> memref<100001x64xf32, #tpu.memory_space<hbm>>
      tpu.enqueue_indirect_dma source(%dma_start3A_233 : memref<100001x64xf32, #tpu.memory_space<hbm>>) target(%dma_start3A_227 : memref<64x64xf32, #tpu.memory_space<vmem>>) offsets(%dma_start3A_230 : memref<64xi32, #tpu.memory_space<vmem>>) semaphore(%arg14 : memref<!tpu.dma_semaphore, #tpu.memory_space<semaphore_mem>>)
      %dma_wait3A_234 = arith.constant 0 : i32
      %dma_wait3A_235 = arith.constant 8 : i32
      %dma_wait3A_236 = arith.constant 8 : i32
      %dma_wait3A_237 = arith.constant 0 : i32
      %dma_wait3A_238 = arith.constant 0 : i32
      %dma_wait3A_239 = tpu.memref_slice %arg10[%dma_wait3A_236, %dma_wait3A_237, %dma_wait3A_238] : memref<10x64x64xf32, #tpu.memory_space<vmem>> -> memref<1x64x64xf32, #tpu.memory_space<vmem>>
      %dma_wait3A_240 = tpu.memref_squeeze %dma_wait3A_239 : memref<1x64x64xf32, #tpu.memory_space<vmem>> -> memref<64x64xf32, #tpu.memory_space<vmem>>
      %dma_wait3A_241 = arith.constant 0 : i32
      %dma_wait3A_242 = tpu.memref_slice %arg9[%dma_wait3A_234, %dma_wait3A_235, %dma_wait3A_241] : memref<2x20x64xi32, #tpu.memory_space<vmem>> -> memref<1x1x64xi32, #tpu.memory_space<vmem>>
      %dma_wait3A_243 = tpu.memref_squeeze %dma_wait3A_242 : memref<1x1x64xi32, #tpu.memory_space<vmem>> -> memref<64xi32, #tpu.memory_space<vmem>>
      %dma_wait3A_244 = arith.constant 0 : i32
      %dma_wait3A_245 = arith.constant 0 : i32
      %dma_wait3A_246 = tpu.memref_slice %arg5[%dma_wait3A_244, %dma_wait3A_245] : memref<100001x64xf32, #tpu.memory_space<hbm>> -> memref<100001x64xf32, #tpu.memory_space<hbm>>
      tpu.wait_indirect_dma semaphore(%arg14 : memref<!tpu.dma_semaphore, #tpu.memory_space<semaphore_mem>>) src(%dma_wait3A_246 : memref<100001x64xf32, #tpu.memory_space<hbm>>) dst(%dma_wait3A_240 : memref<64x64xf32, #tpu.memory_space<vmem>>)
      %dma_start3A_247 = arith.constant 0 : i32
      %dma_start3A_248 = arith.constant 9 : i32
      %dma_start3A_249 = arith.constant 9 : i32
      %dma_start3A_250 = arith.constant 0 : i32
      %dma_start3A_251 = arith.constant 0 : i32
      %dma_start3A_252 = tpu.memref_slice %arg10[%dma_start3A_249, %dma_start3A_250, %dma_start3A_251] : memref<10x64x64xf32, #tpu.memory_space<vmem>> -> memref<1x64x64xf32, #tpu.memory_space<vmem>>
      %dma_start3A_253 = tpu.memref_squeeze %dma_start3A_252 : memref<1x64x64xf32, #tpu.memory_space<vmem>> -> memref<64x64xf32, #tpu.memory_space<vmem>>
      %dma_start3A_254 = arith.constant 0 : i32
      %dma_start3A_255 = tpu.memref_slice %arg9[%dma_start3A_247, %dma_start3A_248, %dma_start3A_254] : memref<2x20x64xi32, #tpu.memory_space<vmem>> -> memref<1x1x64xi32, #tpu.memory_space<vmem>>
      %dma_start3A_256 = tpu.memref_squeeze %dma_start3A_255 : memref<1x1x64xi32, #tpu.memory_space<vmem>> -> memref<64xi32, #tpu.memory_space<vmem>>
      %dma_start3A_257 = arith.constant 0 : i32
      %dma_start3A_258 = arith.constant 0 : i32
      %dma_start3A_259 = tpu.memref_slice %arg5[%dma_start3A_257, %dma_start3A_258] : memref<100001x64xf32, #tpu.memory_space<hbm>> -> memref<100001x64xf32, #tpu.memory_space<hbm>>
      tpu.enqueue_indirect_dma source(%dma_start3A_259 : memref<100001x64xf32, #tpu.memory_space<hbm>>) target(%dma_start3A_253 : memref<64x64xf32, #tpu.memory_space<vmem>>) offsets(%dma_start3A_256 : memref<64xi32, #tpu.memory_space<vmem>>) semaphore(%arg14 : memref<!tpu.dma_semaphore, #tpu.memory_space<semaphore_mem>>)
      %dma_wait3A_260 = arith.constant 0 : i32
      %dma_wait3A_261 = arith.constant 9 : i32
      %dma_wait3A_262 = arith.constant 9 : i32
      %dma_wait3A_263 = arith.constant 0 : i32
      %dma_wait3A_264 = arith.constant 0 : i32
      %dma_wait3A_265 = tpu.memref_slice %arg10[%dma_wait3A_262, %dma_wait3A_263, %dma_wait3A_264] : memref<10x64x64xf32, #tpu.memory_space<vmem>> -> memref<1x64x64xf32, #tpu.memory_space<vmem>>
      %dma_wait3A_266 = tpu.memref_squeeze %dma_wait3A_265 : memref<1x64x64xf32, #tpu.memory_space<vmem>> -> memref<64x64xf32, #tpu.memory_space<vmem>>
      %dma_wait3A_267 = arith.constant 0 : i32
      %dma_wait3A_268 = tpu.memref_slice %arg9[%dma_wait3A_260, %dma_wait3A_261, %dma_wait3A_267] : memref<2x20x64xi32, #tpu.memory_space<vmem>> -> memref<1x1x64xi32, #tpu.memory_space<vmem>>
      %dma_wait3A_269 = tpu.memref_squeeze %dma_wait3A_268 : memref<1x1x64xi32, #tpu.memory_space<vmem>> -> memref<64xi32, #tpu.memory_space<vmem>>
      %dma_wait3A_270 = arith.constant 0 : i32
      %dma_wait3A_271 = arith.constant 0 : i32
      %dma_wait3A_272 = tpu.memref_slice %arg5[%dma_wait3A_270, %dma_wait3A_271] : memref<100001x64xf32, #tpu.memory_space<hbm>> -> memref<100001x64xf32, #tpu.memory_space<hbm>>
      tpu.wait_indirect_dma semaphore(%arg14 : memref<!tpu.dma_semaphore, #tpu.memory_space<semaphore_mem>>) src(%dma_wait3A_272 : memref<100001x64xf32, #tpu.memory_space<hbm>>) dst(%dma_wait3A_266 : memref<64x64xf32, #tpu.memory_space<vmem>>)
      %scan3A_273 = arith.constant 0 : i32
      %scan3A_274 = arith.constant 64 : i32
      %scan3A_275 = arith.addi %scan3A_273, %scan3A_274 : i32
      %scan3A_276 = arith.constant 1 : i32
      scf.for %scan3A_545 = %scan3A_273 to %scan3A_275 step %scan3A_276  : i32 {
        %mul3A_546 = arith.constant 1 : i32
        %mul3A_547 = arith.muli %scan3A_545, %mul3A_546 : i32
        %add3A_548 = arith.constant 0 : i32
        %add3A_549 = arith.addi %add3A_548, %mul3A_547 : i32
        %get3A = arith.constant 0 : i32
        %get3A_550 = arith.index_cast %get3A : i32 to index
        %get3A_551 = arith.index_cast %add3A_549 : i32 to index
        %get3A_552 = arith.constant 0 : index
        %get3A_553 = tpu.vector_load %arg10[%get3A_550, %get3A_551, %get3A_552] {strides = array<i32>} : memref<10x64x64xf32, #tpu.memory_space<vmem>>, vector<1x1x16xf32>,
        %get3A_554 = vector.shape_cast %get3A_553 : vector<1x1x16xf32> to vector<16xf32>
        %get3A_555 = arith.constant 1 : i32
        %get3A_556 = arith.index_cast %get3A_555 : i32 to index
        %get3A_557 = arith.index_cast %add3A_549 : i32 to index
        %get3A_558 = arith.constant 0 : index
        %get3A_559 = tpu.vector_load %arg10[%get3A_556, %get3A_557, %get3A_558] {strides = array<i32>} : memref<10x64x64xf32, #tpu.memory_space<vmem>>, vector<1x1x16xf32>,
        %get3A_560 = vector.shape_cast %get3A_559 : vector<1x1x16xf32> to vector<16xf32>
        %add3A_561 = arith.addf %get3A_554, %get3A_560 : vector<16xf32>
        %get3A_562 = arith.constant 2 : i32
        %get3A_563 = arith.index_cast %get3A_562 : i32 to index
        %get3A_564 = arith.index_cast %add3A_549 : i32 to index
        %get3A_565 = arith.constant 0 : index
        %get3A_566 = tpu.vector_load %arg10[%get3A_563, %get3A_564, %get3A_565] {strides = array<i32>} : memref<10x64x64xf32, #tpu.memory_space<vmem>>, vector<1x1x16xf32>,
        %get3A_567 = vector.shape_cast %get3A_566 : vector<1x1x16xf32> to vector<16xf32>
        %add3A_568 = arith.addf %add3A_561, %get3A_567 : vector<16xf32>
        %get3A_569 = arith.constant 3 : i32
        %get3A_570 = arith.index_cast %get3A_569 : i32 to index
        %get3A_571 = arith.index_cast %add3A_549 : i32 to index
        %get3A_572 = arith.constant 0 : index
        %get3A_573 = tpu.vector_load %arg10[%get3A_570, %get3A_571, %get3A_572] {strides = array<i32>} : memref<10x64x64xf32, #tpu.memory_space<vmem>>, vector<1x1x16xf32>,
        %get3A_574 = vector.shape_cast %get3A_573 : vector<1x1x16xf32> to vector<16xf32>
        %add3A_575 = arith.addf %add3A_568, %get3A_574 : vector<16xf32>
        %get3A_576 = arith.constant 4 : i32
        %get3A_577 = arith.index_cast %get3A_576 : i32 to index
        %get3A_578 = arith.index_cast %add3A_549 : i32 to index
        %get3A_579 = arith.constant 0 : index
        %get3A_580 = tpu.vector_load %arg10[%get3A_577, %get3A_578, %get3A_579] {strides = array<i32>} : memref<10x64x64xf32, #tpu.memory_space<vmem>>, vector<1x1x16xf32>,
        %get3A_581 = vector.shape_cast %get3A_580 : vector<1x1x16xf32> to vector<16xf32>
        %add3A_582 = arith.addf %add3A_575, %get3A_581 : vector<16xf32>
        %get3A_583 = arith.constant 5 : i32
        %get3A_584 = arith.index_cast %get3A_583 : i32 to index
        %get3A_585 = arith.index_cast %add3A_549 : i32 to index
        %get3A_586 = arith.constant 0 : index
        %get3A_587 = tpu.vector_load %arg10[%get3A_584, %get3A_585, %get3A_586] {strides = array<i32>} : memref<10x64x64xf32, #tpu.memory_space<vmem>>, vector<1x1x16xf32>,
        %get3A_588 = vector.shape_cast %get3A_587 : vector<1x1x16xf32> to vector<16xf32>
        %add3A_589 = arith.addf %add3A_582, %get3A_588 : vector<16xf32>
        %get3A_590 = arith.constant 6 : i32
        %get3A_591 = arith.index_cast %get3A_590 : i32 to index
        %get3A_592 = arith.index_cast %add3A_549 : i32 to index
        %get3A_593 = arith.constant 0 : index
        %get3A_594 = tpu.vector_load %arg10[%get3A_591, %get3A_592, %get3A_593] {strides = array<i32>} : memref<10x64x64xf32, #tpu.memory_space<vmem>>, vector<1x1x16xf32>,
        %get3A_595 = vector.shape_cast %get3A_594 : vector<1x1x16xf32> to vector<16xf32>
        %add3A_596 = arith.addf %add3A_589, %get3A_595 : vector<16xf32>
        %get3A_597 = arith.constant 7 : i32
        %get3A_598 = arith.index_cast %get3A_597 : i32 to index
        %get3A_599 = arith.index_cast %add3A_549 : i32 to index
        %get3A_600 = arith.constant 0 : index
        %get3A_601 = tpu.vector_load %arg10[%get3A_598, %get3A_599, %get3A_600] {strides = array<i32>} : memref<10x64x64xf32, #tpu.memory_space<vmem>>, vector<1x1x16xf32>,
        %get3A_602 = vector.shape_cast %get3A_601 : vector<1x1x16xf32> to vector<16xf32>
        %add3A_603 = arith.addf %add3A_596, %get3A_602 : vector<16xf32>
        %get3A_604 = arith.constant 8 : i32
        %get3A_605 = arith.index_cast %get3A_604 : i32 to index
        %get3A_606 = arith.index_cast %add3A_549 : i32 to index
        %get3A_607 = arith.constant 0 : index
        %get3A_608 = tpu.vector_load %arg10[%get3A_605, %get3A_606, %get3A_607] {strides = array<i32>} : memref<10x64x64xf32, #tpu.memory_space<vmem>>, vector<1x1x16xf32>,
        %get3A_609 = vector.shape_cast %get3A_608 : vector<1x1x16xf32> to vector<16xf32>
        %add3A_610 = arith.addf %add3A_603, %get3A_609 : vector<16xf32>
        %get3A_611 = arith.constant 9 : i32
        %get3A_612 = arith.index_cast %get3A_611 : i32 to index
        %get3A_613 = arith.index_cast %add3A_549 : i32 to index
        %get3A_614 = arith.constant 0 : index
        %get3A_615 = tpu.vector_load %arg10[%get3A_612, %get3A_613, %get3A_614] {strides = array<i32>} : memref<10x64x64xf32, #tpu.memory_space<vmem>>, vector<1x1x16xf32>,
        %get3A_616 = vector.shape_cast %get3A_615 : vector<1x1x16xf32> to vector<16xf32>
        %add3A_617 = arith.addf %add3A_610, %get3A_616 : vector<16xf32>
        %swap3A = arith.index_cast %add3A_549 : i32 to index
        %swap3A_618 = arith.constant 0 : index
        %swap3A_619 = tpu.vector_load %arg12[%swap3A, %swap3A_618] {strides = array<i32>} : memref<64x64xf32, #tpu.memory_space<vmem>>, vector<1x16xf32>,
        %swap3A_620 = vector.shape_cast %swap3A_619 : vector<1x16xf32> to vector<16xf32>
        %swap3A_621 = vector.shape_cast %add3A_617 : vector<16xf32> to vector<1x16xf32>
        tpu.vector_store %arg12[%swap3A, %swap3A_618], %swap3A_621 {strides = array<i32>} : memref<64x64xf32, #tpu.memory_space<vmem>>, vector<1x16xf32>,
        %get3A_622 = arith.constant 0 : i32
        %get3A_623 = arith.index_cast %get3A_622 : i32 to index
        %get3A_624 = arith.index_cast %add3A_549 : i32 to index
        %get3A_625 = arith.constant 16 : index
        %get3A_626 = tpu.vector_load %arg10[%get3A_623, %get3A_624, %get3A_625] {strides = array<i32>} : memref<10x64x64xf32, #tpu.memory_space<vmem>>, vector<1x1x16xf32>,
        %get3A_627 = vector.shape_cast %get3A_626 : vector<1x1x16xf32> to vector<16xf32>
        %get3A_628 = arith.constant 1 : i32
        %get3A_629 = arith.index_cast %get3A_628 : i32 to index
        %get3A_630 = arith.index_cast %add3A_549 : i32 to index
        %get3A_631 = arith.constant 16 : index
        %get3A_632 = tpu.vector_load %arg10[%get3A_629, %get3A_630, %get3A_631] {strides = array<i32>} : memref<10x64x64xf32, #tpu.memory_space<vmem>>, vector<1x1x16xf32>,
        %get3A_633 = vector.shape_cast %get3A_632 : vector<1x1x16xf32> to vector<16xf32>
        %add3A_634 = arith.addf %get3A_627, %get3A_633 : vector<16xf32>
        %get3A_635 = arith.constant 2 : i32
        %get3A_636 = arith.index_cast %get3A_635 : i32 to index
        %get3A_637 = arith.index_cast %add3A_549 : i32 to index
        %get3A_638 = arith.constant 16 : index
        %get3A_639 = tpu.vector_load %arg10[%get3A_636, %get3A_637, %get3A_638] {strides = array<i32>} : memref<10x64x64xf32, #tpu.memory_space<vmem>>, vector<1x1x16xf32>,
        %get3A_640 = vector.shape_cast %get3A_639 : vector<1x1x16xf32> to vector<16xf32>
        %add3A_641 = arith.addf %add3A_634, %get3A_640 : vector<16xf32>
        %get3A_642 = arith.constant 3 : i32
        %get3A_643 = arith.index_cast %get3A_642 : i32 to index
        %get3A_644 = arith.index_cast %add3A_549 : i32 to index
        %get3A_645 = arith.constant 16 : index
        %get3A_646 = tpu.vector_load %arg10[%get3A_643, %get3A_644, %get3A_645] {strides = array<i32>} : memref<10x64x64xf32, #tpu.memory_space<vmem>>, vector<1x1x16xf32>,
        %get3A_647 = vector.shape_cast %get3A_646 : vector<1x1x16xf32> to vector<16xf32>
        %add3A_648 = arith.addf %add3A_641, %get3A_647 : vector<16xf32>
        %get3A_649 = arith.constant 4 : i32
        %get3A_650 = arith.index_cast %get3A_649 : i32 to index
        %get3A_651 = arith.index_cast %add3A_549 : i32 to index
        %get3A_652 = arith.constant 16 : index
        %get3A_653 = tpu.vector_load %arg10[%get3A_650, %get3A_651, %get3A_652] {strides = array<i32>} : memref<10x64x64xf32, #tpu.memory_space<vmem>>, vector<1x1x16xf32>,
        %get3A_654 = vector.shape_cast %get3A_653 : vector<1x1x16xf32> to vector<16xf32>
        %add3A_655 = arith.addf %add3A_648, %get3A_654 : vector<16xf32>
        %get3A_656 = arith.constant 5 : i32
        %get3A_657 = arith.index_cast %get3A_656 : i32 to index
        %get3A_658 = arith.index_cast %add3A_549 : i32 to index
        %get3A_659 = arith.constant 16 : index
        %get3A_660 = tpu.vector_load %arg10[%get3A_657, %get3A_658, %get3A_659] {strides = array<i32>} : memref<10x64x64xf32, #tpu.memory_space<vmem>>, vector<1x1x16xf32>,
        %get3A_661 = vector.shape_cast %get3A_660 : vector<1x1x16xf32> to vector<16xf32>
        %add3A_662 = arith.addf %add3A_655, %get3A_661 : vector<16xf32>
        %get3A_663 = arith.constant 6 : i32
        %get3A_664 = arith.index_cast %get3A_663 : i32 to index
        %get3A_665 = arith.index_cast %add3A_549 : i32 to index
        %get3A_666 = arith.constant 16 : index
        %get3A_667 = tpu.vector_load %arg10[%get3A_664, %get3A_665, %get3A_666] {strides = array<i32>} : memref<10x64x64xf32, #tpu.memory_space<vmem>>, vector<1x1x16xf32>,
        %get3A_668 = vector.shape_cast %get3A_667 : vector<1x1x16xf32> to vector<16xf32>
        %add3A_669 = arith.addf %add3A_662, %get3A_668 : vector<16xf32>
        %get3A_670 = arith.constant 7 : i32
        %get3A_671 = arith.index_cast %get3A_670 : i32 to index
        %get3A_672 = arith.index_cast %add3A_549 : i32 to index
        %get3A_673 = arith.constant 16 : index
        %get3A_674 = tpu.vector_load %arg10[%get3A_671, %get3A_672, %get3A_673] {strides = array<i32>} : memref<10x64x64xf32, #tpu.memory_space<vmem>>, vector<1x1x16xf32>,
        %get3A_675 = vector.shape_cast %get3A_674 : vector<1x1x16xf32> to vector<16xf32>
        %add3A_676 = arith.addf %add3A_669, %get3A_675 : vector<16xf32>
        %get3A_677 = arith.constant 8 : i32
        %get3A_678 = arith.index_cast %get3A_677 : i32 to index
        %get3A_679 = arith.index_cast %add3A_549 : i32 to index
        %get3A_680 = arith.constant 16 : index
        %get3A_681 = tpu.vector_load %arg10[%get3A_678, %get3A_679, %get3A_680] {strides = array<i32>} : memref<10x64x64xf32, #tpu.memory_space<vmem>>, vector<1x1x16xf32>,
        %get3A_682 = vector.shape_cast %get3A_681 : vector<1x1x16xf32> to vector<16xf32>
        %add3A_683 = arith.addf %add3A_676, %get3A_682 : vector<16xf32>
        %get3A_684 = arith.constant 9 : i32
        %get3A_685 = arith.index_cast %get3A_684 : i32 to index
        %get3A_686 = arith.index_cast %add3A_549 : i32 to index
        %get3A_687 = arith.constant 16 : index
        %get3A_688 = tpu.vector_load %arg10[%get3A_685, %get3A_686, %get3A_687] {strides = array<i32>} : memref<10x64x64xf32, #tpu.memory_space<vmem>>, vector<1x1x16xf32>,
        %get3A_689 = vector.shape_cast %get3A_688 : vector<1x1x16xf32> to vector<16xf32>
        %add3A_690 = arith.addf %add3A_683, %get3A_689 : vector<16xf32>
        %swap3A_691 = arith.index_cast %add3A_549 : i32 to index
        %swap3A_692 = arith.constant 16 : index
        %swap3A_693 = tpu.vector_load %arg12[%swap3A_691, %swap3A_692] {strides = array<i32>} : memref<64x64xf32, #tpu.memory_space<vmem>>, vector<1x16xf32>,
        %swap3A_694 = vector.shape_cast %swap3A_693 : vector<1x16xf32> to vector<16xf32>
        %swap3A_695 = vector.shape_cast %add3A_690 : vector<16xf32> to vector<1x16xf32>
        tpu.vector_store %arg12[%swap3A_691, %swap3A_692], %swap3A_695 {strides = array<i32>} : memref<64x64xf32, #tpu.memory_space<vmem>>, vector<1x16xf32>,
        %get3A_696 = arith.constant 0 : i32
        %get3A_697 = arith.index_cast %get3A_696 : i32 to index
        %get3A_698 = arith.index_cast %add3A_549 : i32 to index
        %get3A_699 = arith.constant 32 : index
        %get3A_700 = tpu.vector_load %arg10[%get3A_697, %get3A_698, %get3A_699] {strides = array<i32>} : memref<10x64x64xf32, #tpu.memory_space<vmem>>, vector<1x1x16xf32>,
        %get3A_701 = vector.shape_cast %get3A_700 : vector<1x1x16xf32> to vector<16xf32>
        %get3A_702 = arith.constant 1 : i32
        %get3A_703 = arith.index_cast %get3A_702 : i32 to index
        %get3A_704 = arith.index_cast %add3A_549 : i32 to index
        %get3A_705 = arith.constant 32 : index
        %get3A_706 = tpu.vector_load %arg10[%get3A_703, %get3A_704, %get3A_705] {strides = array<i32>} : memref<10x64x64xf32, #tpu.memory_space<vmem>>, vector<1x1x16xf32>,
        %get3A_707 = vector.shape_cast %get3A_706 : vector<1x1x16xf32> to vector<16xf32>
        %add3A_708 = arith.addf %get3A_701, %get3A_707 : vector<16xf32>
        %get3A_709 = arith.constant 2 : i32
        %get3A_710 = arith.index_cast %get3A_709 : i32 to index
        %get3A_711 = arith.index_cast %add3A_549 : i32 to index
        %get3A_712 = arith.constant 32 : index
        %get3A_713 = tpu.vector_load %arg10[%get3A_710, %get3A_711, %get3A_712] {strides = array<i32>} : memref<10x64x64xf32, #tpu.memory_space<vmem>>, vector<1x1x16xf32>,
        %get3A_714 = vector.shape_cast %get3A_713 : vector<1x1x16xf32> to vector<16xf32>
        %add3A_715 = arith.addf %add3A_708, %get3A_714 : vector<16xf32>
        %get3A_716 = arith.constant 3 : i32
        %get3A_717 = arith.index_cast %get3A_716 : i32 to index
        %get3A_718 = arith.index_cast %add3A_549 : i32 to index
        %get3A_719 = arith.constant 32 : index
        %get3A_720 = tpu.vector_load %arg10[%get3A_717, %get3A_718, %get3A_719] {strides = array<i32>} : memref<10x64x64xf32, #tpu.memory_space<vmem>>, vector<1x1x16xf32>,
        %get3A_721 = vector.shape_cast %get3A_720 : vector<1x1x16xf32> to vector<16xf32>
        %add3A_722 = arith.addf %add3A_715, %get3A_721 : vector<16xf32>
        %get3A_723 = arith.constant 4 : i32
        %get3A_724 = arith.index_cast %get3A_723 : i32 to index
        %get3A_725 = arith.index_cast %add3A_549 : i32 to index
        %get3A_726 = arith.constant 32 : index
        %get3A_727 = tpu.vector_load %arg10[%get3A_724, %get3A_725, %get3A_726] {strides = array<i32>} : memref<10x64x64xf32, #tpu.memory_space<vmem>>, vector<1x1x16xf32>,
        %get3A_728 = vector.shape_cast %get3A_727 : vector<1x1x16xf32> to vector<16xf32>
        %add3A_729 = arith.addf %add3A_722, %get3A_728 : vector<16xf32>
        %get3A_730 = arith.constant 5 : i32
        %get3A_731 = arith.index_cast %get3A_730 : i32 to index
        %get3A_732 = arith.index_cast %add3A_549 : i32 to index
        %get3A_733 = arith.constant 32 : index
        %get3A_734 = tpu.vector_load %arg10[%get3A_731, %get3A_732, %get3A_733] {strides = array<i32>} : memref<10x64x64xf32, #tpu.memory_space<vmem>>, vector<1x1x16xf32>,
        %get3A_735 = vector.shape_cast %get3A_734 : vector<1x1x16xf32> to vector<16xf32>
        %add3A_736 = arith.addf %add3A_729, %get3A_735 : vector<16xf32>
        %get3A_737 = arith.constant 6 : i32
        %get3A_738 = arith.index_cast %get3A_737 : i32 to index
        %get3A_739 = arith.index_cast %add3A_549 : i32 to index
        %get3A_740 = arith.constant 32 : index
        %get3A_741 = tpu.vector_load %arg10[%get3A_738, %get3A_739, %get3A_740] {strides = array<i32>} : memref<10x64x64xf32, #tpu.memory_space<vmem>>, vector<1x1x16xf32>,
        %get3A_742 = vector.shape_cast %get3A_741 : vector<1x1x16xf32> to vector<16xf32>
        %add3A_743 = arith.addf %add3A_736, %get3A_742 : vector<16xf32>
        %get3A_744 = arith.constant 7 : i32
        %get3A_745 = arith.index_cast %get3A_744 : i32 to index
        %get3A_746 = arith.index_cast %add3A_549 : i32 to index
        %get3A_747 = arith.constant 32 : index
        %get3A_748 = tpu.vector_load %arg10[%get3A_745, %get3A_746, %get3A_747] {strides = array<i32>} : memref<10x64x64xf32, #tpu.memory_space<vmem>>, vector<1x1x16xf32>,
        %get3A_749 = vector.shape_cast %get3A_748 : vector<1x1x16xf32> to vector<16xf32>
        %add3A_750 = arith.addf %add3A_743, %get3A_749 : vector<16xf32>
        %get3A_751 = arith.constant 8 : i32
        %get3A_752 = arith.index_cast %get3A_751 : i32 to index
        %get3A_753 = arith.index_cast %add3A_549 : i32 to index
        %get3A_754 = arith.constant 32 : index
        %get3A_755 = tpu.vector_load %arg10[%get3A_752, %get3A_753, %get3A_754] {strides = array<i32>} : memref<10x64x64xf32, #tpu.memory_space<vmem>>, vector<1x1x16xf32>,
        %get3A_756 = vector.shape_cast %get3A_755 : vector<1x1x16xf32> to vector<16xf32>
        %add3A_757 = arith.addf %add3A_750, %get3A_756 : vector<16xf32>
        %get3A_758 = arith.constant 9 : i32
        %get3A_759 = arith.index_cast %get3A_758 : i32 to index
        %get3A_760 = arith.index_cast %add3A_549 : i32 to index
        %get3A_761 = arith.constant 32 : index
        %get3A_762 = tpu.vector_load %arg10[%get3A_759, %get3A_760, %get3A_761] {strides = array<i32>} : memref<10x64x64xf32, #tpu.memory_space<vmem>>, vector<1x1x16xf32>,
        %get3A_763 = vector.shape_cast %get3A_762 : vector<1x1x16xf32> to vector<16xf32>
        %add3A_764 = arith.addf %add3A_757, %get3A_763 : vector<16xf32>
        %swap3A_765 = arith.index_cast %add3A_549 : i32 to index
        %swap3A_766 = arith.constant 32 : index
        %swap3A_767 = tpu.vector_load %arg12[%swap3A_765, %swap3A_766] {strides = array<i32>} : memref<64x64xf32, #tpu.memory_space<vmem>>, vector<1x16xf32>,
        %swap3A_768 = vector.shape_cast %swap3A_767 : vector<1x16xf32> to vector<16xf32>
        %swap3A_769 = vector.shape_cast %add3A_764 : vector<16xf32> to vector<1x16xf32>
        tpu.vector_store %arg12[%swap3A_765, %swap3A_766], %swap3A_769 {strides = array<i32>} : memref<64x64xf32, #tpu.memory_space<vmem>>, vector<1x16xf32>,
        %get3A_770 = arith.constant 0 : i32
        %get3A_771 = arith.index_cast %get3A_770 : i32 to index
        %get3A_772 = arith.index_cast %add3A_549 : i32 to index
        %get3A_773 = arith.constant 48 : index
        %get3A_774 = tpu.vector_load %arg10[%get3A_771, %get3A_772, %get3A_773] {strides = array<i32>} : memref<10x64x64xf32, #tpu.memory_space<vmem>>, vector<1x1x16xf32>,
        %get3A_775 = vector.shape_cast %get3A_774 : vector<1x1x16xf32> to vector<16xf32>
        %get3A_776 = arith.constant 1 : i32
        %get3A_777 = arith.index_cast %get3A_776 : i32 to index
        %get3A_778 = arith.index_cast %add3A_549 : i32 to index
        %get3A_779 = arith.constant 48 : index
        %get3A_780 = tpu.vector_load %arg10[%get3A_777, %get3A_778, %get3A_779] {strides = array<i32>} : memref<10x64x64xf32, #tpu.memory_space<vmem>>, vector<1x1x16xf32>,
        %get3A_781 = vector.shape_cast %get3A_780 : vector<1x1x16xf32> to vector<16xf32>
        %add3A_782 = arith.addf %get3A_775, %get3A_781 : vector<16xf32>
        %get3A_783 = arith.constant 2 : i32
        %get3A_784 = arith.index_cast %get3A_783 : i32 to index
        %get3A_785 = arith.index_cast %add3A_549 : i32 to index
        %get3A_786 = arith.constant 48 : index
        %get3A_787 = tpu.vector_load %arg10[%get3A_784, %get3A_785, %get3A_786] {strides = array<i32>} : memref<10x64x64xf32, #tpu.memory_space<vmem>>, vector<1x1x16xf32>,
        %get3A_788 = vector.shape_cast %get3A_787 : vector<1x1x16xf32> to vector<16xf32>
        %add3A_789 = arith.addf %add3A_782, %get3A_788 : vector<16xf32>
        %get3A_790 = arith.constant 3 : i32
        %get3A_791 = arith.index_cast %get3A_790 : i32 to index
        %get3A_792 = arith.index_cast %add3A_549 : i32 to index
        %get3A_793 = arith.constant 48 : index
        %get3A_794 = tpu.vector_load %arg10[%get3A_791, %get3A_792, %get3A_793] {strides = array<i32>} : memref<10x64x64xf32, #tpu.memory_space<vmem>>, vector<1x1x16xf32>,
        %get3A_795 = vector.shape_cast %get3A_794 : vector<1x1x16xf32> to vector<16xf32>
        %add3A_796 = arith.addf %add3A_789, %get3A_795 : vector<16xf32>
        %get3A_797 = arith.constant 4 : i32
        %get3A_798 = arith.index_cast %get3A_797 : i32 to index
        %get3A_799 = arith.index_cast %add3A_549 : i32 to index
        %get3A_800 = arith.constant 48 : index
        %get3A_801 = tpu.vector_load %arg10[%get3A_798, %get3A_799, %get3A_800] {strides = array<i32>} : memref<10x64x64xf32, #tpu.memory_space<vmem>>, vector<1x1x16xf32>,
        %get3A_802 = vector.shape_cast %get3A_801 : vector<1x1x16xf32> to vector<16xf32>
        %add3A_803 = arith.addf %add3A_796, %get3A_802 : vector<16xf32>
        %get3A_804 = arith.constant 5 : i32
        %get3A_805 = arith.index_cast %get3A_804 : i32 to index
        %get3A_806 = arith.index_cast %add3A_549 : i32 to index
        %get3A_807 = arith.constant 48 : index
        %get3A_808 = tpu.vector_load %arg10[%get3A_805, %get3A_806, %get3A_807] {strides = array<i32>} : memref<10x64x64xf32, #tpu.memory_space<vmem>>, vector<1x1x16xf32>,
        %get3A_809 = vector.shape_cast %get3A_808 : vector<1x1x16xf32> to vector<16xf32>
        %add3A_810 = arith.addf %add3A_803, %get3A_809 : vector<16xf32>
        %get3A_811 = arith.constant 6 : i32
        %get3A_812 = arith.index_cast %get3A_811 : i32 to index
        %get3A_813 = arith.index_cast %add3A_549 : i32 to index
        %get3A_814 = arith.constant 48 : index
        %get3A_815 = tpu.vector_load %arg10[%get3A_812, %get3A_813, %get3A_814] {strides = array<i32>} : memref<10x64x64xf32, #tpu.memory_space<vmem>>, vector<1x1x16xf32>,
        %get3A_816 = vector.shape_cast %get3A_815 : vector<1x1x16xf32> to vector<16xf32>
        %add3A_817 = arith.addf %add3A_810, %get3A_816 : vector<16xf32>
        %get3A_818 = arith.constant 7 : i32
        %get3A_819 = arith.index_cast %get3A_818 : i32 to index
        %get3A_820 = arith.index_cast %add3A_549 : i32 to index
        %get3A_821 = arith.constant 48 : index
        %get3A_822 = tpu.vector_load %arg10[%get3A_819, %get3A_820, %get3A_821] {strides = array<i32>} : memref<10x64x64xf32, #tpu.memory_space<vmem>>, vector<1x1x16xf32>,
        %get3A_823 = vector.shape_cast %get3A_822 : vector<1x1x16xf32> to vector<16xf32>
        %add3A_824 = arith.addf %add3A_817, %get3A_823 : vector<16xf32>
        %get3A_825 = arith.constant 8 : i32
        %get3A_826 = arith.index_cast %get3A_825 : i32 to index
        %get3A_827 = arith.index_cast %add3A_549 : i32 to index
        %get3A_828 = arith.constant 48 : index
        %get3A_829 = tpu.vector_load %arg10[%get3A_826, %get3A_827, %get3A_828] {strides = array<i32>} : memref<10x64x64xf32, #tpu.memory_space<vmem>>, vector<1x1x16xf32>,
        %get3A_830 = vector.shape_cast %get3A_829 : vector<1x1x16xf32> to vector<16xf32>
        %add3A_831 = arith.addf %add3A_824, %get3A_830 : vector<16xf32>
        %get3A_832 = arith.constant 9 : i32
        %get3A_833 = arith.index_cast %get3A_832 : i32 to index
        %get3A_834 = arith.index_cast %add3A_549 : i32 to index
        %get3A_835 = arith.constant 48 : index
        %get3A_836 = tpu.vector_load %arg10[%get3A_833, %get3A_834, %get3A_835] {strides = array<i32>} : memref<10x64x64xf32, #tpu.memory_space<vmem>>, vector<1x1x16xf32>,
        %get3A_837 = vector.shape_cast %get3A_836 : vector<1x1x16xf32> to vector<16xf32>
        %add3A_838 = arith.addf %add3A_831, %get3A_837 : vector<16xf32>
        %swap3A_839 = arith.index_cast %add3A_549 : i32 to index
        %swap3A_840 = arith.constant 48 : index
        %swap3A_841 = tpu.vector_load %arg12[%swap3A_839, %swap3A_840] {strides = array<i32>} : memref<64x64xf32, #tpu.memory_space<vmem>>, vector<1x16xf32>,
        %swap3A_842 = vector.shape_cast %swap3A_841 : vector<1x16xf32> to vector<16xf32>
        %swap3A_843 = vector.shape_cast %add3A_838 : vector<16xf32> to vector<1x16xf32>
        tpu.vector_store %arg12[%swap3A_839, %swap3A_840], %swap3A_843 {strides = array<i32>} : memref<64x64xf32, #tpu.memory_space<vmem>>, vector<1x16xf32>,
      }
      %scan3A_277 = arith.constant 64 : i32
      %dma_start3A_278 = arith.constant 0 : i32
      %dma_start3A_279 = arith.constant 10 : i32
      %dma_start3A_280 = arith.constant 0 : i32
      %dma_start3A_281 = arith.constant 0 : i32
      %dma_start3A_282 = arith.constant 0 : i32
      %dma_start3A_283 = tpu.memref_slice %arg11[%dma_start3A_280, %dma_start3A_281, %dma_start3A_282] : memref<10x64x64xf32, #tpu.memory_space<vmem>> -> memref<1x64x64xf32, #tpu.memory_space<vmem>>
      %dma_start3A_284 = tpu.memref_squeeze %dma_start3A_283 : memref<1x64x64xf32, #tpu.memory_space<vmem>> -> memref<64x64xf32, #tpu.memory_space<vmem>>
      %dma_start3A_285 = arith.constant 0 : i32
      %dma_start3A_286 = tpu.memref_slice %arg9[%dma_start3A_278, %dma_start3A_279, %dma_start3A_285] : memref<2x20x64xi32, #tpu.memory_space<vmem>> -> memref<1x1x64xi32, #tpu.memory_space<vmem>>
      %dma_start3A_287 = tpu.memref_squeeze %dma_start3A_286 : memref<1x1x64xi32, #tpu.memory_space<vmem>> -> memref<64xi32, #tpu.memory_space<vmem>>
      %dma_start3A_288 = arith.constant 0 : i32
      %dma_start3A_289 = arith.constant 0 : i32
      %dma_start3A_290 = tpu.memref_slice %arg5[%dma_start3A_288, %dma_start3A_289] : memref<100001x64xf32, #tpu.memory_space<hbm>> -> memref<100001x64xf32, #tpu.memory_space<hbm>>
      tpu.enqueue_indirect_dma source(%dma_start3A_290 : memref<100001x64xf32, #tpu.memory_space<hbm>>) target(%dma_start3A_284 : memref<64x64xf32, #tpu.memory_space<vmem>>) offsets(%dma_start3A_287 : memref<64xi32, #tpu.memory_space<vmem>>) semaphore(%arg14 : memref<!tpu.dma_semaphore, #tpu.memory_space<semaphore_mem>>)
      %dma_wait3A_291 = arith.constant 0 : i32
      %dma_wait3A_292 = arith.constant 10 : i32
      %dma_wait3A_293 = arith.constant 0 : i32
      %dma_wait3A_294 = arith.constant 0 : i32
      %dma_wait3A_295 = arith.constant 0 : i32
      %dma_wait3A_296 = tpu.memref_slice %arg11[%dma_wait3A_293, %dma_wait3A_294, %dma_wait3A_295] : memref<10x64x64xf32, #tpu.memory_space<vmem>> -> memref<1x64x64xf32, #tpu.memory_space<vmem>>
      %dma_wait3A_297 = tpu.memref_squeeze %dma_wait3A_296 : memref<1x64x64xf32, #tpu.memory_space<vmem>> -> memref<64x64xf32, #tpu.memory_space<vmem>>
      %dma_wait3A_298 = arith.constant 0 : i32
      %dma_wait3A_299 = tpu.memref_slice %arg9[%dma_wait3A_291, %dma_wait3A_292, %dma_wait3A_298] : memref<2x20x64xi32, #tpu.memory_space<vmem>> -> memref<1x1x64xi32, #tpu.memory_space<vmem>>
      %dma_wait3A_300 = tpu.memref_squeeze %dma_wait3A_299 : memref<1x1x64xi32, #tpu.memory_space<vmem>> -> memref<64xi32, #tpu.memory_space<vmem>>
      %dma_wait3A_301 = arith.constant 0 : i32
      %dma_wait3A_302 = arith.constant 0 : i32
      %dma_wait3A_303 = tpu.memref_slice %arg5[%dma_wait3A_301, %dma_wait3A_302] : memref<100001x64xf32, #tpu.memory_space<hbm>> -> memref<100001x64xf32, #tpu.memory_space<hbm>>
      tpu.wait_indirect_dma semaphore(%arg14 : memref<!tpu.dma_semaphore, #tpu.memory_space<semaphore_mem>>) src(%dma_wait3A_303 : memref<100001x64xf32, #tpu.memory_space<hbm>>) dst(%dma_wait3A_297 : memref<64x64xf32, #tpu.memory_space<vmem>>)
      %dma_start3A_304 = arith.constant 0 : i32
      %dma_start3A_305 = arith.constant 11 : i32
      %dma_start3A_306 = arith.constant 1 : i32
      %dma_start3A_307 = arith.constant 0 : i32
      %dma_start3A_308 = arith.constant 0 : i32
      %dma_start3A_309 = tpu.memref_slice %arg11[%dma_start3A_306, %dma_start3A_307, %dma_start3A_308] : memref<10x64x64xf32, #tpu.memory_space<vmem>> -> memref<1x64x64xf32, #tpu.memory_space<vmem>>
      %dma_start3A_310 = tpu.memref_squeeze %dma_start3A_309 : memref<1x64x64xf32, #tpu.memory_space<vmem>> -> memref<64x64xf32, #tpu.memory_space<vmem>>
      %dma_start3A_311 = arith.constant 0 : i32
      %dma_start3A_312 = tpu.memref_slice %arg9[%dma_start3A_304, %dma_start3A_305, %dma_start3A_311] : memref<2x20x64xi32, #tpu.memory_space<vmem>> -> memref<1x1x64xi32, #tpu.memory_space<vmem>>
      %dma_start3A_313 = tpu.memref_squeeze %dma_start3A_312 : memref<1x1x64xi32, #tpu.memory_space<vmem>> -> memref<64xi32, #tpu.memory_space<vmem>>
      %dma_start3A_314 = arith.constant 0 : i32
      %dma_start3A_315 = arith.constant 0 : i32
      %dma_start3A_316 = tpu.memref_slice %arg5[%dma_start3A_314, %dma_start3A_315] : memref<100001x64xf32, #tpu.memory_space<hbm>> -> memref<100001x64xf32, #tpu.memory_space<hbm>>
      tpu.enqueue_indirect_dma source(%dma_start3A_316 : memref<100001x64xf32, #tpu.memory_space<hbm>>) target(%dma_start3A_310 : memref<64x64xf32, #tpu.memory_space<vmem>>) offsets(%dma_start3A_313 : memref<64xi32, #tpu.memory_space<vmem>>) semaphore(%arg14 : memref<!tpu.dma_semaphore, #tpu.memory_space<semaphore_mem>>)
      %dma_wait3A_317 = arith.constant 0 : i32
      %dma_wait3A_318 = arith.constant 11 : i32
      %dma_wait3A_319 = arith.constant 1 : i32
      %dma_wait3A_320 = arith.constant 0 : i32
      %dma_wait3A_321 = arith.constant 0 : i32
      %dma_wait3A_322 = tpu.memref_slice %arg11[%dma_wait3A_319, %dma_wait3A_320, %dma_wait3A_321] : memref<10x64x64xf32, #tpu.memory_space<vmem>> -> memref<1x64x64xf32, #tpu.memory_space<vmem>>
      %dma_wait3A_323 = tpu.memref_squeeze %dma_wait3A_322 : memref<1x64x64xf32, #tpu.memory_space<vmem>> -> memref<64x64xf32, #tpu.memory_space<vmem>>
      %dma_wait3A_324 = arith.constant 0 : i32
      %dma_wait3A_325 = tpu.memref_slice %arg9[%dma_wait3A_317, %dma_wait3A_318, %dma_wait3A_324] : memref<2x20x64xi32, #tpu.memory_space<vmem>> -> memref<1x1x64xi32, #tpu.memory_space<vmem>>
      %dma_wait3A_326 = tpu.memref_squeeze %dma_wait3A_325 : memref<1x1x64xi32, #tpu.memory_space<vmem>> -> memref<64xi32, #tpu.memory_space<vmem>>
      %dma_wait3A_327 = arith.constant 0 : i32
      %dma_wait3A_328 = arith.constant 0 : i32
      %dma_wait3A_329 = tpu.memref_slice %arg5[%dma_wait3A_327, %dma_wait3A_328] : memref<100001x64xf32, #tpu.memory_space<hbm>> -> memref<100001x64xf32, #tpu.memory_space<hbm>>
      tpu.wait_indirect_dma semaphore(%arg14 : memref<!tpu.dma_semaphore, #tpu.memory_space<semaphore_mem>>) src(%dma_wait3A_329 : memref<100001x64xf32, #tpu.memory_space<hbm>>) dst(%dma_wait3A_323 : memref<64x64xf32, #tpu.memory_space<vmem>>)
      %dma_start3A_330 = arith.constant 0 : i32
      %dma_start3A_331 = arith.constant 12 : i32
      %dma_start3A_332 = arith.constant 2 : i32
      %dma_start3A_333 = arith.constant 0 : i32
      %dma_start3A_334 = arith.constant 0 : i32
      %dma_start3A_335 = tpu.memref_slice %arg11[%dma_start3A_332, %dma_start3A_333, %dma_start3A_334] : memref<10x64x64xf32, #tpu.memory_space<vmem>> -> memref<1x64x64xf32, #tpu.memory_space<vmem>>
      %dma_start3A_336 = tpu.memref_squeeze %dma_start3A_335 : memref<1x64x64xf32, #tpu.memory_space<vmem>> -> memref<64x64xf32, #tpu.memory_space<vmem>>
      %dma_start3A_337 = arith.constant 0 : i32
      %dma_start3A_338 = tpu.memref_slice %arg9[%dma_start3A_330, %dma_start3A_331, %dma_start3A_337] : memref<2x20x64xi32, #tpu.memory_space<vmem>> -> memref<1x1x64xi32, #tpu.memory_space<vmem>>
      %dma_start3A_339 = tpu.memref_squeeze %dma_start3A_338 : memref<1x1x64xi32, #tpu.memory_space<vmem>> -> memref<64xi32, #tpu.memory_space<vmem>>
      %dma_start3A_340 = arith.constant 0 : i32
      %dma_start3A_341 = arith.constant 0 : i32
      %dma_start3A_342 = tpu.memref_slice %arg5[%dma_start3A_340, %dma_start3A_341] : memref<100001x64xf32, #tpu.memory_space<hbm>> -> memref<100001x64xf32, #tpu.memory_space<hbm>>
      tpu.enqueue_indirect_dma source(%dma_start3A_342 : memref<100001x64xf32, #tpu.memory_space<hbm>>) target(%dma_start3A_336 : memref<64x64xf32, #tpu.memory_space<vmem>>) offsets(%dma_start3A_339 : memref<64xi32, #tpu.memory_space<vmem>>) semaphore(%arg14 : memref<!tpu.dma_semaphore, #tpu.memory_space<semaphore_mem>>)
      %dma_wait3A_343 = arith.constant 0 : i32
      %dma_wait3A_344 = arith.constant 12 : i32
      %dma_wait3A_345 = arith.constant 2 : i32
      %dma_wait3A_346 = arith.constant 0 : i32
      %dma_wait3A_347 = arith.constant 0 : i32
      %dma_wait3A_348 = tpu.memref_slice %arg11[%dma_wait3A_345, %dma_wait3A_346, %dma_wait3A_347] : memref<10x64x64xf32, #tpu.memory_space<vmem>> -> memref<1x64x64xf32, #tpu.memory_space<vmem>>
      %dma_wait3A_349 = tpu.memref_squeeze %dma_wait3A_348 : memref<1x64x64xf32, #tpu.memory_space<vmem>> -> memref<64x64xf32, #tpu.memory_space<vmem>>
      %dma_wait3A_350 = arith.constant 0 : i32
      %dma_wait3A_351 = tpu.memref_slice %arg9[%dma_wait3A_343, %dma_wait3A_344, %dma_wait3A_350] : memref<2x20x64xi32, #tpu.memory_space<vmem>> -> memref<1x1x64xi32, #tpu.memory_space<vmem>>
      %dma_wait3A_352 = tpu.memref_squeeze %dma_wait3A_351 : memref<1x1x64xi32, #tpu.memory_space<vmem>> -> memref<64xi32, #tpu.memory_space<vmem>>
      %dma_wait3A_353 = arith.constant 0 : i32
      %dma_wait3A_354 = arith.constant 0 : i32
      %dma_wait3A_355 = tpu.memref_slice %arg5[%dma_wait3A_353, %dma_wait3A_354] : memref<100001x64xf32, #tpu.memory_space<hbm>> -> memref<100001x64xf32, #tpu.memory_space<hbm>>
      tpu.wait_indirect_dma semaphore(%arg14 : memref<!tpu.dma_semaphore, #tpu.memory_space<semaphore_mem>>) src(%dma_wait3A_355 : memref<100001x64xf32, #tpu.memory_space<hbm>>) dst(%dma_wait3A_349 : memref<64x64xf32, #tpu.memory_space<vmem>>)
      %dma_start3A_356 = arith.constant 0 : i32
      %dma_start3A_357 = arith.constant 13 : i32
      %dma_start3A_358 = arith.constant 3 : i32
      %dma_start3A_359 = arith.constant 0 : i32
      %dma_start3A_360 = arith.constant 0 : i32
      %dma_start3A_361 = tpu.memref_slice %arg11[%dma_start3A_358, %dma_start3A_359, %dma_start3A_360] : memref<10x64x64xf32, #tpu.memory_space<vmem>> -> memref<1x64x64xf32, #tpu.memory_space<vmem>>
      %dma_start3A_362 = tpu.memref_squeeze %dma_start3A_361 : memref<1x64x64xf32, #tpu.memory_space<vmem>> -> memref<64x64xf32, #tpu.memory_space<vmem>>
      %dma_start3A_363 = arith.constant 0 : i32
      %dma_start3A_364 = tpu.memref_slice %arg9[%dma_start3A_356, %dma_start3A_357, %dma_start3A_363] : memref<2x20x64xi32, #tpu.memory_space<vmem>> -> memref<1x1x64xi32, #tpu.memory_space<vmem>>
      %dma_start3A_365 = tpu.memref_squeeze %dma_start3A_364 : memref<1x1x64xi32, #tpu.memory_space<vmem>> -> memref<64xi32, #tpu.memory_space<vmem>>
      %dma_start3A_366 = arith.constant 0 : i32
      %dma_start3A_367 = arith.constant 0 : i32
      %dma_start3A_368 = tpu.memref_slice %arg5[%dma_start3A_366, %dma_start3A_367] : memref<100001x64xf32, #tpu.memory_space<hbm>> -> memref<100001x64xf32, #tpu.memory_space<hbm>>
      tpu.enqueue_indirect_dma source(%dma_start3A_368 : memref<100001x64xf32, #tpu.memory_space<hbm>>) target(%dma_start3A_362 : memref<64x64xf32, #tpu.memory_space<vmem>>) offsets(%dma_start3A_365 : memref<64xi32, #tpu.memory_space<vmem>>) semaphore(%arg14 : memref<!tpu.dma_semaphore, #tpu.memory_space<semaphore_mem>>)
      %dma_wait3A_369 = arith.constant 0 : i32
      %dma_wait3A_370 = arith.constant 13 : i32
      %dma_wait3A_371 = arith.constant 3 : i32
      %dma_wait3A_372 = arith.constant 0 : i32
      %dma_wait3A_373 = arith.constant 0 : i32
      %dma_wait3A_374 = tpu.memref_slice %arg11[%dma_wait3A_371, %dma_wait3A_372, %dma_wait3A_373] : memref<10x64x64xf32, #tpu.memory_space<vmem>> -> memref<1x64x64xf32, #tpu.memory_space<vmem>>
      %dma_wait3A_375 = tpu.memref_squeeze %dma_wait3A_374 : memref<1x64x64xf32, #tpu.memory_space<vmem>> -> memref<64x64xf32, #tpu.memory_space<vmem>>
      %dma_wait3A_376 = arith.constant 0 : i32
      %dma_wait3A_377 = tpu.memref_slice %arg9[%dma_wait3A_369, %dma_wait3A_370, %dma_wait3A_376] : memref<2x20x64xi32, #tpu.memory_space<vmem>> -> memref<1x1x64xi32, #tpu.memory_space<vmem>>
      %dma_wait3A_378 = tpu.memref_squeeze %dma_wait3A_377 : memref<1x1x64xi32, #tpu.memory_space<vmem>> -> memref<64xi32, #tpu.memory_space<vmem>>
      %dma_wait3A_379 = arith.constant 0 : i32
      %dma_wait3A_380 = arith.constant 0 : i32
      %dma_wait3A_381 = tpu.memref_slice %arg5[%dma_wait3A_379, %dma_wait3A_380] : memref<100001x64xf32, #tpu.memory_space<hbm>> -> memref<100001x64xf32, #tpu.memory_space<hbm>>
      tpu.wait_indirect_dma semaphore(%arg14 : memref<!tpu.dma_semaphore, #tpu.memory_space<semaphore_mem>>) src(%dma_wait3A_381 : memref<100001x64xf32, #tpu.memory_space<hbm>>) dst(%dma_wait3A_375 : memref<64x64xf32, #tpu.memory_space<vmem>>)
      %dma_start3A_382 = arith.constant 0 : i32
      %dma_start3A_383 = arith.constant 14 : i32
      %dma_start3A_384 = arith.constant 4 : i32
      %dma_start3A_385 = arith.constant 0 : i32
      %dma_start3A_386 = arith.constant 0 : i32
      %dma_start3A_387 = tpu.memref_slice %arg11[%dma_start3A_384, %dma_start3A_385, %dma_start3A_386] : memref<10x64x64xf32, #tpu.memory_space<vmem>> -> memref<1x64x64xf32, #tpu.memory_space<vmem>>
      %dma_start3A_388 = tpu.memref_squeeze %dma_start3A_387 : memref<1x64x64xf32, #tpu.memory_space<vmem>> -> memref<64x64xf32, #tpu.memory_space<vmem>>
      %dma_start3A_389 = arith.constant 0 : i32
      %dma_start3A_390 = tpu.memref_slice %arg9[%dma_start3A_382, %dma_start3A_383, %dma_start3A_389] : memref<2x20x64xi32, #tpu.memory_space<vmem>> -> memref<1x1x64xi32, #tpu.memory_space<vmem>>
      %dma_start3A_391 = tpu.memref_squeeze %dma_start3A_390 : memref<1x1x64xi32, #tpu.memory_space<vmem>> -> memref<64xi32, #tpu.memory_space<vmem>>
      %dma_start3A_392 = arith.constant 0 : i32
      %dma_start3A_393 = arith.constant 0 : i32
      %dma_start3A_394 = tpu.memref_slice %arg5[%dma_start3A_392, %dma_start3A_393] : memref<100001x64xf32, #tpu.memory_space<hbm>> -> memref<100001x64xf32, #tpu.memory_space<hbm>>
      tpu.enqueue_indirect_dma source(%dma_start3A_394 : memref<100001x64xf32, #tpu.memory_space<hbm>>) target(%dma_start3A_388 : memref<64x64xf32, #tpu.memory_space<vmem>>) offsets(%dma_start3A_391 : memref<64xi32, #tpu.memory_space<vmem>>) semaphore(%arg14 : memref<!tpu.dma_semaphore, #tpu.memory_space<semaphore_mem>>)
      %dma_wait3A_395 = arith.constant 0 : i32
      %dma_wait3A_396 = arith.constant 14 : i32
      %dma_wait3A_397 = arith.constant 4 : i32
      %dma_wait3A_398 = arith.constant 0 : i32
      %dma_wait3A_399 = arith.constant 0 : i32
      %dma_wait3A_400 = tpu.memref_slice %arg11[%dma_wait3A_397, %dma_wait3A_398, %dma_wait3A_399] : memref<10x64x64xf32, #tpu.memory_space<vmem>> -> memref<1x64x64xf32, #tpu.memory_space<vmem>>
      %dma_wait3A_401 = tpu.memref_squeeze %dma_wait3A_400 : memref<1x64x64xf32, #tpu.memory_space<vmem>> -> memref<64x64xf32, #tpu.memory_space<vmem>>
      %dma_wait3A_402 = arith.constant 0 : i32
      %dma_wait3A_403 = tpu.memref_slice %arg9[%dma_wait3A_395, %dma_wait3A_396, %dma_wait3A_402] : memref<2x20x64xi32, #tpu.memory_space<vmem>> -> memref<1x1x64xi32, #tpu.memory_space<vmem>>
      %dma_wait3A_404 = tpu.memref_squeeze %dma_wait3A_403 : memref<1x1x64xi32, #tpu.memory_space<vmem>> -> memref<64xi32, #tpu.memory_space<vmem>>
      %dma_wait3A_405 = arith.constant 0 : i32
      %dma_wait3A_406 = arith.constant 0 : i32
      %dma_wait3A_407 = tpu.memref_slice %arg5[%dma_wait3A_405, %dma_wait3A_406] : memref<100001x64xf32, #tpu.memory_space<hbm>> -> memref<100001x64xf32, #tpu.memory_space<hbm>>
      tpu.wait_indirect_dma semaphore(%arg14 : memref<!tpu.dma_semaphore, #tpu.memory_space<semaphore_mem>>) src(%dma_wait3A_407 : memref<100001x64xf32, #tpu.memory_space<hbm>>) dst(%dma_wait3A_401 : memref<64x64xf32, #tpu.memory_space<vmem>>)
      %dma_start3A_408 = arith.constant 0 : i32
      %dma_start3A_409 = arith.constant 15 : i32
      %dma_start3A_410 = arith.constant 5 : i32
      %dma_start3A_411 = arith.constant 0 : i32
      %dma_start3A_412 = arith.constant 0 : i32
      %dma_start3A_413 = tpu.memref_slice %arg11[%dma_start3A_410, %dma_start3A_411, %dma_start3A_412] : memref<10x64x64xf32, #tpu.memory_space<vmem>> -> memref<1x64x64xf32, #tpu.memory_space<vmem>>
      %dma_start3A_414 = tpu.memref_squeeze %dma_start3A_413 : memref<1x64x64xf32, #tpu.memory_space<vmem>> -> memref<64x64xf32, #tpu.memory_space<vmem>>
      %dma_start3A_415 = arith.constant 0 : i32
      %dma_start3A_416 = tpu.memref_slice %arg9[%dma_start3A_408, %dma_start3A_409, %dma_start3A_415] : memref<2x20x64xi32, #tpu.memory_space<vmem>> -> memref<1x1x64xi32, #tpu.memory_space<vmem>>
      %dma_start3A_417 = tpu.memref_squeeze %dma_start3A_416 : memref<1x1x64xi32, #tpu.memory_space<vmem>> -> memref<64xi32, #tpu.memory_space<vmem>>
      %dma_start3A_418 = arith.constant 0 : i32
      %dma_start3A_419 = arith.constant 0 : i32
      %dma_start3A_420 = tpu.memref_slice %arg5[%dma_start3A_418, %dma_start3A_419] : memref<100001x64xf32, #tpu.memory_space<hbm>> -> memref<100001x64xf32, #tpu.memory_space<hbm>>
      tpu.enqueue_indirect_dma source(%dma_start3A_420 : memref<100001x64xf32, #tpu.memory_space<hbm>>) target(%dma_start3A_414 : memref<64x64xf32, #tpu.memory_space<vmem>>) offsets(%dma_start3A_417 : memref<64xi32, #tpu.memory_space<vmem>>) semaphore(%arg14 : memref<!tpu.dma_semaphore, #tpu.memory_space<semaphore_mem>>)
      %dma_wait3A_421 = arith.constant 0 : i32
      %dma_wait3A_422 = arith.constant 15 : i32
      %dma_wait3A_423 = arith.constant 5 : i32
      %dma_wait3A_424 = arith.constant 0 : i32
      %dma_wait3A_425 = arith.constant 0 : i32
      %dma_wait3A_426 = tpu.memref_slice %arg11[%dma_wait3A_423, %dma_wait3A_424, %dma_wait3A_425] : memref<10x64x64xf32, #tpu.memory_space<vmem>> -> memref<1x64x64xf32, #tpu.memory_space<vmem>>
      %dma_wait3A_427 = tpu.memref_squeeze %dma_wait3A_426 : memref<1x64x64xf32, #tpu.memory_space<vmem>> -> memref<64x64xf32, #tpu.memory_space<vmem>>
      %dma_wait3A_428 = arith.constant 0 : i32
      %dma_wait3A_429 = tpu.memref_slice %arg9[%dma_wait3A_421, %dma_wait3A_422, %dma_wait3A_428] : memref<2x20x64xi32, #tpu.memory_space<vmem>> -> memref<1x1x64xi32, #tpu.memory_space<vmem>>
      %dma_wait3A_430 = tpu.memref_squeeze %dma_wait3A_429 : memref<1x1x64xi32, #tpu.memory_space<vmem>> -> memref<64xi32, #tpu.memory_space<vmem>>
      %dma_wait3A_431 = arith.constant 0 : i32
      %dma_wait3A_432 = arith.constant 0 : i32
      %dma_wait3A_433 = tpu.memref_slice %arg5[%dma_wait3A_431, %dma_wait3A_432] : memref<100001x64xf32, #tpu.memory_space<hbm>> -> memref<100001x64xf32, #tpu.memory_space<hbm>>
      tpu.wait_indirect_dma semaphore(%arg14 : memref<!tpu.dma_semaphore, #tpu.memory_space<semaphore_mem>>) src(%dma_wait3A_433 : memref<100001x64xf32, #tpu.memory_space<hbm>>) dst(%dma_wait3A_427 : memref<64x64xf32, #tpu.memory_space<vmem>>)
      %dma_start3A_434 = arith.constant 0 : i32
      %dma_start3A_435 = arith.constant 16 : i32
      %dma_start3A_436 = arith.constant 6 : i32
      %dma_start3A_437 = arith.constant 0 : i32
      %dma_start3A_438 = arith.constant 0 : i32
      %dma_start3A_439 = tpu.memref_slice %arg11[%dma_start3A_436, %dma_start3A_437, %dma_start3A_438] : memref<10x64x64xf32, #tpu.memory_space<vmem>> -> memref<1x64x64xf32, #tpu.memory_space<vmem>>
      %dma_start3A_440 = tpu.memref_squeeze %dma_start3A_439 : memref<1x64x64xf32, #tpu.memory_space<vmem>> -> memref<64x64xf32, #tpu.memory_space<vmem>>
      %dma_start3A_441 = arith.constant 0 : i32
      %dma_start3A_442 = tpu.memref_slice %arg9[%dma_start3A_434, %dma_start3A_435, %dma_start3A_441] : memref<2x20x64xi32, #tpu.memory_space<vmem>> -> memref<1x1x64xi32, #tpu.memory_space<vmem>>
      %dma_start3A_443 = tpu.memref_squeeze %dma_start3A_442 : memref<1x1x64xi32, #tpu.memory_space<vmem>> -> memref<64xi32, #tpu.memory_space<vmem>>
      %dma_start3A_444 = arith.constant 0 : i32
      %dma_start3A_445 = arith.constant 0 : i32
      %dma_start3A_446 = tpu.memref_slice %arg5[%dma_start3A_444, %dma_start3A_445] : memref<100001x64xf32, #tpu.memory_space<hbm>> -> memref<100001x64xf32, #tpu.memory_space<hbm>>
      tpu.enqueue_indirect_dma source(%dma_start3A_446 : memref<100001x64xf32, #tpu.memory_space<hbm>>) target(%dma_start3A_440 : memref<64x64xf32, #tpu.memory_space<vmem>>) offsets(%dma_start3A_443 : memref<64xi32, #tpu.memory_space<vmem>>) semaphore(%arg14 : memref<!tpu.dma_semaphore, #tpu.memory_space<semaphore_mem>>)
      %dma_wait3A_447 = arith.constant 0 : i32
      %dma_wait3A_448 = arith.constant 16 : i32
      %dma_wait3A_449 = arith.constant 6 : i32
      %dma_wait3A_450 = arith.constant 0 : i32
      %dma_wait3A_451 = arith.constant 0 : i32
      %dma_wait3A_452 = tpu.memref_slice %arg11[%dma_wait3A_449, %dma_wait3A_450, %dma_wait3A_451] : memref<10x64x64xf32, #tpu.memory_space<vmem>> -> memref<1x64x64xf32, #tpu.memory_space<vmem>>
      %dma_wait3A_453 = tpu.memref_squeeze %dma_wait3A_452 : memref<1x64x64xf32, #tpu.memory_space<vmem>> -> memref<64x64xf32, #tpu.memory_space<vmem>>
      %dma_wait3A_454 = arith.constant 0 : i32
      %dma_wait3A_455 = tpu.memref_slice %arg9[%dma_wait3A_447, %dma_wait3A_448, %dma_wait3A_454] : memref<2x20x64xi32, #tpu.memory_space<vmem>> -> memref<1x1x64xi32, #tpu.memory_space<vmem>>
      %dma_wait3A_456 = tpu.memref_squeeze %dma_wait3A_455 : memref<1x1x64xi32, #tpu.memory_space<vmem>> -> memref<64xi32, #tpu.memory_space<vmem>>
      %dma_wait3A_457 = arith.constant 0 : i32
      %dma_wait3A_458 = arith.constant 0 : i32
      %dma_wait3A_459 = tpu.memref_slice %arg5[%dma_wait3A_457, %dma_wait3A_458] : memref<100001x64xf32, #tpu.memory_space<hbm>> -> memref<100001x64xf32, #tpu.memory_space<hbm>>
      tpu.wait_indirect_dma semaphore(%arg14 : memref<!tpu.dma_semaphore, #tpu.memory_space<semaphore_mem>>) src(%dma_wait3A_459 : memref<100001x64xf32, #tpu.memory_space<hbm>>) dst(%dma_wait3A_453 : memref<64x64xf32, #tpu.memory_space<vmem>>)
      %dma_start3A_460 = arith.constant 0 : i32
      %dma_start3A_461 = arith.constant 17 : i32
      %dma_start3A_462 = arith.constant 7 : i32
      %dma_start3A_463 = arith.constant 0 : i32
      %dma_start3A_464 = arith.constant 0 : i32
      %dma_start3A_465 = tpu.memref_slice %arg11[%dma_start3A_462, %dma_start3A_463, %dma_start3A_464] : memref<10x64x64xf32, #tpu.memory_space<vmem>> -> memref<1x64x64xf32, #tpu.memory_space<vmem>>
      %dma_start3A_466 = tpu.memref_squeeze %dma_start3A_465 : memref<1x64x64xf32, #tpu.memory_space<vmem>> -> memref<64x64xf32, #tpu.memory_space<vmem>>
      %dma_start3A_467 = arith.constant 0 : i32
      %dma_start3A_468 = tpu.memref_slice %arg9[%dma_start3A_460, %dma_start3A_461, %dma_start3A_467] : memref<2x20x64xi32, #tpu.memory_space<vmem>> -> memref<1x1x64xi32, #tpu.memory_space<vmem>>
      %dma_start3A_469 = tpu.memref_squeeze %dma_start3A_468 : memref<1x1x64xi32, #tpu.memory_space<vmem>> -> memref<64xi32, #tpu.memory_space<vmem>>
      %dma_start3A_470 = arith.constant 0 : i32
      %dma_start3A_471 = arith.constant 0 : i32
      %dma_start3A_472 = tpu.memref_slice %arg5[%dma_start3A_470, %dma_start3A_471] : memref<100001x64xf32, #tpu.memory_space<hbm>> -> memref<100001x64xf32, #tpu.memory_space<hbm>>
      tpu.enqueue_indirect_dma source(%dma_start3A_472 : memref<100001x64xf32, #tpu.memory_space<hbm>>) target(%dma_start3A_466 : memref<64x64xf32, #tpu.memory_space<vmem>>) offsets(%dma_start3A_469 : memref<64xi32, #tpu.memory_space<vmem>>) semaphore(%arg14 : memref<!tpu.dma_semaphore, #tpu.memory_space<semaphore_mem>>)
      %dma_wait3A_473 = arith.constant 0 : i32
      %dma_wait3A_474 = arith.constant 17 : i32
      %dma_wait3A_475 = arith.constant 7 : i32
      %dma_wait3A_476 = arith.constant 0 : i32
      %dma_wait3A_477 = arith.constant 0 : i32
      %dma_wait3A_478 = tpu.memref_slice %arg11[%dma_wait3A_475, %dma_wait3A_476, %dma_wait3A_477] : memref<10x64x64xf32, #tpu.memory_space<vmem>> -> memref<1x64x64xf32, #tpu.memory_space<vmem>>
      %dma_wait3A_479 = tpu.memref_squeeze %dma_wait3A_478 : memref<1x64x64xf32, #tpu.memory_space<vmem>> -> memref<64x64xf32, #tpu.memory_space<vmem>>
      %dma_wait3A_480 = arith.constant 0 : i32
      %dma_wait3A_481 = tpu.memref_slice %arg9[%dma_wait3A_473, %dma_wait3A_474, %dma_wait3A_480] : memref<2x20x64xi32, #tpu.memory_space<vmem>> -> memref<1x1x64xi32, #tpu.memory_space<vmem>>
      %dma_wait3A_482 = tpu.memref_squeeze %dma_wait3A_481 : memref<1x1x64xi32, #tpu.memory_space<vmem>> -> memref<64xi32, #tpu.memory_space<vmem>>
      %dma_wait3A_483 = arith.constant 0 : i32
      %dma_wait3A_484 = arith.constant 0 : i32
      %dma_wait3A_485 = tpu.memref_slice %arg5[%dma_wait3A_483, %dma_wait3A_484] : memref<100001x64xf32, #tpu.memory_space<hbm>> -> memref<100001x64xf32, #tpu.memory_space<hbm>>
      tpu.wait_indirect_dma semaphore(%arg14 : memref<!tpu.dma_semaphore, #tpu.memory_space<semaphore_mem>>) src(%dma_wait3A_485 : memref<100001x64xf32, #tpu.memory_space<hbm>>) dst(%dma_wait3A_479 : memref<64x64xf32, #tpu.memory_space<vmem>>)
      %dma_start3A_486 = arith.constant 0 : i32
      %dma_start3A_487 = arith.constant 18 : i32
      %dma_start3A_488 = arith.constant 8 : i32
      %dma_start3A_489 = arith.constant 0 : i32
      %dma_start3A_490 = arith.constant 0 : i32
      %dma_start3A_491 = tpu.memref_slice %arg11[%dma_start3A_488, %dma_start3A_489, %dma_start3A_490] : memref<10x64x64xf32, #tpu.memory_space<vmem>> -> memref<1x64x64xf32, #tpu.memory_space<vmem>>
      %dma_start3A_492 = tpu.memref_squeeze %dma_start3A_491 : memref<1x64x64xf32, #tpu.memory_space<vmem>> -> memref<64x64xf32, #tpu.memory_space<vmem>>
      %dma_start3A_493 = arith.constant 0 : i32
      %dma_start3A_494 = tpu.memref_slice %arg9[%dma_start3A_486, %dma_start3A_487, %dma_start3A_493] : memref<2x20x64xi32, #tpu.memory_space<vmem>> -> memref<1x1x64xi32, #tpu.memory_space<vmem>>
      %dma_start3A_495 = tpu.memref_squeeze %dma_start3A_494 : memref<1x1x64xi32, #tpu.memory_space<vmem>> -> memref<64xi32, #tpu.memory_space<vmem>>
      %dma_start3A_496 = arith.constant 0 : i32
      %dma_start3A_497 = arith.constant 0 : i32
      %dma_start3A_498 = tpu.memref_slice %arg5[%dma_start3A_496, %dma_start3A_497] : memref<100001x64xf32, #tpu.memory_space<hbm>> -> memref<100001x64xf32, #tpu.memory_space<hbm>>
      tpu.enqueue_indirect_dma source(%dma_start3A_498 : memref<100001x64xf32, #tpu.memory_space<hbm>>) target(%dma_start3A_492 : memref<64x64xf32, #tpu.memory_space<vmem>>) offsets(%dma_start3A_495 : memref<64xi32, #tpu.memory_space<vmem>>) semaphore(%arg14 : memref<!tpu.dma_semaphore, #tpu.memory_space<semaphore_mem>>)
      %dma_wait3A_499 = arith.constant 0 : i32
      %dma_wait3A_500 = arith.constant 18 : i32
      %dma_wait3A_501 = arith.constant 8 : i32
      %dma_wait3A_502 = arith.constant 0 : i32
      %dma_wait3A_503 = arith.constant 0 : i32
      %dma_wait3A_504 = tpu.memref_slice %arg11[%dma_wait3A_501, %dma_wait3A_502, %dma_wait3A_503] : memref<10x64x64xf32, #tpu.memory_space<vmem>> -> memref<1x64x64xf32, #tpu.memory_space<vmem>>
      %dma_wait3A_505 = tpu.memref_squeeze %dma_wait3A_504 : memref<1x64x64xf32, #tpu.memory_space<vmem>> -> memref<64x64xf32, #tpu.memory_space<vmem>>
      %dma_wait3A_506 = arith.constant 0 : i32
      %dma_wait3A_507 = tpu.memref_slice %arg9[%dma_wait3A_499, %dma_wait3A_500, %dma_wait3A_506] : memref<2x20x64xi32, #tpu.memory_space<vmem>> -> memref<1x1x64xi32, #tpu.memory_space<vmem>>
      %dma_wait3A_508 = tpu.memref_squeeze %dma_wait3A_507 : memref<1x1x64xi32, #tpu.memory_space<vmem>> -> memref<64xi32, #tpu.memory_space<vmem>>
      %dma_wait3A_509 = arith.constant 0 : i32
      %dma_wait3A_510 = arith.constant 0 : i32
      %dma_wait3A_511 = tpu.memref_slice %arg5[%dma_wait3A_509, %dma_wait3A_510] : memref<100001x64xf32, #tpu.memory_space<hbm>> -> memref<100001x64xf32, #tpu.memory_space<hbm>>
      tpu.wait_indirect_dma semaphore(%arg14 : memref<!tpu.dma_semaphore, #tpu.memory_space<semaphore_mem>>) src(%dma_wait3A_511 : memref<100001x64xf32, #tpu.memory_space<hbm>>) dst(%dma_wait3A_505 : memref<64x64xf32, #tpu.memory_space<vmem>>)
      %dma_start3A_512 = arith.constant 0 : i32
      %dma_start3A_513 = arith.constant 19 : i32
      %dma_start3A_514 = arith.constant 9 : i32
      %dma_start3A_515 = arith.constant 0 : i32
      %dma_start3A_516 = arith.constant 0 : i32
      %dma_start3A_517 = tpu.memref_slice %arg11[%dma_start3A_514, %dma_start3A_515, %dma_start3A_516] : memref<10x64x64xf32, #tpu.memory_space<vmem>> -> memref<1x64x64xf32, #tpu.memory_space<vmem>>
      %dma_start3A_518 = tpu.memref_squeeze %dma_start3A_517 : memref<1x64x64xf32, #tpu.memory_space<vmem>> -> memref<64x64xf32, #tpu.memory_space<vmem>>
      %dma_start3A_519 = arith.constant 0 : i32
      %dma_start3A_520 = tpu.memref_slice %arg9[%dma_start3A_512, %dma_start3A_513, %dma_start3A_519] : memref<2x20x64xi32, #tpu.memory_space<vmem>> -> memref<1x1x64xi32, #tpu.memory_space<vmem>>
      %dma_start3A_521 = tpu.memref_squeeze %dma_start3A_520 : memref<1x1x64xi32, #tpu.memory_space<vmem>> -> memref<64xi32, #tpu.memory_space<vmem>>
      %dma_start3A_522 = arith.constant 0 : i32
      %dma_start3A_523 = arith.constant 0 : i32
      %dma_start3A_524 = tpu.memref_slice %arg5[%dma_start3A_522, %dma_start3A_523] : memref<100001x64xf32, #tpu.memory_space<hbm>> -> memref<100001x64xf32, #tpu.memory_space<hbm>>
      tpu.enqueue_indirect_dma source(%dma_start3A_524 : memref<100001x64xf32, #tpu.memory_space<hbm>>) target(%dma_start3A_518 : memref<64x64xf32, #tpu.memory_space<vmem>>) offsets(%dma_start3A_521 : memref<64xi32, #tpu.memory_space<vmem>>) semaphore(%arg14 : memref<!tpu.dma_semaphore, #tpu.memory_space<semaphore_mem>>)
      %dma_wait3A_525 = arith.constant 0 : i32
      %dma_wait3A_526 = arith.constant 19 : i32
      %dma_wait3A_527 = arith.constant 9 : i32
      %dma_wait3A_528 = arith.constant 0 : i32
      %dma_wait3A_529 = arith.constant 0 : i32
      %dma_wait3A_530 = tpu.memref_slice %arg11[%dma_wait3A_527, %dma_wait3A_528, %dma_wait3A_529] : memref<10x64x64xf32, #tpu.memory_space<vmem>> -> memref<1x64x64xf32, #tpu.memory_space<vmem>>
      %dma_wait3A_531 = tpu.memref_squeeze %dma_wait3A_530 : memref<1x64x64xf32, #tpu.memory_space<vmem>> -> memref<64x64xf32, #tpu.memory_space<vmem>>
      %dma_wait3A_532 = arith.constant 0 : i32
      %dma_wait3A_533 = tpu.memref_slice %arg9[%dma_wait3A_525, %dma_wait3A_526, %dma_wait3A_532] : memref<2x20x64xi32, #tpu.memory_space<vmem>> -> memref<1x1x64xi32, #tpu.memory_space<vmem>>
      %dma_wait3A_534 = tpu.memref_squeeze %dma_wait3A_533 : memref<1x1x64xi32, #tpu.memory_space<vmem>> -> memref<64xi32, #tpu.memory_space<vmem>>
      %dma_wait3A_535 = arith.constant 0 : i32
      %dma_wait3A_536 = arith.constant 0 : i32
      %dma_wait3A_537 = tpu.memref_slice %arg5[%dma_wait3A_535, %dma_wait3A_536] : memref<100001x64xf32, #tpu.memory_space<hbm>> -> memref<100001x64xf32, #tpu.memory_space<hbm>>
      tpu.wait_indirect_dma semaphore(%arg14 : memref<!tpu.dma_semaphore, #tpu.memory_space<semaphore_mem>>) src(%dma_wait3A_537 : memref<100001x64xf32, #tpu.memory_space<hbm>>) dst(%dma_wait3A_531 : memref<64x64xf32, #tpu.memory_space<vmem>>)
      %scan3A_538 = arith.constant 0 : i32
      %scan3A_539 = arith.constant 64 : i32
      %scan3A_540 = arith.addi %scan3A_538, %scan3A_539 : i32
      %scan3A_541 = arith.constant 1 : i32
      scf.for %scan3A_545 = %scan3A_538 to %scan3A_540 step %scan3A_541  : i32 {
        %mul3A_546 = arith.constant 1 : i32
        %mul3A_547 = arith.muli %scan3A_545, %mul3A_546 : i32
        %add3A_548 = arith.constant 0 : i32
        %add3A_549 = arith.addi %add3A_548, %mul3A_547 : i32
        %get3A = arith.constant 0 : i32
        %get3A_550 = arith.index_cast %get3A : i32 to index
        %get3A_551 = arith.index_cast %add3A_549 : i32 to index
        %get3A_552 = arith.constant 0 : index
        %get3A_553 = tpu.vector_load %arg11[%get3A_550, %get3A_551, %get3A_552] {strides = array<i32>} : memref<10x64x64xf32, #tpu.memory_space<vmem>>, vector<1x1x16xf32>,
        %get3A_554 = vector.shape_cast %get3A_553 : vector<1x1x16xf32> to vector<16xf32>
        %get3A_555 = arith.constant 1 : i32
        %get3A_556 = arith.index_cast %get3A_555 : i32 to index
        %get3A_557 = arith.index_cast %add3A_549 : i32 to index
        %get3A_558 = arith.constant 0 : index
        %get3A_559 = tpu.vector_load %arg11[%get3A_556, %get3A_557, %get3A_558] {strides = array<i32>} : memref<10x64x64xf32, #tpu.memory_space<vmem>>, vector<1x1x16xf32>,
        %get3A_560 = vector.shape_cast %get3A_559 : vector<1x1x16xf32> to vector<16xf32>
        %add3A_561 = arith.addf %get3A_554, %get3A_560 : vector<16xf32>
        %get3A_562 = arith.constant 2 : i32
        %get3A_563 = arith.index_cast %get3A_562 : i32 to index
        %get3A_564 = arith.index_cast %add3A_549 : i32 to index
        %get3A_565 = arith.constant 0 : index
        %get3A_566 = tpu.vector_load %arg11[%get3A_563, %get3A_564, %get3A_565] {strides = array<i32>} : memref<10x64x64xf32, #tpu.memory_space<vmem>>, vector<1x1x16xf32>,
        %get3A_567 = vector.shape_cast %get3A_566 : vector<1x1x16xf32> to vector<16xf32>
        %add3A_568 = arith.addf %add3A_561, %get3A_567 : vector<16xf32>
        %get3A_569 = arith.constant 3 : i32
        %get3A_570 = arith.index_cast %get3A_569 : i32 to index
        %get3A_571 = arith.index_cast %add3A_549 : i32 to index
        %get3A_572 = arith.constant 0 : index
        %get3A_573 = tpu.vector_load %arg11[%get3A_570, %get3A_571, %get3A_572] {strides = array<i32>} : memref<10x64x64xf32, #tpu.memory_space<vmem>>, vector<1x1x16xf32>,
        %get3A_574 = vector.shape_cast %get3A_573 : vector<1x1x16xf32> to vector<16xf32>
        %add3A_575 = arith.addf %add3A_568, %get3A_574 : vector<16xf32>
        %get3A_576 = arith.constant 4 : i32
        %get3A_577 = arith.index_cast %get3A_576 : i32 to index
        %get3A_578 = arith.index_cast %add3A_549 : i32 to index
        %get3A_579 = arith.constant 0 : index
        %get3A_580 = tpu.vector_load %arg11[%get3A_577, %get3A_578, %get3A_579] {strides = array<i32>} : memref<10x64x64xf32, #tpu.memory_space<vmem>>, vector<1x1x16xf32>,
        %get3A_581 = vector.shape_cast %get3A_580 : vector<1x1x16xf32> to vector<16xf32>
        %add3A_582 = arith.addf %add3A_575, %get3A_581 : vector<16xf32>
        %get3A_583 = arith.constant 5 : i32
        %get3A_584 = arith.index_cast %get3A_583 : i32 to index
        %get3A_585 = arith.index_cast %add3A_549 : i32 to index
        %get3A_586 = arith.constant 0 : index
        %get3A_587 = tpu.vector_load %arg11[%get3A_584, %get3A_585, %get3A_586] {strides = array<i32>} : memref<10x64x64xf32, #tpu.memory_space<vmem>>, vector<1x1x16xf32>,
        %get3A_588 = vector.shape_cast %get3A_587 : vector<1x1x16xf32> to vector<16xf32>
        %add3A_589 = arith.addf %add3A_582, %get3A_588 : vector<16xf32>
        %get3A_590 = arith.constant 6 : i32
        %get3A_591 = arith.index_cast %get3A_590 : i32 to index
        %get3A_592 = arith.index_cast %add3A_549 : i32 to index
        %get3A_593 = arith.constant 0 : index
        %get3A_594 = tpu.vector_load %arg11[%get3A_591, %get3A_592, %get3A_593] {strides = array<i32>} : memref<10x64x64xf32, #tpu.memory_space<vmem>>, vector<1x1x16xf32>,
        %get3A_595 = vector.shape_cast %get3A_594 : vector<1x1x16xf32> to vector<16xf32>
        %add3A_596 = arith.addf %add3A_589, %get3A_595 : vector<16xf32>
        %get3A_597 = arith.constant 7 : i32
        %get3A_598 = arith.index_cast %get3A_597 : i32 to index
        %get3A_599 = arith.index_cast %add3A_549 : i32 to index
        %get3A_600 = arith.constant 0 : index
        %get3A_601 = tpu.vector_load %arg11[%get3A_598, %get3A_599, %get3A_600] {strides = array<i32>} : memref<10x64x64xf32, #tpu.memory_space<vmem>>, vector<1x1x16xf32>,
        %get3A_602 = vector.shape_cast %get3A_601 : vector<1x1x16xf32> to vector<16xf32>
        %add3A_603 = arith.addf %add3A_596, %get3A_602 : vector<16xf32>
        %get3A_604 = arith.constant 8 : i32
        %get3A_605 = arith.index_cast %get3A_604 : i32 to index
        %get3A_606 = arith.index_cast %add3A_549 : i32 to index
        %get3A_607 = arith.constant 0 : index
        %get3A_608 = tpu.vector_load %arg11[%get3A_605, %get3A_606, %get3A_607] {strides = array<i32>} : memref<10x64x64xf32, #tpu.memory_space<vmem>>, vector<1x1x16xf32>,
        %get3A_609 = vector.shape_cast %get3A_608 : vector<1x1x16xf32> to vector<16xf32>
        %add3A_610 = arith.addf %add3A_603, %get3A_609 : vector<16xf32>
        %get3A_611 = arith.constant 9 : i32
        %get3A_612 = arith.index_cast %get3A_611 : i32 to index
        %get3A_613 = arith.index_cast %add3A_549 : i32 to index
        %get3A_614 = arith.constant 0 : index
        %get3A_615 = tpu.vector_load %arg11[%get3A_612, %get3A_613, %get3A_614] {strides = array<i32>} : memref<10x64x64xf32, #tpu.memory_space<vmem>>, vector<1x1x16xf32>,
        %get3A_616 = vector.shape_cast %get3A_615 : vector<1x1x16xf32> to vector<16xf32>
        %add3A_617 = arith.addf %add3A_610, %get3A_616 : vector<16xf32>
        %get3A_618 = arith.index_cast %add3A_549 : i32 to index
        %get3A_619 = arith.constant 0 : index
        %get3A_620 = tpu.vector_load %arg12[%get3A_618, %get3A_619] {strides = array<i32>} : memref<64x64xf32, #tpu.memory_space<vmem>>, vector<1x16xf32>,
        %get3A_621 = vector.shape_cast %get3A_620 : vector<1x16xf32> to vector<16xf32>
        %add3A_622 = arith.addf %add3A_617, %get3A_621 : vector<16xf32>
        %swap3A = arith.index_cast %add3A_549 : i32 to index
        %swap3A_623 = arith.constant 0 : index
        %swap3A_624 = tpu.vector_load %arg12[%swap3A, %swap3A_623] {strides = array<i32>} : memref<64x64xf32, #tpu.memory_space<vmem>>, vector<1x16xf32>,
        %swap3A_625 = vector.shape_cast %swap3A_624 : vector<1x16xf32> to vector<16xf32>
        %swap3A_626 = vector.shape_cast %add3A_622 : vector<16xf32> to vector<1x16xf32>
        tpu.vector_store %arg12[%swap3A, %swap3A_623], %swap3A_626 {strides = array<i32>} : memref<64x64xf32, #tpu.memory_space<vmem>>, vector<1x16xf32>,
        %get3A_627 = arith.constant 0 : i32
        %get3A_628 = arith.index_cast %get3A_627 : i32 to index
        %get3A_629 = arith.index_cast %add3A_549 : i32 to index
        %get3A_630 = arith.constant 16 : index
        %get3A_631 = tpu.vector_load %arg11[%get3A_628, %get3A_629, %get3A_630] {strides = array<i32>} : memref<10x64x64xf32, #tpu.memory_space<vmem>>, vector<1x1x16xf32>,
        %get3A_632 = vector.shape_cast %get3A_631 : vector<1x1x16xf32> to vector<16xf32>
        %get3A_633 = arith.constant 1 : i32
        %get3A_634 = arith.index_cast %get3A_633 : i32 to index
        %get3A_635 = arith.index_cast %add3A_549 : i32 to index
        %get3A_636 = arith.constant 16 : index
        %get3A_637 = tpu.vector_load %arg11[%get3A_634, %get3A_635, %get3A_636] {strides = array<i32>} : memref<10x64x64xf32, #tpu.memory_space<vmem>>, vector<1x1x16xf32>,
        %get3A_638 = vector.shape_cast %get3A_637 : vector<1x1x16xf32> to vector<16xf32>
        %add3A_639 = arith.addf %get3A_632, %get3A_638 : vector<16xf32>
        %get3A_640 = arith.constant 2 : i32
        %get3A_641 = arith.index_cast %get3A_640 : i32 to index
        %get3A_642 = arith.index_cast %add3A_549 : i32 to index
        %get3A_643 = arith.constant 16 : index
        %get3A_644 = tpu.vector_load %arg11[%get3A_641, %get3A_642, %get3A_643] {strides = array<i32>} : memref<10x64x64xf32, #tpu.memory_space<vmem>>, vector<1x1x16xf32>,
        %get3A_645 = vector.shape_cast %get3A_644 : vector<1x1x16xf32> to vector<16xf32>
        %add3A_646 = arith.addf %add3A_639, %get3A_645 : vector<16xf32>
        %get3A_647 = arith.constant 3 : i32
        %get3A_648 = arith.index_cast %get3A_647 : i32 to index
        %get3A_649 = arith.index_cast %add3A_549 : i32 to index
        %get3A_650 = arith.constant 16 : index
        %get3A_651 = tpu.vector_load %arg11[%get3A_648, %get3A_649, %get3A_650] {strides = array<i32>} : memref<10x64x64xf32, #tpu.memory_space<vmem>>, vector<1x1x16xf32>,
        %get3A_652 = vector.shape_cast %get3A_651 : vector<1x1x16xf32> to vector<16xf32>
        %add3A_653 = arith.addf %add3A_646, %get3A_652 : vector<16xf32>
        %get3A_654 = arith.constant 4 : i32
        %get3A_655 = arith.index_cast %get3A_654 : i32 to index
        %get3A_656 = arith.index_cast %add3A_549 : i32 to index
        %get3A_657 = arith.constant 16 : index
        %get3A_658 = tpu.vector_load %arg11[%get3A_655, %get3A_656, %get3A_657] {strides = array<i32>} : memref<10x64x64xf32, #tpu.memory_space<vmem>>, vector<1x1x16xf32>,
        %get3A_659 = vector.shape_cast %get3A_658 : vector<1x1x16xf32> to vector<16xf32>
        %add3A_660 = arith.addf %add3A_653, %get3A_659 : vector<16xf32>
        %get3A_661 = arith.constant 5 : i32
        %get3A_662 = arith.index_cast %get3A_661 : i32 to index
        %get3A_663 = arith.index_cast %add3A_549 : i32 to index
        %get3A_664 = arith.constant 16 : index
        %get3A_665 = tpu.vector_load %arg11[%get3A_662, %get3A_663, %get3A_664] {strides = array<i32>} : memref<10x64x64xf32, #tpu.memory_space<vmem>>, vector<1x1x16xf32>,
        %get3A_666 = vector.shape_cast %get3A_665 : vector<1x1x16xf32> to vector<16xf32>
        %add3A_667 = arith.addf %add3A_660, %get3A_666 : vector<16xf32>
        %get3A_668 = arith.constant 6 : i32
        %get3A_669 = arith.index_cast %get3A_668 : i32 to index
        %get3A_670 = arith.index_cast %add3A_549 : i32 to index
        %get3A_671 = arith.constant 16 : index
        %get3A_672 = tpu.vector_load %arg11[%get3A_669, %get3A_670, %get3A_671] {strides = array<i32>} : memref<10x64x64xf32, #tpu.memory_space<vmem>>, vector<1x1x16xf32>,
        %get3A_673 = vector.shape_cast %get3A_672 : vector<1x1x16xf32> to vector<16xf32>
        %add3A_674 = arith.addf %add3A_667, %get3A_673 : vector<16xf32>
        %get3A_675 = arith.constant 7 : i32
        %get3A_676 = arith.index_cast %get3A_675 : i32 to index
        %get3A_677 = arith.index_cast %add3A_549 : i32 to index
        %get3A_678 = arith.constant 16 : index
        %get3A_679 = tpu.vector_load %arg11[%get3A_676, %get3A_677, %get3A_678] {strides = array<i32>} : memref<10x64x64xf32, #tpu.memory_space<vmem>>, vector<1x1x16xf32>,
        %get3A_680 = vector.shape_cast %get3A_679 : vector<1x1x16xf32> to vector<16xf32>
        %add3A_681 = arith.addf %add3A_674, %get3A_680 : vector<16xf32>
        %get3A_682 = arith.constant 8 : i32
        %get3A_683 = arith.index_cast %get3A_682 : i32 to index
        %get3A_684 = arith.index_cast %add3A_549 : i32 to index
        %get3A_685 = arith.constant 16 : index
        %get3A_686 = tpu.vector_load %arg11[%get3A_683, %get3A_684, %get3A_685] {strides = array<i32>} : memref<10x64x64xf32, #tpu.memory_space<vmem>>, vector<1x1x16xf32>,
        %get3A_687 = vector.shape_cast %get3A_686 : vector<1x1x16xf32> to vector<16xf32>
        %add3A_688 = arith.addf %add3A_681, %get3A_687 : vector<16xf32>
        %get3A_689 = arith.constant 9 : i32
        %get3A_690 = arith.index_cast %get3A_689 : i32 to index
        %get3A_691 = arith.index_cast %add3A_549 : i32 to index
        %get3A_692 = arith.constant 16 : index
        %get3A_693 = tpu.vector_load %arg11[%get3A_690, %get3A_691, %get3A_692] {strides = array<i32>} : memref<10x64x64xf32, #tpu.memory_space<vmem>>, vector<1x1x16xf32>,
        %get3A_694 = vector.shape_cast %get3A_693 : vector<1x1x16xf32> to vector<16xf32>
        %add3A_695 = arith.addf %add3A_688, %get3A_694 : vector<16xf32>
        %get3A_696 = arith.index_cast %add3A_549 : i32 to index
        %get3A_697 = arith.constant 16 : index
        %get3A_698 = tpu.vector_load %arg12[%get3A_696, %get3A_697] {strides = array<i32>} : memref<64x64xf32, #tpu.memory_space<vmem>>, vector<1x16xf32>,
        %get3A_699 = vector.shape_cast %get3A_698 : vector<1x16xf32> to vector<16xf32>
        %add3A_700 = arith.addf %add3A_695, %get3A_699 : vector<16xf32>
        %swap3A_701 = arith.index_cast %add3A_549 : i32 to index
        %swap3A_702 = arith.constant 16 : index
        %swap3A_703 = tpu.vector_load %arg12[%swap3A_701, %swap3A_702] {strides = array<i32>} : memref<64x64xf32, #tpu.memory_space<vmem>>, vector<1x16xf32>,
        %swap3A_704 = vector.shape_cast %swap3A_703 : vector<1x16xf32> to vector<16xf32>
        %swap3A_705 = vector.shape_cast %add3A_700 : vector<16xf32> to vector<1x16xf32>
        tpu.vector_store %arg12[%swap3A_701, %swap3A_702], %swap3A_705 {strides = array<i32>} : memref<64x64xf32, #tpu.memory_space<vmem>>, vector<1x16xf32>,
        %get3A_706 = arith.constant 0 : i32
        %get3A_707 = arith.index_cast %get3A_706 : i32 to index
        %get3A_708 = arith.index_cast %add3A_549 : i32 to index
        %get3A_709 = arith.constant 32 : index
        %get3A_710 = tpu.vector_load %arg11[%get3A_707, %get3A_708, %get3A_709] {strides = array<i32>} : memref<10x64x64xf32, #tpu.memory_space<vmem>>, vector<1x1x16xf32>,
        %get3A_711 = vector.shape_cast %get3A_710 : vector<1x1x16xf32> to vector<16xf32>
        %get3A_712 = arith.constant 1 : i32
        %get3A_713 = arith.index_cast %get3A_712 : i32 to index
        %get3A_714 = arith.index_cast %add3A_549 : i32 to index
        %get3A_715 = arith.constant 32 : index
        %get3A_716 = tpu.vector_load %arg11[%get3A_713, %get3A_714, %get3A_715] {strides = array<i32>} : memref<10x64x64xf32, #tpu.memory_space<vmem>>, vector<1x1x16xf32>,
        %get3A_717 = vector.shape_cast %get3A_716 : vector<1x1x16xf32> to vector<16xf32>
        %add3A_718 = arith.addf %get3A_711, %get3A_717 : vector<16xf32>
        %get3A_719 = arith.constant 2 : i32
        %get3A_720 = arith.index_cast %get3A_719 : i32 to index
        %get3A_721 = arith.index_cast %add3A_549 : i32 to index
        %get3A_722 = arith.constant 32 : index
        %get3A_723 = tpu.vector_load %arg11[%get3A_720, %get3A_721, %get3A_722] {strides = array<i32>} : memref<10x64x64xf32, #tpu.memory_space<vmem>>, vector<1x1x16xf32>,
        %get3A_724 = vector.shape_cast %get3A_723 : vector<1x1x16xf32> to vector<16xf32>
        %add3A_725 = arith.addf %add3A_718, %get3A_724 : vector<16xf32>
        %get3A_726 = arith.constant 3 : i32
        %get3A_727 = arith.index_cast %get3A_726 : i32 to index
        %get3A_728 = arith.index_cast %add3A_549 : i32 to index
        %get3A_729 = arith.constant 32 : index
        %get3A_730 = tpu.vector_load %arg11[%get3A_727, %get3A_728, %get3A_729] {strides = array<i32>} : memref<10x64x64xf32, #tpu.memory_space<vmem>>, vector<1x1x16xf32>,
        %get3A_731 = vector.shape_cast %get3A_730 : vector<1x1x16xf32> to vector<16xf32>
        %add3A_732 = arith.addf %add3A_725, %get3A_731 : vector<16xf32>
        %get3A_733 = arith.constant 4 : i32
        %get3A_734 = arith.index_cast %get3A_733 : i32 to index
        %get3A_735 = arith.index_cast %add3A_549 : i32 to index
        %get3A_736 = arith.constant 32 : index
        %get3A_737 = tpu.vector_load %arg11[%get3A_734, %get3A_735, %get3A_736] {strides = array<i32>} : memref<10x64x64xf32, #tpu.memory_space<vmem>>, vector<1x1x16xf32>,
        %get3A_738 = vector.shape_cast %get3A_737 : vector<1x1x16xf32> to vector<16xf32>
        %add3A_739 = arith.addf %add3A_732, %get3A_738 : vector<16xf32>
        %get3A_740 = arith.constant 5 : i32
        %get3A_741 = arith.index_cast %get3A_740 : i32 to index
        %get3A_742 = arith.index_cast %add3A_549 : i32 to index
        %get3A_743 = arith.constant 32 : index
        %get3A_744 = tpu.vector_load %arg11[%get3A_741, %get3A_742, %get3A_743] {strides = array<i32>} : memref<10x64x64xf32, #tpu.memory_space<vmem>>, vector<1x1x16xf32>,
        %get3A_745 = vector.shape_cast %get3A_744 : vector<1x1x16xf32> to vector<16xf32>
        %add3A_746 = arith.addf %add3A_739, %get3A_745 : vector<16xf32>
        %get3A_747 = arith.constant 6 : i32
        %get3A_748 = arith.index_cast %get3A_747 : i32 to index
        %get3A_749 = arith.index_cast %add3A_549 : i32 to index
        %get3A_750 = arith.constant 32 : index
        %get3A_751 = tpu.vector_load %arg11[%get3A_748, %get3A_749, %get3A_750] {strides = array<i32>} : memref<10x64x64xf32, #tpu.memory_space<vmem>>, vector<1x1x16xf32>,
        %get3A_752 = vector.shape_cast %get3A_751 : vector<1x1x16xf32> to vector<16xf32>
        %add3A_753 = arith.addf %add3A_746, %get3A_752 : vector<16xf32>
        %get3A_754 = arith.constant 7 : i32
        %get3A_755 = arith.index_cast %get3A_754 : i32 to index
        %get3A_756 = arith.index_cast %add3A_549 : i32 to index
        %get3A_757 = arith.constant 32 : index
        %get3A_758 = tpu.vector_load %arg11[%get3A_755, %get3A_756, %get3A_757] {strides = array<i32>} : memref<10x64x64xf32, #tpu.memory_space<vmem>>, vector<1x1x16xf32>,
        %get3A_759 = vector.shape_cast %get3A_758 : vector<1x1x16xf32> to vector<16xf32>
        %add3A_760 = arith.addf %add3A_753, %get3A_759 : vector<16xf32>
        %get3A_761 = arith.constant 8 : i32
        %get3A_762 = arith.index_cast %get3A_761 : i32 to index
        %get3A_763 = arith.index_cast %add3A_549 : i32 to index
        %get3A_764 = arith.constant 32 : index
        %get3A_765 = tpu.vector_load %arg11[%get3A_762, %get3A_763, %get3A_764] {strides = array<i32>} : memref<10x64x64xf32, #tpu.memory_space<vmem>>, vector<1x1x16xf32>,
        %get3A_766 = vector.shape_cast %get3A_765 : vector<1x1x16xf32> to vector<16xf32>
        %add3A_767 = arith.addf %add3A_760, %get3A_766 : vector<16xf32>
        %get3A_768 = arith.constant 9 : i32
        %get3A_769 = arith.index_cast %get3A_768 : i32 to index
        %get3A_770 = arith.index_cast %add3A_549 : i32 to index
        %get3A_771 = arith.constant 32 : index
        %get3A_772 = tpu.vector_load %arg11[%get3A_769, %get3A_770, %get3A_771] {strides = array<i32>} : memref<10x64x64xf32, #tpu.memory_space<vmem>>, vector<1x1x16xf32>,
        %get3A_773 = vector.shape_cast %get3A_772 : vector<1x1x16xf32> to vector<16xf32>
        %add3A_774 = arith.addf %add3A_767, %get3A_773 : vector<16xf32>
        %get3A_775 = arith.index_cast %add3A_549 : i32 to index
        %get3A_776 = arith.constant 32 : index
        %get3A_777 = tpu.vector_load %arg12[%get3A_775, %get3A_776] {strides = array<i32>} : memref<64x64xf32, #tpu.memory_space<vmem>>, vector<1x16xf32>,
        %get3A_778 = vector.shape_cast %get3A_777 : vector<1x16xf32> to vector<16xf32>
        %add3A_779 = arith.addf %add3A_774, %get3A_778 : vector<16xf32>
        %swap3A_780 = arith.index_cast %add3A_549 : i32 to index
        %swap3A_781 = arith.constant 32 : index
        %swap3A_782 = tpu.vector_load %arg12[%swap3A_780, %swap3A_781] {strides = array<i32>} : memref<64x64xf32, #tpu.memory_space<vmem>>, vector<1x16xf32>,
        %swap3A_783 = vector.shape_cast %swap3A_782 : vector<1x16xf32> to vector<16xf32>
        %swap3A_784 = vector.shape_cast %add3A_779 : vector<16xf32> to vector<1x16xf32>
        tpu.vector_store %arg12[%swap3A_780, %swap3A_781], %swap3A_784 {strides = array<i32>} : memref<64x64xf32, #tpu.memory_space<vmem>>, vector<1x16xf32>,
        %get3A_785 = arith.constant 0 : i32
        %get3A_786 = arith.index_cast %get3A_785 : i32 to index
        %get3A_787 = arith.index_cast %add3A_549 : i32 to index
        %get3A_788 = arith.constant 48 : index
        %get3A_789 = tpu.vector_load %arg11[%get3A_786, %get3A_787, %get3A_788] {strides = array<i32>} : memref<10x64x64xf32, #tpu.memory_space<vmem>>, vector<1x1x16xf32>,
        %get3A_790 = vector.shape_cast %get3A_789 : vector<1x1x16xf32> to vector<16xf32>
        %get3A_791 = arith.constant 1 : i32
        %get3A_792 = arith.index_cast %get3A_791 : i32 to index
        %get3A_793 = arith.index_cast %add3A_549 : i32 to index
        %get3A_794 = arith.constant 48 : index
        %get3A_795 = tpu.vector_load %arg11[%get3A_792, %get3A_793, %get3A_794] {strides = array<i32>} : memref<10x64x64xf32, #tpu.memory_space<vmem>>, vector<1x1x16xf32>,
        %get3A_796 = vector.shape_cast %get3A_795 : vector<1x1x16xf32> to vector<16xf32>
        %add3A_797 = arith.addf %get3A_790, %get3A_796 : vector<16xf32>
        %get3A_798 = arith.constant 2 : i32
        %get3A_799 = arith.index_cast %get3A_798 : i32 to index
        %get3A_800 = arith.index_cast %add3A_549 : i32 to index
        %get3A_801 = arith.constant 48 : index
        %get3A_802 = tpu.vector_load %arg11[%get3A_799, %get3A_800, %get3A_801] {strides = array<i32>} : memref<10x64x64xf32, #tpu.memory_space<vmem>>, vector<1x1x16xf32>,
        %get3A_803 = vector.shape_cast %get3A_802 : vector<1x1x16xf32> to vector<16xf32>
        %add3A_804 = arith.addf %add3A_797, %get3A_803 : vector<16xf32>
        %get3A_805 = arith.constant 3 : i32
        %get3A_806 = arith.index_cast %get3A_805 : i32 to index
        %get3A_807 = arith.index_cast %add3A_549 : i32 to index
        %get3A_808 = arith.constant 48 : index
        %get3A_809 = tpu.vector_load %arg11[%get3A_806, %get3A_807, %get3A_808] {strides = array<i32>} : memref<10x64x64xf32, #tpu.memory_space<vmem>>, vector<1x1x16xf32>,
        %get3A_810 = vector.shape_cast %get3A_809 : vector<1x1x16xf32> to vector<16xf32>
        %add3A_811 = arith.addf %add3A_804, %get3A_810 : vector<16xf32>
        %get3A_812 = arith.constant 4 : i32
        %get3A_813 = arith.index_cast %get3A_812 : i32 to index
        %get3A_814 = arith.index_cast %add3A_549 : i32 to index
        %get3A_815 = arith.constant 48 : index
        %get3A_816 = tpu.vector_load %arg11[%get3A_813, %get3A_814, %get3A_815] {strides = array<i32>} : memref<10x64x64xf32, #tpu.memory_space<vmem>>, vector<1x1x16xf32>,
        %get3A_817 = vector.shape_cast %get3A_816 : vector<1x1x16xf32> to vector<16xf32>
        %add3A_818 = arith.addf %add3A_811, %get3A_817 : vector<16xf32>
        %get3A_819 = arith.constant 5 : i32
        %get3A_820 = arith.index_cast %get3A_819 : i32 to index
        %get3A_821 = arith.index_cast %add3A_549 : i32 to index
        %get3A_822 = arith.constant 48 : index
        %get3A_823 = tpu.vector_load %arg11[%get3A_820, %get3A_821, %get3A_822] {strides = array<i32>} : memref<10x64x64xf32, #tpu.memory_space<vmem>>, vector<1x1x16xf32>,
        %get3A_824 = vector.shape_cast %get3A_823 : vector<1x1x16xf32> to vector<16xf32>
        %add3A_825 = arith.addf %add3A_818, %get3A_824 : vector<16xf32>
        %get3A_826 = arith.constant 6 : i32
        %get3A_827 = arith.index_cast %get3A_826 : i32 to index
        %get3A_828 = arith.index_cast %add3A_549 : i32 to index
        %get3A_829 = arith.constant 48 : index
        %get3A_830 = tpu.vector_load %arg11[%get3A_827, %get3A_828, %get3A_829] {strides = array<i32>} : memref<10x64x64xf32, #tpu.memory_space<vmem>>, vector<1x1x16xf32>,
        %get3A_831 = vector.shape_cast %get3A_830 : vector<1x1x16xf32> to vector<16xf32>
        %add3A_832 = arith.addf %add3A_825, %get3A_831 : vector<16xf32>
        %get3A_833 = arith.constant 7 : i32
        %get3A_834 = arith.index_cast %get3A_833 : i32 to index
        %get3A_835 = arith.index_cast %add3A_549 : i32 to index
        %get3A_836 = arith.constant 48 : index
        %get3A_837 = tpu.vector_load %arg11[%get3A_834, %get3A_835, %get3A_836] {strides = array<i32>} : memref<10x64x64xf32, #tpu.memory_space<vmem>>, vector<1x1x16xf32>,
        %get3A_838 = vector.shape_cast %get3A_837 : vector<1x1x16xf32> to vector<16xf32>
        %add3A_839 = arith.addf %add3A_832, %get3A_838 : vector<16xf32>
        %get3A_840 = arith.constant 8 : i32
        %get3A_841 = arith.index_cast %get3A_840 : i32 to index
        %get3A_842 = arith.index_cast %add3A_549 : i32 to index
        %get3A_843 = arith.constant 48 : index
        %get3A_844 = tpu.vector_load %arg11[%get3A_841, %get3A_842, %get3A_843] {strides = array<i32>} : memref<10x64x64xf32, #tpu.memory_space<vmem>>, vector<1x1x16xf32>,
        %get3A_845 = vector.shape_cast %get3A_844 : vector<1x1x16xf32> to vector<16xf32>
        %add3A_846 = arith.addf %add3A_839, %get3A_845 : vector<16xf32>
        %get3A_847 = arith.constant 9 : i32
        %get3A_848 = arith.index_cast %get3A_847 : i32 to index
        %get3A_849 = arith.index_cast %add3A_549 : i32 to index
        %get3A_850 = arith.constant 48 : index
        %get3A_851 = tpu.vector_load %arg11[%get3A_848, %get3A_849, %get3A_850] {strides = array<i32>} : memref<10x64x64xf32, #tpu.memory_space<vmem>>, vector<1x1x16xf32>,
        %get3A_852 = vector.shape_cast %get3A_851 : vector<1x1x16xf32> to vector<16xf32>
        %add3A_853 = arith.addf %add3A_846, %get3A_852 : vector<16xf32>
        %get3A_854 = arith.index_cast %add3A_549 : i32 to index
        %get3A_855 = arith.constant 48 : index
        %get3A_856 = tpu.vector_load %arg12[%get3A_854, %get3A_855] {strides = array<i32>} : memref<64x64xf32, #tpu.memory_space<vmem>>, vector<1x16xf32>,
        %get3A_857 = vector.shape_cast %get3A_856 : vector<1x16xf32> to vector<16xf32>
        %add3A_858 = arith.addf %add3A_853, %get3A_857 : vector<16xf32>
        %swap3A_859 = arith.index_cast %add3A_549 : i32 to index
        %swap3A_860 = arith.constant 48 : index
        %swap3A_861 = tpu.vector_load %arg12[%swap3A_859, %swap3A_860] {strides = array<i32>} : memref<64x64xf32, #tpu.memory_space<vmem>>, vector<1x16xf32>,
        %swap3A_862 = vector.shape_cast %swap3A_861 : vector<1x16xf32> to vector<16xf32>
        %swap3A_863 = vector.shape_cast %add3A_858 : vector<16xf32> to vector<1x16xf32>
        tpu.vector_store %arg12[%swap3A_859, %swap3A_860], %swap3A_863 {strides = array<i32>} : memref<64x64xf32, #tpu.memory_space<vmem>>, vector<1x16xf32>,
      }
      %scan3A_542 = arith.constant 64 : i32
      %mul3A_543 = arith.constant 64 : i32
      %mul3A_544 = arith.muli %add3A, %mul3A_543 : i32
      "tpu.region"() ({
        %run_scoped3A_545 = tpu.sem_alloc : memref<!tpu.dma_semaphore, #tpu.memory_space<semaphore_mem>>
        %dma_start3A_546 = arith.constant 0 : i32
        %dma_start3A_547 = tpu.memref_slice %arg8[%mul3A_544, %dma_start3A_546] : memref<512x64xf32, #tpu.memory_space<hbm>> -> memref<64x64xf32, #tpu.memory_space<hbm>>
        %dma_start3A_548 = arith.constant 0 : i32
        %dma_start3A_549 = tpu.memref_slice %arg8[%mul3A_544, %dma_start3A_548] : memref<512x64xf32, #tpu.memory_space<hbm>> -> memref<64x64xf32, #tpu.memory_space<hbm>>
        tpu.enqueue_dma source(%arg12 : memref<64x64xf32, #tpu.memory_space<vmem>>) target(%dma_start3A_549 : memref<64x64xf32, #tpu.memory_space<hbm>>) target_semaphore(%run_scoped3A_545 : memref<!tpu.dma_semaphore, #tpu.memory_space<semaphore_mem>>)
        %dma_wait3A_550 = arith.constant 0 : i32
        %dma_wait3A_551 = tpu.memref_slice %arg8[%mul3A_544, %dma_wait3A_550] : memref<512x64xf32, #tpu.memory_space<hbm>> -> memref<64x64xf32, #tpu.memory_space<hbm>>
        %dma_wait3A_552 = arith.constant 0 : i32
        %dma_wait3A_553 = tpu.memref_slice %arg8[%mul3A_544, %dma_wait3A_552] : memref<512x64xf32, #tpu.memory_space<hbm>> -> memref<64x64xf32, #tpu.memory_space<hbm>>
        tpu.wait_dma2 semaphore(%run_scoped3A_545 : memref<!tpu.dma_semaphore, #tpu.memory_space<semaphore_mem>>) src(%arg12 : memref<64x64xf32, #tpu.memory_space<vmem>>) dst(%dma_wait3A_553 : memref<64x64xf32, #tpu.memory_space<hbm>>)
        tpu.yield
      }) : () -> ()
    } else {
    }
    %mul3A_3 = arith.constant 64 : i32
    %mul3A_4 = arith.muli %add3A, %mul3A_3 : i32
    %sub3A = arith.constant 2044 : i32
    %sub3A_5 = arith.subi %sub3A, %mul3A_4 : i32
    %min3A = arith.constant 64 : i32
    %min3A_6 = arith.minsi %sub3A_5, %min3A : i32
    %gt3A = arith.constant 0 : i32
    %gt3A_7 = arith.cmpi sgt, %min3A_6, %gt3A : i32
    %convert_element_type3A_8 = arith.extui %gt3A_7 : i1 to i32
    %cond3A_9 = arith.constant 0 : i32
    %cond3A_10 = arith.cmpi ne, %convert_element_type3A_8, %cond3A_9 : i32
    scf.if %cond3A_10 {
      %run_scoped3A = arith.constant 0 : i32
      "tpu.region"() ({
        %run_scoped3A_144 = tpu.sem_alloc : memref<!tpu.dma_semaphore, #tpu.memory_space<semaphore_mem>>
        %dma_start3A_145 = arith.constant 0 : i32
        %dma_start3A_146 = arith.constant 0 : i32
        %dma_start3A_147 = tpu.memref_slice %arg9[%run_scoped3A, %dma_start3A_145, %dma_start3A_146] : memref<2x20x64xi32, #tpu.memory_space<vmem>> -> memref<1x20x64xi32, #tpu.memory_space<vmem>>
        %dma_start3A_148 = tpu.memref_squeeze %dma_start3A_147 : memref<1x20x64xi32, #tpu.memory_space<vmem>> -> memref<20x64xi32, #tpu.memory_space<vmem>>
        %dma_start3A_149 = arith.constant 0 : i32
        %dma_start3A_150 = arith.constant 0 : i32
        %dma_start3A_151 = tpu.memref_slice %arg3[%mul3A_4, %dma_start3A_149, %dma_start3A_150] : memref<2044x20x64xi32, #tpu.memory_space<hbm>> -> memref<1x20x64xi32, #tpu.memory_space<hbm>>
        %dma_start3A_152 = tpu.memref_squeeze %dma_start3A_151 : memref<1x20x64xi32, #tpu.memory_space<hbm>> -> memref<20x64xi32, #tpu.memory_space<hbm>>
        %dma_start3A_153 = arith.constant 0 : i32
        %dma_start3A_154 = arith.constant 0 : i32
        %dma_start3A_155 = tpu.memref_slice %arg9[%run_scoped3A, %dma_start3A_153, %dma_start3A_154] : memref<2x20x64xi32, #tpu.memory_space<vmem>> -> memref<1x20x64xi32, #tpu.memory_space<vmem>>
        %dma_start3A_156 = tpu.memref_squeeze %dma_start3A_155 : memref<1x20x64xi32, #tpu.memory_space<vmem>> -> memref<20x64xi32, #tpu.memory_space<vmem>>
        %dma_start3A_157 = arith.constant 0 : i32
        %dma_start3A_158 = arith.constant 0 : i32
        %dma_start3A_159 = tpu.memref_slice %arg3[%mul3A_4, %dma_start3A_157, %dma_start3A_158] : memref<2044x20x64xi32, #tpu.memory_space<hbm>> -> memref<1x20x64xi32, #tpu.memory_space<hbm>>
        %dma_start3A_160 = tpu.memref_squeeze %dma_start3A_159 : memref<1x20x64xi32, #tpu.memory_space<hbm>> -> memref<20x64xi32, #tpu.memory_space<hbm>>
        tpu.enqueue_dma source(%dma_start3A_160 : memref<20x64xi32, #tpu.memory_space<hbm>>) target(%dma_start3A_156 : memref<20x64xi32, #tpu.memory_space<vmem>>) target_semaphore(%run_scoped3A_144 : memref<!tpu.dma_semaphore, #tpu.memory_space<semaphore_mem>>)
        %dma_wait3A = arith.constant 0 : i32
        %dma_wait3A_161 = arith.constant 0 : i32
        %dma_wait3A_162 = tpu.memref_slice %arg9[%run_scoped3A, %dma_wait3A, %dma_wait3A_161] : memref<2x20x64xi32, #tpu.memory_space<vmem>> -> memref<1x20x64xi32, #tpu.memory_space<vmem>>
        %dma_wait3A_163 = tpu.memref_squeeze %dma_wait3A_162 : memref<1x20x64xi32, #tpu.memory_space<vmem>> -> memref<20x64xi32, #tpu.memory_space<vmem>>
        %dma_wait3A_164 = arith.constant 0 : i32
        %dma_wait3A_165 = arith.constant 0 : i32
        %dma_wait3A_166 = tpu.memref_slice %arg3[%mul3A_4, %dma_wait3A_164, %dma_wait3A_165] : memref<2044x20x64xi32, #tpu.memory_space<hbm>> -> memref<1x20x64xi32, #tpu.memory_space<hbm>>
        %dma_wait3A_167 = tpu.memref_squeeze %dma_wait3A_166 : memref<1x20x64xi32, #tpu.memory_space<hbm>> -> memref<20x64xi32, #tpu.memory_space<hbm>>
        %dma_wait3A_168 = arith.constant 0 : i32
        %dma_wait3A_169 = arith.constant 0 : i32
        %dma_wait3A_170 = tpu.memref_slice %arg9[%run_scoped3A, %dma_wait3A_168, %dma_wait3A_169] : memref<2x20x64xi32, #tpu.memory_space<vmem>> -> memref<1x20x64xi32, #tpu.memory_space<vmem>>
        %dma_wait3A_171 = tpu.memref_squeeze %dma_wait3A_170 : memref<1x20x64xi32, #tpu.memory_space<vmem>> -> memref<20x64xi32, #tpu.memory_space<vmem>>
        %dma_wait3A_172 = arith.constant 0 : i32
        %dma_wait3A_173 = arith.constant 0 : i32
        %dma_wait3A_174 = tpu.memref_slice %arg3[%mul3A_4, %dma_wait3A_172, %dma_wait3A_173] : memref<2044x20x64xi32, #tpu.memory_space<hbm>> -> memref<1x20x64xi32, #tpu.memory_space<hbm>>
        %dma_wait3A_175 = tpu.memref_squeeze %dma_wait3A_174 : memref<1x20x64xi32, #tpu.memory_space<hbm>> -> memref<20x64xi32, #tpu.memory_space<hbm>>
        tpu.wait_dma2 semaphore(%run_scoped3A_144 : memref<!tpu.dma_semaphore, #tpu.memory_space<semaphore_mem>>) src(%dma_wait3A_175 : memref<20x64xi32, #tpu.memory_space<hbm>>) dst(%dma_wait3A_171 : memref<20x64xi32, #tpu.memory_space<vmem>>)
        tpu.yield
      }) : () -> ()
      %dma_start3A = arith.constant 0 : i32
      %dma_start3A_15 = arith.constant 0 : i32
      %dma_start3A_16 = arith.constant 0 : i32
      %dma_start3A_17 = arith.constant 0 : i32
      %dma_start3A_18 = arith.constant 0 : i32
      %dma_start3A_19 = tpu.memref_slice %arg10[%dma_start3A_16, %dma_start3A_17, %dma_start3A_18] : memref<10x64x64xf32, #tpu.memory_space<vmem>> -> memref<1x64x64xf32, #tpu.memory_space<vmem>>
      %dma_start3A_20 = tpu.memref_squeeze %dma_start3A_19 : memref<1x64x64xf32, #tpu.memory_space<vmem>> -> memref<64x64xf32, #tpu.memory_space<vmem>>
      %dma_start3A_21 = arith.constant 0 : i32
      %dma_start3A_22 = tpu.memref_slice %arg9[%dma_start3A, %dma_start3A_15, %dma_start3A_21] : memref<2x20x64xi32, #tpu.memory_space<vmem>> -> memref<1x1x64xi32, #tpu.memory_space<vmem>>
      %dma_start3A_23 = tpu.memref_squeeze %dma_start3A_22 : memref<1x1x64xi32, #tpu.memory_space<vmem>> -> memref<64xi32, #tpu.memory_space<vmem>>
      %dma_start3A_24 = arith.constant 0 : i32
      %dma_start3A_25 = arith.constant 0 : i32
      %dma_start3A_26 = tpu.memref_slice %arg2[%dma_start3A_24, %dma_start3A_25] : memref<100001x64xf32, #tpu.memory_space<hbm>> -> memref<100001x64xf32, #tpu.memory_space<hbm>>
      tpu.enqueue_indirect_dma source(%dma_start3A_26 : memref<100001x64xf32, #tpu.memory_space<hbm>>) target(%dma_start3A_20 : memref<64x64xf32, #tpu.memory_space<vmem>>) offsets(%dma_start3A_23 : memref<64xi32, #tpu.memory_space<vmem>>) semaphore(%arg14 : memref<!tpu.dma_semaphore, #tpu.memory_space<semaphore_mem>>)
      %dma_start3A_27 = arith.constant 0 : i32
      %dma_start3A_28 = arith.constant 1 : i32
      %dma_start3A_29 = arith.constant 1 : i32
      %dma_start3A_30 = arith.constant 0 : i32
      %dma_start3A_31 = arith.constant 0 : i32
      %dma_start3A_32 = tpu.memref_slice %arg10[%dma_start3A_29, %dma_start3A_30, %dma_start3A_31] : memref<10x64x64xf32, #tpu.memory_space<vmem>> -> memref<1x64x64xf32, #tpu.memory_space<vmem>>
      %dma_start3A_33 = tpu.memref_squeeze %dma_start3A_32 : memref<1x64x64xf32, #tpu.memory_space<vmem>> -> memref<64x64xf32, #tpu.memory_space<vmem>>
      %dma_start3A_34 = arith.constant 0 : i32
      %dma_start3A_35 = tpu.memref_slice %arg9[%dma_start3A_27, %dma_start3A_28, %dma_start3A_34] : memref<2x20x64xi32, #tpu.memory_space<vmem>> -> memref<1x1x64xi32, #tpu.memory_space<vmem>>
      %dma_start3A_36 = tpu.memref_squeeze %dma_start3A_35 : memref<1x1x64xi32, #tpu.memory_space<vmem>> -> memref<64xi32, #tpu.memory_space<vmem>>
      %dma_start3A_37 = arith.constant 0 : i32
      %dma_start3A_38 = arith.constant 0 : i32
      %dma_start3A_39 = tpu.memref_slice %arg2[%dma_start3A_37, %dma_start3A_38] : memref<100001x64xf32, #tpu.memory_space<hbm>> -> memref<100001x64xf32, #tpu.memory_space<hbm>>
      tpu.enqueue_indirect_dma source(%dma_start3A_39 : memref<100001x64xf32, #tpu.memory_space<hbm>>) target(%dma_start3A_33 : memref<64x64xf32, #tpu.memory_space<vmem>>) offsets(%dma_start3A_36 : memref<64xi32, #tpu.memory_space<vmem>>) semaphore(%arg14 : memref<!tpu.dma_semaphore, #tpu.memory_space<semaphore_mem>>)
      %dma_start3A_40 = arith.constant 0 : i32
      %dma_start3A_41 = arith.constant 2 : i32
      %dma_start3A_42 = arith.constant 2 : i32
      %dma_start3A_43 = arith.constant 0 : i32
      %dma_start3A_44 = arith.constant 0 : i32
      %dma_start3A_45 = tpu.memref_slice %arg10[%dma_start3A_42, %dma_start3A_43, %dma_start3A_44] : memref<10x64x64xf32, #tpu.memory_space<vmem>> -> memref<1x64x64xf32, #tpu.memory_space<vmem>>
      %dma_start3A_46 = tpu.memref_squeeze %dma_start3A_45 : memref<1x64x64xf32, #tpu.memory_space<vmem>> -> memref<64x64xf32, #tpu.memory_space<vmem>>
      %dma_start3A_47 = arith.constant 0 : i32
      %dma_start3A_48 = tpu.memref_slice %arg9[%dma_start3A_40, %dma_start3A_41, %dma_start3A_47] : memref<2x20x64xi32, #tpu.memory_space<vmem>> -> memref<1x1x64xi32, #tpu.memory_space<vmem>>
      %dma_start3A_49 = tpu.memref_squeeze %dma_start3A_48 : memref<1x1x64xi32, #tpu.memory_space<vmem>> -> memref<64xi32, #tpu.memory_space<vmem>>
      %dma_start3A_50 = arith.constant 0 : i32
      %dma_start3A_51 = arith.constant 0 : i32
      %dma_start3A_52 = tpu.memref_slice %arg2[%dma_start3A_50, %dma_start3A_51] : memref<100001x64xf32, #tpu.memory_space<hbm>> -> memref<100001x64xf32, #tpu.memory_space<hbm>>
      tpu.enqueue_indirect_dma source(%dma_start3A_52 : memref<100001x64xf32, #tpu.memory_space<hbm>>) target(%dma_start3A_46 : memref<64x64xf32, #tpu.memory_space<vmem>>) offsets(%dma_start3A_49 : memref<64xi32, #tpu.memory_space<vmem>>) semaphore(%arg14 : memref<!tpu.dma_semaphore, #tpu.memory_space<semaphore_mem>>)
      %dma_start3A_53 = arith.constant 0 : i32
      %dma_start3A_54 = arith.constant 3 : i32
      %dma_start3A_55 = arith.constant 3 : i32
      %dma_start3A_56 = arith.constant 0 : i32
      %dma_start3A_57 = arith.constant 0 : i32
      %dma_start3A_58 = tpu.memref_slice %arg10[%dma_start3A_55, %dma_start3A_56, %dma_start3A_57] : memref<10x64x64xf32, #tpu.memory_space<vmem>> -> memref<1x64x64xf32, #tpu.memory_space<vmem>>
      %dma_start3A_59 = tpu.memref_squeeze %dma_start3A_58 : memref<1x64x64xf32, #tpu.memory_space<vmem>> -> memref<64x64xf32, #tpu.memory_space<vmem>>
      %dma_start3A_60 = arith.constant 0 : i32
      %dma_start3A_61 = tpu.memref_slice %arg9[%dma_start3A_53, %dma_start3A_54, %dma_start3A_60] : memref<2x20x64xi32, #tpu.memory_space<vmem>> -> memref<1x1x64xi32, #tpu.memory_space<vmem>>
      %dma_start3A_62 = tpu.memref_squeeze %dma_start3A_61 : memref<1x1x64xi32, #tpu.memory_space<vmem>> -> memref<64xi32, #tpu.memory_space<vmem>>
      %dma_start3A_63 = arith.constant 0 : i32
      %dma_start3A_64 = arith.constant 0 : i32
      %dma_start3A_65 = tpu.memref_slice %arg2[%dma_start3A_63, %dma_start3A_64] : memref<100001x64xf32, #tpu.memory_space<hbm>> -> memref<100001x64xf32, #tpu.memory_space<hbm>>
      tpu.enqueue_indirect_dma source(%dma_start3A_65 : memref<100001x64xf32, #tpu.memory_space<hbm>>) target(%dma_start3A_59 : memref<64x64xf32, #tpu.memory_space<vmem>>) offsets(%dma_start3A_62 : memref<64xi32, #tpu.memory_space<vmem>>) semaphore(%arg14 : memref<!tpu.dma_semaphore, #tpu.memory_space<semaphore_mem>>)
      %dma_start3A_66 = arith.constant 0 : i32
      %dma_start3A_67 = arith.constant 4 : i32
      %dma_start3A_68 = arith.constant 4 : i32
      %dma_start3A_69 = arith.constant 0 : i32
      %dma_start3A_70 = arith.constant 0 : i32
      %dma_start3A_71 = tpu.memref_slice %arg10[%dma_start3A_68, %dma_start3A_69, %dma_start3A_70] : memref<10x64x64xf32, #tpu.memory_space<vmem>> -> memref<1x64x64xf32, #tpu.memory_space<vmem>>
      %dma_start3A_72 = tpu.memref_squeeze %dma_start3A_71 : memref<1x64x64xf32, #tpu.memory_space<vmem>> -> memref<64x64xf32, #tpu.memory_space<vmem>>
      %dma_start3A_73 = arith.constant 0 : i32
      %dma_start3A_74 = tpu.memref_slice %arg9[%dma_start3A_66, %dma_start3A_67, %dma_start3A_73] : memref<2x20x64xi32, #tpu.memory_space<vmem>> -> memref<1x1x64xi32, #tpu.memory_space<vmem>>
      %dma_start3A_75 = tpu.memref_squeeze %dma_start3A_74 : memref<1x1x64xi32, #tpu.memory_space<vmem>> -> memref<64xi32, #tpu.memory_space<vmem>>
      %dma_start3A_76 = arith.constant 0 : i32
      %dma_start3A_77 = arith.constant 0 : i32
      %dma_start3A_78 = tpu.memref_slice %arg2[%dma_start3A_76, %dma_start3A_77] : memref<100001x64xf32, #tpu.memory_space<hbm>> -> memref<100001x64xf32, #tpu.memory_space<hbm>>
      tpu.enqueue_indirect_dma source(%dma_start3A_78 : memref<100001x64xf32, #tpu.memory_space<hbm>>) target(%dma_start3A_72 : memref<64x64xf32, #tpu.memory_space<vmem>>) offsets(%dma_start3A_75 : memref<64xi32, #tpu.memory_space<vmem>>) semaphore(%arg14 : memref<!tpu.dma_semaphore, #tpu.memory_space<semaphore_mem>>)
      %dma_start3A_79 = arith.constant 0 : i32
      %dma_start3A_80 = arith.constant 5 : i32
      %dma_start3A_81 = arith.constant 5 : i32
      %dma_start3A_82 = arith.constant 0 : i32
      %dma_start3A_83 = arith.constant 0 : i32
      %dma_start3A_84 = tpu.memref_slice %arg10[%dma_start3A_81, %dma_start3A_82, %dma_start3A_83] : memref<10x64x64xf32, #tpu.memory_space<vmem>> -> memref<1x64x64xf32, #tpu.memory_space<vmem>>
      %dma_start3A_85 = tpu.memref_squeeze %dma_start3A_84 : memref<1x64x64xf32, #tpu.memory_space<vmem>> -> memref<64x64xf32, #tpu.memory_space<vmem>>
      %dma_start3A_86 = arith.constant 0 : i32
      %dma_start3A_87 = tpu.memref_slice %arg9[%dma_start3A_79, %dma_start3A_80, %dma_start3A_86] : memref<2x20x64xi32, #tpu.memory_space<vmem>> -> memref<1x1x64xi32, #tpu.memory_space<vmem>>
      %dma_start3A_88 = tpu.memref_squeeze %dma_start3A_87 : memref<1x1x64xi32, #tpu.memory_space<vmem>> -> memref<64xi32, #tpu.memory_space<vmem>>
      %dma_start3A_89 = arith.constant 0 : i32
      %dma_start3A_90 = arith.constant 0 : i32
      %dma_start3A_91 = tpu.memref_slice %arg2[%dma_start3A_89, %dma_start3A_90] : memref<100001x64xf32, #tpu.memory_space<hbm>> -> memref<100001x64xf32, #tpu.memory_space<hbm>>
      tpu.enqueue_indirect_dma source(%dma_start3A_91 : memref<100001x64xf32, #tpu.memory_space<hbm>>) target(%dma_start3A_85 : memref<64x64xf32, #tpu.memory_space<vmem>>) offsets(%dma_start3A_88 : memref<64xi32, #tpu.memory_space<vmem>>) semaphore(%arg14 : memref<!tpu.dma_semaphore, #tpu.memory_space<semaphore_mem>>)
      %dma_start3A_92 = arith.constant 0 : i32
      %dma_start3A_93 = arith.constant 6 : i32
      %dma_start3A_94 = arith.constant 6 : i32
      %dma_start3A_95 = arith.constant 0 : i32
      %dma_start3A_96 = arith.constant 0 : i32
      %dma_start3A_97 = tpu.memref_slice %arg10[%dma_start3A_94, %dma_start3A_95, %dma_start3A_96] : memref<10x64x64xf32, #tpu.memory_space<vmem>> -> memref<1x64x64xf32, #tpu.memory_space<vmem>>
      %dma_start3A_98 = tpu.memref_squeeze %dma_start3A_97 : memref<1x64x64xf32, #tpu.memory_space<vmem>> -> memref<64x64xf32, #tpu.memory_space<vmem>>
      %dma_start3A_99 = arith.constant 0 : i32
      %dma_start3A_100 = tpu.memref_slice %arg9[%dma_start3A_92, %dma_start3A_93, %dma_start3A_99] : memref<2x20x64xi32, #tpu.memory_space<vmem>> -> memref<1x1x64xi32, #tpu.memory_space<vmem>>
      %dma_start3A_101 = tpu.memref_squeeze %dma_start3A_100 : memref<1x1x64xi32, #tpu.memory_space<vmem>> -> memref<64xi32, #tpu.memory_space<vmem>>
      %dma_start3A_102 = arith.constant 0 : i32
      %dma_start3A_103 = arith.constant 0 : i32
      %dma_start3A_104 = tpu.memref_slice %arg2[%dma_start3A_102, %dma_start3A_103] : memref<100001x64xf32, #tpu.memory_space<hbm>> -> memref<100001x64xf32, #tpu.memory_space<hbm>>
      tpu.enqueue_indirect_dma source(%dma_start3A_104 : memref<100001x64xf32, #tpu.memory_space<hbm>>) target(%dma_start3A_98 : memref<64x64xf32, #tpu.memory_space<vmem>>) offsets(%dma_start3A_101 : memref<64xi32, #tpu.memory_space<vmem>>) semaphore(%arg14 : memref<!tpu.dma_semaphore, #tpu.memory_space<semaphore_mem>>)
      %dma_start3A_105 = arith.constant 0 : i32
      %dma_start3A_106 = arith.constant 7 : i32
      %dma_start3A_107 = arith.constant 7 : i32
      %dma_start3A_108 = arith.constant 0 : i32
      %dma_start3A_109 = arith.constant 0 : i32
      %dma_start3A_110 = tpu.memref_slice %arg10[%dma_start3A_107, %dma_start3A_108, %dma_start3A_109] : memref<10x64x64xf32, #tpu.memory_space<vmem>> -> memref<1x64x64xf32, #tpu.memory_space<vmem>>
      %dma_start3A_111 = tpu.memref_squeeze %dma_start3A_110 : memref<1x64x64xf32, #tpu.memory_space<vmem>> -> memref<64x64xf32, #tpu.memory_space<vmem>>
      %dma_start3A_112 = arith.constant 0 : i32
      %dma_start3A_113 = tpu.memref_slice %arg9[%dma_start3A_105, %dma_start3A_106, %dma_start3A_112] : memref<2x20x64xi32, #tpu.memory_space<vmem>> -> memref<1x1x64xi32, #tpu.memory_space<vmem>>
      %dma_start3A_114 = tpu.memref_squeeze %dma_start3A_113 : memref<1x1x64xi32, #tpu.memory_space<vmem>> -> memref<64xi32, #tpu.memory_space<vmem>>
      %dma_start3A_115 = arith.constant 0 : i32
      %dma_start3A_116 = arith.constant 0 : i32
      %dma_start3A_117 = tpu.memref_slice %arg2[%dma_start3A_115, %dma_start3A_116] : memref<100001x64xf32, #tpu.memory_space<hbm>> -> memref<100001x64xf32, #tpu.memory_space<hbm>>
      tpu.enqueue_indirect_dma source(%dma_start3A_117 : memref<100001x64xf32, #tpu.memory_space<hbm>>) target(%dma_start3A_111 : memref<64x64xf32, #tpu.memory_space<vmem>>) offsets(%dma_start3A_114 : memref<64xi32, #tpu.memory_space<vmem>>) semaphore(%arg14 : memref<!tpu.dma_semaphore, #tpu.memory_space<semaphore_mem>>)
      %dma_start3A_118 = arith.constant 0 : i32
      %dma_start3A_119 = arith.constant 8 : i32
      %dma_start3A_120 = arith.constant 8 : i32
      %dma_start3A_121 = arith.constant 0 : i32
      %dma_start3A_122 = arith.constant 0 : i32
      %dma_start3A_123 = tpu.memref_slice %arg10[%dma_start3A_120, %dma_start3A_121, %dma_start3A_122] : memref<10x64x64xf32, #tpu.memory_space<vmem>> -> memref<1x64x64xf32, #tpu.memory_space<vmem>>
      %dma_start3A_124 = tpu.memref_squeeze %dma_start3A_123 : memref<1x64x64xf32, #tpu.memory_space<vmem>> -> memref<64x64xf32, #tpu.memory_space<vmem>>
      %dma_start3A_125 = arith.constant 0 : i32
      %dma_start3A_126 = tpu.memref_slice %arg9[%dma_start3A_118, %dma_start3A_119, %dma_start3A_125] : memref<2x20x64xi32, #tpu.memory_space<vmem>> -> memref<1x1x64xi32, #tpu.memory_space<vmem>>
      %dma_start3A_127 = tpu.memref_squeeze %dma_start3A_126 : memref<1x1x64xi32, #tpu.memory_space<vmem>> -> memref<64xi32, #tpu.memory_space<vmem>>
      %dma_start3A_128 = arith.constant 0 : i32
      %dma_start3A_129 = arith.constant 0 : i32
      %dma_start3A_130 = tpu.memref_slice %arg2[%dma_start3A_128, %dma_start3A_129] : memref<100001x64xf32, #tpu.memory_space<hbm>> -> memref<100001x64xf32, #tpu.memory_space<hbm>>
      tpu.enqueue_indirect_dma source(%dma_start3A_130 : memref<100001x64xf32, #tpu.memory_space<hbm>>) target(%dma_start3A_124 : memref<64x64xf32, #tpu.memory_space<vmem>>) offsets(%dma_start3A_127 : memref<64xi32, #tpu.memory_space<vmem>>) semaphore(%arg14 : memref<!tpu.dma_semaphore, #tpu.memory_space<semaphore_mem>>)
      %dma_start3A_131 = arith.constant 0 : i32
      %dma_start3A_132 = arith.constant 9 : i32
      %dma_start3A_133 = arith.constant 9 : i32
      %dma_start3A_134 = arith.constant 0 : i32
      %dma_start3A_135 = arith.constant 0 : i32
      %dma_start3A_136 = tpu.memref_slice %arg10[%dma_start3A_133, %dma_start3A_134, %dma_start3A_135] : memref<10x64x64xf32, #tpu.memory_space<vmem>> -> memref<1x64x64xf32, #tpu.memory_space<vmem>>
      %dma_start3A_137 = tpu.memref_squeeze %dma_start3A_136 : memref<1x64x64xf32, #tpu.memory_space<vmem>> -> memref<64x64xf32, #tpu.memory_space<vmem>>
      %dma_start3A_138 = arith.constant 0 : i32
      %dma_start3A_139 = tpu.memref_slice %arg9[%dma_start3A_131, %dma_start3A_132, %dma_start3A_138] : memref<2x20x64xi32, #tpu.memory_space<vmem>> -> memref<1x1x64xi32, #tpu.memory_space<vmem>>
      %dma_start3A_140 = tpu.memref_squeeze %dma_start3A_139 : memref<1x1x64xi32, #tpu.memory_space<vmem>> -> memref<64xi32, #tpu.memory_space<vmem>>
      %dma_start3A_141 = arith.constant 0 : i32
      %dma_start3A_142 = arith.constant 0 : i32
      %dma_start3A_143 = tpu.memref_slice %arg2[%dma_start3A_141, %dma_start3A_142] : memref<100001x64xf32, #tpu.memory_space<hbm>> -> memref<100001x64xf32, #tpu.memory_space<hbm>>
      tpu.enqueue_indirect_dma source(%dma_start3A_143 : memref<100001x64xf32, #tpu.memory_space<hbm>>) target(%dma_start3A_137 : memref<64x64xf32, #tpu.memory_space<vmem>>) offsets(%dma_start3A_140 : memref<64xi32, #tpu.memory_space<vmem>>) semaphore(%arg14 : memref<!tpu.dma_semaphore, #tpu.memory_space<semaphore_mem>>)
    } else {
    }
    %scan3A = arith.constant 0 : i32
    %scan3A_11 = arith.constant 64 : i32
    %scan3A_12 = arith.addi %scan3A, %scan3A_11 : i32
    %scan3A_13 = arith.constant 1 : i32
    scf.for %scan3A_15 = %scan3A to %scan3A_12 step %scan3A_13  : i32 {
      %mul3A_16 = arith.constant 1 : i32
      %mul3A_17 = arith.muli %scan3A_15, %mul3A_16 : i32
      %add3A_18 = arith.constant 0 : i32
      %add3A_19 = arith.addi %add3A_18, %mul3A_17 : i32
      %lt3A_20 = arith.cmpi slt, %add3A_19, %min3A_6 : i32
      %convert_element_type3A_21 = arith.extui %lt3A_20 : i1 to i32
      %cond3A_22 = arith.constant 0 : i32
      %cond3A_23 = arith.cmpi ne, %convert_element_type3A_21, %cond3A_22 : i32
      scf.if %cond3A_23 {
        %add3A_24 = arith.addi %mul3A_4, %add3A_19 : i32
        %rem3A = arith.constant 2 : i32
        %rem3A_25 = arith.remsi %add3A_19, %rem3A : i32
        %dma_wait3A = arith.constant 0 : i32
        %dma_wait3A_26 = arith.constant 0 : i32
        %dma_wait3A_27 = arith.constant 0 : i32
        %dma_wait3A_28 = tpu.memref_slice %arg10[%dma_wait3A, %dma_wait3A_26, %dma_wait3A_27] : memref<10x64x64xf32, #tpu.memory_space<vmem>> -> memref<1x64x64xf32, #tpu.memory_space<vmem>>
        %dma_wait3A_29 = tpu.memref_squeeze %dma_wait3A_28 : memref<1x64x64xf32, #tpu.memory_space<vmem>> -> memref<64x64xf32, #tpu.memory_space<vmem>>
        %dma_wait3A_30 = arith.constant 0 : i32
        %dma_wait3A_31 = arith.constant 0 : i32
        %dma_wait3A_32 = tpu.memref_slice %arg2[%dma_wait3A_30, %dma_wait3A_31] : memref<100001x64xf32, #tpu.memory_space<hbm>> -> memref<64x64xf32, #tpu.memory_space<hbm>>
        %dma_wait3A_33 = arith.constant 0 : i32
        %dma_wait3A_34 = arith.constant 0 : i32
        %dma_wait3A_35 = tpu.memref_slice %arg10[%dma_wait3A, %dma_wait3A_33, %dma_wait3A_34] : memref<10x64x64xf32, #tpu.memory_space<vmem>> -> memref<1x64x64xf32, #tpu.memory_space<vmem>>
        %dma_wait3A_36 = tpu.memref_squeeze %dma_wait3A_35 : memref<1x64x64xf32, #tpu.memory_space<vmem>> -> memref<64x64xf32, #tpu.memory_space<vmem>>
        %dma_wait3A_37 = arith.constant 0 : i32
        %dma_wait3A_38 = arith.constant 0 : i32
        %dma_wait3A_39 = tpu.memref_slice %arg2[%dma_wait3A_37, %dma_wait3A_38] : memref<100001x64xf32, #tpu.memory_space<hbm>> -> memref<64x64xf32, #tpu.memory_space<hbm>>
        tpu.wait_dma2 semaphore(%arg14 : memref<!tpu.dma_semaphore, #tpu.memory_space<semaphore_mem>>) src(%dma_wait3A_39 : memref<64x64xf32, #tpu.memory_space<hbm>>) dst(%dma_wait3A_36 : memref<64x64xf32, #tpu.memory_space<vmem>>)
        %dma_wait3A_40 = arith.constant 1 : i32
        %dma_wait3A_41 = arith.constant 0 : i32
        %dma_wait3A_42 = arith.constant 0 : i32
        %dma_wait3A_43 = tpu.memref_slice %arg10[%dma_wait3A_40, %dma_wait3A_41, %dma_wait3A_42] : memref<10x64x64xf32, #tpu.memory_space<vmem>> -> memref<1x64x64xf32, #tpu.memory_space<vmem>>
        %dma_wait3A_44 = tpu.memref_squeeze %dma_wait3A_43 : memref<1x64x64xf32, #tpu.memory_space<vmem>> -> memref<64x64xf32, #tpu.memory_space<vmem>>
        %dma_wait3A_45 = arith.constant 0 : i32
        %dma_wait3A_46 = arith.constant 0 : i32
        %dma_wait3A_47 = tpu.memref_slice %arg2[%dma_wait3A_45, %dma_wait3A_46] : memref<100001x64xf32, #tpu.memory_space<hbm>> -> memref<64x64xf32, #tpu.memory_space<hbm>>
        %dma_wait3A_48 = arith.constant 0 : i32
        %dma_wait3A_49 = arith.constant 0 : i32
        %dma_wait3A_50 = tpu.memref_slice %arg10[%dma_wait3A_40, %dma_wait3A_48, %dma_wait3A_49] : memref<10x64x64xf32, #tpu.memory_space<vmem>> -> memref<1x64x64xf32, #tpu.memory_space<vmem>>
        %dma_wait3A_51 = tpu.memref_squeeze %dma_wait3A_50 : memref<1x64x64xf32, #tpu.memory_space<vmem>> -> memref<64x64xf32, #tpu.memory_space<vmem>>
        %dma_wait3A_52 = arith.constant 0 : i32
        %dma_wait3A_53 = arith.constant 0 : i32
        %dma_wait3A_54 = tpu.memref_slice %arg2[%dma_wait3A_52, %dma_wait3A_53] : memref<100001x64xf32, #tpu.memory_space<hbm>> -> memref<64x64xf32, #tpu.memory_space<hbm>>
        tpu.wait_dma2 semaphore(%arg14 : memref<!tpu.dma_semaphore, #tpu.memory_space<semaphore_mem>>) src(%dma_wait3A_54 : memref<64x64xf32, #tpu.memory_space<hbm>>) dst(%dma_wait3A_51 : memref<64x64xf32, #tpu.memory_space<vmem>>)
        %dma_wait3A_55 = arith.constant 2 : i32
        %dma_wait3A_56 = arith.constant 0 : i32
        %dma_wait3A_57 = arith.constant 0 : i32
        %dma_wait3A_58 = tpu.memref_slice %arg10[%dma_wait3A_55, %dma_wait3A_56, %dma_wait3A_57] : memref<10x64x64xf32, #tpu.memory_space<vmem>> -> memref<1x64x64xf32, #tpu.memory_space<vmem>>
        %dma_wait3A_59 = tpu.memref_squeeze %dma_wait3A_58 : memref<1x64x64xf32, #tpu.memory_space<vmem>> -> memref<64x64xf32, #tpu.memory_space<vmem>>
        %dma_wait3A_60 = arith.constant 0 : i32
        %dma_wait3A_61 = arith.constant 0 : i32
        %dma_wait3A_62 = tpu.memref_slice %arg2[%dma_wait3A_60, %dma_wait3A_61] : memref<100001x64xf32, #tpu.memory_space<hbm>> -> memref<64x64xf32, #tpu.memory_space<hbm>>
        %dma_wait3A_63 = arith.constant 0 : i32
        %dma_wait3A_64 = arith.constant 0 : i32
        %dma_wait3A_65 = tpu.memref_slice %arg10[%dma_wait3A_55, %dma_wait3A_63, %dma_wait3A_64] : memref<10x64x64xf32, #tpu.memory_space<vmem>> -> memref<1x64x64xf32, #tpu.memory_space<vmem>>
        %dma_wait3A_66 = tpu.memref_squeeze %dma_wait3A_65 : memref<1x64x64xf32, #tpu.memory_space<vmem>> -> memref<64x64xf32, #tpu.memory_space<vmem>>
        %dma_wait3A_67 = arith.constant 0 : i32
        %dma_wait3A_68 = arith.constant 0 : i32
        %dma_wait3A_69 = tpu.memref_slice %arg2[%dma_wait3A_67, %dma_wait3A_68] : memref<100001x64xf32, #tpu.memory_space<hbm>> -> memref<64x64xf32, #tpu.memory_space<hbm>>
        tpu.wait_dma2 semaphore(%arg14 : memref<!tpu.dma_semaphore, #tpu.memory_space<semaphore_mem>>) src(%dma_wait3A_69 : memref<64x64xf32, #tpu.memory_space<hbm>>) dst(%dma_wait3A_66 : memref<64x64xf32, #tpu.memory_space<vmem>>)
        %dma_wait3A_70 = arith.constant 3 : i32
        %dma_wait3A_71 = arith.constant 0 : i32
        %dma_wait3A_72 = arith.constant 0 : i32
        %dma_wait3A_73 = tpu.memref_slice %arg10[%dma_wait3A_70, %dma_wait3A_71, %dma_wait3A_72] : memref<10x64x64xf32, #tpu.memory_space<vmem>> -> memref<1x64x64xf32, #tpu.memory_space<vmem>>
        %dma_wait3A_74 = tpu.memref_squeeze %dma_wait3A_73 : memref<1x64x64xf32, #tpu.memory_space<vmem>> -> memref<64x64xf32, #tpu.memory_space<vmem>>
        %dma_wait3A_75 = arith.constant 0 : i32
        %dma_wait3A_76 = arith.constant 0 : i32
        %dma_wait3A_77 = tpu.memref_slice %arg2[%dma_wait3A_75, %dma_wait3A_76] : memref<100001x64xf32, #tpu.memory_space<hbm>> -> memref<64x64xf32, #tpu.memory_space<hbm>>
        %dma_wait3A_78 = arith.constant 0 : i32
        %dma_wait3A_79 = arith.constant 0 : i32
        %dma_wait3A_80 = tpu.memref_slice %arg10[%dma_wait3A_70, %dma_wait3A_78, %dma_wait3A_79] : memref<10x64x64xf32, #tpu.memory_space<vmem>> -> memref<1x64x64xf32, #tpu.memory_space<vmem>>
        %dma_wait3A_81 = tpu.memref_squeeze %dma_wait3A_80 : memref<1x64x64xf32, #tpu.memory_space<vmem>> -> memref<64x64xf32, #tpu.memory_space<vmem>>
        %dma_wait3A_82 = arith.constant 0 : i32
        %dma_wait3A_83 = arith.constant 0 : i32
        %dma_wait3A_84 = tpu.memref_slice %arg2[%dma_wait3A_82, %dma_wait3A_83] : memref<100001x64xf32, #tpu.memory_space<hbm>> -> memref<64x64xf32, #tpu.memory_space<hbm>>
        tpu.wait_dma2 semaphore(%arg14 : memref<!tpu.dma_semaphore, #tpu.memory_space<semaphore_mem>>) src(%dma_wait3A_84 : memref<64x64xf32, #tpu.memory_space<hbm>>) dst(%dma_wait3A_81 : memref<64x64xf32, #tpu.memory_space<vmem>>)
        %dma_wait3A_85 = arith.constant 4 : i32
        %dma_wait3A_86 = arith.constant 0 : i32
        %dma_wait3A_87 = arith.constant 0 : i32
        %dma_wait3A_88 = tpu.memref_slice %arg10[%dma_wait3A_85, %dma_wait3A_86, %dma_wait3A_87] : memref<10x64x64xf32, #tpu.memory_space<vmem>> -> memref<1x64x64xf32, #tpu.memory_space<vmem>>
        %dma_wait3A_89 = tpu.memref_squeeze %dma_wait3A_88 : memref<1x64x64xf32, #tpu.memory_space<vmem>> -> memref<64x64xf32, #tpu.memory_space<vmem>>
        %dma_wait3A_90 = arith.constant 0 : i32
        %dma_wait3A_91 = arith.constant 0 : i32
        %dma_wait3A_92 = tpu.memref_slice %arg2[%dma_wait3A_90, %dma_wait3A_91] : memref<100001x64xf32, #tpu.memory_space<hbm>> -> memref<64x64xf32, #tpu.memory_space<hbm>>
        %dma_wait3A_93 = arith.constant 0 : i32
        %dma_wait3A_94 = arith.constant 0 : i32
        %dma_wait3A_95 = tpu.memref_slice %arg10[%dma_wait3A_85, %dma_wait3A_93, %dma_wait3A_94] : memref<10x64x64xf32, #tpu.memory_space<vmem>> -> memref<1x64x64xf32, #tpu.memory_space<vmem>>
        %dma_wait3A_96 = tpu.memref_squeeze %dma_wait3A_95 : memref<1x64x64xf32, #tpu.memory_space<vmem>> -> memref<64x64xf32, #tpu.memory_space<vmem>>
        %dma_wait3A_97 = arith.constant 0 : i32
        %dma_wait3A_98 = arith.constant 0 : i32
        %dma_wait3A_99 = tpu.memref_slice %arg2[%dma_wait3A_97, %dma_wait3A_98] : memref<100001x64xf32, #tpu.memory_space<hbm>> -> memref<64x64xf32, #tpu.memory_space<hbm>>
        tpu.wait_dma2 semaphore(%arg14 : memref<!tpu.dma_semaphore, #tpu.memory_space<semaphore_mem>>) src(%dma_wait3A_99 : memref<64x64xf32, #tpu.memory_space<hbm>>) dst(%dma_wait3A_96 : memref<64x64xf32, #tpu.memory_space<vmem>>)
        %dma_wait3A_100 = arith.constant 5 : i32
        %dma_wait3A_101 = arith.constant 0 : i32
        %dma_wait3A_102 = arith.constant 0 : i32
        %dma_wait3A_103 = tpu.memref_slice %arg10[%dma_wait3A_100, %dma_wait3A_101, %dma_wait3A_102] : memref<10x64x64xf32, #tpu.memory_space<vmem>> -> memref<1x64x64xf32, #tpu.memory_space<vmem>>
        %dma_wait3A_104 = tpu.memref_squeeze %dma_wait3A_103 : memref<1x64x64xf32, #tpu.memory_space<vmem>> -> memref<64x64xf32, #tpu.memory_space<vmem>>
        %dma_wait3A_105 = arith.constant 0 : i32
        %dma_wait3A_106 = arith.constant 0 : i32
        %dma_wait3A_107 = tpu.memref_slice %arg2[%dma_wait3A_105, %dma_wait3A_106] : memref<100001x64xf32, #tpu.memory_space<hbm>> -> memref<64x64xf32, #tpu.memory_space<hbm>>
        %dma_wait3A_108 = arith.constant 0 : i32
        %dma_wait3A_109 = arith.constant 0 : i32
        %dma_wait3A_110 = tpu.memref_slice %arg10[%dma_wait3A_100, %dma_wait3A_108, %dma_wait3A_109] : memref<10x64x64xf32, #tpu.memory_space<vmem>> -> memref<1x64x64xf32, #tpu.memory_space<vmem>>
        %dma_wait3A_111 = tpu.memref_squeeze %dma_wait3A_110 : memref<1x64x64xf32, #tpu.memory_space<vmem>> -> memref<64x64xf32, #tpu.memory_space<vmem>>
        %dma_wait3A_112 = arith.constant 0 : i32
        %dma_wait3A_113 = arith.constant 0 : i32
        %dma_wait3A_114 = tpu.memref_slice %arg2[%dma_wait3A_112, %dma_wait3A_113] : memref<100001x64xf32, #tpu.memory_space<hbm>> -> memref<64x64xf32, #tpu.memory_space<hbm>>
        tpu.wait_dma2 semaphore(%arg14 : memref<!tpu.dma_semaphore, #tpu.memory_space<semaphore_mem>>) src(%dma_wait3A_114 : memref<64x64xf32, #tpu.memory_space<hbm>>) dst(%dma_wait3A_111 : memref<64x64xf32, #tpu.memory_space<vmem>>)
        %dma_wait3A_115 = arith.constant 6 : i32
        %dma_wait3A_116 = arith.constant 0 : i32
        %dma_wait3A_117 = arith.constant 0 : i32
        %dma_wait3A_118 = tpu.memref_slice %arg10[%dma_wait3A_115, %dma_wait3A_116, %dma_wait3A_117] : memref<10x64x64xf32, #tpu.memory_space<vmem>> -> memref<1x64x64xf32, #tpu.memory_space<vmem>>
        %dma_wait3A_119 = tpu.memref_squeeze %dma_wait3A_118 : memref<1x64x64xf32, #tpu.memory_space<vmem>> -> memref<64x64xf32, #tpu.memory_space<vmem>>
        %dma_wait3A_120 = arith.constant 0 : i32
        %dma_wait3A_121 = arith.constant 0 : i32
        %dma_wait3A_122 = tpu.memref_slice %arg2[%dma_wait3A_120, %dma_wait3A_121] : memref<100001x64xf32, #tpu.memory_space<hbm>> -> memref<64x64xf32, #tpu.memory_space<hbm>>
        %dma_wait3A_123 = arith.constant 0 : i32
        %dma_wait3A_124 = arith.constant 0 : i32
        %dma_wait3A_125 = tpu.memref_slice %arg10[%dma_wait3A_115, %dma_wait3A_123, %dma_wait3A_124] : memref<10x64x64xf32, #tpu.memory_space<vmem>> -> memref<1x64x64xf32, #tpu.memory_space<vmem>>
        %dma_wait3A_126 = tpu.memref_squeeze %dma_wait3A_125 : memref<1x64x64xf32, #tpu.memory_space<vmem>> -> memref<64x64xf32, #tpu.memory_space<vmem>>
        %dma_wait3A_127 = arith.constant 0 : i32
        %dma_wait3A_128 = arith.constant 0 : i32
        %dma_wait3A_129 = tpu.memref_slice %arg2[%dma_wait3A_127, %dma_wait3A_128] : memref<100001x64xf32, #tpu.memory_space<hbm>> -> memref<64x64xf32, #tpu.memory_space<hbm>>
        tpu.wait_dma2 semaphore(%arg14 : memref<!tpu.dma_semaphore, #tpu.memory_space<semaphore_mem>>) src(%dma_wait3A_129 : memref<64x64xf32, #tpu.memory_space<hbm>>) dst(%dma_wait3A_126 : memref<64x64xf32, #tpu.memory_space<vmem>>)
        %dma_wait3A_130 = arith.constant 7 : i32
        %dma_wait3A_131 = arith.constant 0 : i32
        %dma_wait3A_132 = arith.constant 0 : i32
        %dma_wait3A_133 = tpu.memref_slice %arg10[%dma_wait3A_130, %dma_wait3A_131, %dma_wait3A_132] : memref<10x64x64xf32, #tpu.memory_space<vmem>> -> memref<1x64x64xf32, #tpu.memory_space<vmem>>
        %dma_wait3A_134 = tpu.memref_squeeze %dma_wait3A_133 : memref<1x64x64xf32, #tpu.memory_space<vmem>> -> memref<64x64xf32, #tpu.memory_space<vmem>>
        %dma_wait3A_135 = arith.constant 0 : i32
        %dma_wait3A_136 = arith.constant 0 : i32
        %dma_wait3A_137 = tpu.memref_slice %arg2[%dma_wait3A_135, %dma_wait3A_136] : memref<100001x64xf32, #tpu.memory_space<hbm>> -> memref<64x64xf32, #tpu.memory_space<hbm>>
        %dma_wait3A_138 = arith.constant 0 : i32
        %dma_wait3A_139 = arith.constant 0 : i32
        %dma_wait3A_140 = tpu.memref_slice %arg10[%dma_wait3A_130, %dma_wait3A_138, %dma_wait3A_139] : memref<10x64x64xf32, #tpu.memory_space<vmem>> -> memref<1x64x64xf32, #tpu.memory_space<vmem>>
        %dma_wait3A_141 = tpu.memref_squeeze %dma_wait3A_140 : memref<1x64x64xf32, #tpu.memory_space<vmem>> -> memref<64x64xf32, #tpu.memory_space<vmem>>
        %dma_wait3A_142 = arith.constant 0 : i32
        %dma_wait3A_143 = arith.constant 0 : i32
        %dma_wait3A_144 = tpu.memref_slice %arg2[%dma_wait3A_142, %dma_wait3A_143] : memref<100001x64xf32, #tpu.memory_space<hbm>> -> memref<64x64xf32, #tpu.memory_space<hbm>>
        tpu.wait_dma2 semaphore(%arg14 : memref<!tpu.dma_semaphore, #tpu.memory_space<semaphore_mem>>) src(%dma_wait3A_144 : memref<64x64xf32, #tpu.memory_space<hbm>>) dst(%dma_wait3A_141 : memref<64x64xf32, #tpu.memory_space<vmem>>)
        %dma_wait3A_145 = arith.constant 8 : i32
        %dma_wait3A_146 = arith.constant 0 : i32
        %dma_wait3A_147 = arith.constant 0 : i32
        %dma_wait3A_148 = tpu.memref_slice %arg10[%dma_wait3A_145, %dma_wait3A_146, %dma_wait3A_147] : memref<10x64x64xf32, #tpu.memory_space<vmem>> -> memref<1x64x64xf32, #tpu.memory_space<vmem>>
        %dma_wait3A_149 = tpu.memref_squeeze %dma_wait3A_148 : memref<1x64x64xf32, #tpu.memory_space<vmem>> -> memref<64x64xf32, #tpu.memory_space<vmem>>
        %dma_wait3A_150 = arith.constant 0 : i32
        %dma_wait3A_151 = arith.constant 0 : i32
        %dma_wait3A_152 = tpu.memref_slice %arg2[%dma_wait3A_150, %dma_wait3A_151] : memref<100001x64xf32, #tpu.memory_space<hbm>> -> memref<64x64xf32, #tpu.memory_space<hbm>>
        %dma_wait3A_153 = arith.constant 0 : i32
        %dma_wait3A_154 = arith.constant 0 : i32
        %dma_wait3A_155 = tpu.memref_slice %arg10[%dma_wait3A_145, %dma_wait3A_153, %dma_wait3A_154] : memref<10x64x64xf32, #tpu.memory_space<vmem>> -> memref<1x64x64xf32, #tpu.memory_space<vmem>>
        %dma_wait3A_156 = tpu.memref_squeeze %dma_wait3A_155 : memref<1x64x64xf32, #tpu.memory_space<vmem>> -> memref<64x64xf32, #tpu.memory_space<vmem>>
        %dma_wait3A_157 = arith.constant 0 : i32
        %dma_wait3A_158 = arith.constant 0 : i32
        %dma_wait3A_159 = tpu.memref_slice %arg2[%dma_wait3A_157, %dma_wait3A_158] : memref<100001x64xf32, #tpu.memory_space<hbm>> -> memref<64x64xf32, #tpu.memory_space<hbm>>
        tpu.wait_dma2 semaphore(%arg14 : memref<!tpu.dma_semaphore, #tpu.memory_space<semaphore_mem>>) src(%dma_wait3A_159 : memref<64x64xf32, #tpu.memory_space<hbm>>) dst(%dma_wait3A_156 : memref<64x64xf32, #tpu.memory_space<vmem>>)
        %dma_wait3A_160 = arith.constant 9 : i32
        %dma_wait3A_161 = arith.constant 0 : i32
        %dma_wait3A_162 = arith.constant 0 : i32
        %dma_wait3A_163 = tpu.memref_slice %arg10[%dma_wait3A_160, %dma_wait3A_161, %dma_wait3A_162] : memref<10x64x64xf32, #tpu.memory_space<vmem>> -> memref<1x64x64xf32, #tpu.memory_space<vmem>>
        %dma_wait3A_164 = tpu.memref_squeeze %dma_wait3A_163 : memref<1x64x64xf32, #tpu.memory_space<vmem>> -> memref<64x64xf32, #tpu.memory_space<vmem>>
        %dma_wait3A_165 = arith.constant 0 : i32
        %dma_wait3A_166 = arith.constant 0 : i32
        %dma_wait3A_167 = tpu.memref_slice %arg2[%dma_wait3A_165, %dma_wait3A_166] : memref<100001x64xf32, #tpu.memory_space<hbm>> -> memref<64x64xf32, #tpu.memory_space<hbm>>
        %dma_wait3A_168 = arith.constant 0 : i32
        %dma_wait3A_169 = arith.constant 0 : i32
        %dma_wait3A_170 = tpu.memref_slice %arg10[%dma_wait3A_160, %dma_wait3A_168, %dma_wait3A_169] : memref<10x64x64xf32, #tpu.memory_space<vmem>> -> memref<1x64x64xf32, #tpu.memory_space<vmem>>
        %dma_wait3A_171 = tpu.memref_squeeze %dma_wait3A_170 : memref<1x64x64xf32, #tpu.memory_space<vmem>> -> memref<64x64xf32, #tpu.memory_space<vmem>>
        %dma_wait3A_172 = arith.constant 0 : i32
        %dma_wait3A_173 = arith.constant 0 : i32
        %dma_wait3A_174 = tpu.memref_slice %arg2[%dma_wait3A_172, %dma_wait3A_173] : memref<100001x64xf32, #tpu.memory_space<hbm>> -> memref<64x64xf32, #tpu.memory_space<hbm>>
        tpu.wait_dma2 semaphore(%arg14 : memref<!tpu.dma_semaphore, #tpu.memory_space<semaphore_mem>>) src(%dma_wait3A_174 : memref<64x64xf32, #tpu.memory_space<hbm>>) dst(%dma_wait3A_171 : memref<64x64xf32, #tpu.memory_space<vmem>>)
        %dma_start3A = arith.constant 10 : i32
        %dma_start3A_175 = arith.constant 0 : i32
        %dma_start3A_176 = arith.constant 0 : i32
        %dma_start3A_177 = arith.constant 0 : i32
        %dma_start3A_178 = tpu.memref_slice %arg11[%dma_start3A_175, %dma_start3A_176, %dma_start3A_177] : memref<10x64x64xf32, #tpu.memory_space<vmem>> -> memref<1x64x64xf32, #tpu.memory_space<vmem>>
        %dma_start3A_179 = tpu.memref_squeeze %dma_start3A_178 : memref<1x64x64xf32, #tpu.memory_space<vmem>> -> memref<64x64xf32, #tpu.memory_space<vmem>>
        %dma_start3A_180 = arith.constant 0 : i32
        %dma_start3A_181 = tpu.memref_slice %arg9[%rem3A_25, %dma_start3A, %dma_start3A_180] : memref<2x20x64xi32, #tpu.memory_space<vmem>> -> memref<1x1x64xi32, #tpu.memory_space<vmem>>
        %dma_start3A_182 = tpu.memref_squeeze %dma_start3A_181 : memref<1x1x64xi32, #tpu.memory_space<vmem>> -> memref<64xi32, #tpu.memory_space<vmem>>
        %dma_start3A_183 = arith.constant 0 : i32
        %dma_start3A_184 = arith.constant 0 : i32
        %dma_start3A_185 = tpu.memref_slice %arg2[%dma_start3A_183, %dma_start3A_184] : memref<100001x64xf32, #tpu.memory_space<hbm>> -> memref<100001x64xf32, #tpu.memory_space<hbm>>
        tpu.enqueue_indirect_dma source(%dma_start3A_185 : memref<100001x64xf32, #tpu.memory_space<hbm>>) target(%dma_start3A_179 : memref<64x64xf32, #tpu.memory_space<vmem>>) offsets(%dma_start3A_182 : memref<64xi32, #tpu.memory_space<vmem>>) semaphore(%arg15 : memref<!tpu.dma_semaphore, #tpu.memory_space<semaphore_mem>>)
        %dma_start3A_186 = arith.constant 11 : i32
        %dma_start3A_187 = arith.constant 1 : i32
        %dma_start3A_188 = arith.constant 0 : i32
        %dma_start3A_189 = arith.constant 0 : i32
        %dma_start3A_190 = tpu.memref_slice %arg11[%dma_start3A_187, %dma_start3A_188, %dma_start3A_189] : memref<10x64x64xf32, #tpu.memory_space<vmem>> -> memref<1x64x64xf32, #tpu.memory_space<vmem>>
        %dma_start3A_191 = tpu.memref_squeeze %dma_start3A_190 : memref<1x64x64xf32, #tpu.memory_space<vmem>> -> memref<64x64xf32, #tpu.memory_space<vmem>>
        %dma_start3A_192 = arith.constant 0 : i32
        %dma_start3A_193 = tpu.memref_slice %arg9[%rem3A_25, %dma_start3A_186, %dma_start3A_192] : memref<2x20x64xi32, #tpu.memory_space<vmem>> -> memref<1x1x64xi32, #tpu.memory_space<vmem>>
        %dma_start3A_194 = tpu.memref_squeeze %dma_start3A_193 : memref<1x1x64xi32, #tpu.memory_space<vmem>> -> memref<64xi32, #tpu.memory_space<vmem>>
        %dma_start3A_195 = arith.constant 0 : i32
        %dma_start3A_196 = arith.constant 0 : i32
        %dma_start3A_197 = tpu.memref_slice %arg2[%dma_start3A_195, %dma_start3A_196] : memref<100001x64xf32, #tpu.memory_space<hbm>> -> memref<100001x64xf32, #tpu.memory_space<hbm>>
        tpu.enqueue_indirect_dma source(%dma_start3A_197 : memref<100001x64xf32, #tpu.memory_space<hbm>>) target(%dma_start3A_191 : memref<64x64xf32, #tpu.memory_space<vmem>>) offsets(%dma_start3A_194 : memref<64xi32, #tpu.memory_space<vmem>>) semaphore(%arg15 : memref<!tpu.dma_semaphore, #tpu.memory_space<semaphore_mem>>)
        %dma_start3A_198 = arith.constant 12 : i32
        %dma_start3A_199 = arith.constant 2 : i32
        %dma_start3A_200 = arith.constant 0 : i32
        %dma_start3A_201 = arith.constant 0 : i32
        %dma_start3A_202 = tpu.memref_slice %arg11[%dma_start3A_199, %dma_start3A_200, %dma_start3A_201] : memref<10x64x64xf32, #tpu.memory_space<vmem>> -> memref<1x64x64xf32, #tpu.memory_space<vmem>>
        %dma_start3A_203 = tpu.memref_squeeze %dma_start3A_202 : memref<1x64x64xf32, #tpu.memory_space<vmem>> -> memref<64x64xf32, #tpu.memory_space<vmem>>
        %dma_start3A_204 = arith.constant 0 : i32
        %dma_start3A_205 = tpu.memref_slice %arg9[%rem3A_25, %dma_start3A_198, %dma_start3A_204] : memref<2x20x64xi32, #tpu.memory_space<vmem>> -> memref<1x1x64xi32, #tpu.memory_space<vmem>>
        %dma_start3A_206 = tpu.memref_squeeze %dma_start3A_205 : memref<1x1x64xi32, #tpu.memory_space<vmem>> -> memref<64xi32, #tpu.memory_space<vmem>>
        %dma_start3A_207 = arith.constant 0 : i32
        %dma_start3A_208 = arith.constant 0 : i32
        %dma_start3A_209 = tpu.memref_slice %arg2[%dma_start3A_207, %dma_start3A_208] : memref<100001x64xf32, #tpu.memory_space<hbm>> -> memref<100001x64xf32, #tpu.memory_space<hbm>>
        tpu.enqueue_indirect_dma source(%dma_start3A_209 : memref<100001x64xf32, #tpu.memory_space<hbm>>) target(%dma_start3A_203 : memref<64x64xf32, #tpu.memory_space<vmem>>) offsets(%dma_start3A_206 : memref<64xi32, #tpu.memory_space<vmem>>) semaphore(%arg15 : memref<!tpu.dma_semaphore, #tpu.memory_space<semaphore_mem>>)
        %dma_start3A_210 = arith.constant 13 : i32
        %dma_start3A_211 = arith.constant 3 : i32
        %dma_start3A_212 = arith.constant 0 : i32
        %dma_start3A_213 = arith.constant 0 : i32
        %dma_start3A_214 = tpu.memref_slice %arg11[%dma_start3A_211, %dma_start3A_212, %dma_start3A_213] : memref<10x64x64xf32, #tpu.memory_space<vmem>> -> memref<1x64x64xf32, #tpu.memory_space<vmem>>
        %dma_start3A_215 = tpu.memref_squeeze %dma_start3A_214 : memref<1x64x64xf32, #tpu.memory_space<vmem>> -> memref<64x64xf32, #tpu.memory_space<vmem>>
        %dma_start3A_216 = arith.constant 0 : i32
        %dma_start3A_217 = tpu.memref_slice %arg9[%rem3A_25, %dma_start3A_210, %dma_start3A_216] : memref<2x20x64xi32, #tpu.memory_space<vmem>> -> memref<1x1x64xi32, #tpu.memory_space<vmem>>
        %dma_start3A_218 = tpu.memref_squeeze %dma_start3A_217 : memref<1x1x64xi32, #tpu.memory_space<vmem>> -> memref<64xi32, #tpu.memory_space<vmem>>
        %dma_start3A_219 = arith.constant 0 : i32
        %dma_start3A_220 = arith.constant 0 : i32
        %dma_start3A_221 = tpu.memref_slice %arg2[%dma_start3A_219, %dma_start3A_220] : memref<100001x64xf32, #tpu.memory_space<hbm>> -> memref<100001x64xf32, #tpu.memory_space<hbm>>
        tpu.enqueue_indirect_dma source(%dma_start3A_221 : memref<100001x64xf32, #tpu.memory_space<hbm>>) target(%dma_start3A_215 : memref<64x64xf32, #tpu.memory_space<vmem>>) offsets(%dma_start3A_218 : memref<64xi32, #tpu.memory_space<vmem>>) semaphore(%arg15 : memref<!tpu.dma_semaphore, #tpu.memory_space<semaphore_mem>>)
        %dma_start3A_222 = arith.constant 14 : i32
        %dma_start3A_223 = arith.constant 4 : i32
        %dma_start3A_224 = arith.constant 0 : i32
        %dma_start3A_225 = arith.constant 0 : i32
        %dma_start3A_226 = tpu.memref_slice %arg11[%dma_start3A_223, %dma_start3A_224, %dma_start3A_225] : memref<10x64x64xf32, #tpu.memory_space<vmem>> -> memref<1x64x64xf32, #tpu.memory_space<vmem>>
        %dma_start3A_227 = tpu.memref_squeeze %dma_start3A_226 : memref<1x64x64xf32, #tpu.memory_space<vmem>> -> memref<64x64xf32, #tpu.memory_space<vmem>>
        %dma_start3A_228 = arith.constant 0 : i32
        %dma_start3A_229 = tpu.memref_slice %arg9[%rem3A_25, %dma_start3A_222, %dma_start3A_228] : memref<2x20x64xi32, #tpu.memory_space<vmem>> -> memref<1x1x64xi32, #tpu.memory_space<vmem>>
        %dma_start3A_230 = tpu.memref_squeeze %dma_start3A_229 : memref<1x1x64xi32, #tpu.memory_space<vmem>> -> memref<64xi32, #tpu.memory_space<vmem>>
        %dma_start3A_231 = arith.constant 0 : i32
        %dma_start3A_232 = arith.constant 0 : i32
        %dma_start3A_233 = tpu.memref_slice %arg2[%dma_start3A_231, %dma_start3A_232] : memref<100001x64xf32, #tpu.memory_space<hbm>> -> memref<100001x64xf32, #tpu.memory_space<hbm>>
        tpu.enqueue_indirect_dma source(%dma_start3A_233 : memref<100001x64xf32, #tpu.memory_space<hbm>>) target(%dma_start3A_227 : memref<64x64xf32, #tpu.memory_space<vmem>>) offsets(%dma_start3A_230 : memref<64xi32, #tpu.memory_space<vmem>>) semaphore(%arg15 : memref<!tpu.dma_semaphore, #tpu.memory_space<semaphore_mem>>)
        %dma_start3A_234 = arith.constant 15 : i32
        %dma_start3A_235 = arith.constant 5 : i32
        %dma_start3A_236 = arith.constant 0 : i32
        %dma_start3A_237 = arith.constant 0 : i32
        %dma_start3A_238 = tpu.memref_slice %arg11[%dma_start3A_235, %dma_start3A_236, %dma_start3A_237] : memref<10x64x64xf32, #tpu.memory_space<vmem>> -> memref<1x64x64xf32, #tpu.memory_space<vmem>>
        %dma_start3A_239 = tpu.memref_squeeze %dma_start3A_238 : memref<1x64x64xf32, #tpu.memory_space<vmem>> -> memref<64x64xf32, #tpu.memory_space<vmem>>
        %dma_start3A_240 = arith.constant 0 : i32
        %dma_start3A_241 = tpu.memref_slice %arg9[%rem3A_25, %dma_start3A_234, %dma_start3A_240] : memref<2x20x64xi32, #tpu.memory_space<vmem>> -> memref<1x1x64xi32, #tpu.memory_space<vmem>>
        %dma_start3A_242 = tpu.memref_squeeze %dma_start3A_241 : memref<1x1x64xi32, #tpu.memory_space<vmem>> -> memref<64xi32, #tpu.memory_space<vmem>>
        %dma_start3A_243 = arith.constant 0 : i32
        %dma_start3A_244 = arith.constant 0 : i32
        %dma_start3A_245 = tpu.memref_slice %arg2[%dma_start3A_243, %dma_start3A_244] : memref<100001x64xf32, #tpu.memory_space<hbm>> -> memref<100001x64xf32, #tpu.memory_space<hbm>>
        tpu.enqueue_indirect_dma source(%dma_start3A_245 : memref<100001x64xf32, #tpu.memory_space<hbm>>) target(%dma_start3A_239 : memref<64x64xf32, #tpu.memory_space<vmem>>) offsets(%dma_start3A_242 : memref<64xi32, #tpu.memory_space<vmem>>) semaphore(%arg15 : memref<!tpu.dma_semaphore, #tpu.memory_space<semaphore_mem>>)
        %dma_start3A_246 = arith.constant 16 : i32
        %dma_start3A_247 = arith.constant 6 : i32
        %dma_start3A_248 = arith.constant 0 : i32
        %dma_start3A_249 = arith.constant 0 : i32
        %dma_start3A_250 = tpu.memref_slice %arg11[%dma_start3A_247, %dma_start3A_248, %dma_start3A_249] : memref<10x64x64xf32, #tpu.memory_space<vmem>> -> memref<1x64x64xf32, #tpu.memory_space<vmem>>
        %dma_start3A_251 = tpu.memref_squeeze %dma_start3A_250 : memref<1x64x64xf32, #tpu.memory_space<vmem>> -> memref<64x64xf32, #tpu.memory_space<vmem>>
        %dma_start3A_252 = arith.constant 0 : i32
        %dma_start3A_253 = tpu.memref_slice %arg9[%rem3A_25, %dma_start3A_246, %dma_start3A_252] : memref<2x20x64xi32, #tpu.memory_space<vmem>> -> memref<1x1x64xi32, #tpu.memory_space<vmem>>
        %dma_start3A_254 = tpu.memref_squeeze %dma_start3A_253 : memref<1x1x64xi32, #tpu.memory_space<vmem>> -> memref<64xi32, #tpu.memory_space<vmem>>
        %dma_start3A_255 = arith.constant 0 : i32
        %dma_start3A_256 = arith.constant 0 : i32
        %dma_start3A_257 = tpu.memref_slice %arg2[%dma_start3A_255, %dma_start3A_256] : memref<100001x64xf32, #tpu.memory_space<hbm>> -> memref<100001x64xf32, #tpu.memory_space<hbm>>
        tpu.enqueue_indirect_dma source(%dma_start3A_257 : memref<100001x64xf32, #tpu.memory_space<hbm>>) target(%dma_start3A_251 : memref<64x64xf32, #tpu.memory_space<vmem>>) offsets(%dma_start3A_254 : memref<64xi32, #tpu.memory_space<vmem>>) semaphore(%arg15 : memref<!tpu.dma_semaphore, #tpu.memory_space<semaphore_mem>>)
        %dma_start3A_258 = arith.constant 17 : i32
        %dma_start3A_259 = arith.constant 7 : i32
        %dma_start3A_260 = arith.constant 0 : i32
        %dma_start3A_261 = arith.constant 0 : i32
        %dma_start3A_262 = tpu.memref_slice %arg11[%dma_start3A_259, %dma_start3A_260, %dma_start3A_261] : memref<10x64x64xf32, #tpu.memory_space<vmem>> -> memref<1x64x64xf32, #tpu.memory_space<vmem>>
        %dma_start3A_263 = tpu.memref_squeeze %dma_start3A_262 : memref<1x64x64xf32, #tpu.memory_space<vmem>> -> memref<64x64xf32, #tpu.memory_space<vmem>>
        %dma_start3A_264 = arith.constant 0 : i32
        %dma_start3A_265 = tpu.memref_slice %arg9[%rem3A_25, %dma_start3A_258, %dma_start3A_264] : memref<2x20x64xi32, #tpu.memory_space<vmem>> -> memref<1x1x64xi32, #tpu.memory_space<vmem>>
        %dma_start3A_266 = tpu.memref_squeeze %dma_start3A_265 : memref<1x1x64xi32, #tpu.memory_space<vmem>> -> memref<64xi32, #tpu.memory_space<vmem>>
        %dma_start3A_267 = arith.constant 0 : i32
        %dma_start3A_268 = arith.constant 0 : i32
        %dma_start3A_269 = tpu.memref_slice %arg2[%dma_start3A_267, %dma_start3A_268] : memref<100001x64xf32, #tpu.memory_space<hbm>> -> memref<100001x64xf32, #tpu.memory_space<hbm>>
        tpu.enqueue_indirect_dma source(%dma_start3A_269 : memref<100001x64xf32, #tpu.memory_space<hbm>>) target(%dma_start3A_263 : memref<64x64xf32, #tpu.memory_space<vmem>>) offsets(%dma_start3A_266 : memref<64xi32, #tpu.memory_space<vmem>>) semaphore(%arg15 : memref<!tpu.dma_semaphore, #tpu.memory_space<semaphore_mem>>)
        %dma_start3A_270 = arith.constant 18 : i32
        %dma_start3A_271 = arith.constant 8 : i32
        %dma_start3A_272 = arith.constant 0 : i32
        %dma_start3A_273 = arith.constant 0 : i32
        %dma_start3A_274 = tpu.memref_slice %arg11[%dma_start3A_271, %dma_start3A_272, %dma_start3A_273] : memref<10x64x64xf32, #tpu.memory_space<vmem>> -> memref<1x64x64xf32, #tpu.memory_space<vmem>>
        %dma_start3A_275 = tpu.memref_squeeze %dma_start3A_274 : memref<1x64x64xf32, #tpu.memory_space<vmem>> -> memref<64x64xf32, #tpu.memory_space<vmem>>
        %dma_start3A_276 = arith.constant 0 : i32
        %dma_start3A_277 = tpu.memref_slice %arg9[%rem3A_25, %dma_start3A_270, %dma_start3A_276] : memref<2x20x64xi32, #tpu.memory_space<vmem>> -> memref<1x1x64xi32, #tpu.memory_space<vmem>>
        %dma_start3A_278 = tpu.memref_squeeze %dma_start3A_277 : memref<1x1x64xi32, #tpu.memory_space<vmem>> -> memref<64xi32, #tpu.memory_space<vmem>>
        %dma_start3A_279 = arith.constant 0 : i32
        %dma_start3A_280 = arith.constant 0 : i32
        %dma_start3A_281 = tpu.memref_slice %arg2[%dma_start3A_279, %dma_start3A_280] : memref<100001x64xf32, #tpu.memory_space<hbm>> -> memref<100001x64xf32, #tpu.memory_space<hbm>>
        tpu.enqueue_indirect_dma source(%dma_start3A_281 : memref<100001x64xf32, #tpu.memory_space<hbm>>) target(%dma_start3A_275 : memref<64x64xf32, #tpu.memory_space<vmem>>) offsets(%dma_start3A_278 : memref<64xi32, #tpu.memory_space<vmem>>) semaphore(%arg15 : memref<!tpu.dma_semaphore, #tpu.memory_space<semaphore_mem>>)
        %dma_start3A_282 = arith.constant 19 : i32
        %dma_start3A_283 = arith.constant 9 : i32
        %dma_start3A_284 = arith.constant 0 : i32
        %dma_start3A_285 = arith.constant 0 : i32
        %dma_start3A_286 = tpu.memref_slice %arg11[%dma_start3A_283, %dma_start3A_284, %dma_start3A_285] : memref<10x64x64xf32, #tpu.memory_space<vmem>> -> memref<1x64x64xf32, #tpu.memory_space<vmem>>
        %dma_start3A_287 = tpu.memref_squeeze %dma_start3A_286 : memref<1x64x64xf32, #tpu.memory_space<vmem>> -> memref<64x64xf32, #tpu.memory_space<vmem>>
        %dma_start3A_288 = arith.constant 0 : i32
        %dma_start3A_289 = tpu.memref_slice %arg9[%rem3A_25, %dma_start3A_282, %dma_start3A_288] : memref<2x20x64xi32, #tpu.memory_space<vmem>> -> memref<1x1x64xi32, #tpu.memory_space<vmem>>
        %dma_start3A_290 = tpu.memref_squeeze %dma_start3A_289 : memref<1x1x64xi32, #tpu.memory_space<vmem>> -> memref<64xi32, #tpu.memory_space<vmem>>
        %dma_start3A_291 = arith.constant 0 : i32
        %dma_start3A_292 = arith.constant 0 : i32
        %dma_start3A_293 = tpu.memref_slice %arg2[%dma_start3A_291, %dma_start3A_292] : memref<100001x64xf32, #tpu.memory_space<hbm>> -> memref<100001x64xf32, #tpu.memory_space<hbm>>
        tpu.enqueue_indirect_dma source(%dma_start3A_293 : memref<100001x64xf32, #tpu.memory_space<hbm>>) target(%dma_start3A_287 : memref<64x64xf32, #tpu.memory_space<vmem>>) offsets(%dma_start3A_290 : memref<64xi32, #tpu.memory_space<vmem>>) semaphore(%arg15 : memref<!tpu.dma_semaphore, #tpu.memory_space<semaphore_mem>>)
        %scan3A_294 = arith.constant 0 : i32
        %scan3A_295 = arith.constant 64 : i32
        %scan3A_296 = arith.addi %scan3A_294, %scan3A_295 : i32
        %scan3A_297 = arith.constant 1 : i32
        scf.for %scan3A_460 = %scan3A_294 to %scan3A_296 step %scan3A_297  : i32 {
          %mul3A_461 = arith.constant 1 : i32
          %mul3A_462 = arith.muli %scan3A_460, %mul3A_461 : i32
          %add3A_463 = arith.constant 0 : i32
          %add3A_464 = arith.addi %add3A_463, %mul3A_462 : i32
          %get3A = arith.constant 0 : i32
          %get3A_465 = arith.index_cast %get3A : i32 to index
          %get3A_466 = arith.index_cast %add3A_464 : i32 to index
          %get3A_467 = arith.constant 0 : index
          %get3A_468 = tpu.vector_load %arg10[%get3A_465, %get3A_466, %get3A_467] {strides = array<i32>} : memref<10x64x64xf32, #tpu.memory_space<vmem>>, vector<1x1x16xf32>,
          %get3A_469 = vector.shape_cast %get3A_468 : vector<1x1x16xf32> to vector<16xf32>
          %get3A_470 = arith.constant 1 : i32
          %get3A_471 = arith.index_cast %get3A_470 : i32 to index
          %get3A_472 = arith.index_cast %add3A_464 : i32 to index
          %get3A_473 = arith.constant 0 : index
          %get3A_474 = tpu.vector_load %arg10[%get3A_471, %get3A_472, %get3A_473] {strides = array<i32>} : memref<10x64x64xf32, #tpu.memory_space<vmem>>, vector<1x1x16xf32>,
          %get3A_475 = vector.shape_cast %get3A_474 : vector<1x1x16xf32> to vector<16xf32>
          %add3A_476 = arith.addf %get3A_469, %get3A_475 : vector<16xf32>
          %get3A_477 = arith.constant 2 : i32
          %get3A_478 = arith.index_cast %get3A_477 : i32 to index
          %get3A_479 = arith.index_cast %add3A_464 : i32 to index
          %get3A_480 = arith.constant 0 : index
          %get3A_481 = tpu.vector_load %arg10[%get3A_478, %get3A_479, %get3A_480] {strides = array<i32>} : memref<10x64x64xf32, #tpu.memory_space<vmem>>, vector<1x1x16xf32>,
          %get3A_482 = vector.shape_cast %get3A_481 : vector<1x1x16xf32> to vector<16xf32>
          %add3A_483 = arith.addf %add3A_476, %get3A_482 : vector<16xf32>
          %get3A_484 = arith.constant 3 : i32
          %get3A_485 = arith.index_cast %get3A_484 : i32 to index
          %get3A_486 = arith.index_cast %add3A_464 : i32 to index
          %get3A_487 = arith.constant 0 : index
          %get3A_488 = tpu.vector_load %arg10[%get3A_485, %get3A_486, %get3A_487] {strides = array<i32>} : memref<10x64x64xf32, #tpu.memory_space<vmem>>, vector<1x1x16xf32>,
          %get3A_489 = vector.shape_cast %get3A_488 : vector<1x1x16xf32> to vector<16xf32>
          %add3A_490 = arith.addf %add3A_483, %get3A_489 : vector<16xf32>
          %get3A_491 = arith.constant 4 : i32
          %get3A_492 = arith.index_cast %get3A_491 : i32 to index
          %get3A_493 = arith.index_cast %add3A_464 : i32 to index
          %get3A_494 = arith.constant 0 : index
          %get3A_495 = tpu.vector_load %arg10[%get3A_492, %get3A_493, %get3A_494] {strides = array<i32>} : memref<10x64x64xf32, #tpu.memory_space<vmem>>, vector<1x1x16xf32>,
          %get3A_496 = vector.shape_cast %get3A_495 : vector<1x1x16xf32> to vector<16xf32>
          %add3A_497 = arith.addf %add3A_490, %get3A_496 : vector<16xf32>
          %get3A_498 = arith.constant 5 : i32
          %get3A_499 = arith.index_cast %get3A_498 : i32 to index
          %get3A_500 = arith.index_cast %add3A_464 : i32 to index
          %get3A_501 = arith.constant 0 : index
          %get3A_502 = tpu.vector_load %arg10[%get3A_499, %get3A_500, %get3A_501] {strides = array<i32>} : memref<10x64x64xf32, #tpu.memory_space<vmem>>, vector<1x1x16xf32>,
          %get3A_503 = vector.shape_cast %get3A_502 : vector<1x1x16xf32> to vector<16xf32>
          %add3A_504 = arith.addf %add3A_497, %get3A_503 : vector<16xf32>
          %get3A_505 = arith.constant 6 : i32
          %get3A_506 = arith.index_cast %get3A_505 : i32 to index
          %get3A_507 = arith.index_cast %add3A_464 : i32 to index
          %get3A_508 = arith.constant 0 : index
          %get3A_509 = tpu.vector_load %arg10[%get3A_506, %get3A_507, %get3A_508] {strides = array<i32>} : memref<10x64x64xf32, #tpu.memory_space<vmem>>, vector<1x1x16xf32>,
          %get3A_510 = vector.shape_cast %get3A_509 : vector<1x1x16xf32> to vector<16xf32>
          %add3A_511 = arith.addf %add3A_504, %get3A_510 : vector<16xf32>
          %get3A_512 = arith.constant 7 : i32
          %get3A_513 = arith.index_cast %get3A_512 : i32 to index
          %get3A_514 = arith.index_cast %add3A_464 : i32 to index
          %get3A_515 = arith.constant 0 : index
          %get3A_516 = tpu.vector_load %arg10[%get3A_513, %get3A_514, %get3A_515] {strides = array<i32>} : memref<10x64x64xf32, #tpu.memory_space<vmem>>, vector<1x1x16xf32>,
          %get3A_517 = vector.shape_cast %get3A_516 : vector<1x1x16xf32> to vector<16xf32>
          %add3A_518 = arith.addf %add3A_511, %get3A_517 : vector<16xf32>
          %get3A_519 = arith.constant 8 : i32
          %get3A_520 = arith.index_cast %get3A_519 : i32 to index
          %get3A_521 = arith.index_cast %add3A_464 : i32 to index
          %get3A_522 = arith.constant 0 : index
          %get3A_523 = tpu.vector_load %arg10[%get3A_520, %get3A_521, %get3A_522] {strides = array<i32>} : memref<10x64x64xf32, #tpu.memory_space<vmem>>, vector<1x1x16xf32>,
          %get3A_524 = vector.shape_cast %get3A_523 : vector<1x1x16xf32> to vector<16xf32>
          %add3A_525 = arith.addf %add3A_518, %get3A_524 : vector<16xf32>
          %get3A_526 = arith.constant 9 : i32
          %get3A_527 = arith.index_cast %get3A_526 : i32 to index
          %get3A_528 = arith.index_cast %add3A_464 : i32 to index
          %get3A_529 = arith.constant 0 : index
          %get3A_530 = tpu.vector_load %arg10[%get3A_527, %get3A_528, %get3A_529] {strides = array<i32>} : memref<10x64x64xf32, #tpu.memory_space<vmem>>, vector<1x1x16xf32>,
          %get3A_531 = vector.shape_cast %get3A_530 : vector<1x1x16xf32> to vector<16xf32>
          %add3A_532 = arith.addf %add3A_525, %get3A_531 : vector<16xf32>
          %swap3A = arith.index_cast %add3A_464 : i32 to index
          %swap3A_533 = arith.constant 0 : index
          %swap3A_534 = tpu.vector_load %arg12[%swap3A, %swap3A_533] {strides = array<i32>} : memref<64x64xf32, #tpu.memory_space<vmem>>, vector<1x16xf32>,
          %swap3A_535 = vector.shape_cast %swap3A_534 : vector<1x16xf32> to vector<16xf32>
          %swap3A_536 = vector.shape_cast %add3A_532 : vector<16xf32> to vector<1x16xf32>
          tpu.vector_store %arg12[%swap3A, %swap3A_533], %swap3A_536 {strides = array<i32>} : memref<64x64xf32, #tpu.memory_space<vmem>>, vector<1x16xf32>,
          %get3A_537 = arith.constant 0 : i32
          %get3A_538 = arith.index_cast %get3A_537 : i32 to index
          %get3A_539 = arith.index_cast %add3A_464 : i32 to index
          %get3A_540 = arith.constant 16 : index
          %get3A_541 = tpu.vector_load %arg10[%get3A_538, %get3A_539, %get3A_540] {strides = array<i32>} : memref<10x64x64xf32, #tpu.memory_space<vmem>>, vector<1x1x16xf32>,
          %get3A_542 = vector.shape_cast %get3A_541 : vector<1x1x16xf32> to vector<16xf32>
          %get3A_543 = arith.constant 1 : i32
          %get3A_544 = arith.index_cast %get3A_543 : i32 to index
          %get3A_545 = arith.index_cast %add3A_464 : i32 to index
          %get3A_546 = arith.constant 16 : index
          %get3A_547 = tpu.vector_load %arg10[%get3A_544, %get3A_545, %get3A_546] {strides = array<i32>} : memref<10x64x64xf32, #tpu.memory_space<vmem>>, vector<1x1x16xf32>,
          %get3A_548 = vector.shape_cast %get3A_547 : vector<1x1x16xf32> to vector<16xf32>
          %add3A_549 = arith.addf %get3A_542, %get3A_548 : vector<16xf32>
          %get3A_550 = arith.constant 2 : i32
          %get3A_551 = arith.index_cast %get3A_550 : i32 to index
          %get3A_552 = arith.index_cast %add3A_464 : i32 to index
          %get3A_553 = arith.constant 16 : index
          %get3A_554 = tpu.vector_load %arg10[%get3A_551, %get3A_552, %get3A_553] {strides = array<i32>} : memref<10x64x64xf32, #tpu.memory_space<vmem>>, vector<1x1x16xf32>,
          %get3A_555 = vector.shape_cast %get3A_554 : vector<1x1x16xf32> to vector<16xf32>
          %add3A_556 = arith.addf %add3A_549, %get3A_555 : vector<16xf32>
          %get3A_557 = arith.constant 3 : i32
          %get3A_558 = arith.index_cast %get3A_557 : i32 to index
          %get3A_559 = arith.index_cast %add3A_464 : i32 to index
          %get3A_560 = arith.constant 16 : index
          %get3A_561 = tpu.vector_load %arg10[%get3A_558, %get3A_559, %get3A_560] {strides = array<i32>} : memref<10x64x64xf32, #tpu.memory_space<vmem>>, vector<1x1x16xf32>,
          %get3A_562 = vector.shape_cast %get3A_561 : vector<1x1x16xf32> to vector<16xf32>
          %add3A_563 = arith.addf %add3A_556, %get3A_562 : vector<16xf32>
          %get3A_564 = arith.constant 4 : i32
          %get3A_565 = arith.index_cast %get3A_564 : i32 to index
          %get3A_566 = arith.index_cast %add3A_464 : i32 to index
          %get3A_567 = arith.constant 16 : index
          %get3A_568 = tpu.vector_load %arg10[%get3A_565, %get3A_566, %get3A_567] {strides = array<i32>} : memref<10x64x64xf32, #tpu.memory_space<vmem>>, vector<1x1x16xf32>,
          %get3A_569 = vector.shape_cast %get3A_568 : vector<1x1x16xf32> to vector<16xf32>
          %add3A_570 = arith.addf %add3A_563, %get3A_569 : vector<16xf32>
          %get3A_571 = arith.constant 5 : i32
          %get3A_572 = arith.index_cast %get3A_571 : i32 to index
          %get3A_573 = arith.index_cast %add3A_464 : i32 to index
          %get3A_574 = arith.constant 16 : index
          %get3A_575 = tpu.vector_load %arg10[%get3A_572, %get3A_573, %get3A_574] {strides = array<i32>} : memref<10x64x64xf32, #tpu.memory_space<vmem>>, vector<1x1x16xf32>,
          %get3A_576 = vector.shape_cast %get3A_575 : vector<1x1x16xf32> to vector<16xf32>
          %add3A_577 = arith.addf %add3A_570, %get3A_576 : vector<16xf32>
          %get3A_578 = arith.constant 6 : i32
          %get3A_579 = arith.index_cast %get3A_578 : i32 to index
          %get3A_580 = arith.index_cast %add3A_464 : i32 to index
          %get3A_581 = arith.constant 16 : index
          %get3A_582 = tpu.vector_load %arg10[%get3A_579, %get3A_580, %get3A_581] {strides = array<i32>} : memref<10x64x64xf32, #tpu.memory_space<vmem>>, vector<1x1x16xf32>,
          %get3A_583 = vector.shape_cast %get3A_582 : vector<1x1x16xf32> to vector<16xf32>
          %add3A_584 = arith.addf %add3A_577, %get3A_583 : vector<16xf32>
          %get3A_585 = arith.constant 7 : i32
          %get3A_586 = arith.index_cast %get3A_585 : i32 to index
          %get3A_587 = arith.index_cast %add3A_464 : i32 to index
          %get3A_588 = arith.constant 16 : index
          %get3A_589 = tpu.vector_load %arg10[%get3A_586, %get3A_587, %get3A_588] {strides = array<i32>} : memref<10x64x64xf32, #tpu.memory_space<vmem>>, vector<1x1x16xf32>,
          %get3A_590 = vector.shape_cast %get3A_589 : vector<1x1x16xf32> to vector<16xf32>
          %add3A_591 = arith.addf %add3A_584, %get3A_590 : vector<16xf32>
          %get3A_592 = arith.constant 8 : i32
          %get3A_593 = arith.index_cast %get3A_592 : i32 to index
          %get3A_594 = arith.index_cast %add3A_464 : i32 to index
          %get3A_595 = arith.constant 16 : index
          %get3A_596 = tpu.vector_load %arg10[%get3A_593, %get3A_594, %get3A_595] {strides = array<i32>} : memref<10x64x64xf32, #tpu.memory_space<vmem>>, vector<1x1x16xf32>,
          %get3A_597 = vector.shape_cast %get3A_596 : vector<1x1x16xf32> to vector<16xf32>
          %add3A_598 = arith.addf %add3A_591, %get3A_597 : vector<16xf32>
          %get3A_599 = arith.constant 9 : i32
          %get3A_600 = arith.index_cast %get3A_599 : i32 to index
          %get3A_601 = arith.index_cast %add3A_464 : i32 to index
          %get3A_602 = arith.constant 16 : index
          %get3A_603 = tpu.vector_load %arg10[%get3A_600, %get3A_601, %get3A_602] {strides = array<i32>} : memref<10x64x64xf32, #tpu.memory_space<vmem>>, vector<1x1x16xf32>,
          %get3A_604 = vector.shape_cast %get3A_603 : vector<1x1x16xf32> to vector<16xf32>
          %add3A_605 = arith.addf %add3A_598, %get3A_604 : vector<16xf32>
          %swap3A_606 = arith.index_cast %add3A_464 : i32 to index
          %swap3A_607 = arith.constant 16 : index
          %swap3A_608 = tpu.vector_load %arg12[%swap3A_606, %swap3A_607] {strides = array<i32>} : memref<64x64xf32, #tpu.memory_space<vmem>>, vector<1x16xf32>,
          %swap3A_609 = vector.shape_cast %swap3A_608 : vector<1x16xf32> to vector<16xf32>
          %swap3A_610 = vector.shape_cast %add3A_605 : vector<16xf32> to vector<1x16xf32>
          tpu.vector_store %arg12[%swap3A_606, %swap3A_607], %swap3A_610 {strides = array<i32>} : memref<64x64xf32, #tpu.memory_space<vmem>>, vector<1x16xf32>,
          %get3A_611 = arith.constant 0 : i32
          %get3A_612 = arith.index_cast %get3A_611 : i32 to index
          %get3A_613 = arith.index_cast %add3A_464 : i32 to index
          %get3A_614 = arith.constant 32 : index
          %get3A_615 = tpu.vector_load %arg10[%get3A_612, %get3A_613, %get3A_614] {strides = array<i32>} : memref<10x64x64xf32, #tpu.memory_space<vmem>>, vector<1x1x16xf32>,
          %get3A_616 = vector.shape_cast %get3A_615 : vector<1x1x16xf32> to vector<16xf32>
          %get3A_617 = arith.constant 1 : i32
          %get3A_618 = arith.index_cast %get3A_617 : i32 to index
          %get3A_619 = arith.index_cast %add3A_464 : i32 to index
          %get3A_620 = arith.constant 32 : index
          %get3A_621 = tpu.vector_load %arg10[%get3A_618, %get3A_619, %get3A_620] {strides = array<i32>} : memref<10x64x64xf32, #tpu.memory_space<vmem>>, vector<1x1x16xf32>,
          %get3A_622 = vector.shape_cast %get3A_621 : vector<1x1x16xf32> to vector<16xf32>
          %add3A_623 = arith.addf %get3A_616, %get3A_622 : vector<16xf32>
          %get3A_624 = arith.constant 2 : i32
          %get3A_625 = arith.index_cast %get3A_624 : i32 to index
          %get3A_626 = arith.index_cast %add3A_464 : i32 to index
          %get3A_627 = arith.constant 32 : index
          %get3A_628 = tpu.vector_load %arg10[%get3A_625, %get3A_626, %get3A_627] {strides = array<i32>} : memref<10x64x64xf32, #tpu.memory_space<vmem>>, vector<1x1x16xf32>,
          %get3A_629 = vector.shape_cast %get3A_628 : vector<1x1x16xf32> to vector<16xf32>
          %add3A_630 = arith.addf %add3A_623, %get3A_629 : vector<16xf32>
          %get3A_631 = arith.constant 3 : i32
          %get3A_632 = arith.index_cast %get3A_631 : i32 to index
          %get3A_633 = arith.index_cast %add3A_464 : i32 to index
          %get3A_634 = arith.constant 32 : index
          %get3A_635 = tpu.vector_load %arg10[%get3A_632, %get3A_633, %get3A_634] {strides = array<i32>} : memref<10x64x64xf32, #tpu.memory_space<vmem>>, vector<1x1x16xf32>,
          %get3A_636 = vector.shape_cast %get3A_635 : vector<1x1x16xf32> to vector<16xf32>
          %add3A_637 = arith.addf %add3A_630, %get3A_636 : vector<16xf32>
          %get3A_638 = arith.constant 4 : i32
          %get3A_639 = arith.index_cast %get3A_638 : i32 to index
          %get3A_640 = arith.index_cast %add3A_464 : i32 to index
          %get3A_641 = arith.constant 32 : index
          %get3A_642 = tpu.vector_load %arg10[%get3A_639, %get3A_640, %get3A_641] {strides = array<i32>} : memref<10x64x64xf32, #tpu.memory_space<vmem>>, vector<1x1x16xf32>,
          %get3A_643 = vector.shape_cast %get3A_642 : vector<1x1x16xf32> to vector<16xf32>
          %add3A_644 = arith.addf %add3A_637, %get3A_643 : vector<16xf32>
          %get3A_645 = arith.constant 5 : i32
          %get3A_646 = arith.index_cast %get3A_645 : i32 to index
          %get3A_647 = arith.index_cast %add3A_464 : i32 to index
          %get3A_648 = arith.constant 32 : index
          %get3A_649 = tpu.vector_load %arg10[%get3A_646, %get3A_647, %get3A_648] {strides = array<i32>} : memref<10x64x64xf32, #tpu.memory_space<vmem>>, vector<1x1x16xf32>,
          %get3A_650 = vector.shape_cast %get3A_649 : vector<1x1x16xf32> to vector<16xf32>
          %add3A_651 = arith.addf %add3A_644, %get3A_650 : vector<16xf32>
          %get3A_652 = arith.constant 6 : i32
          %get3A_653 = arith.index_cast %get3A_652 : i32 to index
          %get3A_654 = arith.index_cast %add3A_464 : i32 to index
          %get3A_655 = arith.constant 32 : index
          %get3A_656 = tpu.vector_load %arg10[%get3A_653, %get3A_654, %get3A_655] {strides = array<i32>} : memref<10x64x64xf32, #tpu.memory_space<vmem>>, vector<1x1x16xf32>,
          %get3A_657 = vector.shape_cast %get3A_656 : vector<1x1x16xf32> to vector<16xf32>
          %add3A_658 = arith.addf %add3A_651, %get3A_657 : vector<16xf32>
          %get3A_659 = arith.constant 7 : i32
          %get3A_660 = arith.index_cast %get3A_659 : i32 to index
          %get3A_661 = arith.index_cast %add3A_464 : i32 to index
          %get3A_662 = arith.constant 32 : index
          %get3A_663 = tpu.vector_load %arg10[%get3A_660, %get3A_661, %get3A_662] {strides = array<i32>} : memref<10x64x64xf32, #tpu.memory_space<vmem>>, vector<1x1x16xf32>,
          %get3A_664 = vector.shape_cast %get3A_663 : vector<1x1x16xf32> to vector<16xf32>
          %add3A_665 = arith.addf %add3A_658, %get3A_664 : vector<16xf32>
          %get3A_666 = arith.constant 8 : i32
          %get3A_667 = arith.index_cast %get3A_666 : i32 to index
          %get3A_668 = arith.index_cast %add3A_464 : i32 to index
          %get3A_669 = arith.constant 32 : index
          %get3A_670 = tpu.vector_load %arg10[%get3A_667, %get3A_668, %get3A_669] {strides = array<i32>} : memref<10x64x64xf32, #tpu.memory_space<vmem>>, vector<1x1x16xf32>,
          %get3A_671 = vector.shape_cast %get3A_670 : vector<1x1x16xf32> to vector<16xf32>
          %add3A_672 = arith.addf %add3A_665, %get3A_671 : vector<16xf32>
          %get3A_673 = arith.constant 9 : i32
          %get3A_674 = arith.index_cast %get3A_673 : i32 to index
          %get3A_675 = arith.index_cast %add3A_464 : i32 to index
          %get3A_676 = arith.constant 32 : index
          %get3A_677 = tpu.vector_load %arg10[%get3A_674, %get3A_675, %get3A_676] {strides = array<i32>} : memref<10x64x64xf32, #tpu.memory_space<vmem>>, vector<1x1x16xf32>,
          %get3A_678 = vector.shape_cast %get3A_677 : vector<1x1x16xf32> to vector<16xf32>
          %add3A_679 = arith.addf %add3A_672, %get3A_678 : vector<16xf32>
          %swap3A_680 = arith.index_cast %add3A_464 : i32 to index
          %swap3A_681 = arith.constant 32 : index
          %swap3A_682 = tpu.vector_load %arg12[%swap3A_680, %swap3A_681] {strides = array<i32>} : memref<64x64xf32, #tpu.memory_space<vmem>>, vector<1x16xf32>,
          %swap3A_683 = vector.shape_cast %swap3A_682 : vector<1x16xf32> to vector<16xf32>
          %swap3A_684 = vector.shape_cast %add3A_679 : vector<16xf32> to vector<1x16xf32>
          tpu.vector_store %arg12[%swap3A_680, %swap3A_681], %swap3A_684 {strides = array<i32>} : memref<64x64xf32, #tpu.memory_space<vmem>>, vector<1x16xf32>,
          %get3A_685 = arith.constant 0 : i32
          %get3A_686 = arith.index_cast %get3A_685 : i32 to index
          %get3A_687 = arith.index_cast %add3A_464 : i32 to index
          %get3A_688 = arith.constant 48 : index
          %get3A_689 = tpu.vector_load %arg10[%get3A_686, %get3A_687, %get3A_688] {strides = array<i32>} : memref<10x64x64xf32, #tpu.memory_space<vmem>>, vector<1x1x16xf32>,
          %get3A_690 = vector.shape_cast %get3A_689 : vector<1x1x16xf32> to vector<16xf32>
          %get3A_691 = arith.constant 1 : i32
          %get3A_692 = arith.index_cast %get3A_691 : i32 to index
          %get3A_693 = arith.index_cast %add3A_464 : i32 to index
          %get3A_694 = arith.constant 48 : index
          %get3A_695 = tpu.vector_load %arg10[%get3A_692, %get3A_693, %get3A_694] {strides = array<i32>} : memref<10x64x64xf32, #tpu.memory_space<vmem>>, vector<1x1x16xf32>,
          %get3A_696 = vector.shape_cast %get3A_695 : vector<1x1x16xf32> to vector<16xf32>
          %add3A_697 = arith.addf %get3A_690, %get3A_696 : vector<16xf32>
          %get3A_698 = arith.constant 2 : i32
          %get3A_699 = arith.index_cast %get3A_698 : i32 to index
          %get3A_700 = arith.index_cast %add3A_464 : i32 to index
          %get3A_701 = arith.constant 48 : index
          %get3A_702 = tpu.vector_load %arg10[%get3A_699, %get3A_700, %get3A_701] {strides = array<i32>} : memref<10x64x64xf32, #tpu.memory_space<vmem>>, vector<1x1x16xf32>,
          %get3A_703 = vector.shape_cast %get3A_702 : vector<1x1x16xf32> to vector<16xf32>
          %add3A_704 = arith.addf %add3A_697, %get3A_703 : vector<16xf32>
          %get3A_705 = arith.constant 3 : i32
          %get3A_706 = arith.index_cast %get3A_705 : i32 to index
          %get3A_707 = arith.index_cast %add3A_464 : i32 to index
          %get3A_708 = arith.constant 48 : index
          %get3A_709 = tpu.vector_load %arg10[%get3A_706, %get3A_707, %get3A_708] {strides = array<i32>} : memref<10x64x64xf32, #tpu.memory_space<vmem>>, vector<1x1x16xf32>,
          %get3A_710 = vector.shape_cast %get3A_709 : vector<1x1x16xf32> to vector<16xf32>
          %add3A_711 = arith.addf %add3A_704, %get3A_710 : vector<16xf32>
          %get3A_712 = arith.constant 4 : i32
          %get3A_713 = arith.index_cast %get3A_712 : i32 to index
          %get3A_714 = arith.index_cast %add3A_464 : i32 to index
          %get3A_715 = arith.constant 48 : index
          %get3A_716 = tpu.vector_load %arg10[%get3A_713, %get3A_714, %get3A_715] {strides = array<i32>} : memref<10x64x64xf32, #tpu.memory_space<vmem>>, vector<1x1x16xf32>,
          %get3A_717 = vector.shape_cast %get3A_716 : vector<1x1x16xf32> to vector<16xf32>
          %add3A_718 = arith.addf %add3A_711, %get3A_717 : vector<16xf32>
          %get3A_719 = arith.constant 5 : i32
          %get3A_720 = arith.index_cast %get3A_719 : i32 to index
          %get3A_721 = arith.index_cast %add3A_464 : i32 to index
          %get3A_722 = arith.constant 48 : index
          %get3A_723 = tpu.vector_load %arg10[%get3A_720, %get3A_721, %get3A_722] {strides = array<i32>} : memref<10x64x64xf32, #tpu.memory_space<vmem>>, vector<1x1x16xf32>,
          %get3A_724 = vector.shape_cast %get3A_723 : vector<1x1x16xf32> to vector<16xf32>
          %add3A_725 = arith.addf %add3A_718, %get3A_724 : vector<16xf32>
          %get3A_726 = arith.constant 6 : i32
          %get3A_727 = arith.index_cast %get3A_726 : i32 to index
          %get3A_728 = arith.index_cast %add3A_464 : i32 to index
          %get3A_729 = arith.constant 48 : index
          %get3A_730 = tpu.vector_load %arg10[%get3A_727, %get3A_728, %get3A_729] {strides = array<i32>} : memref<10x64x64xf32, #tpu.memory_space<vmem>>, vector<1x1x16xf32>,
          %get3A_731 = vector.shape_cast %get3A_730 : vector<1x1x16xf32> to vector<16xf32>
          %add3A_732 = arith.addf %add3A_725, %get3A_731 : vector<16xf32>
          %get3A_733 = arith.constant 7 : i32
          %get3A_734 = arith.index_cast %get3A_733 : i32 to index
          %get3A_735 = arith.index_cast %add3A_464 : i32 to index
          %get3A_736 = arith.constant 48 : index
          %get3A_737 = tpu.vector_load %arg10[%get3A_734, %get3A_735, %get3A_736] {strides = array<i32>} : memref<10x64x64xf32, #tpu.memory_space<vmem>>, vector<1x1x16xf32>,
          %get3A_738 = vector.shape_cast %get3A_737 : vector<1x1x16xf32> to vector<16xf32>
          %add3A_739 = arith.addf %add3A_732, %get3A_738 : vector<16xf32>
          %get3A_740 = arith.constant 8 : i32
          %get3A_741 = arith.index_cast %get3A_740 : i32 to index
          %get3A_742 = arith.index_cast %add3A_464 : i32 to index
          %get3A_743 = arith.constant 48 : index
          %get3A_744 = tpu.vector_load %arg10[%get3A_741, %get3A_742, %get3A_743] {strides = array<i32>} : memref<10x64x64xf32, #tpu.memory_space<vmem>>, vector<1x1x16xf32>,
          %get3A_745 = vector.shape_cast %get3A_744 : vector<1x1x16xf32> to vector<16xf32>
          %add3A_746 = arith.addf %add3A_739, %get3A_745 : vector<16xf32>
          %get3A_747 = arith.constant 9 : i32
          %get3A_748 = arith.index_cast %get3A_747 : i32 to index
          %get3A_749 = arith.index_cast %add3A_464 : i32 to index
          %get3A_750 = arith.constant 48 : index
          %get3A_751 = tpu.vector_load %arg10[%get3A_748, %get3A_749, %get3A_750] {strides = array<i32>} : memref<10x64x64xf32, #tpu.memory_space<vmem>>, vector<1x1x16xf32>,
          %get3A_752 = vector.shape_cast %get3A_751 : vector<1x1x16xf32> to vector<16xf32>
          %add3A_753 = arith.addf %add3A_746, %get3A_752 : vector<16xf32>
          %swap3A_754 = arith.index_cast %add3A_464 : i32 to index
          %swap3A_755 = arith.constant 48 : index
          %swap3A_756 = tpu.vector_load %arg12[%swap3A_754, %swap3A_755] {strides = array<i32>} : memref<64x64xf32, #tpu.memory_space<vmem>>, vector<1x16xf32>,
          %swap3A_757 = vector.shape_cast %swap3A_756 : vector<1x16xf32> to vector<16xf32>
          %swap3A_758 = vector.shape_cast %add3A_753 : vector<16xf32> to vector<1x16xf32>
          tpu.vector_store %arg12[%swap3A_754, %swap3A_755], %swap3A_758 {strides = array<i32>} : memref<64x64xf32, #tpu.memory_space<vmem>>, vector<1x16xf32>,
        }
        %scan3A_298 = arith.constant 64 : i32
        %dma_wait3A_299 = arith.constant 0 : i32
        %dma_wait3A_300 = arith.constant 0 : i32
        %dma_wait3A_301 = arith.constant 0 : i32
        %dma_wait3A_302 = tpu.memref_slice %arg11[%dma_wait3A_299, %dma_wait3A_300, %dma_wait3A_301] : memref<10x64x64xf32, #tpu.memory_space<vmem>> -> memref<1x64x64xf32, #tpu.memory_space<vmem>>
        %dma_wait3A_303 = tpu.memref_squeeze %dma_wait3A_302 : memref<1x64x64xf32, #tpu.memory_space<vmem>> -> memref<64x64xf32, #tpu.memory_space<vmem>>
        %dma_wait3A_304 = arith.constant 0 : i32
        %dma_wait3A_305 = arith.constant 0 : i32
        %dma_wait3A_306 = tpu.memref_slice %arg2[%dma_wait3A_304, %dma_wait3A_305] : memref<100001x64xf32, #tpu.memory_space<hbm>> -> memref<64x64xf32, #tpu.memory_space<hbm>>
        %dma_wait3A_307 = arith.constant 0 : i32
        %dma_wait3A_308 = arith.constant 0 : i32
        %dma_wait3A_309 = tpu.memref_slice %arg11[%dma_wait3A_299, %dma_wait3A_307, %dma_wait3A_308] : memref<10x64x64xf32, #tpu.memory_space<vmem>> -> memref<1x64x64xf32, #tpu.memory_space<vmem>>
        %dma_wait3A_310 = tpu.memref_squeeze %dma_wait3A_309 : memref<1x64x64xf32, #tpu.memory_space<vmem>> -> memref<64x64xf32, #tpu.memory_space<vmem>>
        %dma_wait3A_311 = arith.constant 0 : i32
        %dma_wait3A_312 = arith.constant 0 : i32
        %dma_wait3A_313 = tpu.memref_slice %arg2[%dma_wait3A_311, %dma_wait3A_312] : memref<100001x64xf32, #tpu.memory_space<hbm>> -> memref<64x64xf32, #tpu.memory_space<hbm>>
        tpu.wait_dma2 semaphore(%arg15 : memref<!tpu.dma_semaphore, #tpu.memory_space<semaphore_mem>>) src(%dma_wait3A_313 : memref<64x64xf32, #tpu.memory_space<hbm>>) dst(%dma_wait3A_310 : memref<64x64xf32, #tpu.memory_space<vmem>>)
        %dma_wait3A_314 = arith.constant 1 : i32
        %dma_wait3A_315 = arith.constant 0 : i32
        %dma_wait3A_316 = arith.constant 0 : i32
        %dma_wait3A_317 = tpu.memref_slice %arg11[%dma_wait3A_314, %dma_wait3A_315, %dma_wait3A_316] : memref<10x64x64xf32, #tpu.memory_space<vmem>> -> memref<1x64x64xf32, #tpu.memory_space<vmem>>
        %dma_wait3A_318 = tpu.memref_squeeze %dma_wait3A_317 : memref<1x64x64xf32, #tpu.memory_space<vmem>> -> memref<64x64xf32, #tpu.memory_space<vmem>>
        %dma_wait3A_319 = arith.constant 0 : i32
        %dma_wait3A_320 = arith.constant 0 : i32
        %dma_wait3A_321 = tpu.memref_slice %arg2[%dma_wait3A_319, %dma_wait3A_320] : memref<100001x64xf32, #tpu.memory_space<hbm>> -> memref<64x64xf32, #tpu.memory_space<hbm>>
        %dma_wait3A_322 = arith.constant 0 : i32
        %dma_wait3A_323 = arith.constant 0 : i32
        %dma_wait3A_324 = tpu.memref_slice %arg11[%dma_wait3A_314, %dma_wait3A_322, %dma_wait3A_323] : memref<10x64x64xf32, #tpu.memory_space<vmem>> -> memref<1x64x64xf32, #tpu.memory_space<vmem>>
        %dma_wait3A_325 = tpu.memref_squeeze %dma_wait3A_324 : memref<1x64x64xf32, #tpu.memory_space<vmem>> -> memref<64x64xf32, #tpu.memory_space<vmem>>
        %dma_wait3A_326 = arith.constant 0 : i32
        %dma_wait3A_327 = arith.constant 0 : i32
        %dma_wait3A_328 = tpu.memref_slice %arg2[%dma_wait3A_326, %dma_wait3A_327] : memref<100001x64xf32, #tpu.memory_space<hbm>> -> memref<64x64xf32, #tpu.memory_space<hbm>>
        tpu.wait_dma2 semaphore(%arg15 : memref<!tpu.dma_semaphore, #tpu.memory_space<semaphore_mem>>) src(%dma_wait3A_328 : memref<64x64xf32, #tpu.memory_space<hbm>>) dst(%dma_wait3A_325 : memref<64x64xf32, #tpu.memory_space<vmem>>)
        %dma_wait3A_329 = arith.constant 2 : i32
        %dma_wait3A_330 = arith.constant 0 : i32
        %dma_wait3A_331 = arith.constant 0 : i32
        %dma_wait3A_332 = tpu.memref_slice %arg11[%dma_wait3A_329, %dma_wait3A_330, %dma_wait3A_331] : memref<10x64x64xf32, #tpu.memory_space<vmem>> -> memref<1x64x64xf32, #tpu.memory_space<vmem>>
        %dma_wait3A_333 = tpu.memref_squeeze %dma_wait3A_332 : memref<1x64x64xf32, #tpu.memory_space<vmem>> -> memref<64x64xf32, #tpu.memory_space<vmem>>
        %dma_wait3A_334 = arith.constant 0 : i32
        %dma_wait3A_335 = arith.constant 0 : i32
        %dma_wait3A_336 = tpu.memref_slice %arg2[%dma_wait3A_334, %dma_wait3A_335] : memref<100001x64xf32, #tpu.memory_space<hbm>> -> memref<64x64xf32, #tpu.memory_space<hbm>>
        %dma_wait3A_337 = arith.constant 0 : i32
        %dma_wait3A_338 = arith.constant 0 : i32
        %dma_wait3A_339 = tpu.memref_slice %arg11[%dma_wait3A_329, %dma_wait3A_337, %dma_wait3A_338] : memref<10x64x64xf32, #tpu.memory_space<vmem>> -> memref<1x64x64xf32, #tpu.memory_space<vmem>>
        %dma_wait3A_340 = tpu.memref_squeeze %dma_wait3A_339 : memref<1x64x64xf32, #tpu.memory_space<vmem>> -> memref<64x64xf32, #tpu.memory_space<vmem>>
        %dma_wait3A_341 = arith.constant 0 : i32
        %dma_wait3A_342 = arith.constant 0 : i32
        %dma_wait3A_343 = tpu.memref_slice %arg2[%dma_wait3A_341, %dma_wait3A_342] : memref<100001x64xf32, #tpu.memory_space<hbm>> -> memref<64x64xf32, #tpu.memory_space<hbm>>
        tpu.wait_dma2 semaphore(%arg15 : memref<!tpu.dma_semaphore, #tpu.memory_space<semaphore_mem>>) src(%dma_wait3A_343 : memref<64x64xf32, #tpu.memory_space<hbm>>) dst(%dma_wait3A_340 : memref<64x64xf32, #tpu.memory_space<vmem>>)
        %dma_wait3A_344 = arith.constant 3 : i32
        %dma_wait3A_345 = arith.constant 0 : i32
        %dma_wait3A_346 = arith.constant 0 : i32
        %dma_wait3A_347 = tpu.memref_slice %arg11[%dma_wait3A_344, %dma_wait3A_345, %dma_wait3A_346] : memref<10x64x64xf32, #tpu.memory_space<vmem>> -> memref<1x64x64xf32, #tpu.memory_space<vmem>>
        %dma_wait3A_348 = tpu.memref_squeeze %dma_wait3A_347 : memref<1x64x64xf32, #tpu.memory_space<vmem>> -> memref<64x64xf32, #tpu.memory_space<vmem>>
        %dma_wait3A_349 = arith.constant 0 : i32
        %dma_wait3A_350 = arith.constant 0 : i32
        %dma_wait3A_351 = tpu.memref_slice %arg2[%dma_wait3A_349, %dma_wait3A_350] : memref<100001x64xf32, #tpu.memory_space<hbm>> -> memref<64x64xf32, #tpu.memory_space<hbm>>
        %dma_wait3A_352 = arith.constant 0 : i32
        %dma_wait3A_353 = arith.constant 0 : i32
        %dma_wait3A_354 = tpu.memref_slice %arg11[%dma_wait3A_344, %dma_wait3A_352, %dma_wait3A_353] : memref<10x64x64xf32, #tpu.memory_space<vmem>> -> memref<1x64x64xf32, #tpu.memory_space<vmem>>
        %dma_wait3A_355 = tpu.memref_squeeze %dma_wait3A_354 : memref<1x64x64xf32, #tpu.memory_space<vmem>> -> memref<64x64xf32, #tpu.memory_space<vmem>>
        %dma_wait3A_356 = arith.constant 0 : i32
        %dma_wait3A_357 = arith.constant 0 : i32
        %dma_wait3A_358 = tpu.memref_slice %arg2[%dma_wait3A_356, %dma_wait3A_357] : memref<100001x64xf32, #tpu.memory_space<hbm>> -> memref<64x64xf32, #tpu.memory_space<hbm>>
        tpu.wait_dma2 semaphore(%arg15 : memref<!tpu.dma_semaphore, #tpu.memory_space<semaphore_mem>>) src(%dma_wait3A_358 : memref<64x64xf32, #tpu.memory_space<hbm>>) dst(%dma_wait3A_355 : memref<64x64xf32, #tpu.memory_space<vmem>>)
        %dma_wait3A_359 = arith.constant 4 : i32
        %dma_wait3A_360 = arith.constant 0 : i32
        %dma_wait3A_361 = arith.constant 0 : i32
        %dma_wait3A_362 = tpu.memref_slice %arg11[%dma_wait3A_359, %dma_wait3A_360, %dma_wait3A_361] : memref<10x64x64xf32, #tpu.memory_space<vmem>> -> memref<1x64x64xf32, #tpu.memory_space<vmem>>
        %dma_wait3A_363 = tpu.memref_squeeze %dma_wait3A_362 : memref<1x64x64xf32, #tpu.memory_space<vmem>> -> memref<64x64xf32, #tpu.memory_space<vmem>>
        %dma_wait3A_364 = arith.constant 0 : i32
        %dma_wait3A_365 = arith.constant 0 : i32
        %dma_wait3A_366 = tpu.memref_slice %arg2[%dma_wait3A_364, %dma_wait3A_365] : memref<100001x64xf32, #tpu.memory_space<hbm>> -> memref<64x64xf32, #tpu.memory_space<hbm>>
        %dma_wait3A_367 = arith.constant 0 : i32
        %dma_wait3A_368 = arith.constant 0 : i32
        %dma_wait3A_369 = tpu.memref_slice %arg11[%dma_wait3A_359, %dma_wait3A_367, %dma_wait3A_368] : memref<10x64x64xf32, #tpu.memory_space<vmem>> -> memref<1x64x64xf32, #tpu.memory_space<vmem>>
        %dma_wait3A_370 = tpu.memref_squeeze %dma_wait3A_369 : memref<1x64x64xf32, #tpu.memory_space<vmem>> -> memref<64x64xf32, #tpu.memory_space<vmem>>
        %dma_wait3A_371 = arith.constant 0 : i32
        %dma_wait3A_372 = arith.constant 0 : i32
        %dma_wait3A_373 = tpu.memref_slice %arg2[%dma_wait3A_371, %dma_wait3A_372] : memref<100001x64xf32, #tpu.memory_space<hbm>> -> memref<64x64xf32, #tpu.memory_space<hbm>>
        tpu.wait_dma2 semaphore(%arg15 : memref<!tpu.dma_semaphore, #tpu.memory_space<semaphore_mem>>) src(%dma_wait3A_373 : memref<64x64xf32, #tpu.memory_space<hbm>>) dst(%dma_wait3A_370 : memref<64x64xf32, #tpu.memory_space<vmem>>)
        %dma_wait3A_374 = arith.constant 5 : i32
        %dma_wait3A_375 = arith.constant 0 : i32
        %dma_wait3A_376 = arith.constant 0 : i32
        %dma_wait3A_377 = tpu.memref_slice %arg11[%dma_wait3A_374, %dma_wait3A_375, %dma_wait3A_376] : memref<10x64x64xf32, #tpu.memory_space<vmem>> -> memref<1x64x64xf32, #tpu.memory_space<vmem>>
        %dma_wait3A_378 = tpu.memref_squeeze %dma_wait3A_377 : memref<1x64x64xf32, #tpu.memory_space<vmem>> -> memref<64x64xf32, #tpu.memory_space<vmem>>
        %dma_wait3A_379 = arith.constant 0 : i32
        %dma_wait3A_380 = arith.constant 0 : i32
        %dma_wait3A_381 = tpu.memref_slice %arg2[%dma_wait3A_379, %dma_wait3A_380] : memref<100001x64xf32, #tpu.memory_space<hbm>> -> memref<64x64xf32, #tpu.memory_space<hbm>>
        %dma_wait3A_382 = arith.constant 0 : i32
        %dma_wait3A_383 = arith.constant 0 : i32
        %dma_wait3A_384 = tpu.memref_slice %arg11[%dma_wait3A_374, %dma_wait3A_382, %dma_wait3A_383] : memref<10x64x64xf32, #tpu.memory_space<vmem>> -> memref<1x64x64xf32, #tpu.memory_space<vmem>>
        %dma_wait3A_385 = tpu.memref_squeeze %dma_wait3A_384 : memref<1x64x64xf32, #tpu.memory_space<vmem>> -> memref<64x64xf32, #tpu.memory_space<vmem>>
        %dma_wait3A_386 = arith.constant 0 : i32
        %dma_wait3A_387 = arith.constant 0 : i32
        %dma_wait3A_388 = tpu.memref_slice %arg2[%dma_wait3A_386, %dma_wait3A_387] : memref<100001x64xf32, #tpu.memory_space<hbm>> -> memref<64x64xf32, #tpu.memory_space<hbm>>
        tpu.wait_dma2 semaphore(%arg15 : memref<!tpu.dma_semaphore, #tpu.memory_space<semaphore_mem>>) src(%dma_wait3A_388 : memref<64x64xf32, #tpu.memory_space<hbm>>) dst(%dma_wait3A_385 : memref<64x64xf32, #tpu.memory_space<vmem>>)
        %dma_wait3A_389 = arith.constant 6 : i32
        %dma_wait3A_390 = arith.constant 0 : i32
        %dma_wait3A_391 = arith.constant 0 : i32
        %dma_wait3A_392 = tpu.memref_slice %arg11[%dma_wait3A_389, %dma_wait3A_390, %dma_wait3A_391] : memref<10x64x64xf32, #tpu.memory_space<vmem>> -> memref<1x64x64xf32, #tpu.memory_space<vmem>>
        %dma_wait3A_393 = tpu.memref_squeeze %dma_wait3A_392 : memref<1x64x64xf32, #tpu.memory_space<vmem>> -> memref<64x64xf32, #tpu.memory_space<vmem>>
        %dma_wait3A_394 = arith.constant 0 : i32
        %dma_wait3A_395 = arith.constant 0 : i32
        %dma_wait3A_396 = tpu.memref_slice %arg2[%dma_wait3A_394, %dma_wait3A_395] : memref<100001x64xf32, #tpu.memory_space<hbm>> -> memref<64x64xf32, #tpu.memory_space<hbm>>
        %dma_wait3A_397 = arith.constant 0 : i32
        %dma_wait3A_398 = arith.constant 0 : i32
        %dma_wait3A_399 = tpu.memref_slice %arg11[%dma_wait3A_389, %dma_wait3A_397, %dma_wait3A_398] : memref<10x64x64xf32, #tpu.memory_space<vmem>> -> memref<1x64x64xf32, #tpu.memory_space<vmem>>
        %dma_wait3A_400 = tpu.memref_squeeze %dma_wait3A_399 : memref<1x64x64xf32, #tpu.memory_space<vmem>> -> memref<64x64xf32, #tpu.memory_space<vmem>>
        %dma_wait3A_401 = arith.constant 0 : i32
        %dma_wait3A_402 = arith.constant 0 : i32
        %dma_wait3A_403 = tpu.memref_slice %arg2[%dma_wait3A_401, %dma_wait3A_402] : memref<100001x64xf32, #tpu.memory_space<hbm>> -> memref<64x64xf32, #tpu.memory_space<hbm>>
        tpu.wait_dma2 semaphore(%arg15 : memref<!tpu.dma_semaphore, #tpu.memory_space<semaphore_mem>>) src(%dma_wait3A_403 : memref<64x64xf32, #tpu.memory_space<hbm>>) dst(%dma_wait3A_400 : memref<64x64xf32, #tpu.memory_space<vmem>>)
        %dma_wait3A_404 = arith.constant 7 : i32
        %dma_wait3A_405 = arith.constant 0 : i32
        %dma_wait3A_406 = arith.constant 0 : i32
        %dma_wait3A_407 = tpu.memref_slice %arg11[%dma_wait3A_404, %dma_wait3A_405, %dma_wait3A_406] : memref<10x64x64xf32, #tpu.memory_space<vmem>> -> memref<1x64x64xf32, #tpu.memory_space<vmem>>
        %dma_wait3A_408 = tpu.memref_squeeze %dma_wait3A_407 : memref<1x64x64xf32, #tpu.memory_space<vmem>> -> memref<64x64xf32, #tpu.memory_space<vmem>>
        %dma_wait3A_409 = arith.constant 0 : i32
        %dma_wait3A_410 = arith.constant 0 : i32
        %dma_wait3A_411 = tpu.memref_slice %arg2[%dma_wait3A_409, %dma_wait3A_410] : memref<100001x64xf32, #tpu.memory_space<hbm>> -> memref<64x64xf32, #tpu.memory_space<hbm>>
        %dma_wait3A_412 = arith.constant 0 : i32
        %dma_wait3A_413 = arith.constant 0 : i32
        %dma_wait3A_414 = tpu.memref_slice %arg11[%dma_wait3A_404, %dma_wait3A_412, %dma_wait3A_413] : memref<10x64x64xf32, #tpu.memory_space<vmem>> -> memref<1x64x64xf32, #tpu.memory_space<vmem>>
        %dma_wait3A_415 = tpu.memref_squeeze %dma_wait3A_414 : memref<1x64x64xf32, #tpu.memory_space<vmem>> -> memref<64x64xf32, #tpu.memory_space<vmem>>
        %dma_wait3A_416 = arith.constant 0 : i32
        %dma_wait3A_417 = arith.constant 0 : i32
        %dma_wait3A_418 = tpu.memref_slice %arg2[%dma_wait3A_416, %dma_wait3A_417] : memref<100001x64xf32, #tpu.memory_space<hbm>> -> memref<64x64xf32, #tpu.memory_space<hbm>>
        tpu.wait_dma2 semaphore(%arg15 : memref<!tpu.dma_semaphore, #tpu.memory_space<semaphore_mem>>) src(%dma_wait3A_418 : memref<64x64xf32, #tpu.memory_space<hbm>>) dst(%dma_wait3A_415 : memref<64x64xf32, #tpu.memory_space<vmem>>)
        %dma_wait3A_419 = arith.constant 8 : i32
        %dma_wait3A_420 = arith.constant 0 : i32
        %dma_wait3A_421 = arith.constant 0 : i32
        %dma_wait3A_422 = tpu.memref_slice %arg11[%dma_wait3A_419, %dma_wait3A_420, %dma_wait3A_421] : memref<10x64x64xf32, #tpu.memory_space<vmem>> -> memref<1x64x64xf32, #tpu.memory_space<vmem>>
        %dma_wait3A_423 = tpu.memref_squeeze %dma_wait3A_422 : memref<1x64x64xf32, #tpu.memory_space<vmem>> -> memref<64x64xf32, #tpu.memory_space<vmem>>
        %dma_wait3A_424 = arith.constant 0 : i32
        %dma_wait3A_425 = arith.constant 0 : i32
        %dma_wait3A_426 = tpu.memref_slice %arg2[%dma_wait3A_424, %dma_wait3A_425] : memref<100001x64xf32, #tpu.memory_space<hbm>> -> memref<64x64xf32, #tpu.memory_space<hbm>>
        %dma_wait3A_427 = arith.constant 0 : i32
        %dma_wait3A_428 = arith.constant 0 : i32
        %dma_wait3A_429 = tpu.memref_slice %arg11[%dma_wait3A_419, %dma_wait3A_427, %dma_wait3A_428] : memref<10x64x64xf32, #tpu.memory_space<vmem>> -> memref<1x64x64xf32, #tpu.memory_space<vmem>>
        %dma_wait3A_430 = tpu.memref_squeeze %dma_wait3A_429 : memref<1x64x64xf32, #tpu.memory_space<vmem>> -> memref<64x64xf32, #tpu.memory_space<vmem>>
        %dma_wait3A_431 = arith.constant 0 : i32
        %dma_wait3A_432 = arith.constant 0 : i32
        %dma_wait3A_433 = tpu.memref_slice %arg2[%dma_wait3A_431, %dma_wait3A_432] : memref<100001x64xf32, #tpu.memory_space<hbm>> -> memref<64x64xf32, #tpu.memory_space<hbm>>
        tpu.wait_dma2 semaphore(%arg15 : memref<!tpu.dma_semaphore, #tpu.memory_space<semaphore_mem>>) src(%dma_wait3A_433 : memref<64x64xf32, #tpu.memory_space<hbm>>) dst(%dma_wait3A_430 : memref<64x64xf32, #tpu.memory_space<vmem>>)
        %dma_wait3A_434 = arith.constant 9 : i32
        %dma_wait3A_435 = arith.constant 0 : i32
        %dma_wait3A_436 = arith.constant 0 : i32
        %dma_wait3A_437 = tpu.memref_slice %arg11[%dma_wait3A_434, %dma_wait3A_435, %dma_wait3A_436] : memref<10x64x64xf32, #tpu.memory_space<vmem>> -> memref<1x64x64xf32, #tpu.memory_space<vmem>>
        %dma_wait3A_438 = tpu.memref_squeeze %dma_wait3A_437 : memref<1x64x64xf32, #tpu.memory_space<vmem>> -> memref<64x64xf32, #tpu.memory_space<vmem>>
        %dma_wait3A_439 = arith.constant 0 : i32
        %dma_wait3A_440 = arith.constant 0 : i32
        %dma_wait3A_441 = tpu.memref_slice %arg2[%dma_wait3A_439, %dma_wait3A_440] : memref<100001x64xf32, #tpu.memory_space<hbm>> -> memref<64x64xf32, #tpu.memory_space<hbm>>
        %dma_wait3A_442 = arith.constant 0 : i32
        %dma_wait3A_443 = arith.constant 0 : i32
        %dma_wait3A_444 = tpu.memref_slice %arg11[%dma_wait3A_434, %dma_wait3A_442, %dma_wait3A_443] : memref<10x64x64xf32, #tpu.memory_space<vmem>> -> memref<1x64x64xf32, #tpu.memory_space<vmem>>
        %dma_wait3A_445 = tpu.memref_squeeze %dma_wait3A_444 : memref<1x64x64xf32, #tpu.memory_space<vmem>> -> memref<64x64xf32, #tpu.memory_space<vmem>>
        %dma_wait3A_446 = arith.constant 0 : i32
        %dma_wait3A_447 = arith.constant 0 : i32
        %dma_wait3A_448 = tpu.memref_slice %arg2[%dma_wait3A_446, %dma_wait3A_447] : memref<100001x64xf32, #tpu.memory_space<hbm>> -> memref<64x64xf32, #tpu.memory_space<hbm>>
        tpu.wait_dma2 semaphore(%arg15 : memref<!tpu.dma_semaphore, #tpu.memory_space<semaphore_mem>>) src(%dma_wait3A_448 : memref<64x64xf32, #tpu.memory_space<hbm>>) dst(%dma_wait3A_445 : memref<64x64xf32, #tpu.memory_space<vmem>>)
        %sub3A_449 = arith.constant 1 : i32
        %sub3A_450 = arith.subi %min3A_6, %sub3A_449 : i32
        %lt3A_451 = arith.cmpi slt, %add3A_19, %sub3A_450 : i32
        %convert_element_type3A_452 = arith.extui %lt3A_451 : i1 to i32
        %cond3A_453 = arith.constant 0 : i32
        %cond3A_454 = arith.cmpi ne, %convert_element_type3A_452, %cond3A_453 : i32
        scf.if %cond3A_454 {
          %add3A_460 = arith.constant 1 : i32
          %add3A_461 = arith.addi %add3A_24, %add3A_460 : i32
          %sub3A_462 = arith.constant 1 : i32
          %sub3A_463 = arith.subi %sub3A_462, %rem3A_25 : i32
          "tpu.region"() ({
            %run_scoped3A_586 = tpu.sem_alloc : memref<!tpu.dma_semaphore, #tpu.memory_space<semaphore_mem>>
            %dma_start3A_587 = arith.constant 0 : i32
            %dma_start3A_588 = arith.constant 0 : i32
            %dma_start3A_589 = tpu.memref_slice %arg9[%sub3A_463, %dma_start3A_587, %dma_start3A_588] : memref<2x20x64xi32, #tpu.memory_space<vmem>> -> memref<1x20x64xi32, #tpu.memory_space<vmem>>
            %dma_start3A_590 = tpu.memref_squeeze %dma_start3A_589 : memref<1x20x64xi32, #tpu.memory_space<vmem>> -> memref<20x64xi32, #tpu.memory_space<vmem>>
            %dma_start3A_591 = arith.constant 0 : i32
            %dma_start3A_592 = arith.constant 0 : i32
            %dma_start3A_593 = tpu.memref_slice %arg3[%add3A_461, %dma_start3A_591, %dma_start3A_592] : memref<2044x20x64xi32, #tpu.memory_space<hbm>> -> memref<1x20x64xi32, #tpu.memory_space<hbm>>
            %dma_start3A_594 = tpu.memref_squeeze %dma_start3A_593 : memref<1x20x64xi32, #tpu.memory_space<hbm>> -> memref<20x64xi32, #tpu.memory_space<hbm>>
            %dma_start3A_595 = arith.constant 0 : i32
            %dma_start3A_596 = arith.constant 0 : i32
            %dma_start3A_597 = tpu.memref_slice %arg9[%sub3A_463, %dma_start3A_595, %dma_start3A_596] : memref<2x20x64xi32, #tpu.memory_space<vmem>> -> memref<1x20x64xi32, #tpu.memory_space<vmem>>
            %dma_start3A_598 = tpu.memref_squeeze %dma_start3A_597 : memref<1x20x64xi32, #tpu.memory_space<vmem>> -> memref<20x64xi32, #tpu.memory_space<vmem>>
            %dma_start3A_599 = arith.constant 0 : i32
            %dma_start3A_600 = arith.constant 0 : i32
            %dma_start3A_601 = tpu.memref_slice %arg3[%add3A_461, %dma_start3A_599, %dma_start3A_600] : memref<2044x20x64xi32, #tpu.memory_space<hbm>> -> memref<1x20x64xi32, #tpu.memory_space<hbm>>
            %dma_start3A_602 = tpu.memref_squeeze %dma_start3A_601 : memref<1x20x64xi32, #tpu.memory_space<hbm>> -> memref<20x64xi32, #tpu.memory_space<hbm>>
            tpu.enqueue_dma source(%dma_start3A_602 : memref<20x64xi32, #tpu.memory_space<hbm>>) target(%dma_start3A_598 : memref<20x64xi32, #tpu.memory_space<vmem>>) target_semaphore(%run_scoped3A_586 : memref<!tpu.dma_semaphore, #tpu.memory_space<semaphore_mem>>)
            %dma_wait3A_603 = arith.constant 0 : i32
            %dma_wait3A_604 = arith.constant 0 : i32
            %dma_wait3A_605 = tpu.memref_slice %arg9[%sub3A_463, %dma_wait3A_603, %dma_wait3A_604] : memref<2x20x64xi32, #tpu.memory_space<vmem>> -> memref<1x20x64xi32, #tpu.memory_space<vmem>>
            %dma_wait3A_606 = tpu.memref_squeeze %dma_wait3A_605 : memref<1x20x64xi32, #tpu.memory_space<vmem>> -> memref<20x64xi32, #tpu.memory_space<vmem>>
            %dma_wait3A_607 = arith.constant 0 : i32
            %dma_wait3A_608 = arith.constant 0 : i32
            %dma_wait3A_609 = tpu.memref_slice %arg3[%add3A_461, %dma_wait3A_607, %dma_wait3A_608] : memref<2044x20x64xi32, #tpu.memory_space<hbm>> -> memref<1x20x64xi32, #tpu.memory_space<hbm>>
            %dma_wait3A_610 = tpu.memref_squeeze %dma_wait3A_609 : memref<1x20x64xi32, #tpu.memory_space<hbm>> -> memref<20x64xi32, #tpu.memory_space<hbm>>
            %dma_wait3A_611 = arith.constant 0 : i32
            %dma_wait3A_612 = arith.constant 0 : i32
            %dma_wait3A_613 = tpu.memref_slice %arg9[%sub3A_463, %dma_wait3A_611, %dma_wait3A_612] : memref<2x20x64xi32, #tpu.memory_space<vmem>> -> memref<1x20x64xi32, #tpu.memory_space<vmem>>
            %dma_wait3A_614 = tpu.memref_squeeze %dma_wait3A_613 : memref<1x20x64xi32, #tpu.memory_space<vmem>> -> memref<20x64xi32, #tpu.memory_space<vmem>>
            %dma_wait3A_615 = arith.constant 0 : i32
            %dma_wait3A_616 = arith.constant 0 : i32
            %dma_wait3A_617 = tpu.memref_slice %arg3[%add3A_461, %dma_wait3A_615, %dma_wait3A_616] : memref<2044x20x64xi32, #tpu.memory_space<hbm>> -> memref<1x20x64xi32, #tpu.memory_space<hbm>>
            %dma_wait3A_618 = tpu.memref_squeeze %dma_wait3A_617 : memref<1x20x64xi32, #tpu.memory_space<hbm>> -> memref<20x64xi32, #tpu.memory_space<hbm>>
            tpu.wait_dma2 semaphore(%run_scoped3A_586 : memref<!tpu.dma_semaphore, #tpu.memory_space<semaphore_mem>>) src(%dma_wait3A_618 : memref<20x64xi32, #tpu.memory_space<hbm>>) dst(%dma_wait3A_614 : memref<20x64xi32, #tpu.memory_space<vmem>>)
            tpu.yield
          }) : () -> ()
          %sub3A_464 = arith.constant 1 : i32
          %sub3A_465 = arith.subi %sub3A_464, %rem3A_25 : i32
          %dma_start3A_466 = arith.constant 0 : i32
          %dma_start3A_467 = arith.constant 0 : i32
          %dma_start3A_468 = arith.constant 0 : i32
          %dma_start3A_469 = arith.constant 0 : i32
          %dma_start3A_470 = tpu.memref_slice %arg10[%dma_start3A_467, %dma_start3A_468, %dma_start3A_469] : memref<10x64x64xf32, #tpu.memory_space<vmem>> -> memref<1x64x64xf32, #tpu.memory_space<vmem>>
          %dma_start3A_471 = tpu.memref_squeeze %dma_start3A_470 : memref<1x64x64xf32, #tpu.memory_space<vmem>> -> memref<64x64xf32, #tpu.memory_space<vmem>>
          %dma_start3A_472 = arith.constant 0 : i32
          %dma_start3A_473 = tpu.memref_slice %arg9[%sub3A_465, %dma_start3A_466, %dma_start3A_472] : memref<2x20x64xi32, #tpu.memory_space<vmem>> -> memref<1x1x64xi32, #tpu.memory_space<vmem>>
          %dma_start3A_474 = tpu.memref_squeeze %dma_start3A_473 : memref<1x1x64xi32, #tpu.memory_space<vmem>> -> memref<64xi32, #tpu.memory_space<vmem>>
          %dma_start3A_475 = arith.constant 0 : i32
          %dma_start3A_476 = arith.constant 0 : i32
          %dma_start3A_477 = tpu.memref_slice %arg2[%dma_start3A_475, %dma_start3A_476] : memref<100001x64xf32, #tpu.memory_space<hbm>> -> memref<100001x64xf32, #tpu.memory_space<hbm>>
          tpu.enqueue_indirect_dma source(%dma_start3A_477 : memref<100001x64xf32, #tpu.memory_space<hbm>>) target(%dma_start3A_471 : memref<64x64xf32, #tpu.memory_space<vmem>>) offsets(%dma_start3A_474 : memref<64xi32, #tpu.memory_space<vmem>>) semaphore(%arg14 : memref<!tpu.dma_semaphore, #tpu.memory_space<semaphore_mem>>)
          %dma_start3A_478 = arith.constant 1 : i32
          %dma_start3A_479 = arith.constant 1 : i32
          %dma_start3A_480 = arith.constant 0 : i32
          %dma_start3A_481 = arith.constant 0 : i32
          %dma_start3A_482 = tpu.memref_slice %arg10[%dma_start3A_479, %dma_start3A_480, %dma_start3A_481] : memref<10x64x64xf32, #tpu.memory_space<vmem>> -> memref<1x64x64xf32, #tpu.memory_space<vmem>>
          %dma_start3A_483 = tpu.memref_squeeze %dma_start3A_482 : memref<1x64x64xf32, #tpu.memory_space<vmem>> -> memref<64x64xf32, #tpu.memory_space<vmem>>
          %dma_start3A_484 = arith.constant 0 : i32
          %dma_start3A_485 = tpu.memref_slice %arg9[%sub3A_465, %dma_start3A_478, %dma_start3A_484] : memref<2x20x64xi32, #tpu.memory_space<vmem>> -> memref<1x1x64xi32, #tpu.memory_space<vmem>>
          %dma_start3A_486 = tpu.memref_squeeze %dma_start3A_485 : memref<1x1x64xi32, #tpu.memory_space<vmem>> -> memref<64xi32, #tpu.memory_space<vmem>>
          %dma_start3A_487 = arith.constant 0 : i32
          %dma_start3A_488 = arith.constant 0 : i32
          %dma_start3A_489 = tpu.memref_slice %arg2[%dma_start3A_487, %dma_start3A_488] : memref<100001x64xf32, #tpu.memory_space<hbm>> -> memref<100001x64xf32, #tpu.memory_space<hbm>>
          tpu.enqueue_indirect_dma source(%dma_start3A_489 : memref<100001x64xf32, #tpu.memory_space<hbm>>) target(%dma_start3A_483 : memref<64x64xf32, #tpu.memory_space<vmem>>) offsets(%dma_start3A_486 : memref<64xi32, #tpu.memory_space<vmem>>) semaphore(%arg14 : memref<!tpu.dma_semaphore, #tpu.memory_space<semaphore_mem>>)
          %dma_start3A_490 = arith.constant 2 : i32
          %dma_start3A_491 = arith.constant 2 : i32
          %dma_start3A_492 = arith.constant 0 : i32
          %dma_start3A_493 = arith.constant 0 : i32
          %dma_start3A_494 = tpu.memref_slice %arg10[%dma_start3A_491, %dma_start3A_492, %dma_start3A_493] : memref<10x64x64xf32, #tpu.memory_space<vmem>> -> memref<1x64x64xf32, #tpu.memory_space<vmem>>
          %dma_start3A_495 = tpu.memref_squeeze %dma_start3A_494 : memref<1x64x64xf32, #tpu.memory_space<vmem>> -> memref<64x64xf32, #tpu.memory_space<vmem>>
          %dma_start3A_496 = arith.constant 0 : i32
          %dma_start3A_497 = tpu.memref_slice %arg9[%sub3A_465, %dma_start3A_490, %dma_start3A_496] : memref<2x20x64xi32, #tpu.memory_space<vmem>> -> memref<1x1x64xi32, #tpu.memory_space<vmem>>
          %dma_start3A_498 = tpu.memref_squeeze %dma_start3A_497 : memref<1x1x64xi32, #tpu.memory_space<vmem>> -> memref<64xi32, #tpu.memory_space<vmem>>
          %dma_start3A_499 = arith.constant 0 : i32
          %dma_start3A_500 = arith.constant 0 : i32
          %dma_start3A_501 = tpu.memref_slice %arg2[%dma_start3A_499, %dma_start3A_500] : memref<100001x64xf32, #tpu.memory_space<hbm>> -> memref<100001x64xf32, #tpu.memory_space<hbm>>
          tpu.enqueue_indirect_dma source(%dma_start3A_501 : memref<100001x64xf32, #tpu.memory_space<hbm>>) target(%dma_start3A_495 : memref<64x64xf32, #tpu.memory_space<vmem>>) offsets(%dma_start3A_498 : memref<64xi32, #tpu.memory_space<vmem>>) semaphore(%arg14 : memref<!tpu.dma_semaphore, #tpu.memory_space<semaphore_mem>>)
          %dma_start3A_502 = arith.constant 3 : i32
          %dma_start3A_503 = arith.constant 3 : i32
          %dma_start3A_504 = arith.constant 0 : i32
          %dma_start3A_505 = arith.constant 0 : i32
          %dma_start3A_506 = tpu.memref_slice %arg10[%dma_start3A_503, %dma_start3A_504, %dma_start3A_505] : memref<10x64x64xf32, #tpu.memory_space<vmem>> -> memref<1x64x64xf32, #tpu.memory_space<vmem>>
          %dma_start3A_507 = tpu.memref_squeeze %dma_start3A_506 : memref<1x64x64xf32, #tpu.memory_space<vmem>> -> memref<64x64xf32, #tpu.memory_space<vmem>>
          %dma_start3A_508 = arith.constant 0 : i32
          %dma_start3A_509 = tpu.memref_slice %arg9[%sub3A_465, %dma_start3A_502, %dma_start3A_508] : memref<2x20x64xi32, #tpu.memory_space<vmem>> -> memref<1x1x64xi32, #tpu.memory_space<vmem>>
          %dma_start3A_510 = tpu.memref_squeeze %dma_start3A_509 : memref<1x1x64xi32, #tpu.memory_space<vmem>> -> memref<64xi32, #tpu.memory_space<vmem>>
          %dma_start3A_511 = arith.constant 0 : i32
          %dma_start3A_512 = arith.constant 0 : i32
          %dma_start3A_513 = tpu.memref_slice %arg2[%dma_start3A_511, %dma_start3A_512] : memref<100001x64xf32, #tpu.memory_space<hbm>> -> memref<100001x64xf32, #tpu.memory_space<hbm>>
          tpu.enqueue_indirect_dma source(%dma_start3A_513 : memref<100001x64xf32, #tpu.memory_space<hbm>>) target(%dma_start3A_507 : memref<64x64xf32, #tpu.memory_space<vmem>>) offsets(%dma_start3A_510 : memref<64xi32, #tpu.memory_space<vmem>>) semaphore(%arg14 : memref<!tpu.dma_semaphore, #tpu.memory_space<semaphore_mem>>)
          %dma_start3A_514 = arith.constant 4 : i32
          %dma_start3A_515 = arith.constant 4 : i32
          %dma_start3A_516 = arith.constant 0 : i32
          %dma_start3A_517 = arith.constant 0 : i32
          %dma_start3A_518 = tpu.memref_slice %arg10[%dma_start3A_515, %dma_start3A_516, %dma_start3A_517] : memref<10x64x64xf32, #tpu.memory_space<vmem>> -> memref<1x64x64xf32, #tpu.memory_space<vmem>>
          %dma_start3A_519 = tpu.memref_squeeze %dma_start3A_518 : memref<1x64x64xf32, #tpu.memory_space<vmem>> -> memref<64x64xf32, #tpu.memory_space<vmem>>
          %dma_start3A_520 = arith.constant 0 : i32
          %dma_start3A_521 = tpu.memref_slice %arg9[%sub3A_465, %dma_start3A_514, %dma_start3A_520] : memref<2x20x64xi32, #tpu.memory_space<vmem>> -> memref<1x1x64xi32, #tpu.memory_space<vmem>>
          %dma_start3A_522 = tpu.memref_squeeze %dma_start3A_521 : memref<1x1x64xi32, #tpu.memory_space<vmem>> -> memref<64xi32, #tpu.memory_space<vmem>>
          %dma_start3A_523 = arith.constant 0 : i32
          %dma_start3A_524 = arith.constant 0 : i32
          %dma_start3A_525 = tpu.memref_slice %arg2[%dma_start3A_523, %dma_start3A_524] : memref<100001x64xf32, #tpu.memory_space<hbm>> -> memref<100001x64xf32, #tpu.memory_space<hbm>>
          tpu.enqueue_indirect_dma source(%dma_start3A_525 : memref<100001x64xf32, #tpu.memory_space<hbm>>) target(%dma_start3A_519 : memref<64x64xf32, #tpu.memory_space<vmem>>) offsets(%dma_start3A_522 : memref<64xi32, #tpu.memory_space<vmem>>) semaphore(%arg14 : memref<!tpu.dma_semaphore, #tpu.memory_space<semaphore_mem>>)
          %dma_start3A_526 = arith.constant 5 : i32
          %dma_start3A_527 = arith.constant 5 : i32
          %dma_start3A_528 = arith.constant 0 : i32
          %dma_start3A_529 = arith.constant 0 : i32
          %dma_start3A_530 = tpu.memref_slice %arg10[%dma_start3A_527, %dma_start3A_528, %dma_start3A_529] : memref<10x64x64xf32, #tpu.memory_space<vmem>> -> memref<1x64x64xf32, #tpu.memory_space<vmem>>
          %dma_start3A_531 = tpu.memref_squeeze %dma_start3A_530 : memref<1x64x64xf32, #tpu.memory_space<vmem>> -> memref<64x64xf32, #tpu.memory_space<vmem>>
          %dma_start3A_532 = arith.constant 0 : i32
          %dma_start3A_533 = tpu.memref_slice %arg9[%sub3A_465, %dma_start3A_526, %dma_start3A_532] : memref<2x20x64xi32, #tpu.memory_space<vmem>> -> memref<1x1x64xi32, #tpu.memory_space<vmem>>
          %dma_start3A_534 = tpu.memref_squeeze %dma_start3A_533 : memref<1x1x64xi32, #tpu.memory_space<vmem>> -> memref<64xi32, #tpu.memory_space<vmem>>
          %dma_start3A_535 = arith.constant 0 : i32
          %dma_start3A_536 = arith.constant 0 : i32
          %dma_start3A_537 = tpu.memref_slice %arg2[%dma_start3A_535, %dma_start3A_536] : memref<100001x64xf32, #tpu.memory_space<hbm>> -> memref<100001x64xf32, #tpu.memory_space<hbm>>
          tpu.enqueue_indirect_dma source(%dma_start3A_537 : memref<100001x64xf32, #tpu.memory_space<hbm>>) target(%dma_start3A_531 : memref<64x64xf32, #tpu.memory_space<vmem>>) offsets(%dma_start3A_534 : memref<64xi32, #tpu.memory_space<vmem>>) semaphore(%arg14 : memref<!tpu.dma_semaphore, #tpu.memory_space<semaphore_mem>>)
          %dma_start3A_538 = arith.constant 6 : i32
          %dma_start3A_539 = arith.constant 6 : i32
          %dma_start3A_540 = arith.constant 0 : i32
          %dma_start3A_541 = arith.constant 0 : i32
          %dma_start3A_542 = tpu.memref_slice %arg10[%dma_start3A_539, %dma_start3A_540, %dma_start3A_541] : memref<10x64x64xf32, #tpu.memory_space<vmem>> -> memref<1x64x64xf32, #tpu.memory_space<vmem>>
          %dma_start3A_543 = tpu.memref_squeeze %dma_start3A_542 : memref<1x64x64xf32, #tpu.memory_space<vmem>> -> memref<64x64xf32, #tpu.memory_space<vmem>>
          %dma_start3A_544 = arith.constant 0 : i32
          %dma_start3A_545 = tpu.memref_slice %arg9[%sub3A_465, %dma_start3A_538, %dma_start3A_544] : memref<2x20x64xi32, #tpu.memory_space<vmem>> -> memref<1x1x64xi32, #tpu.memory_space<vmem>>
          %dma_start3A_546 = tpu.memref_squeeze %dma_start3A_545 : memref<1x1x64xi32, #tpu.memory_space<vmem>> -> memref<64xi32, #tpu.memory_space<vmem>>
          %dma_start3A_547 = arith.constant 0 : i32
          %dma_start3A_548 = arith.constant 0 : i32
          %dma_start3A_549 = tpu.memref_slice %arg2[%dma_start3A_547, %dma_start3A_548] : memref<100001x64xf32, #tpu.memory_space<hbm>> -> memref<100001x64xf32, #tpu.memory_space<hbm>>
          tpu.enqueue_indirect_dma source(%dma_start3A_549 : memref<100001x64xf32, #tpu.memory_space<hbm>>) target(%dma_start3A_543 : memref<64x64xf32, #tpu.memory_space<vmem>>) offsets(%dma_start3A_546 : memref<64xi32, #tpu.memory_space<vmem>>) semaphore(%arg14 : memref<!tpu.dma_semaphore, #tpu.memory_space<semaphore_mem>>)
          %dma_start3A_550 = arith.constant 7 : i32
          %dma_start3A_551 = arith.constant 7 : i32
          %dma_start3A_552 = arith.constant 0 : i32
          %dma_start3A_553 = arith.constant 0 : i32
          %dma_start3A_554 = tpu.memref_slice %arg10[%dma_start3A_551, %dma_start3A_552, %dma_start3A_553] : memref<10x64x64xf32, #tpu.memory_space<vmem>> -> memref<1x64x64xf32, #tpu.memory_space<vmem>>
          %dma_start3A_555 = tpu.memref_squeeze %dma_start3A_554 : memref<1x64x64xf32, #tpu.memory_space<vmem>> -> memref<64x64xf32, #tpu.memory_space<vmem>>
          %dma_start3A_556 = arith.constant 0 : i32
          %dma_start3A_557 = tpu.memref_slice %arg9[%sub3A_465, %dma_start3A_550, %dma_start3A_556] : memref<2x20x64xi32, #tpu.memory_space<vmem>> -> memref<1x1x64xi32, #tpu.memory_space<vmem>>
          %dma_start3A_558 = tpu.memref_squeeze %dma_start3A_557 : memref<1x1x64xi32, #tpu.memory_space<vmem>> -> memref<64xi32, #tpu.memory_space<vmem>>
          %dma_start3A_559 = arith.constant 0 : i32
          %dma_start3A_560 = arith.constant 0 : i32
          %dma_start3A_561 = tpu.memref_slice %arg2[%dma_start3A_559, %dma_start3A_560] : memref<100001x64xf32, #tpu.memory_space<hbm>> -> memref<100001x64xf32, #tpu.memory_space<hbm>>
          tpu.enqueue_indirect_dma source(%dma_start3A_561 : memref<100001x64xf32, #tpu.memory_space<hbm>>) target(%dma_start3A_555 : memref<64x64xf32, #tpu.memory_space<vmem>>) offsets(%dma_start3A_558 : memref<64xi32, #tpu.memory_space<vmem>>) semaphore(%arg14 : memref<!tpu.dma_semaphore, #tpu.memory_space<semaphore_mem>>)
          %dma_start3A_562 = arith.constant 8 : i32
          %dma_start3A_563 = arith.constant 8 : i32
          %dma_start3A_564 = arith.constant 0 : i32
          %dma_start3A_565 = arith.constant 0 : i32
          %dma_start3A_566 = tpu.memref_slice %arg10[%dma_start3A_563, %dma_start3A_564, %dma_start3A_565] : memref<10x64x64xf32, #tpu.memory_space<vmem>> -> memref<1x64x64xf32, #tpu.memory_space<vmem>>
          %dma_start3A_567 = tpu.memref_squeeze %dma_start3A_566 : memref<1x64x64xf32, #tpu.memory_space<vmem>> -> memref<64x64xf32, #tpu.memory_space<vmem>>
          %dma_start3A_568 = arith.constant 0 : i32
          %dma_start3A_569 = tpu.memref_slice %arg9[%sub3A_465, %dma_start3A_562, %dma_start3A_568] : memref<2x20x64xi32, #tpu.memory_space<vmem>> -> memref<1x1x64xi32, #tpu.memory_space<vmem>>
          %dma_start3A_570 = tpu.memref_squeeze %dma_start3A_569 : memref<1x1x64xi32, #tpu.memory_space<vmem>> -> memref<64xi32, #tpu.memory_space<vmem>>
          %dma_start3A_571 = arith.constant 0 : i32
          %dma_start3A_572 = arith.constant 0 : i32
          %dma_start3A_573 = tpu.memref_slice %arg2[%dma_start3A_571, %dma_start3A_572] : memref<100001x64xf32, #tpu.memory_space<hbm>> -> memref<100001x64xf32, #tpu.memory_space<hbm>>
          tpu.enqueue_indirect_dma source(%dma_start3A_573 : memref<100001x64xf32, #tpu.memory_space<hbm>>) target(%dma_start3A_567 : memref<64x64xf32, #tpu.memory_space<vmem>>) offsets(%dma_start3A_570 : memref<64xi32, #tpu.memory_space<vmem>>) semaphore(%arg14 : memref<!tpu.dma_semaphore, #tpu.memory_space<semaphore_mem>>)
          %dma_start3A_574 = arith.constant 9 : i32
          %dma_start3A_575 = arith.constant 9 : i32
          %dma_start3A_576 = arith.constant 0 : i32
          %dma_start3A_577 = arith.constant 0 : i32
          %dma_start3A_578 = tpu.memref_slice %arg10[%dma_start3A_575, %dma_start3A_576, %dma_start3A_577] : memref<10x64x64xf32, #tpu.memory_space<vmem>> -> memref<1x64x64xf32, #tpu.memory_space<vmem>>
          %dma_start3A_579 = tpu.memref_squeeze %dma_start3A_578 : memref<1x64x64xf32, #tpu.memory_space<vmem>> -> memref<64x64xf32, #tpu.memory_space<vmem>>
          %dma_start3A_580 = arith.constant 0 : i32
          %dma_start3A_581 = tpu.memref_slice %arg9[%sub3A_465, %dma_start3A_574, %dma_start3A_580] : memref<2x20x64xi32, #tpu.memory_space<vmem>> -> memref<1x1x64xi32, #tpu.memory_space<vmem>>
          %dma_start3A_582 = tpu.memref_squeeze %dma_start3A_581 : memref<1x1x64xi32, #tpu.memory_space<vmem>> -> memref<64xi32, #tpu.memory_space<vmem>>
          %dma_start3A_583 = arith.constant 0 : i32
          %dma_start3A_584 = arith.constant 0 : i32
          %dma_start3A_585 = tpu.memref_slice %arg2[%dma_start3A_583, %dma_start3A_584] : memref<100001x64xf32, #tpu.memory_space<hbm>> -> memref<100001x64xf32, #tpu.memory_space<hbm>>
          tpu.enqueue_indirect_dma source(%dma_start3A_585 : memref<100001x64xf32, #tpu.memory_space<hbm>>) target(%dma_start3A_579 : memref<64x64xf32, #tpu.memory_space<vmem>>) offsets(%dma_start3A_582 : memref<64xi32, #tpu.memory_space<vmem>>) semaphore(%arg14 : memref<!tpu.dma_semaphore, #tpu.memory_space<semaphore_mem>>)
        } else {
        }
        %scan3A_455 = arith.constant 0 : i32
        %scan3A_456 = arith.constant 64 : i32
        %scan3A_457 = arith.addi %scan3A_455, %scan3A_456 : i32
        %scan3A_458 = arith.constant 1 : i32
        scf.for %scan3A_460 = %scan3A_455 to %scan3A_457 step %scan3A_458  : i32 {
          %mul3A_461 = arith.constant 1 : i32
          %mul3A_462 = arith.muli %scan3A_460, %mul3A_461 : i32
          %add3A_463 = arith.constant 0 : i32
          %add3A_464 = arith.addi %add3A_463, %mul3A_462 : i32
          %get3A = arith.constant 0 : i32
          %get3A_465 = arith.index_cast %get3A : i32 to index
          %get3A_466 = arith.index_cast %add3A_464 : i32 to index
          %get3A_467 = arith.constant 0 : index
          %get3A_468 = tpu.vector_load %arg11[%get3A_465, %get3A_466, %get3A_467] {strides = array<i32>} : memref<10x64x64xf32, #tpu.memory_space<vmem>>, vector<1x1x16xf32>,
          %get3A_469 = vector.shape_cast %get3A_468 : vector<1x1x16xf32> to vector<16xf32>
          %get3A_470 = arith.constant 1 : i32
          %get3A_471 = arith.index_cast %get3A_470 : i32 to index
          %get3A_472 = arith.index_cast %add3A_464 : i32 to index
          %get3A_473 = arith.constant 0 : index
          %get3A_474 = tpu.vector_load %arg11[%get3A_471, %get3A_472, %get3A_473] {strides = array<i32>} : memref<10x64x64xf32, #tpu.memory_space<vmem>>, vector<1x1x16xf32>,
          %get3A_475 = vector.shape_cast %get3A_474 : vector<1x1x16xf32> to vector<16xf32>
          %add3A_476 = arith.addf %get3A_469, %get3A_475 : vector<16xf32>
          %get3A_477 = arith.constant 2 : i32
          %get3A_478 = arith.index_cast %get3A_477 : i32 to index
          %get3A_479 = arith.index_cast %add3A_464 : i32 to index
          %get3A_480 = arith.constant 0 : index
          %get3A_481 = tpu.vector_load %arg11[%get3A_478, %get3A_479, %get3A_480] {strides = array<i32>} : memref<10x64x64xf32, #tpu.memory_space<vmem>>, vector<1x1x16xf32>,
          %get3A_482 = vector.shape_cast %get3A_481 : vector<1x1x16xf32> to vector<16xf32>
          %add3A_483 = arith.addf %add3A_476, %get3A_482 : vector<16xf32>
          %get3A_484 = arith.constant 3 : i32
          %get3A_485 = arith.index_cast %get3A_484 : i32 to index
          %get3A_486 = arith.index_cast %add3A_464 : i32 to index
          %get3A_487 = arith.constant 0 : index
          %get3A_488 = tpu.vector_load %arg11[%get3A_485, %get3A_486, %get3A_487] {strides = array<i32>} : memref<10x64x64xf32, #tpu.memory_space<vmem>>, vector<1x1x16xf32>,
          %get3A_489 = vector.shape_cast %get3A_488 : vector<1x1x16xf32> to vector<16xf32>
          %add3A_490 = arith.addf %add3A_483, %get3A_489 : vector<16xf32>
          %get3A_491 = arith.constant 4 : i32
          %get3A_492 = arith.index_cast %get3A_491 : i32 to index
          %get3A_493 = arith.index_cast %add3A_464 : i32 to index
          %get3A_494 = arith.constant 0 : index
          %get3A_495 = tpu.vector_load %arg11[%get3A_492, %get3A_493, %get3A_494] {strides = array<i32>} : memref<10x64x64xf32, #tpu.memory_space<vmem>>, vector<1x1x16xf32>,
          %get3A_496 = vector.shape_cast %get3A_495 : vector<1x1x16xf32> to vector<16xf32>
          %add3A_497 = arith.addf %add3A_490, %get3A_496 : vector<16xf32>
          %get3A_498 = arith.constant 5 : i32
          %get3A_499 = arith.index_cast %get3A_498 : i32 to index
          %get3A_500 = arith.index_cast %add3A_464 : i32 to index
          %get3A_501 = arith.constant 0 : index
          %get3A_502 = tpu.vector_load %arg11[%get3A_499, %get3A_500, %get3A_501] {strides = array<i32>} : memref<10x64x64xf32, #tpu.memory_space<vmem>>, vector<1x1x16xf32>,
          %get3A_503 = vector.shape_cast %get3A_502 : vector<1x1x16xf32> to vector<16xf32>
          %add3A_504 = arith.addf %add3A_497, %get3A_503 : vector<16xf32>
          %get3A_505 = arith.constant 6 : i32
          %get3A_506 = arith.index_cast %get3A_505 : i32 to index
          %get3A_507 = arith.index_cast %add3A_464 : i32 to index
          %get3A_508 = arith.constant 0 : index
          %get3A_509 = tpu.vector_load %arg11[%get3A_506, %get3A_507, %get3A_508] {strides = array<i32>} : memref<10x64x64xf32, #tpu.memory_space<vmem>>, vector<1x1x16xf32>,
          %get3A_510 = vector.shape_cast %get3A_509 : vector<1x1x16xf32> to vector<16xf32>
          %add3A_511 = arith.addf %add3A_504, %get3A_510 : vector<16xf32>
          %get3A_512 = arith.constant 7 : i32
          %get3A_513 = arith.index_cast %get3A_512 : i32 to index
          %get3A_514 = arith.index_cast %add3A_464 : i32 to index
          %get3A_515 = arith.constant 0 : index
          %get3A_516 = tpu.vector_load %arg11[%get3A_513, %get3A_514, %get3A_515] {strides = array<i32>} : memref<10x64x64xf32, #tpu.memory_space<vmem>>, vector<1x1x16xf32>,
          %get3A_517 = vector.shape_cast %get3A_516 : vector<1x1x16xf32> to vector<16xf32>
          %add3A_518 = arith.addf %add3A_511, %get3A_517 : vector<16xf32>
          %get3A_519 = arith.constant 8 : i32
          %get3A_520 = arith.index_cast %get3A_519 : i32 to index
          %get3A_521 = arith.index_cast %add3A_464 : i32 to index
          %get3A_522 = arith.constant 0 : index
          %get3A_523 = tpu.vector_load %arg11[%get3A_520, %get3A_521, %get3A_522] {strides = array<i32>} : memref<10x64x64xf32, #tpu.memory_space<vmem>>, vector<1x1x16xf32>,
          %get3A_524 = vector.shape_cast %get3A_523 : vector<1x1x16xf32> to vector<16xf32>
          %add3A_525 = arith.addf %add3A_518, %get3A_524 : vector<16xf32>
          %get3A_526 = arith.constant 9 : i32
          %get3A_527 = arith.index_cast %get3A_526 : i32 to index
          %get3A_528 = arith.index_cast %add3A_464 : i32 to index
          %get3A_529 = arith.constant 0 : index
          %get3A_530 = tpu.vector_load %arg11[%get3A_527, %get3A_528, %get3A_529] {strides = array<i32>} : memref<10x64x64xf32, #tpu.memory_space<vmem>>, vector<1x1x16xf32>,
          %get3A_531 = vector.shape_cast %get3A_530 : vector<1x1x16xf32> to vector<16xf32>
          %add3A_532 = arith.addf %add3A_525, %get3A_531 : vector<16xf32>
          %get3A_533 = arith.index_cast %add3A_464 : i32 to index
          %get3A_534 = arith.constant 0 : index
          %get3A_535 = tpu.vector_load %arg12[%get3A_533, %get3A_534] {strides = array<i32>} : memref<64x64xf32, #tpu.memory_space<vmem>>, vector<1x16xf32>,
          %get3A_536 = vector.shape_cast %get3A_535 : vector<1x16xf32> to vector<16xf32>
          %add3A_537 = arith.addf %add3A_532, %get3A_536 : vector<16xf32>
          %swap3A = arith.index_cast %add3A_464 : i32 to index
          %swap3A_538 = arith.constant 0 : index
          %swap3A_539 = tpu.vector_load %arg12[%swap3A, %swap3A_538] {strides = array<i32>} : memref<64x64xf32, #tpu.memory_space<vmem>>, vector<1x16xf32>,
          %swap3A_540 = vector.shape_cast %swap3A_539 : vector<1x16xf32> to vector<16xf32>
          %swap3A_541 = vector.shape_cast %add3A_537 : vector<16xf32> to vector<1x16xf32>
          tpu.vector_store %arg12[%swap3A, %swap3A_538], %swap3A_541 {strides = array<i32>} : memref<64x64xf32, #tpu.memory_space<vmem>>, vector<1x16xf32>,
          %get3A_542 = arith.constant 0 : i32
          %get3A_543 = arith.index_cast %get3A_542 : i32 to index
          %get3A_544 = arith.index_cast %add3A_464 : i32 to index
          %get3A_545 = arith.constant 16 : index
          %get3A_546 = tpu.vector_load %arg11[%get3A_543, %get3A_544, %get3A_545] {strides = array<i32>} : memref<10x64x64xf32, #tpu.memory_space<vmem>>, vector<1x1x16xf32>,
          %get3A_547 = vector.shape_cast %get3A_546 : vector<1x1x16xf32> to vector<16xf32>
          %get3A_548 = arith.constant 1 : i32
          %get3A_549 = arith.index_cast %get3A_548 : i32 to index
          %get3A_550 = arith.index_cast %add3A_464 : i32 to index
          %get3A_551 = arith.constant 16 : index
          %get3A_552 = tpu.vector_load %arg11[%get3A_549, %get3A_550, %get3A_551] {strides = array<i32>} : memref<10x64x64xf32, #tpu.memory_space<vmem>>, vector<1x1x16xf32>,
          %get3A_553 = vector.shape_cast %get3A_552 : vector<1x1x16xf32> to vector<16xf32>
          %add3A_554 = arith.addf %get3A_547, %get3A_553 : vector<16xf32>
          %get3A_555 = arith.constant 2 : i32
          %get3A_556 = arith.index_cast %get3A_555 : i32 to index
          %get3A_557 = arith.index_cast %add3A_464 : i32 to index
          %get3A_558 = arith.constant 16 : index
          %get3A_559 = tpu.vector_load %arg11[%get3A_556, %get3A_557, %get3A_558] {strides = array<i32>} : memref<10x64x64xf32, #tpu.memory_space<vmem>>, vector<1x1x16xf32>,
          %get3A_560 = vector.shape_cast %get3A_559 : vector<1x1x16xf32> to vector<16xf32>
          %add3A_561 = arith.addf %add3A_554, %get3A_560 : vector<16xf32>
          %get3A_562 = arith.constant 3 : i32
          %get3A_563 = arith.index_cast %get3A_562 : i32 to index
          %get3A_564 = arith.index_cast %add3A_464 : i32 to index
          %get3A_565 = arith.constant 16 : index
          %get3A_566 = tpu.vector_load %arg11[%get3A_563, %get3A_564, %get3A_565] {strides = array<i32>} : memref<10x64x64xf32, #tpu.memory_space<vmem>>, vector<1x1x16xf32>,
          %get3A_567 = vector.shape_cast %get3A_566 : vector<1x1x16xf32> to vector<16xf32>
          %add3A_568 = arith.addf %add3A_561, %get3A_567 : vector<16xf32>
          %get3A_569 = arith.constant 4 : i32
          %get3A_570 = arith.index_cast %get3A_569 : i32 to index
          %get3A_571 = arith.index_cast %add3A_464 : i32 to index
          %get3A_572 = arith.constant 16 : index
          %get3A_573 = tpu.vector_load %arg11[%get3A_570, %get3A_571, %get3A_572] {strides = array<i32>} : memref<10x64x64xf32, #tpu.memory_space<vmem>>, vector<1x1x16xf32>,
          %get3A_574 = vector.shape_cast %get3A_573 : vector<1x1x16xf32> to vector<16xf32>
          %add3A_575 = arith.addf %add3A_568, %get3A_574 : vector<16xf32>
          %get3A_576 = arith.constant 5 : i32
          %get3A_577 = arith.index_cast %get3A_576 : i32 to index
          %get3A_578 = arith.index_cast %add3A_464 : i32 to index
          %get3A_579 = arith.constant 16 : index
          %get3A_580 = tpu.vector_load %arg11[%get3A_577, %get3A_578, %get3A_579] {strides = array<i32>} : memref<10x64x64xf32, #tpu.memory_space<vmem>>, vector<1x1x16xf32>,
          %get3A_581 = vector.shape_cast %get3A_580 : vector<1x1x16xf32> to vector<16xf32>
          %add3A_582 = arith.addf %add3A_575, %get3A_581 : vector<16xf32>
          %get3A_583 = arith.constant 6 : i32
          %get3A_584 = arith.index_cast %get3A_583 : i32 to index
          %get3A_585 = arith.index_cast %add3A_464 : i32 to index
          %get3A_586 = arith.constant 16 : index
          %get3A_587 = tpu.vector_load %arg11[%get3A_584, %get3A_585, %get3A_586] {strides = array<i32>} : memref<10x64x64xf32, #tpu.memory_space<vmem>>, vector<1x1x16xf32>,
          %get3A_588 = vector.shape_cast %get3A_587 : vector<1x1x16xf32> to vector<16xf32>
          %add3A_589 = arith.addf %add3A_582, %get3A_588 : vector<16xf32>
          %get3A_590 = arith.constant 7 : i32
          %get3A_591 = arith.index_cast %get3A_590 : i32 to index
          %get3A_592 = arith.index_cast %add3A_464 : i32 to index
          %get3A_593 = arith.constant 16 : index
          %get3A_594 = tpu.vector_load %arg11[%get3A_591, %get3A_592, %get3A_593] {strides = array<i32>} : memref<10x64x64xf32, #tpu.memory_space<vmem>>, vector<1x1x16xf32>,
          %get3A_595 = vector.shape_cast %get3A_594 : vector<1x1x16xf32> to vector<16xf32>
          %add3A_596 = arith.addf %add3A_589, %get3A_595 : vector<16xf32>
          %get3A_597 = arith.constant 8 : i32
          %get3A_598 = arith.index_cast %get3A_597 : i32 to index
          %get3A_599 = arith.index_cast %add3A_464 : i32 to index
          %get3A_600 = arith.constant 16 : index
          %get3A_601 = tpu.vector_load %arg11[%get3A_598, %get3A_599, %get3A_600] {strides = array<i32>} : memref<10x64x64xf32, #tpu.memory_space<vmem>>, vector<1x1x16xf32>,
          %get3A_602 = vector.shape_cast %get3A_601 : vector<1x1x16xf32> to vector<16xf32>
          %add3A_603 = arith.addf %add3A_596, %get3A_602 : vector<16xf32>
          %get3A_604 = arith.constant 9 : i32
          %get3A_605 = arith.index_cast %get3A_604 : i32 to index
          %get3A_606 = arith.index_cast %add3A_464 : i32 to index
          %get3A_607 = arith.constant 16 : index
          %get3A_608 = tpu.vector_load %arg11[%get3A_605, %get3A_606, %get3A_607] {strides = array<i32>} : memref<10x64x64xf32, #tpu.memory_space<vmem>>, vector<1x1x16xf32>,
          %get3A_609 = vector.shape_cast %get3A_608 : vector<1x1x16xf32> to vector<16xf32>
          %add3A_610 = arith.addf %add3A_603, %get3A_609 : vector<16xf32>
          %get3A_611 = arith.index_cast %add3A_464 : i32 to index
          %get3A_612 = arith.constant 16 : index
          %get3A_613 = tpu.vector_load %arg12[%get3A_611, %get3A_612] {strides = array<i32>} : memref<64x64xf32, #tpu.memory_space<vmem>>, vector<1x16xf32>,
          %get3A_614 = vector.shape_cast %get3A_613 : vector<1x16xf32> to vector<16xf32>
          %add3A_615 = arith.addf %add3A_610, %get3A_614 : vector<16xf32>
          %swap3A_616 = arith.index_cast %add3A_464 : i32 to index
          %swap3A_617 = arith.constant 16 : index
          %swap3A_618 = tpu.vector_load %arg12[%swap3A_616, %swap3A_617] {strides = array<i32>} : memref<64x64xf32, #tpu.memory_space<vmem>>, vector<1x16xf32>,
          %swap3A_619 = vector.shape_cast %swap3A_618 : vector<1x16xf32> to vector<16xf32>
          %swap3A_620 = vector.shape_cast %add3A_615 : vector<16xf32> to vector<1x16xf32>
          tpu.vector_store %arg12[%swap3A_616, %swap3A_617], %swap3A_620 {strides = array<i32>} : memref<64x64xf32, #tpu.memory_space<vmem>>, vector<1x16xf32>,
          %get3A_621 = arith.constant 0 : i32
          %get3A_622 = arith.index_cast %get3A_621 : i32 to index
          %get3A_623 = arith.index_cast %add3A_464 : i32 to index
          %get3A_624 = arith.constant 32 : index
          %get3A_625 = tpu.vector_load %arg11[%get3A_622, %get3A_623, %get3A_624] {strides = array<i32>} : memref<10x64x64xf32, #tpu.memory_space<vmem>>, vector<1x1x16xf32>,
          %get3A_626 = vector.shape_cast %get3A_625 : vector<1x1x16xf32> to vector<16xf32>
          %get3A_627 = arith.constant 1 : i32
          %get3A_628 = arith.index_cast %get3A_627 : i32 to index
          %get3A_629 = arith.index_cast %add3A_464 : i32 to index
          %get3A_630 = arith.constant 32 : index
          %get3A_631 = tpu.vector_load %arg11[%get3A_628, %get3A_629, %get3A_630] {strides = array<i32>} : memref<10x64x64xf32, #tpu.memory_space<vmem>>, vector<1x1x16xf32>,
          %get3A_632 = vector.shape_cast %get3A_631 : vector<1x1x16xf32> to vector<16xf32>
          %add3A_633 = arith.addf %get3A_626, %get3A_632 : vector<16xf32>
          %get3A_634 = arith.constant 2 : i32
          %get3A_635 = arith.index_cast %get3A_634 : i32 to index
          %get3A_636 = arith.index_cast %add3A_464 : i32 to index
          %get3A_637 = arith.constant 32 : index
          %get3A_638 = tpu.vector_load %arg11[%get3A_635, %get3A_636, %get3A_637] {strides = array<i32>} : memref<10x64x64xf32, #tpu.memory_space<vmem>>, vector<1x1x16xf32>,
          %get3A_639 = vector.shape_cast %get3A_638 : vector<1x1x16xf32> to vector<16xf32>
          %add3A_640 = arith.addf %add3A_633, %get3A_639 : vector<16xf32>
          %get3A_641 = arith.constant 3 : i32
          %get3A_642 = arith.index_cast %get3A_641 : i32 to index
          %get3A_643 = arith.index_cast %add3A_464 : i32 to index
          %get3A_644 = arith.constant 32 : index
          %get3A_645 = tpu.vector_load %arg11[%get3A_642, %get3A_643, %get3A_644] {strides = array<i32>} : memref<10x64x64xf32, #tpu.memory_space<vmem>>, vector<1x1x16xf32>,
          %get3A_646 = vector.shape_cast %get3A_645 : vector<1x1x16xf32> to vector<16xf32>
          %add3A_647 = arith.addf %add3A_640, %get3A_646 : vector<16xf32>
          %get3A_648 = arith.constant 4 : i32
          %get3A_649 = arith.index_cast %get3A_648 : i32 to index
          %get3A_650 = arith.index_cast %add3A_464 : i32 to index
          %get3A_651 = arith.constant 32 : index
          %get3A_652 = tpu.vector_load %arg11[%get3A_649, %get3A_650, %get3A_651] {strides = array<i32>} : memref<10x64x64xf32, #tpu.memory_space<vmem>>, vector<1x1x16xf32>,
          %get3A_653 = vector.shape_cast %get3A_652 : vector<1x1x16xf32> to vector<16xf32>
          %add3A_654 = arith.addf %add3A_647, %get3A_653 : vector<16xf32>
          %get3A_655 = arith.constant 5 : i32
          %get3A_656 = arith.index_cast %get3A_655 : i32 to index
          %get3A_657 = arith.index_cast %add3A_464 : i32 to index
          %get3A_658 = arith.constant 32 : index
          %get3A_659 = tpu.vector_load %arg11[%get3A_656, %get3A_657, %get3A_658] {strides = array<i32>} : memref<10x64x64xf32, #tpu.memory_space<vmem>>, vector<1x1x16xf32>,
          %get3A_660 = vector.shape_cast %get3A_659 : vector<1x1x16xf32> to vector<16xf32>
          %add3A_661 = arith.addf %add3A_654, %get3A_660 : vector<16xf32>
          %get3A_662 = arith.constant 6 : i32
          %get3A_663 = arith.index_cast %get3A_662 : i32 to index
          %get3A_664 = arith.index_cast %add3A_464 : i32 to index
          %get3A_665 = arith.constant 32 : index
          %get3A_666 = tpu.vector_load %arg11[%get3A_663, %get3A_664, %get3A_665] {strides = array<i32>} : memref<10x64x64xf32, #tpu.memory_space<vmem>>, vector<1x1x16xf32>,
          %get3A_667 = vector.shape_cast %get3A_666 : vector<1x1x16xf32> to vector<16xf32>
          %add3A_668 = arith.addf %add3A_661, %get3A_667 : vector<16xf32>
          %get3A_669 = arith.constant 7 : i32
          %get3A_670 = arith.index_cast %get3A_669 : i32 to index
          %get3A_671 = arith.index_cast %add3A_464 : i32 to index
          %get3A_672 = arith.constant 32 : index
          %get3A_673 = tpu.vector_load %arg11[%get3A_670, %get3A_671, %get3A_672] {strides = array<i32>} : memref<10x64x64xf32, #tpu.memory_space<vmem>>, vector<1x1x16xf32>,
          %get3A_674 = vector.shape_cast %get3A_673 : vector<1x1x16xf32> to vector<16xf32>
          %add3A_675 = arith.addf %add3A_668, %get3A_674 : vector<16xf32>
          %get3A_676 = arith.constant 8 : i32
          %get3A_677 = arith.index_cast %get3A_676 : i32 to index
          %get3A_678 = arith.index_cast %add3A_464 : i32 to index
          %get3A_679 = arith.constant 32 : index
          %get3A_680 = tpu.vector_load %arg11[%get3A_677, %get3A_678, %get3A_679] {strides = array<i32>} : memref<10x64x64xf32, #tpu.memory_space<vmem>>, vector<1x1x16xf32>,
          %get3A_681 = vector.shape_cast %get3A_680 : vector<1x1x16xf32> to vector<16xf32>
          %add3A_682 = arith.addf %add3A_675, %get3A_681 : vector<16xf32>
          %get3A_683 = arith.constant 9 : i32
          %get3A_684 = arith.index_cast %get3A_683 : i32 to index
          %get3A_685 = arith.index_cast %add3A_464 : i32 to index
          %get3A_686 = arith.constant 32 : index
          %get3A_687 = tpu.vector_load %arg11[%get3A_684, %get3A_685, %get3A_686] {strides = array<i32>} : memref<10x64x64xf32, #tpu.memory_space<vmem>>, vector<1x1x16xf32>,
          %get3A_688 = vector.shape_cast %get3A_687 : vector<1x1x16xf32> to vector<16xf32>
          %add3A_689 = arith.addf %add3A_682, %get3A_688 : vector<16xf32>
          %get3A_690 = arith.index_cast %add3A_464 : i32 to index
          %get3A_691 = arith.constant 32 : index
          %get3A_692 = tpu.vector_load %arg12[%get3A_690, %get3A_691] {strides = array<i32>} : memref<64x64xf32, #tpu.memory_space<vmem>>, vector<1x16xf32>,
          %get3A_693 = vector.shape_cast %get3A_692 : vector<1x16xf32> to vector<16xf32>
          %add3A_694 = arith.addf %add3A_689, %get3A_693 : vector<16xf32>
          %swap3A_695 = arith.index_cast %add3A_464 : i32 to index
          %swap3A_696 = arith.constant 32 : index
          %swap3A_697 = tpu.vector_load %arg12[%swap3A_695, %swap3A_696] {strides = array<i32>} : memref<64x64xf32, #tpu.memory_space<vmem>>, vector<1x16xf32>,
          %swap3A_698 = vector.shape_cast %swap3A_697 : vector<1x16xf32> to vector<16xf32>
          %swap3A_699 = vector.shape_cast %add3A_694 : vector<16xf32> to vector<1x16xf32>
          tpu.vector_store %arg12[%swap3A_695, %swap3A_696], %swap3A_699 {strides = array<i32>} : memref<64x64xf32, #tpu.memory_space<vmem>>, vector<1x16xf32>,
          %get3A_700 = arith.constant 0 : i32
          %get3A_701 = arith.index_cast %get3A_700 : i32 to index
          %get3A_702 = arith.index_cast %add3A_464 : i32 to index
          %get3A_703 = arith.constant 48 : index
          %get3A_704 = tpu.vector_load %arg11[%get3A_701, %get3A_702, %get3A_703] {strides = array<i32>} : memref<10x64x64xf32, #tpu.memory_space<vmem>>, vector<1x1x16xf32>,
          %get3A_705 = vector.shape_cast %get3A_704 : vector<1x1x16xf32> to vector<16xf32>
          %get3A_706 = arith.constant 1 : i32
          %get3A_707 = arith.index_cast %get3A_706 : i32 to index
          %get3A_708 = arith.index_cast %add3A_464 : i32 to index
          %get3A_709 = arith.constant 48 : index
          %get3A_710 = tpu.vector_load %arg11[%get3A_707, %get3A_708, %get3A_709] {strides = array<i32>} : memref<10x64x64xf32, #tpu.memory_space<vmem>>, vector<1x1x16xf32>,
          %get3A_711 = vector.shape_cast %get3A_710 : vector<1x1x16xf32> to vector<16xf32>
          %add3A_712 = arith.addf %get3A_705, %get3A_711 : vector<16xf32>
          %get3A_713 = arith.constant 2 : i32
          %get3A_714 = arith.index_cast %get3A_713 : i32 to index
          %get3A_715 = arith.index_cast %add3A_464 : i32 to index
          %get3A_716 = arith.constant 48 : index
          %get3A_717 = tpu.vector_load %arg11[%get3A_714, %get3A_715, %get3A_716] {strides = array<i32>} : memref<10x64x64xf32, #tpu.memory_space<vmem>>, vector<1x1x16xf32>,
          %get3A_718 = vector.shape_cast %get3A_717 : vector<1x1x16xf32> to vector<16xf32>
          %add3A_719 = arith.addf %add3A_712, %get3A_718 : vector<16xf32>
          %get3A_720 = arith.constant 3 : i32
          %get3A_721 = arith.index_cast %get3A_720 : i32 to index
          %get3A_722 = arith.index_cast %add3A_464 : i32 to index
          %get3A_723 = arith.constant 48 : index
          %get3A_724 = tpu.vector_load %arg11[%get3A_721, %get3A_722, %get3A_723] {strides = array<i32>} : memref<10x64x64xf32, #tpu.memory_space<vmem>>, vector<1x1x16xf32>,
          %get3A_725 = vector.shape_cast %get3A_724 : vector<1x1x16xf32> to vector<16xf32>
          %add3A_726 = arith.addf %add3A_719, %get3A_725 : vector<16xf32>
          %get3A_727 = arith.constant 4 : i32
          %get3A_728 = arith.index_cast %get3A_727 : i32 to index
          %get3A_729 = arith.index_cast %add3A_464 : i32 to index
          %get3A_730 = arith.constant 48 : index
          %get3A_731 = tpu.vector_load %arg11[%get3A_728, %get3A_729, %get3A_730] {strides = array<i32>} : memref<10x64x64xf32, #tpu.memory_space<vmem>>, vector<1x1x16xf32>,
          %get3A_732 = vector.shape_cast %get3A_731 : vector<1x1x16xf32> to vector<16xf32>
          %add3A_733 = arith.addf %add3A_726, %get3A_732 : vector<16xf32>
          %get3A_734 = arith.constant 5 : i32
          %get3A_735 = arith.index_cast %get3A_734 : i32 to index
          %get3A_736 = arith.index_cast %add3A_464 : i32 to index
          %get3A_737 = arith.constant 48 : index
          %get3A_738 = tpu.vector_load %arg11[%get3A_735, %get3A_736, %get3A_737] {strides = array<i32>} : memref<10x64x64xf32, #tpu.memory_space<vmem>>, vector<1x1x16xf32>,
          %get3A_739 = vector.shape_cast %get3A_738 : vector<1x1x16xf32> to vector<16xf32>
          %add3A_740 = arith.addf %add3A_733, %get3A_739 : vector<16xf32>
          %get3A_741 = arith.constant 6 : i32
          %get3A_742 = arith.index_cast %get3A_741 : i32 to index
          %get3A_743 = arith.index_cast %add3A_464 : i32 to index
          %get3A_744 = arith.constant 48 : index
          %get3A_745 = tpu.vector_load %arg11[%get3A_742, %get3A_743, %get3A_744] {strides = array<i32>} : memref<10x64x64xf32, #tpu.memory_space<vmem>>, vector<1x1x16xf32>,
          %get3A_746 = vector.shape_cast %get3A_745 : vector<1x1x16xf32> to vector<16xf32>
          %add3A_747 = arith.addf %add3A_740, %get3A_746 : vector<16xf32>
          %get3A_748 = arith.constant 7 : i32
          %get3A_749 = arith.index_cast %get3A_748 : i32 to index
          %get3A_750 = arith.index_cast %add3A_464 : i32 to index
          %get3A_751 = arith.constant 48 : index
          %get3A_752 = tpu.vector_load %arg11[%get3A_749, %get3A_750, %get3A_751] {strides = array<i32>} : memref<10x64x64xf32, #tpu.memory_space<vmem>>, vector<1x1x16xf32>,
          %get3A_753 = vector.shape_cast %get3A_752 : vector<1x1x16xf32> to vector<16xf32>
          %add3A_754 = arith.addf %add3A_747, %get3A_753 : vector<16xf32>
          %get3A_755 = arith.constant 8 : i32
          %get3A_756 = arith.index_cast %get3A_755 : i32 to index
          %get3A_757 = arith.index_cast %add3A_464 : i32 to index
          %get3A_758 = arith.constant 48 : index
          %get3A_759 = tpu.vector_load %arg11[%get3A_756, %get3A_757, %get3A_758] {strides = array<i32>} : memref<10x64x64xf32, #tpu.memory_space<vmem>>, vector<1x1x16xf32>,
          %get3A_760 = vector.shape_cast %get3A_759 : vector<1x1x16xf32> to vector<16xf32>
          %add3A_761 = arith.addf %add3A_754, %get3A_760 : vector<16xf32>
          %get3A_762 = arith.constant 9 : i32
          %get3A_763 = arith.index_cast %get3A_762 : i32 to index
          %get3A_764 = arith.index_cast %add3A_464 : i32 to index
          %get3A_765 = arith.constant 48 : index
          %get3A_766 = tpu.vector_load %arg11[%get3A_763, %get3A_764, %get3A_765] {strides = array<i32>} : memref<10x64x64xf32, #tpu.memory_space<vmem>>, vector<1x1x16xf32>,
          %get3A_767 = vector.shape_cast %get3A_766 : vector<1x1x16xf32> to vector<16xf32>
          %add3A_768 = arith.addf %add3A_761, %get3A_767 : vector<16xf32>
          %get3A_769 = arith.index_cast %add3A_464 : i32 to index
          %get3A_770 = arith.constant 48 : index
          %get3A_771 = tpu.vector_load %arg12[%get3A_769, %get3A_770] {strides = array<i32>} : memref<64x64xf32, #tpu.memory_space<vmem>>, vector<1x16xf32>,
          %get3A_772 = vector.shape_cast %get3A_771 : vector<1x16xf32> to vector<16xf32>
          %add3A_773 = arith.addf %add3A_768, %get3A_772 : vector<16xf32>
          %swap3A_774 = arith.index_cast %add3A_464 : i32 to index
          %swap3A_775 = arith.constant 48 : index
          %swap3A_776 = tpu.vector_load %arg12[%swap3A_774, %swap3A_775] {strides = array<i32>} : memref<64x64xf32, #tpu.memory_space<vmem>>, vector<1x16xf32>,
          %swap3A_777 = vector.shape_cast %swap3A_776 : vector<1x16xf32> to vector<16xf32>
          %swap3A_778 = vector.shape_cast %add3A_773 : vector<16xf32> to vector<1x16xf32>
          tpu.vector_store %arg12[%swap3A_774, %swap3A_775], %swap3A_778 {strides = array<i32>} : memref<64x64xf32, #tpu.memory_space<vmem>>, vector<1x16xf32>,
        }
        %scan3A_459 = arith.constant 64 : i32
        "tpu.region"() ({
          %run_scoped3A_460 = tpu.sem_alloc : memref<!tpu.dma_semaphore, #tpu.memory_space<semaphore_mem>>
          %dma_start3A_461 = arith.constant 0 : i32
          %dma_start3A_462 = arith.constant 0 : i32
          %dma_start3A_463 = tpu.memref_slice %arg4[%add3A_24, %dma_start3A_461, %dma_start3A_462] : memref<2044x1x64xi32, #tpu.memory_space<hbm>> -> memref<1x1x64xi32, #tpu.memory_space<hbm>>
          %dma_start3A_464 = tpu.memref_squeeze %dma_start3A_463 : memref<1x1x64xi32, #tpu.memory_space<hbm>> -> memref<1x64xi32, #tpu.memory_space<hbm>>
          %dma_start3A_465 = arith.constant 0 : i32
          %dma_start3A_466 = arith.constant 0 : i32
          %dma_start3A_467 = tpu.memref_slice %arg4[%add3A_24, %dma_start3A_465, %dma_start3A_466] : memref<2044x1x64xi32, #tpu.memory_space<hbm>> -> memref<1x1x64xi32, #tpu.memory_space<hbm>>
          %dma_start3A_468 = tpu.memref_squeeze %dma_start3A_467 : memref<1x1x64xi32, #tpu.memory_space<hbm>> -> memref<1x64xi32, #tpu.memory_space<hbm>>
          tpu.enqueue_dma source(%dma_start3A_468 : memref<1x64xi32, #tpu.memory_space<hbm>>) target(%arg13 : memref<1x64xi32, #tpu.memory_space<vmem>>) target_semaphore(%run_scoped3A_460 : memref<!tpu.dma_semaphore, #tpu.memory_space<semaphore_mem>>)
          %dma_wait3A_469 = arith.constant 0 : i32
          %dma_wait3A_470 = arith.constant 0 : i32
          %dma_wait3A_471 = tpu.memref_slice %arg4[%add3A_24, %dma_wait3A_469, %dma_wait3A_470] : memref<2044x1x64xi32, #tpu.memory_space<hbm>> -> memref<1x1x64xi32, #tpu.memory_space<hbm>>
          %dma_wait3A_472 = tpu.memref_squeeze %dma_wait3A_471 : memref<1x1x64xi32, #tpu.memory_space<hbm>> -> memref<1x64xi32, #tpu.memory_space<hbm>>
          %dma_wait3A_473 = arith.constant 0 : i32
          %dma_wait3A_474 = arith.constant 0 : i32
          %dma_wait3A_475 = tpu.memref_slice %arg4[%add3A_24, %dma_wait3A_473, %dma_wait3A_474] : memref<2044x1x64xi32, #tpu.memory_space<hbm>> -> memref<1x1x64xi32, #tpu.memory_space<hbm>>
          %dma_wait3A_476 = tpu.memref_squeeze %dma_wait3A_475 : memref<1x1x64xi32, #tpu.memory_space<hbm>> -> memref<1x64xi32, #tpu.memory_space<hbm>>
          tpu.wait_dma2 semaphore(%run_scoped3A_460 : memref<!tpu.dma_semaphore, #tpu.memory_space<semaphore_mem>>) src(%dma_wait3A_476 : memref<1x64xi32, #tpu.memory_space<hbm>>) dst(%arg13 : memref<1x64xi32, #tpu.memory_space<vmem>>)
          tpu.yield
        }) : () -> ()
        %run_scoped3A = arith.constant 0 : i32
        "tpu.region"() ({
          %run_scoped3A_460 = tpu.sem_alloc : memref<!tpu.dma_semaphore, #tpu.memory_space<semaphore_mem>>
          %dma_start3A_461 = arith.constant 0 : i32
          %dma_start3A_462 = tpu.memref_slice %arg13[%run_scoped3A, %dma_start3A_461] : memref<1x64xi32, #tpu.memory_space<vmem>> -> memref<1x64xi32, #tpu.memory_space<vmem>>
          %dma_start3A_463 = tpu.memref_squeeze %dma_start3A_462 : memref<1x64xi32, #tpu.memory_space<vmem>> -> memref<64xi32, #tpu.memory_space<vmem>>
          %dma_start3A_464 = arith.constant 0 : i32
          %dma_start3A_465 = arith.constant 0 : i32
          %dma_start3A_466 = tpu.memref_slice %arg7[%dma_start3A_464, %dma_start3A_465] : memref<262144x64xf32, #tpu.memory_space<hbm>> -> memref<262144x64xf32, #tpu.memory_space<hbm>>
          tpu.enqueue_indirect_dma source(%arg12 : memref<64x64xf32, #tpu.memory_space<vmem>>) target(%dma_start3A_466 : memref<262144x64xf32, #tpu.memory_space<hbm>>) offsets(%dma_start3A_463 : memref<64xi32, #tpu.memory_space<vmem>>) semaphore(%run_scoped3A_460 : memref<!tpu.dma_semaphore, #tpu.memory_space<semaphore_mem>>)
          %dma_wait3A_467 = arith.constant 0 : i32
          %dma_wait3A_468 = tpu.memref_slice %arg13[%run_scoped3A, %dma_wait3A_467] : memref<1x64xi32, #tpu.memory_space<vmem>> -> memref<1x64xi32, #tpu.memory_space<vmem>>
          %dma_wait3A_469 = tpu.memref_squeeze %dma_wait3A_468 : memref<1x64xi32, #tpu.memory_space<vmem>> -> memref<64xi32, #tpu.memory_space<vmem>>
          %dma_wait3A_470 = arith.constant 0 : i32
          %dma_wait3A_471 = arith.constant 0 : i32
          %dma_wait3A_472 = tpu.memref_slice %arg7[%dma_wait3A_470, %dma_wait3A_471] : memref<262144x64xf32, #tpu.memory_space<hbm>> -> memref<262144x64xf32, #tpu.memory_space<hbm>>
          tpu.wait_indirect_dma semaphore(%run_scoped3A_460 : memref<!tpu.dma_semaphore, #tpu.memory_space<semaphore_mem>>) src(%arg12 : memref<64x64xf32, #tpu.memory_space<vmem>>) dst(%dma_wait3A_472 : memref<262144x64xf32, #tpu.memory_space<hbm>>)
          tpu.yield
        }) : () -> ()
      } else {
      }
    }
    %scan3A_14 = arith.constant 64 : i32
    return
  }
}

module attributes {stable_mosaic.version = 14 : i64} {
  func.func @_tc_score_body(%arg0: i32, %arg1: memref<2048x128xf32, #tpu.memory_space<vmem>>, %arg2: memref<512x64xf32, #tpu.memory_space<vmem>>, %arg3: memref<1x64xf32, #tpu.memory_space<vmem>>, %arg4: memref<1x128xf32, #tpu.memory_space<vmem>>, %arg5: memref<64x128xf32, #tpu.memory_space<vmem>>, %arg6: memref<64x128xf32, #tpu.memory_space<vmem>>, %arg7: memref<1x128xf32, #tpu.memory_space<vmem>>, %arg8: memref<1x64xf32, #tpu.memory_space<vmem>>, %arg9: memref<1x1xf32, #tpu.memory_space<vmem>>, %arg10: memref<1x128xf32, #tpu.memory_space<vmem>>, %arg11: memref<1x1xf32, #tpu.memory_space<vmem>>, %arg12: memref<8x512xf32, #tpu.memory_space<vmem>>, %arg13: memref<512x128xf32, #tpu.memory_space<vmem>>, %arg14: memref<1x512xf32, #tpu.memory_space<vmem>>) attributes {dimension_semantics = [#tpu.dimension_semantics<arbitrary>], iteration_bounds = array<i64: 64>, scalar_prefetch = 0 : i64, scratch_operands = 2 : i64, tpu.core_type = #tpu.core_type<tc>, window_params = [{transform_indices = @transform_0, window_bounds = array<i64: 2048, 128>}, {pipeline_mode = #tpu.pipeline_mode<synchronous>, transform_indices = @transform_1, window_bounds = array<i64: 512, 64>}, {pipeline_mode = #tpu.pipeline_mode<synchronous>, transform_indices = @transform_2, window_bounds = array<i64: 1, 64>}, {pipeline_mode = #tpu.pipeline_mode<synchronous>, transform_indices = @transform_3, window_bounds = array<i64: 1, 128>}, {pipeline_mode = #tpu.pipeline_mode<synchronous>, transform_indices = @transform_4, window_bounds = array<i64: 64, 128>}, {pipeline_mode = #tpu.pipeline_mode<synchronous>, transform_indices = @transform_5, window_bounds = array<i64: 64, 128>}, {pipeline_mode = #tpu.pipeline_mode<synchronous>, transform_indices = @transform_6, window_bounds = array<i64: 1, 128>}, {pipeline_mode = #tpu.pipeline_mode<synchronous>, transform_indices = @transform_7, window_bounds = array<i64: 1, 64>}, {pipeline_mode = #tpu.pipeline_mode<synchronous>, transform_indices = @transform_8, window_bounds = array<i64: 1, 1>}, {pipeline_mode = #tpu.pipeline_mode<synchronous>, transform_indices = @transform_9, window_bounds = array<i64: 1, 128>}, {pipeline_mode = #tpu.pipeline_mode<synchronous>, transform_indices = @transform_10, window_bounds = array<i64: 1, 1>}, {transform_indices = @transform_11, window_bounds = array<i64: 8, 512>}]} {
    %eq3A = arith.constant 0 : i32
    %eq3A_0 = arith.cmpi eq, %arg0, %eq3A : i32
    %convert_element_type3A = arith.extui %eq3A_0 : i1 to i32
    %cond3A = arith.constant 0 : i32
    %cond3A_1 = arith.cmpi ne, %convert_element_type3A, %cond3A : i32
    scf.if %cond3A_1 {
      %get3A_625 = arith.constant 0 : index
      %get3A_626 = arith.constant 0 : index
      %get3A_627 = vector.load %arg2[%get3A_625, %get3A_626] : memref<512x64xf32, #tpu.memory_space<vmem>>, vector<512x64xf32>
      %get3A_628 = arith.constant 0 : index
      %get3A_629 = arith.constant 0 : index
      %get3A_630 = vector.load %arg3[%get3A_628, %get3A_629] : memref<1x64xf32, #tpu.memory_space<vmem>>, vector<1x64xf32>
      %add3A_631 = vector.broadcast %get3A_630 : vector<1x64xf32> to vector<512x64xf32>
      %add3A_632 = arith.addf %get3A_627, %add3A_631 : vector<512x64xf32>
      %tanh3A_633 = math.tanh %add3A_632 : vector<512x64xf32>
      %get3A_634 = arith.constant 0 : index
      %get3A_635 = arith.constant 0 : index
      %get3A_636 = vector.load %arg5[%get3A_634, %get3A_635] : memref<64x128xf32, #tpu.memory_space<vmem>>, vector<64x128xf32>
      %dot_general3A_637 = arith.constant dense<0.000000e+00> : vector<512x128xf32>
      %dot_general3A_638 = tpu.matmul %tanh3A_633, %get3A_636, %dot_general3A_637 {dimension_numbers = #tpu.dot_dimension_numbers<[1], [0], [0], [1], [0, 0, 1, 1], [], []>, transpose_lhs_hint = false} : vector<512x64xf32>, vector<64x128xf32>, vector<512x128xf32> -> vector<512x128xf32>
      %get3A_639 = arith.constant 0 : index
      %get3A_640 = arith.constant 0 : index
      %get3A_641 = vector.load %arg7[%get3A_639, %get3A_640] : memref<1x128xf32, #tpu.memory_space<vmem>>, vector<1x128xf32>
      %add3A_642 = vector.broadcast %get3A_641 : vector<1x128xf32> to vector<512x128xf32>
      %add3A_643 = arith.addf %dot_general3A_638, %add3A_642 : vector<512x128xf32>
      %swap3A_644 = arith.constant 0 : index
      %swap3A_645 = arith.constant 0 : index
      %swap3A_646 = vector.load %arg13[%swap3A_644, %swap3A_645] : memref<512x128xf32, #tpu.memory_space<vmem>>, vector<512x128xf32>
      tpu.vector_store %arg13[%swap3A_644, %swap3A_645], %add3A_643 {strides = array<i32>} : memref<512x128xf32, #tpu.memory_space<vmem>>, vector<512x128xf32>,
      %get3A_647 = arith.constant 0 : index
      %get3A_648 = arith.constant 0 : index
      %get3A_649 = vector.load %arg8[%get3A_647, %get3A_648] : memref<1x64xf32, #tpu.memory_space<vmem>>, vector<1x64xf32>
      %transpose3A_650 = tpu.transpose %tanh3A_633, [1, 0] : vector<512x64xf32> -> vector<64x512xf32>
      %dot_general3A_651 = arith.constant dense<0.000000e+00> : vector<1x512xf32>
      %dot_general3A_652 = tpu.matmul %get3A_649, %transpose3A_650, %dot_general3A_651 {dimension_numbers = #tpu.dot_dimension_numbers<[1], [0], [0], [1], [0, 0, 1, 1], [], []>, transpose_lhs_hint = false} : vector<1x64xf32>, vector<64x512xf32>, vector<1x512xf32> -> vector<1x512xf32>
      %get3A_653 = arith.constant 0 : index
      %get3A_654 = arith.constant 0 : index
      %get3A_655 = vector.load %arg9[%get3A_653, %get3A_654] : memref<1x1xf32, #tpu.memory_space<vmem>>, vector<1x1xf32>
      %add3A_656 = vector.broadcast %get3A_655 : vector<1x1xf32> to vector<1x512xf32>
      %add3A_657 = arith.addf %dot_general3A_652, %add3A_656 : vector<1x512xf32>
      %swap3A_658 = arith.constant 0 : index
      %swap3A_659 = arith.constant 0 : index
      %swap3A_660 = vector.load %arg14[%swap3A_658, %swap3A_659] : memref<1x512xf32, #tpu.memory_space<vmem>>, vector<1x512xf32>
      tpu.vector_store %arg14[%swap3A_658, %swap3A_659], %add3A_657 {strides = array<i32>} : memref<1x512xf32, #tpu.memory_space<vmem>>, vector<1x512xf32>,
    } else {
    }
    %get3A = arith.constant 0 : index
    %get3A_2 = arith.constant 0 : index
    %get3A_3 = vector.load %arg1[%get3A, %get3A_2] : memref<2048x128xf32, #tpu.memory_space<vmem>>, vector<2048x128xf32>
    %get3A_4 = arith.constant 0 : index
    %get3A_5 = arith.constant 0 : index
    %get3A_6 = vector.load %arg4[%get3A_4, %get3A_5] : memref<1x128xf32, #tpu.memory_space<vmem>>, vector<1x128xf32>
    %add3A = vector.broadcast %get3A_6 : vector<1x128xf32> to vector<2048x128xf32>
    %add3A_7 = arith.addf %get3A_3, %add3A : vector<2048x128xf32>
    %tanh3A = math.tanh %add3A_7 : vector<2048x128xf32>
    %slice3A = vector.extract_strided_slice %tanh3A {offsets = [0, 0], sizes = [2048, 64], strides = [1, 1]} : vector<2048x128xf32> to vector<2048x64xf32>
    %get3A_8 = arith.constant 0 : index
    %get3A_9 = arith.constant 0 : index
    %get3A_10 = vector.load %arg6[%get3A_8, %get3A_9] : memref<64x128xf32, #tpu.memory_space<vmem>>, vector<64x128xf32>
    %dot_general3A = arith.constant dense<0.000000e+00> : vector<2048x128xf32>
    %dot_general3A_11 = tpu.matmul %slice3A, %get3A_10, %dot_general3A {dimension_numbers = #tpu.dot_dimension_numbers<[1], [0], [0], [1], [0, 0, 1, 1], [], []>, transpose_lhs_hint = false} : vector<2048x64xf32>, vector<64x128xf32>, vector<2048x128xf32> -> vector<2048x128xf32>
    %slice3A_12 = vector.extract_strided_slice %tanh3A {offsets = [0, 64], sizes = [2048, 64], strides = [1, 1]} : vector<2048x128xf32> to vector<2048x64xf32>
    %get3A_13 = arith.constant 0 : index
    %get3A_14 = arith.constant 0 : index
    %get3A_15 = vector.load %arg6[%get3A_13, %get3A_14] : memref<64x128xf32, #tpu.memory_space<vmem>>, vector<64x128xf32>
    %dot_general3A_16 = arith.constant dense<0.000000e+00> : vector<2048x128xf32>
    %dot_general3A_17 = tpu.matmul %slice3A_12, %get3A_15, %dot_general3A_16 {dimension_numbers = #tpu.dot_dimension_numbers<[1], [0], [0], [1], [0, 0, 1, 1], [], []>, transpose_lhs_hint = false} : vector<2048x64xf32>, vector<64x128xf32>, vector<2048x128xf32> -> vector<2048x128xf32>
    %mul3A = arith.constant 8 : i32
    %mul3A_18 = arith.muli %arg0, %mul3A : i32
    %add3A_19 = arith.constant 0 : i32
    %add3A_20 = arith.addi %mul3A_18, %add3A_19 : i32
    %get3A_21 = arith.index_cast %add3A_20 : i32 to index
    %get3A_22 = arith.constant 0 : index
    %get3A_23 = vector.load %arg13[%get3A_21, %get3A_22] : memref<512x128xf32, #tpu.memory_space<vmem>>, vector<1x128xf32>
    %slice3A_24 = vector.extract_strided_slice %dot_general3A_11 {offsets = [0, 0], sizes = [256, 128], strides = [1, 1]} : vector<2048x128xf32> to vector<256x128xf32>
    %add3A_25 = vector.broadcast %get3A_23 : vector<1x128xf32> to vector<256x128xf32>
    %add3A_26 = arith.addf %slice3A_24, %add3A_25 : vector<256x128xf32>
    %tanh3A_27 = math.tanh %add3A_26 : vector<256x128xf32>
    %get3A_28 = arith.constant 0 : index
    %get3A_29 = arith.constant 0 : index
    %get3A_30 = vector.load %arg10[%get3A_28, %get3A_29] : memref<1x128xf32, #tpu.memory_space<vmem>>, vector<1x128xf32>
    %transpose3A = tpu.transpose %tanh3A_27, [1, 0] : vector<256x128xf32> -> vector<128x256xf32>
    %dot_general3A_31 = arith.constant dense<0.000000e+00> : vector<1x256xf32>
    %dot_general3A_32 = tpu.matmul %get3A_30, %transpose3A, %dot_general3A_31 {dimension_numbers = #tpu.dot_dimension_numbers<[1], [0], [0], [1], [0, 0, 1, 1], [], []>, transpose_lhs_hint = false} : vector<1x128xf32>, vector<128x256xf32>, vector<1x256xf32> -> vector<1x256xf32>
    %get3A_33 = arith.constant 0 : index
    %get3A_34 = arith.constant 0 : index
    %get3A_35 = vector.load %arg11[%get3A_33, %get3A_34] : memref<1x1xf32, #tpu.memory_space<vmem>>, vector<1x1xf32>
    %add3A_36 = vector.broadcast %get3A_35 : vector<1x1xf32> to vector<1x256xf32>
    %add3A_37 = arith.addf %dot_general3A_32, %add3A_36 : vector<1x256xf32>
    %iota3A = tpu.iota {dimensions = array<i32: 1>} : vector<1x256xi32>
    %add3A_38 = arith.constant 0 : i32
    %add3A_39 = vector.broadcast %add3A_38 : i32 to vector<1x256xi32>
    %add3A_40 = arith.addi %iota3A, %add3A_39 : vector<1x256xi32>
    %get3A_41 = arith.constant 0 : index
    %get3A_42 = arith.constant 0 : index
    %get3A_43 = vector.load %arg14[%get3A_41, %get3A_42] : memref<1x512xf32, #tpu.memory_space<vmem>>, vector<1x256xf32>
    %lt3A = vector.broadcast %add3A_20 : i32 to vector<1x256xi32>
    %lt3A_44 = arith.cmpi slt, %add3A_40, %lt3A : vector<1x256xi32>
    %jit3A = arith.constant 0.000000e+00 : f32
    %broadcast_in_dim3A = vector.broadcast %jit3A : f32 to vector<1x256xf32>
    %select_n3A = arith.select %lt3A_44, %add3A_37, %broadcast_in_dim3A : vector<1x256xi1>, vector<1x256xf32>
    %eq3A_45 = vector.broadcast %add3A_20 : i32 to vector<1x256xi32>
    %eq3A_46 = arith.cmpi eq, %add3A_40, %eq3A_45 : vector<1x256xi32>
    %jit3A_47 = arith.constant 0.000000e+00 : f32
    %broadcast_in_dim3A_48 = vector.broadcast %jit3A_47 : f32 to vector<1x256xf32>
    %select_n3A_49 = arith.select %eq3A_46, %get3A_43, %broadcast_in_dim3A_48 : vector<1x256xi1>, vector<1x256xf32>
    %add3A_50 = arith.addf %select_n3A, %select_n3A_49 : vector<1x256xf32>
    %slice3A_51 = vector.extract_strided_slice %dot_general3A_17 {offsets = [0, 0], sizes = [256, 128], strides = [1, 1]} : vector<2048x128xf32> to vector<256x128xf32>
    %add3A_52 = vector.broadcast %get3A_23 : vector<1x128xf32> to vector<256x128xf32>
    %add3A_53 = arith.addf %slice3A_51, %add3A_52 : vector<256x128xf32>
    %tanh3A_54 = math.tanh %add3A_53 : vector<256x128xf32>
    %get3A_55 = arith.constant 0 : index
    %get3A_56 = arith.constant 0 : index
    %get3A_57 = vector.load %arg10[%get3A_55, %get3A_56] : memref<1x128xf32, #tpu.memory_space<vmem>>, vector<1x128xf32>
    %transpose3A_58 = tpu.transpose %tanh3A_54, [1, 0] : vector<256x128xf32> -> vector<128x256xf32>
    %dot_general3A_59 = arith.constant dense<0.000000e+00> : vector<1x256xf32>
    %dot_general3A_60 = tpu.matmul %get3A_57, %transpose3A_58, %dot_general3A_59 {dimension_numbers = #tpu.dot_dimension_numbers<[1], [0], [0], [1], [0, 0, 1, 1], [], []>, transpose_lhs_hint = false} : vector<1x128xf32>, vector<128x256xf32>, vector<1x256xf32> -> vector<1x256xf32>
    %get3A_61 = arith.constant 0 : index
    %get3A_62 = arith.constant 0 : index
    %get3A_63 = vector.load %arg11[%get3A_61, %get3A_62] : memref<1x1xf32, #tpu.memory_space<vmem>>, vector<1x1xf32>
    %add3A_64 = vector.broadcast %get3A_63 : vector<1x1xf32> to vector<1x256xf32>
    %add3A_65 = arith.addf %dot_general3A_60, %add3A_64 : vector<1x256xf32>
    %iota3A_66 = tpu.iota {dimensions = array<i32: 1>} : vector<1x256xi32>
    %add3A_67 = arith.constant 256 : i32
    %add3A_68 = vector.broadcast %add3A_67 : i32 to vector<1x256xi32>
    %add3A_69 = arith.addi %iota3A_66, %add3A_68 : vector<1x256xi32>
    %get3A_70 = arith.constant 0 : index
    %get3A_71 = arith.constant 256 : index
    %get3A_72 = vector.load %arg14[%get3A_70, %get3A_71] : memref<1x512xf32, #tpu.memory_space<vmem>>, vector<1x256xf32>
    %lt3A_73 = vector.broadcast %add3A_20 : i32 to vector<1x256xi32>
    %lt3A_74 = arith.cmpi slt, %add3A_69, %lt3A_73 : vector<1x256xi32>
    %jit3A_75 = arith.constant 0.000000e+00 : f32
    %broadcast_in_dim3A_76 = vector.broadcast %jit3A_75 : f32 to vector<1x256xf32>
    %select_n3A_77 = arith.select %lt3A_74, %add3A_65, %broadcast_in_dim3A_76 : vector<1x256xi1>, vector<1x256xf32>
    %eq3A_78 = vector.broadcast %add3A_20 : i32 to vector<1x256xi32>
    %eq3A_79 = arith.cmpi eq, %add3A_69, %eq3A_78 : vector<1x256xi32>
    %jit3A_80 = arith.constant 0.000000e+00 : f32
    %broadcast_in_dim3A_81 = vector.broadcast %jit3A_80 : f32 to vector<1x256xf32>
    %select_n3A_82 = arith.select %eq3A_79, %get3A_72, %broadcast_in_dim3A_81 : vector<1x256xi1>, vector<1x256xf32>
    %add3A_83 = arith.addf %select_n3A_77, %select_n3A_82 : vector<1x256xf32>
    %concatenate3A = tpu.concatenate %add3A_50, %add3A_83 in 1 : vector<1x256xf32>, vector<1x256xf32> -> vector<1x512xf32>
    %swap3A = arith.constant 0 : index
    %swap3A_84 = arith.constant 0 : index
    %swap3A_85 = vector.load %arg12[%swap3A, %swap3A_84] : memref<8x512xf32, #tpu.memory_space<vmem>>, vector<1x512xf32>
    tpu.vector_store %arg12[%swap3A, %swap3A_84], %concatenate3A {strides = array<i32>} : memref<8x512xf32, #tpu.memory_space<vmem>>, vector<1x512xf32>,
    %mul3A_86 = arith.constant 8 : i32
    %mul3A_87 = arith.muli %arg0, %mul3A_86 : i32
    %add3A_88 = arith.constant 1 : i32
    %add3A_89 = arith.addi %mul3A_87, %add3A_88 : i32
    %get3A_90 = arith.index_cast %add3A_89 : i32 to index
    %get3A_91 = arith.constant 0 : index
    %get3A_92 = vector.load %arg13[%get3A_90, %get3A_91] : memref<512x128xf32, #tpu.memory_space<vmem>>, vector<1x128xf32>
    %slice3A_93 = vector.extract_strided_slice %dot_general3A_11 {offsets = [256, 0], sizes = [256, 128], strides = [1, 1]} : vector<2048x128xf32> to vector<256x128xf32>
    %add3A_94 = vector.broadcast %get3A_92 : vector<1x128xf32> to vector<256x128xf32>
    %add3A_95 = arith.addf %slice3A_93, %add3A_94 : vector<256x128xf32>
    %tanh3A_96 = math.tanh %add3A_95 : vector<256x128xf32>
    %get3A_97 = arith.constant 0 : index
    %get3A_98 = arith.constant 0 : index
    %get3A_99 = vector.load %arg10[%get3A_97, %get3A_98] : memref<1x128xf32, #tpu.memory_space<vmem>>, vector<1x128xf32>
    %transpose3A_100 = tpu.transpose %tanh3A_96, [1, 0] : vector<256x128xf32> -> vector<128x256xf32>
    %dot_general3A_101 = arith.constant dense<0.000000e+00> : vector<1x256xf32>
    %dot_general3A_102 = tpu.matmul %get3A_99, %transpose3A_100, %dot_general3A_101 {dimension_numbers = #tpu.dot_dimension_numbers<[1], [0], [0], [1], [0, 0, 1, 1], [], []>, transpose_lhs_hint = false} : vector<1x128xf32>, vector<128x256xf32>, vector<1x256xf32> -> vector<1x256xf32>
    %get3A_103 = arith.constant 0 : index
    %get3A_104 = arith.constant 0 : index
    %get3A_105 = vector.load %arg11[%get3A_103, %get3A_104] : memref<1x1xf32, #tpu.memory_space<vmem>>, vector<1x1xf32>
    %add3A_106 = vector.broadcast %get3A_105 : vector<1x1xf32> to vector<1x256xf32>
    %add3A_107 = arith.addf %dot_general3A_102, %add3A_106 : vector<1x256xf32>
    %iota3A_108 = tpu.iota {dimensions = array<i32: 1>} : vector<1x256xi32>
    %add3A_109 = arith.constant 0 : i32
    %add3A_110 = vector.broadcast %add3A_109 : i32 to vector<1x256xi32>
    %add3A_111 = arith.addi %iota3A_108, %add3A_110 : vector<1x256xi32>
    %get3A_112 = arith.constant 0 : index
    %get3A_113 = arith.constant 0 : index
    %get3A_114 = vector.load %arg14[%get3A_112, %get3A_113] : memref<1x512xf32, #tpu.memory_space<vmem>>, vector<1x256xf32>
    %lt3A_115 = vector.broadcast %add3A_89 : i32 to vector<1x256xi32>
    %lt3A_116 = arith.cmpi slt, %add3A_111, %lt3A_115 : vector<1x256xi32>
    %jit3A_117 = arith.constant 0.000000e+00 : f32
    %broadcast_in_dim3A_118 = vector.broadcast %jit3A_117 : f32 to vector<1x256xf32>
    %select_n3A_119 = arith.select %lt3A_116, %add3A_107, %broadcast_in_dim3A_118 : vector<1x256xi1>, vector<1x256xf32>
    %eq3A_120 = vector.broadcast %add3A_89 : i32 to vector<1x256xi32>
    %eq3A_121 = arith.cmpi eq, %add3A_111, %eq3A_120 : vector<1x256xi32>
    %jit3A_122 = arith.constant 0.000000e+00 : f32
    %broadcast_in_dim3A_123 = vector.broadcast %jit3A_122 : f32 to vector<1x256xf32>
    %select_n3A_124 = arith.select %eq3A_121, %get3A_114, %broadcast_in_dim3A_123 : vector<1x256xi1>, vector<1x256xf32>
    %add3A_125 = arith.addf %select_n3A_119, %select_n3A_124 : vector<1x256xf32>
    %slice3A_126 = vector.extract_strided_slice %dot_general3A_17 {offsets = [256, 0], sizes = [256, 128], strides = [1, 1]} : vector<2048x128xf32> to vector<256x128xf32>
    %add3A_127 = vector.broadcast %get3A_92 : vector<1x128xf32> to vector<256x128xf32>
    %add3A_128 = arith.addf %slice3A_126, %add3A_127 : vector<256x128xf32>
    %tanh3A_129 = math.tanh %add3A_128 : vector<256x128xf32>
    %get3A_130 = arith.constant 0 : index
    %get3A_131 = arith.constant 0 : index
    %get3A_132 = vector.load %arg10[%get3A_130, %get3A_131] : memref<1x128xf32, #tpu.memory_space<vmem>>, vector<1x128xf32>
    %transpose3A_133 = tpu.transpose %tanh3A_129, [1, 0] : vector<256x128xf32> -> vector<128x256xf32>
    %dot_general3A_134 = arith.constant dense<0.000000e+00> : vector<1x256xf32>
    %dot_general3A_135 = tpu.matmul %get3A_132, %transpose3A_133, %dot_general3A_134 {dimension_numbers = #tpu.dot_dimension_numbers<[1], [0], [0], [1], [0, 0, 1, 1], [], []>, transpose_lhs_hint = false} : vector<1x128xf32>, vector<128x256xf32>, vector<1x256xf32> -> vector<1x256xf32>
    %get3A_136 = arith.constant 0 : index
    %get3A_137 = arith.constant 0 : index
    %get3A_138 = vector.load %arg11[%get3A_136, %get3A_137] : memref<1x1xf32, #tpu.memory_space<vmem>>, vector<1x1xf32>
    %add3A_139 = vector.broadcast %get3A_138 : vector<1x1xf32> to vector<1x256xf32>
    %add3A_140 = arith.addf %dot_general3A_135, %add3A_139 : vector<1x256xf32>
    %iota3A_141 = tpu.iota {dimensions = array<i32: 1>} : vector<1x256xi32>
    %add3A_142 = arith.constant 256 : i32
    %add3A_143 = vector.broadcast %add3A_142 : i32 to vector<1x256xi32>
    %add3A_144 = arith.addi %iota3A_141, %add3A_143 : vector<1x256xi32>
    %get3A_145 = arith.constant 0 : index
    %get3A_146 = arith.constant 256 : index
    %get3A_147 = vector.load %arg14[%get3A_145, %get3A_146] : memref<1x512xf32, #tpu.memory_space<vmem>>, vector<1x256xf32>
    %lt3A_148 = vector.broadcast %add3A_89 : i32 to vector<1x256xi32>
    %lt3A_149 = arith.cmpi slt, %add3A_144, %lt3A_148 : vector<1x256xi32>
    %jit3A_150 = arith.constant 0.000000e+00 : f32
    %broadcast_in_dim3A_151 = vector.broadcast %jit3A_150 : f32 to vector<1x256xf32>
    %select_n3A_152 = arith.select %lt3A_149, %add3A_140, %broadcast_in_dim3A_151 : vector<1x256xi1>, vector<1x256xf32>
    %eq3A_153 = vector.broadcast %add3A_89 : i32 to vector<1x256xi32>
    %eq3A_154 = arith.cmpi eq, %add3A_144, %eq3A_153 : vector<1x256xi32>
    %jit3A_155 = arith.constant 0.000000e+00 : f32
    %broadcast_in_dim3A_156 = vector.broadcast %jit3A_155 : f32 to vector<1x256xf32>
    %select_n3A_157 = arith.select %eq3A_154, %get3A_147, %broadcast_in_dim3A_156 : vector<1x256xi1>, vector<1x256xf32>
    %add3A_158 = arith.addf %select_n3A_152, %select_n3A_157 : vector<1x256xf32>
    %concatenate3A_159 = tpu.concatenate %add3A_125, %add3A_158 in 1 : vector<1x256xf32>, vector<1x256xf32> -> vector<1x512xf32>
    %swap3A_160 = arith.constant 1 : index
    %swap3A_161 = arith.constant 0 : index
    %swap3A_162 = vector.load %arg12[%swap3A_160, %swap3A_161] : memref<8x512xf32, #tpu.memory_space<vmem>>, vector<1x512xf32>
    tpu.vector_store %arg12[%swap3A_160, %swap3A_161], %concatenate3A_159 {strides = array<i32>} : memref<8x512xf32, #tpu.memory_space<vmem>>, vector<1x512xf32>,
    %mul3A_163 = arith.constant 8 : i32
    %mul3A_164 = arith.muli %arg0, %mul3A_163 : i32
    %add3A_165 = arith.constant 2 : i32
    %add3A_166 = arith.addi %mul3A_164, %add3A_165 : i32
    %get3A_167 = arith.index_cast %add3A_166 : i32 to index
    %get3A_168 = arith.constant 0 : index
    %get3A_169 = vector.load %arg13[%get3A_167, %get3A_168] : memref<512x128xf32, #tpu.memory_space<vmem>>, vector<1x128xf32>
    %slice3A_170 = vector.extract_strided_slice %dot_general3A_11 {offsets = [512, 0], sizes = [256, 128], strides = [1, 1]} : vector<2048x128xf32> to vector<256x128xf32>
    %add3A_171 = vector.broadcast %get3A_169 : vector<1x128xf32> to vector<256x128xf32>
    %add3A_172 = arith.addf %slice3A_170, %add3A_171 : vector<256x128xf32>
    %tanh3A_173 = math.tanh %add3A_172 : vector<256x128xf32>
    %get3A_174 = arith.constant 0 : index
    %get3A_175 = arith.constant 0 : index
    %get3A_176 = vector.load %arg10[%get3A_174, %get3A_175] : memref<1x128xf32, #tpu.memory_space<vmem>>, vector<1x128xf32>
    %transpose3A_177 = tpu.transpose %tanh3A_173, [1, 0] : vector<256x128xf32> -> vector<128x256xf32>
    %dot_general3A_178 = arith.constant dense<0.000000e+00> : vector<1x256xf32>
    %dot_general3A_179 = tpu.matmul %get3A_176, %transpose3A_177, %dot_general3A_178 {dimension_numbers = #tpu.dot_dimension_numbers<[1], [0], [0], [1], [0, 0, 1, 1], [], []>, transpose_lhs_hint = false} : vector<1x128xf32>, vector<128x256xf32>, vector<1x256xf32> -> vector<1x256xf32>
    %get3A_180 = arith.constant 0 : index
    %get3A_181 = arith.constant 0 : index
    %get3A_182 = vector.load %arg11[%get3A_180, %get3A_181] : memref<1x1xf32, #tpu.memory_space<vmem>>, vector<1x1xf32>
    %add3A_183 = vector.broadcast %get3A_182 : vector<1x1xf32> to vector<1x256xf32>
    %add3A_184 = arith.addf %dot_general3A_179, %add3A_183 : vector<1x256xf32>
    %iota3A_185 = tpu.iota {dimensions = array<i32: 1>} : vector<1x256xi32>
    %add3A_186 = arith.constant 0 : i32
    %add3A_187 = vector.broadcast %add3A_186 : i32 to vector<1x256xi32>
    %add3A_188 = arith.addi %iota3A_185, %add3A_187 : vector<1x256xi32>
    %get3A_189 = arith.constant 0 : index
    %get3A_190 = arith.constant 0 : index
    %get3A_191 = vector.load %arg14[%get3A_189, %get3A_190] : memref<1x512xf32, #tpu.memory_space<vmem>>, vector<1x256xf32>
    %lt3A_192 = vector.broadcast %add3A_166 : i32 to vector<1x256xi32>
    %lt3A_193 = arith.cmpi slt, %add3A_188, %lt3A_192 : vector<1x256xi32>
    %jit3A_194 = arith.constant 0.000000e+00 : f32
    %broadcast_in_dim3A_195 = vector.broadcast %jit3A_194 : f32 to vector<1x256xf32>
    %select_n3A_196 = arith.select %lt3A_193, %add3A_184, %broadcast_in_dim3A_195 : vector<1x256xi1>, vector<1x256xf32>
    %eq3A_197 = vector.broadcast %add3A_166 : i32 to vector<1x256xi32>
    %eq3A_198 = arith.cmpi eq, %add3A_188, %eq3A_197 : vector<1x256xi32>
    %jit3A_199 = arith.constant 0.000000e+00 : f32
    %broadcast_in_dim3A_200 = vector.broadcast %jit3A_199 : f32 to vector<1x256xf32>
    %select_n3A_201 = arith.select %eq3A_198, %get3A_191, %broadcast_in_dim3A_200 : vector<1x256xi1>, vector<1x256xf32>
    %add3A_202 = arith.addf %select_n3A_196, %select_n3A_201 : vector<1x256xf32>
    %slice3A_203 = vector.extract_strided_slice %dot_general3A_17 {offsets = [512, 0], sizes = [256, 128], strides = [1, 1]} : vector<2048x128xf32> to vector<256x128xf32>
    %add3A_204 = vector.broadcast %get3A_169 : vector<1x128xf32> to vector<256x128xf32>
    %add3A_205 = arith.addf %slice3A_203, %add3A_204 : vector<256x128xf32>
    %tanh3A_206 = math.tanh %add3A_205 : vector<256x128xf32>
    %get3A_207 = arith.constant 0 : index
    %get3A_208 = arith.constant 0 : index
    %get3A_209 = vector.load %arg10[%get3A_207, %get3A_208] : memref<1x128xf32, #tpu.memory_space<vmem>>, vector<1x128xf32>
    %transpose3A_210 = tpu.transpose %tanh3A_206, [1, 0] : vector<256x128xf32> -> vector<128x256xf32>
    %dot_general3A_211 = arith.constant dense<0.000000e+00> : vector<1x256xf32>
    %dot_general3A_212 = tpu.matmul %get3A_209, %transpose3A_210, %dot_general3A_211 {dimension_numbers = #tpu.dot_dimension_numbers<[1], [0], [0], [1], [0, 0, 1, 1], [], []>, transpose_lhs_hint = false} : vector<1x128xf32>, vector<128x256xf32>, vector<1x256xf32> -> vector<1x256xf32>
    %get3A_213 = arith.constant 0 : index
    %get3A_214 = arith.constant 0 : index
    %get3A_215 = vector.load %arg11[%get3A_213, %get3A_214] : memref<1x1xf32, #tpu.memory_space<vmem>>, vector<1x1xf32>
    %add3A_216 = vector.broadcast %get3A_215 : vector<1x1xf32> to vector<1x256xf32>
    %add3A_217 = arith.addf %dot_general3A_212, %add3A_216 : vector<1x256xf32>
    %iota3A_218 = tpu.iota {dimensions = array<i32: 1>} : vector<1x256xi32>
    %add3A_219 = arith.constant 256 : i32
    %add3A_220 = vector.broadcast %add3A_219 : i32 to vector<1x256xi32>
    %add3A_221 = arith.addi %iota3A_218, %add3A_220 : vector<1x256xi32>
    %get3A_222 = arith.constant 0 : index
    %get3A_223 = arith.constant 256 : index
    %get3A_224 = vector.load %arg14[%get3A_222, %get3A_223] : memref<1x512xf32, #tpu.memory_space<vmem>>, vector<1x256xf32>
    %lt3A_225 = vector.broadcast %add3A_166 : i32 to vector<1x256xi32>
    %lt3A_226 = arith.cmpi slt, %add3A_221, %lt3A_225 : vector<1x256xi32>
    %jit3A_227 = arith.constant 0.000000e+00 : f32
    %broadcast_in_dim3A_228 = vector.broadcast %jit3A_227 : f32 to vector<1x256xf32>
    %select_n3A_229 = arith.select %lt3A_226, %add3A_217, %broadcast_in_dim3A_228 : vector<1x256xi1>, vector<1x256xf32>
    %eq3A_230 = vector.broadcast %add3A_166 : i32 to vector<1x256xi32>
    %eq3A_231 = arith.cmpi eq, %add3A_221, %eq3A_230 : vector<1x256xi32>
    %jit3A_232 = arith.constant 0.000000e+00 : f32
    %broadcast_in_dim3A_233 = vector.broadcast %jit3A_232 : f32 to vector<1x256xf32>
    %select_n3A_234 = arith.select %eq3A_231, %get3A_224, %broadcast_in_dim3A_233 : vector<1x256xi1>, vector<1x256xf32>
    %add3A_235 = arith.addf %select_n3A_229, %select_n3A_234 : vector<1x256xf32>
    %concatenate3A_236 = tpu.concatenate %add3A_202, %add3A_235 in 1 : vector<1x256xf32>, vector<1x256xf32> -> vector<1x512xf32>
    %swap3A_237 = arith.constant 2 : index
    %swap3A_238 = arith.constant 0 : index
    %swap3A_239 = vector.load %arg12[%swap3A_237, %swap3A_238] : memref<8x512xf32, #tpu.memory_space<vmem>>, vector<1x512xf32>
    tpu.vector_store %arg12[%swap3A_237, %swap3A_238], %concatenate3A_236 {strides = array<i32>} : memref<8x512xf32, #tpu.memory_space<vmem>>, vector<1x512xf32>,
    %mul3A_240 = arith.constant 8 : i32
    %mul3A_241 = arith.muli %arg0, %mul3A_240 : i32
    %add3A_242 = arith.constant 3 : i32
    %add3A_243 = arith.addi %mul3A_241, %add3A_242 : i32
    %get3A_244 = arith.index_cast %add3A_243 : i32 to index
    %get3A_245 = arith.constant 0 : index
    %get3A_246 = vector.load %arg13[%get3A_244, %get3A_245] : memref<512x128xf32, #tpu.memory_space<vmem>>, vector<1x128xf32>
    %slice3A_247 = vector.extract_strided_slice %dot_general3A_11 {offsets = [768, 0], sizes = [256, 128], strides = [1, 1]} : vector<2048x128xf32> to vector<256x128xf32>
    %add3A_248 = vector.broadcast %get3A_246 : vector<1x128xf32> to vector<256x128xf32>
    %add3A_249 = arith.addf %slice3A_247, %add3A_248 : vector<256x128xf32>
    %tanh3A_250 = math.tanh %add3A_249 : vector<256x128xf32>
    %get3A_251 = arith.constant 0 : index
    %get3A_252 = arith.constant 0 : index
    %get3A_253 = vector.load %arg10[%get3A_251, %get3A_252] : memref<1x128xf32, #tpu.memory_space<vmem>>, vector<1x128xf32>
    %transpose3A_254 = tpu.transpose %tanh3A_250, [1, 0] : vector<256x128xf32> -> vector<128x256xf32>
    %dot_general3A_255 = arith.constant dense<0.000000e+00> : vector<1x256xf32>
    %dot_general3A_256 = tpu.matmul %get3A_253, %transpose3A_254, %dot_general3A_255 {dimension_numbers = #tpu.dot_dimension_numbers<[1], [0], [0], [1], [0, 0, 1, 1], [], []>, transpose_lhs_hint = false} : vector<1x128xf32>, vector<128x256xf32>, vector<1x256xf32> -> vector<1x256xf32>
    %get3A_257 = arith.constant 0 : index
    %get3A_258 = arith.constant 0 : index
    %get3A_259 = vector.load %arg11[%get3A_257, %get3A_258] : memref<1x1xf32, #tpu.memory_space<vmem>>, vector<1x1xf32>
    %add3A_260 = vector.broadcast %get3A_259 : vector<1x1xf32> to vector<1x256xf32>
    %add3A_261 = arith.addf %dot_general3A_256, %add3A_260 : vector<1x256xf32>
    %iota3A_262 = tpu.iota {dimensions = array<i32: 1>} : vector<1x256xi32>
    %add3A_263 = arith.constant 0 : i32
    %add3A_264 = vector.broadcast %add3A_263 : i32 to vector<1x256xi32>
    %add3A_265 = arith.addi %iota3A_262, %add3A_264 : vector<1x256xi32>
    %get3A_266 = arith.constant 0 : index
    %get3A_267 = arith.constant 0 : index
    %get3A_268 = vector.load %arg14[%get3A_266, %get3A_267] : memref<1x512xf32, #tpu.memory_space<vmem>>, vector<1x256xf32>
    %lt3A_269 = vector.broadcast %add3A_243 : i32 to vector<1x256xi32>
    %lt3A_270 = arith.cmpi slt, %add3A_265, %lt3A_269 : vector<1x256xi32>
    %jit3A_271 = arith.constant 0.000000e+00 : f32
    %broadcast_in_dim3A_272 = vector.broadcast %jit3A_271 : f32 to vector<1x256xf32>
    %select_n3A_273 = arith.select %lt3A_270, %add3A_261, %broadcast_in_dim3A_272 : vector<1x256xi1>, vector<1x256xf32>
    %eq3A_274 = vector.broadcast %add3A_243 : i32 to vector<1x256xi32>
    %eq3A_275 = arith.cmpi eq, %add3A_265, %eq3A_274 : vector<1x256xi32>
    %jit3A_276 = arith.constant 0.000000e+00 : f32
    %broadcast_in_dim3A_277 = vector.broadcast %jit3A_276 : f32 to vector<1x256xf32>
    %select_n3A_278 = arith.select %eq3A_275, %get3A_268, %broadcast_in_dim3A_277 : vector<1x256xi1>, vector<1x256xf32>
    %add3A_279 = arith.addf %select_n3A_273, %select_n3A_278 : vector<1x256xf32>
    %slice3A_280 = vector.extract_strided_slice %dot_general3A_17 {offsets = [768, 0], sizes = [256, 128], strides = [1, 1]} : vector<2048x128xf32> to vector<256x128xf32>
    %add3A_281 = vector.broadcast %get3A_246 : vector<1x128xf32> to vector<256x128xf32>
    %add3A_282 = arith.addf %slice3A_280, %add3A_281 : vector<256x128xf32>
    %tanh3A_283 = math.tanh %add3A_282 : vector<256x128xf32>
    %get3A_284 = arith.constant 0 : index
    %get3A_285 = arith.constant 0 : index
    %get3A_286 = vector.load %arg10[%get3A_284, %get3A_285] : memref<1x128xf32, #tpu.memory_space<vmem>>, vector<1x128xf32>
    %transpose3A_287 = tpu.transpose %tanh3A_283, [1, 0] : vector<256x128xf32> -> vector<128x256xf32>
    %dot_general3A_288 = arith.constant dense<0.000000e+00> : vector<1x256xf32>
    %dot_general3A_289 = tpu.matmul %get3A_286, %transpose3A_287, %dot_general3A_288 {dimension_numbers = #tpu.dot_dimension_numbers<[1], [0], [0], [1], [0, 0, 1, 1], [], []>, transpose_lhs_hint = false} : vector<1x128xf32>, vector<128x256xf32>, vector<1x256xf32> -> vector<1x256xf32>
    %get3A_290 = arith.constant 0 : index
    %get3A_291 = arith.constant 0 : index
    %get3A_292 = vector.load %arg11[%get3A_290, %get3A_291] : memref<1x1xf32, #tpu.memory_space<vmem>>, vector<1x1xf32>
    %add3A_293 = vector.broadcast %get3A_292 : vector<1x1xf32> to vector<1x256xf32>
    %add3A_294 = arith.addf %dot_general3A_289, %add3A_293 : vector<1x256xf32>
    %iota3A_295 = tpu.iota {dimensions = array<i32: 1>} : vector<1x256xi32>
    %add3A_296 = arith.constant 256 : i32
    %add3A_297 = vector.broadcast %add3A_296 : i32 to vector<1x256xi32>
    %add3A_298 = arith.addi %iota3A_295, %add3A_297 : vector<1x256xi32>
    %get3A_299 = arith.constant 0 : index
    %get3A_300 = arith.constant 256 : index
    %get3A_301 = vector.load %arg14[%get3A_299, %get3A_300] : memref<1x512xf32, #tpu.memory_space<vmem>>, vector<1x256xf32>
    %lt3A_302 = vector.broadcast %add3A_243 : i32 to vector<1x256xi32>
    %lt3A_303 = arith.cmpi slt, %add3A_298, %lt3A_302 : vector<1x256xi32>
    %jit3A_304 = arith.constant 0.000000e+00 : f32
    %broadcast_in_dim3A_305 = vector.broadcast %jit3A_304 : f32 to vector<1x256xf32>
    %select_n3A_306 = arith.select %lt3A_303, %add3A_294, %broadcast_in_dim3A_305 : vector<1x256xi1>, vector<1x256xf32>
    %eq3A_307 = vector.broadcast %add3A_243 : i32 to vector<1x256xi32>
    %eq3A_308 = arith.cmpi eq, %add3A_298, %eq3A_307 : vector<1x256xi32>
    %jit3A_309 = arith.constant 0.000000e+00 : f32
    %broadcast_in_dim3A_310 = vector.broadcast %jit3A_309 : f32 to vector<1x256xf32>
    %select_n3A_311 = arith.select %eq3A_308, %get3A_301, %broadcast_in_dim3A_310 : vector<1x256xi1>, vector<1x256xf32>
    %add3A_312 = arith.addf %select_n3A_306, %select_n3A_311 : vector<1x256xf32>
    %concatenate3A_313 = tpu.concatenate %add3A_279, %add3A_312 in 1 : vector<1x256xf32>, vector<1x256xf32> -> vector<1x512xf32>
    %swap3A_314 = arith.constant 3 : index
    %swap3A_315 = arith.constant 0 : index
    %swap3A_316 = vector.load %arg12[%swap3A_314, %swap3A_315] : memref<8x512xf32, #tpu.memory_space<vmem>>, vector<1x512xf32>
    tpu.vector_store %arg12[%swap3A_314, %swap3A_315], %concatenate3A_313 {strides = array<i32>} : memref<8x512xf32, #tpu.memory_space<vmem>>, vector<1x512xf32>,
    %mul3A_317 = arith.constant 8 : i32
    %mul3A_318 = arith.muli %arg0, %mul3A_317 : i32
    %add3A_319 = arith.constant 4 : i32
    %add3A_320 = arith.addi %mul3A_318, %add3A_319 : i32
    %get3A_321 = arith.index_cast %add3A_320 : i32 to index
    %get3A_322 = arith.constant 0 : index
    %get3A_323 = vector.load %arg13[%get3A_321, %get3A_322] : memref<512x128xf32, #tpu.memory_space<vmem>>, vector<1x128xf32>
    %slice3A_324 = vector.extract_strided_slice %dot_general3A_11 {offsets = [1024, 0], sizes = [256, 128], strides = [1, 1]} : vector<2048x128xf32> to vector<256x128xf32>
    %add3A_325 = vector.broadcast %get3A_323 : vector<1x128xf32> to vector<256x128xf32>
    %add3A_326 = arith.addf %slice3A_324, %add3A_325 : vector<256x128xf32>
    %tanh3A_327 = math.tanh %add3A_326 : vector<256x128xf32>
    %get3A_328 = arith.constant 0 : index
    %get3A_329 = arith.constant 0 : index
    %get3A_330 = vector.load %arg10[%get3A_328, %get3A_329] : memref<1x128xf32, #tpu.memory_space<vmem>>, vector<1x128xf32>
    %transpose3A_331 = tpu.transpose %tanh3A_327, [1, 0] : vector<256x128xf32> -> vector<128x256xf32>
    %dot_general3A_332 = arith.constant dense<0.000000e+00> : vector<1x256xf32>
    %dot_general3A_333 = tpu.matmul %get3A_330, %transpose3A_331, %dot_general3A_332 {dimension_numbers = #tpu.dot_dimension_numbers<[1], [0], [0], [1], [0, 0, 1, 1], [], []>, transpose_lhs_hint = false} : vector<1x128xf32>, vector<128x256xf32>, vector<1x256xf32> -> vector<1x256xf32>
    %get3A_334 = arith.constant 0 : index
    %get3A_335 = arith.constant 0 : index
    %get3A_336 = vector.load %arg11[%get3A_334, %get3A_335] : memref<1x1xf32, #tpu.memory_space<vmem>>, vector<1x1xf32>
    %add3A_337 = vector.broadcast %get3A_336 : vector<1x1xf32> to vector<1x256xf32>
    %add3A_338 = arith.addf %dot_general3A_333, %add3A_337 : vector<1x256xf32>
    %iota3A_339 = tpu.iota {dimensions = array<i32: 1>} : vector<1x256xi32>
    %add3A_340 = arith.constant 0 : i32
    %add3A_341 = vector.broadcast %add3A_340 : i32 to vector<1x256xi32>
    %add3A_342 = arith.addi %iota3A_339, %add3A_341 : vector<1x256xi32>
    %get3A_343 = arith.constant 0 : index
    %get3A_344 = arith.constant 0 : index
    %get3A_345 = vector.load %arg14[%get3A_343, %get3A_344] : memref<1x512xf32, #tpu.memory_space<vmem>>, vector<1x256xf32>
    %lt3A_346 = vector.broadcast %add3A_320 : i32 to vector<1x256xi32>
    %lt3A_347 = arith.cmpi slt, %add3A_342, %lt3A_346 : vector<1x256xi32>
    %jit3A_348 = arith.constant 0.000000e+00 : f32
    %broadcast_in_dim3A_349 = vector.broadcast %jit3A_348 : f32 to vector<1x256xf32>
    %select_n3A_350 = arith.select %lt3A_347, %add3A_338, %broadcast_in_dim3A_349 : vector<1x256xi1>, vector<1x256xf32>
    %eq3A_351 = vector.broadcast %add3A_320 : i32 to vector<1x256xi32>
    %eq3A_352 = arith.cmpi eq, %add3A_342, %eq3A_351 : vector<1x256xi32>
    %jit3A_353 = arith.constant 0.000000e+00 : f32
    %broadcast_in_dim3A_354 = vector.broadcast %jit3A_353 : f32 to vector<1x256xf32>
    %select_n3A_355 = arith.select %eq3A_352, %get3A_345, %broadcast_in_dim3A_354 : vector<1x256xi1>, vector<1x256xf32>
    %add3A_356 = arith.addf %select_n3A_350, %select_n3A_355 : vector<1x256xf32>
    %slice3A_357 = vector.extract_strided_slice %dot_general3A_17 {offsets = [1024, 0], sizes = [256, 128], strides = [1, 1]} : vector<2048x128xf32> to vector<256x128xf32>
    %add3A_358 = vector.broadcast %get3A_323 : vector<1x128xf32> to vector<256x128xf32>
    %add3A_359 = arith.addf %slice3A_357, %add3A_358 : vector<256x128xf32>
    %tanh3A_360 = math.tanh %add3A_359 : vector<256x128xf32>
    %get3A_361 = arith.constant 0 : index
    %get3A_362 = arith.constant 0 : index
    %get3A_363 = vector.load %arg10[%get3A_361, %get3A_362] : memref<1x128xf32, #tpu.memory_space<vmem>>, vector<1x128xf32>
    %transpose3A_364 = tpu.transpose %tanh3A_360, [1, 0] : vector<256x128xf32> -> vector<128x256xf32>
    %dot_general3A_365 = arith.constant dense<0.000000e+00> : vector<1x256xf32>
    %dot_general3A_366 = tpu.matmul %get3A_363, %transpose3A_364, %dot_general3A_365 {dimension_numbers = #tpu.dot_dimension_numbers<[1], [0], [0], [1], [0, 0, 1, 1], [], []>, transpose_lhs_hint = false} : vector<1x128xf32>, vector<128x256xf32>, vector<1x256xf32> -> vector<1x256xf32>
    %get3A_367 = arith.constant 0 : index
    %get3A_368 = arith.constant 0 : index
    %get3A_369 = vector.load %arg11[%get3A_367, %get3A_368] : memref<1x1xf32, #tpu.memory_space<vmem>>, vector<1x1xf32>
    %add3A_370 = vector.broadcast %get3A_369 : vector<1x1xf32> to vector<1x256xf32>
    %add3A_371 = arith.addf %dot_general3A_366, %add3A_370 : vector<1x256xf32>
    %iota3A_372 = tpu.iota {dimensions = array<i32: 1>} : vector<1x256xi32>
    %add3A_373 = arith.constant 256 : i32
    %add3A_374 = vector.broadcast %add3A_373 : i32 to vector<1x256xi32>
    %add3A_375 = arith.addi %iota3A_372, %add3A_374 : vector<1x256xi32>
    %get3A_376 = arith.constant 0 : index
    %get3A_377 = arith.constant 256 : index
    %get3A_378 = vector.load %arg14[%get3A_376, %get3A_377] : memref<1x512xf32, #tpu.memory_space<vmem>>, vector<1x256xf32>
    %lt3A_379 = vector.broadcast %add3A_320 : i32 to vector<1x256xi32>
    %lt3A_380 = arith.cmpi slt, %add3A_375, %lt3A_379 : vector<1x256xi32>
    %jit3A_381 = arith.constant 0.000000e+00 : f32
    %broadcast_in_dim3A_382 = vector.broadcast %jit3A_381 : f32 to vector<1x256xf32>
    %select_n3A_383 = arith.select %lt3A_380, %add3A_371, %broadcast_in_dim3A_382 : vector<1x256xi1>, vector<1x256xf32>
    %eq3A_384 = vector.broadcast %add3A_320 : i32 to vector<1x256xi32>
    %eq3A_385 = arith.cmpi eq, %add3A_375, %eq3A_384 : vector<1x256xi32>
    %jit3A_386 = arith.constant 0.000000e+00 : f32
    %broadcast_in_dim3A_387 = vector.broadcast %jit3A_386 : f32 to vector<1x256xf32>
    %select_n3A_388 = arith.select %eq3A_385, %get3A_378, %broadcast_in_dim3A_387 : vector<1x256xi1>, vector<1x256xf32>
    %add3A_389 = arith.addf %select_n3A_383, %select_n3A_388 : vector<1x256xf32>
    %concatenate3A_390 = tpu.concatenate %add3A_356, %add3A_389 in 1 : vector<1x256xf32>, vector<1x256xf32> -> vector<1x512xf32>
    %swap3A_391 = arith.constant 4 : index
    %swap3A_392 = arith.constant 0 : index
    %swap3A_393 = vector.load %arg12[%swap3A_391, %swap3A_392] : memref<8x512xf32, #tpu.memory_space<vmem>>, vector<1x512xf32>
    tpu.vector_store %arg12[%swap3A_391, %swap3A_392], %concatenate3A_390 {strides = array<i32>} : memref<8x512xf32, #tpu.memory_space<vmem>>, vector<1x512xf32>,
    %mul3A_394 = arith.constant 8 : i32
    %mul3A_395 = arith.muli %arg0, %mul3A_394 : i32
    %add3A_396 = arith.constant 5 : i32
    %add3A_397 = arith.addi %mul3A_395, %add3A_396 : i32
    %get3A_398 = arith.index_cast %add3A_397 : i32 to index
    %get3A_399 = arith.constant 0 : index
    %get3A_400 = vector.load %arg13[%get3A_398, %get3A_399] : memref<512x128xf32, #tpu.memory_space<vmem>>, vector<1x128xf32>
    %slice3A_401 = vector.extract_strided_slice %dot_general3A_11 {offsets = [1280, 0], sizes = [256, 128], strides = [1, 1]} : vector<2048x128xf32> to vector<256x128xf32>
    %add3A_402 = vector.broadcast %get3A_400 : vector<1x128xf32> to vector<256x128xf32>
    %add3A_403 = arith.addf %slice3A_401, %add3A_402 : vector<256x128xf32>
    %tanh3A_404 = math.tanh %add3A_403 : vector<256x128xf32>
    %get3A_405 = arith.constant 0 : index
    %get3A_406 = arith.constant 0 : index
    %get3A_407 = vector.load %arg10[%get3A_405, %get3A_406] : memref<1x128xf32, #tpu.memory_space<vmem>>, vector<1x128xf32>
    %transpose3A_408 = tpu.transpose %tanh3A_404, [1, 0] : vector<256x128xf32> -> vector<128x256xf32>
    %dot_general3A_409 = arith.constant dense<0.000000e+00> : vector<1x256xf32>
    %dot_general3A_410 = tpu.matmul %get3A_407, %transpose3A_408, %dot_general3A_409 {dimension_numbers = #tpu.dot_dimension_numbers<[1], [0], [0], [1], [0, 0, 1, 1], [], []>, transpose_lhs_hint = false} : vector<1x128xf32>, vector<128x256xf32>, vector<1x256xf32> -> vector<1x256xf32>
    %get3A_411 = arith.constant 0 : index
    %get3A_412 = arith.constant 0 : index
    %get3A_413 = vector.load %arg11[%get3A_411, %get3A_412] : memref<1x1xf32, #tpu.memory_space<vmem>>, vector<1x1xf32>
    %add3A_414 = vector.broadcast %get3A_413 : vector<1x1xf32> to vector<1x256xf32>
    %add3A_415 = arith.addf %dot_general3A_410, %add3A_414 : vector<1x256xf32>
    %iota3A_416 = tpu.iota {dimensions = array<i32: 1>} : vector<1x256xi32>
    %add3A_417 = arith.constant 0 : i32
    %add3A_418 = vector.broadcast %add3A_417 : i32 to vector<1x256xi32>
    %add3A_419 = arith.addi %iota3A_416, %add3A_418 : vector<1x256xi32>
    %get3A_420 = arith.constant 0 : index
    %get3A_421 = arith.constant 0 : index
    %get3A_422 = vector.load %arg14[%get3A_420, %get3A_421] : memref<1x512xf32, #tpu.memory_space<vmem>>, vector<1x256xf32>
    %lt3A_423 = vector.broadcast %add3A_397 : i32 to vector<1x256xi32>
    %lt3A_424 = arith.cmpi slt, %add3A_419, %lt3A_423 : vector<1x256xi32>
    %jit3A_425 = arith.constant 0.000000e+00 : f32
    %broadcast_in_dim3A_426 = vector.broadcast %jit3A_425 : f32 to vector<1x256xf32>
    %select_n3A_427 = arith.select %lt3A_424, %add3A_415, %broadcast_in_dim3A_426 : vector<1x256xi1>, vector<1x256xf32>
    %eq3A_428 = vector.broadcast %add3A_397 : i32 to vector<1x256xi32>
    %eq3A_429 = arith.cmpi eq, %add3A_419, %eq3A_428 : vector<1x256xi32>
    %jit3A_430 = arith.constant 0.000000e+00 : f32
    %broadcast_in_dim3A_431 = vector.broadcast %jit3A_430 : f32 to vector<1x256xf32>
    %select_n3A_432 = arith.select %eq3A_429, %get3A_422, %broadcast_in_dim3A_431 : vector<1x256xi1>, vector<1x256xf32>
    %add3A_433 = arith.addf %select_n3A_427, %select_n3A_432 : vector<1x256xf32>
    %slice3A_434 = vector.extract_strided_slice %dot_general3A_17 {offsets = [1280, 0], sizes = [256, 128], strides = [1, 1]} : vector<2048x128xf32> to vector<256x128xf32>
    %add3A_435 = vector.broadcast %get3A_400 : vector<1x128xf32> to vector<256x128xf32>
    %add3A_436 = arith.addf %slice3A_434, %add3A_435 : vector<256x128xf32>
    %tanh3A_437 = math.tanh %add3A_436 : vector<256x128xf32>
    %get3A_438 = arith.constant 0 : index
    %get3A_439 = arith.constant 0 : index
    %get3A_440 = vector.load %arg10[%get3A_438, %get3A_439] : memref<1x128xf32, #tpu.memory_space<vmem>>, vector<1x128xf32>
    %transpose3A_441 = tpu.transpose %tanh3A_437, [1, 0] : vector<256x128xf32> -> vector<128x256xf32>
    %dot_general3A_442 = arith.constant dense<0.000000e+00> : vector<1x256xf32>
    %dot_general3A_443 = tpu.matmul %get3A_440, %transpose3A_441, %dot_general3A_442 {dimension_numbers = #tpu.dot_dimension_numbers<[1], [0], [0], [1], [0, 0, 1, 1], [], []>, transpose_lhs_hint = false} : vector<1x128xf32>, vector<128x256xf32>, vector<1x256xf32> -> vector<1x256xf32>
    %get3A_444 = arith.constant 0 : index
    %get3A_445 = arith.constant 0 : index
    %get3A_446 = vector.load %arg11[%get3A_444, %get3A_445] : memref<1x1xf32, #tpu.memory_space<vmem>>, vector<1x1xf32>
    %add3A_447 = vector.broadcast %get3A_446 : vector<1x1xf32> to vector<1x256xf32>
    %add3A_448 = arith.addf %dot_general3A_443, %add3A_447 : vector<1x256xf32>
    %iota3A_449 = tpu.iota {dimensions = array<i32: 1>} : vector<1x256xi32>
    %add3A_450 = arith.constant 256 : i32
    %add3A_451 = vector.broadcast %add3A_450 : i32 to vector<1x256xi32>
    %add3A_452 = arith.addi %iota3A_449, %add3A_451 : vector<1x256xi32>
    %get3A_453 = arith.constant 0 : index
    %get3A_454 = arith.constant 256 : index
    %get3A_455 = vector.load %arg14[%get3A_453, %get3A_454] : memref<1x512xf32, #tpu.memory_space<vmem>>, vector<1x256xf32>
    %lt3A_456 = vector.broadcast %add3A_397 : i32 to vector<1x256xi32>
    %lt3A_457 = arith.cmpi slt, %add3A_452, %lt3A_456 : vector<1x256xi32>
    %jit3A_458 = arith.constant 0.000000e+00 : f32
    %broadcast_in_dim3A_459 = vector.broadcast %jit3A_458 : f32 to vector<1x256xf32>
    %select_n3A_460 = arith.select %lt3A_457, %add3A_448, %broadcast_in_dim3A_459 : vector<1x256xi1>, vector<1x256xf32>
    %eq3A_461 = vector.broadcast %add3A_397 : i32 to vector<1x256xi32>
    %eq3A_462 = arith.cmpi eq, %add3A_452, %eq3A_461 : vector<1x256xi32>
    %jit3A_463 = arith.constant 0.000000e+00 : f32
    %broadcast_in_dim3A_464 = vector.broadcast %jit3A_463 : f32 to vector<1x256xf32>
    %select_n3A_465 = arith.select %eq3A_462, %get3A_455, %broadcast_in_dim3A_464 : vector<1x256xi1>, vector<1x256xf32>
    %add3A_466 = arith.addf %select_n3A_460, %select_n3A_465 : vector<1x256xf32>
    %concatenate3A_467 = tpu.concatenate %add3A_433, %add3A_466 in 1 : vector<1x256xf32>, vector<1x256xf32> -> vector<1x512xf32>
    %swap3A_468 = arith.constant 5 : index
    %swap3A_469 = arith.constant 0 : index
    %swap3A_470 = vector.load %arg12[%swap3A_468, %swap3A_469] : memref<8x512xf32, #tpu.memory_space<vmem>>, vector<1x512xf32>
    tpu.vector_store %arg12[%swap3A_468, %swap3A_469], %concatenate3A_467 {strides = array<i32>} : memref<8x512xf32, #tpu.memory_space<vmem>>, vector<1x512xf32>,
    %mul3A_471 = arith.constant 8 : i32
    %mul3A_472 = arith.muli %arg0, %mul3A_471 : i32
    %add3A_473 = arith.constant 6 : i32
    %add3A_474 = arith.addi %mul3A_472, %add3A_473 : i32
    %get3A_475 = arith.index_cast %add3A_474 : i32 to index
    %get3A_476 = arith.constant 0 : index
    %get3A_477 = vector.load %arg13[%get3A_475, %get3A_476] : memref<512x128xf32, #tpu.memory_space<vmem>>, vector<1x128xf32>
    %slice3A_478 = vector.extract_strided_slice %dot_general3A_11 {offsets = [1536, 0], sizes = [256, 128], strides = [1, 1]} : vector<2048x128xf32> to vector<256x128xf32>
    %add3A_479 = vector.broadcast %get3A_477 : vector<1x128xf32> to vector<256x128xf32>
    %add3A_480 = arith.addf %slice3A_478, %add3A_479 : vector<256x128xf32>
    %tanh3A_481 = math.tanh %add3A_480 : vector<256x128xf32>
    %get3A_482 = arith.constant 0 : index
    %get3A_483 = arith.constant 0 : index
    %get3A_484 = vector.load %arg10[%get3A_482, %get3A_483] : memref<1x128xf32, #tpu.memory_space<vmem>>, vector<1x128xf32>
    %transpose3A_485 = tpu.transpose %tanh3A_481, [1, 0] : vector<256x128xf32> -> vector<128x256xf32>
    %dot_general3A_486 = arith.constant dense<0.000000e+00> : vector<1x256xf32>
    %dot_general3A_487 = tpu.matmul %get3A_484, %transpose3A_485, %dot_general3A_486 {dimension_numbers = #tpu.dot_dimension_numbers<[1], [0], [0], [1], [0, 0, 1, 1], [], []>, transpose_lhs_hint = false} : vector<1x128xf32>, vector<128x256xf32>, vector<1x256xf32> -> vector<1x256xf32>
    %get3A_488 = arith.constant 0 : index
    %get3A_489 = arith.constant 0 : index
    %get3A_490 = vector.load %arg11[%get3A_488, %get3A_489] : memref<1x1xf32, #tpu.memory_space<vmem>>, vector<1x1xf32>
    %add3A_491 = vector.broadcast %get3A_490 : vector<1x1xf32> to vector<1x256xf32>
    %add3A_492 = arith.addf %dot_general3A_487, %add3A_491 : vector<1x256xf32>
    %iota3A_493 = tpu.iota {dimensions = array<i32: 1>} : vector<1x256xi32>
    %add3A_494 = arith.constant 0 : i32
    %add3A_495 = vector.broadcast %add3A_494 : i32 to vector<1x256xi32>
    %add3A_496 = arith.addi %iota3A_493, %add3A_495 : vector<1x256xi32>
    %get3A_497 = arith.constant 0 : index
    %get3A_498 = arith.constant 0 : index
    %get3A_499 = vector.load %arg14[%get3A_497, %get3A_498] : memref<1x512xf32, #tpu.memory_space<vmem>>, vector<1x256xf32>
    %lt3A_500 = vector.broadcast %add3A_474 : i32 to vector<1x256xi32>
    %lt3A_501 = arith.cmpi slt, %add3A_496, %lt3A_500 : vector<1x256xi32>
    %jit3A_502 = arith.constant 0.000000e+00 : f32
    %broadcast_in_dim3A_503 = vector.broadcast %jit3A_502 : f32 to vector<1x256xf32>
    %select_n3A_504 = arith.select %lt3A_501, %add3A_492, %broadcast_in_dim3A_503 : vector<1x256xi1>, vector<1x256xf32>
    %eq3A_505 = vector.broadcast %add3A_474 : i32 to vector<1x256xi32>
    %eq3A_506 = arith.cmpi eq, %add3A_496, %eq3A_505 : vector<1x256xi32>
    %jit3A_507 = arith.constant 0.000000e+00 : f32
    %broadcast_in_dim3A_508 = vector.broadcast %jit3A_507 : f32 to vector<1x256xf32>
    %select_n3A_509 = arith.select %eq3A_506, %get3A_499, %broadcast_in_dim3A_508 : vector<1x256xi1>, vector<1x256xf32>
    %add3A_510 = arith.addf %select_n3A_504, %select_n3A_509 : vector<1x256xf32>
    %slice3A_511 = vector.extract_strided_slice %dot_general3A_17 {offsets = [1536, 0], sizes = [256, 128], strides = [1, 1]} : vector<2048x128xf32> to vector<256x128xf32>
    %add3A_512 = vector.broadcast %get3A_477 : vector<1x128xf32> to vector<256x128xf32>
    %add3A_513 = arith.addf %slice3A_511, %add3A_512 : vector<256x128xf32>
    %tanh3A_514 = math.tanh %add3A_513 : vector<256x128xf32>
    %get3A_515 = arith.constant 0 : index
    %get3A_516 = arith.constant 0 : index
    %get3A_517 = vector.load %arg10[%get3A_515, %get3A_516] : memref<1x128xf32, #tpu.memory_space<vmem>>, vector<1x128xf32>
    %transpose3A_518 = tpu.transpose %tanh3A_514, [1, 0] : vector<256x128xf32> -> vector<128x256xf32>
    %dot_general3A_519 = arith.constant dense<0.000000e+00> : vector<1x256xf32>
    %dot_general3A_520 = tpu.matmul %get3A_517, %transpose3A_518, %dot_general3A_519 {dimension_numbers = #tpu.dot_dimension_numbers<[1], [0], [0], [1], [0, 0, 1, 1], [], []>, transpose_lhs_hint = false} : vector<1x128xf32>, vector<128x256xf32>, vector<1x256xf32> -> vector<1x256xf32>
    %get3A_521 = arith.constant 0 : index
    %get3A_522 = arith.constant 0 : index
    %get3A_523 = vector.load %arg11[%get3A_521, %get3A_522] : memref<1x1xf32, #tpu.memory_space<vmem>>, vector<1x1xf32>
    %add3A_524 = vector.broadcast %get3A_523 : vector<1x1xf32> to vector<1x256xf32>
    %add3A_525 = arith.addf %dot_general3A_520, %add3A_524 : vector<1x256xf32>
    %iota3A_526 = tpu.iota {dimensions = array<i32: 1>} : vector<1x256xi32>
    %add3A_527 = arith.constant 256 : i32
    %add3A_528 = vector.broadcast %add3A_527 : i32 to vector<1x256xi32>
    %add3A_529 = arith.addi %iota3A_526, %add3A_528 : vector<1x256xi32>
    %get3A_530 = arith.constant 0 : index
    %get3A_531 = arith.constant 256 : index
    %get3A_532 = vector.load %arg14[%get3A_530, %get3A_531] : memref<1x512xf32, #tpu.memory_space<vmem>>, vector<1x256xf32>
    %lt3A_533 = vector.broadcast %add3A_474 : i32 to vector<1x256xi32>
    %lt3A_534 = arith.cmpi slt, %add3A_529, %lt3A_533 : vector<1x256xi32>
    %jit3A_535 = arith.constant 0.000000e+00 : f32
    %broadcast_in_dim3A_536 = vector.broadcast %jit3A_535 : f32 to vector<1x256xf32>
    %select_n3A_537 = arith.select %lt3A_534, %add3A_525, %broadcast_in_dim3A_536 : vector<1x256xi1>, vector<1x256xf32>
    %eq3A_538 = vector.broadcast %add3A_474 : i32 to vector<1x256xi32>
    %eq3A_539 = arith.cmpi eq, %add3A_529, %eq3A_538 : vector<1x256xi32>
    %jit3A_540 = arith.constant 0.000000e+00 : f32
    %broadcast_in_dim3A_541 = vector.broadcast %jit3A_540 : f32 to vector<1x256xf32>
    %select_n3A_542 = arith.select %eq3A_539, %get3A_532, %broadcast_in_dim3A_541 : vector<1x256xi1>, vector<1x256xf32>
    %add3A_543 = arith.addf %select_n3A_537, %select_n3A_542 : vector<1x256xf32>
    %concatenate3A_544 = tpu.concatenate %add3A_510, %add3A_543 in 1 : vector<1x256xf32>, vector<1x256xf32> -> vector<1x512xf32>
    %swap3A_545 = arith.constant 6 : index
    %swap3A_546 = arith.constant 0 : index
    %swap3A_547 = vector.load %arg12[%swap3A_545, %swap3A_546] : memref<8x512xf32, #tpu.memory_space<vmem>>, vector<1x512xf32>
    tpu.vector_store %arg12[%swap3A_545, %swap3A_546], %concatenate3A_544 {strides = array<i32>} : memref<8x512xf32, #tpu.memory_space<vmem>>, vector<1x512xf32>,
    %mul3A_548 = arith.constant 8 : i32
    %mul3A_549 = arith.muli %arg0, %mul3A_548 : i32
    %add3A_550 = arith.constant 7 : i32
    %add3A_551 = arith.addi %mul3A_549, %add3A_550 : i32
    %get3A_552 = arith.index_cast %add3A_551 : i32 to index
    %get3A_553 = arith.constant 0 : index
    %get3A_554 = vector.load %arg13[%get3A_552, %get3A_553] : memref<512x128xf32, #tpu.memory_space<vmem>>, vector<1x128xf32>
    %slice3A_555 = vector.extract_strided_slice %dot_general3A_11 {offsets = [1792, 0], sizes = [256, 128], strides = [1, 1]} : vector<2048x128xf32> to vector<256x128xf32>
    %add3A_556 = vector.broadcast %get3A_554 : vector<1x128xf32> to vector<256x128xf32>
    %add3A_557 = arith.addf %slice3A_555, %add3A_556 : vector<256x128xf32>
    %tanh3A_558 = math.tanh %add3A_557 : vector<256x128xf32>
    %get3A_559 = arith.constant 0 : index
    %get3A_560 = arith.constant 0 : index
    %get3A_561 = vector.load %arg10[%get3A_559, %get3A_560] : memref<1x128xf32, #tpu.memory_space<vmem>>, vector<1x128xf32>
    %transpose3A_562 = tpu.transpose %tanh3A_558, [1, 0] : vector<256x128xf32> -> vector<128x256xf32>
    %dot_general3A_563 = arith.constant dense<0.000000e+00> : vector<1x256xf32>
    %dot_general3A_564 = tpu.matmul %get3A_561, %transpose3A_562, %dot_general3A_563 {dimension_numbers = #tpu.dot_dimension_numbers<[1], [0], [0], [1], [0, 0, 1, 1], [], []>, transpose_lhs_hint = false} : vector<1x128xf32>, vector<128x256xf32>, vector<1x256xf32> -> vector<1x256xf32>
    %get3A_565 = arith.constant 0 : index
    %get3A_566 = arith.constant 0 : index
    %get3A_567 = vector.load %arg11[%get3A_565, %get3A_566] : memref<1x1xf32, #tpu.memory_space<vmem>>, vector<1x1xf32>
    %add3A_568 = vector.broadcast %get3A_567 : vector<1x1xf32> to vector<1x256xf32>
    %add3A_569 = arith.addf %dot_general3A_564, %add3A_568 : vector<1x256xf32>
    %iota3A_570 = tpu.iota {dimensions = array<i32: 1>} : vector<1x256xi32>
    %add3A_571 = arith.constant 0 : i32
    %add3A_572 = vector.broadcast %add3A_571 : i32 to vector<1x256xi32>
    %add3A_573 = arith.addi %iota3A_570, %add3A_572 : vector<1x256xi32>
    %get3A_574 = arith.constant 0 : index
    %get3A_575 = arith.constant 0 : index
    %get3A_576 = vector.load %arg14[%get3A_574, %get3A_575] : memref<1x512xf32, #tpu.memory_space<vmem>>, vector<1x256xf32>
    %lt3A_577 = vector.broadcast %add3A_551 : i32 to vector<1x256xi32>
    %lt3A_578 = arith.cmpi slt, %add3A_573, %lt3A_577 : vector<1x256xi32>
    %jit3A_579 = arith.constant 0.000000e+00 : f32
    %broadcast_in_dim3A_580 = vector.broadcast %jit3A_579 : f32 to vector<1x256xf32>
    %select_n3A_581 = arith.select %lt3A_578, %add3A_569, %broadcast_in_dim3A_580 : vector<1x256xi1>, vector<1x256xf32>
    %eq3A_582 = vector.broadcast %add3A_551 : i32 to vector<1x256xi32>
    %eq3A_583 = arith.cmpi eq, %add3A_573, %eq3A_582 : vector<1x256xi32>
    %jit3A_584 = arith.constant 0.000000e+00 : f32
    %broadcast_in_dim3A_585 = vector.broadcast %jit3A_584 : f32 to vector<1x256xf32>
    %select_n3A_586 = arith.select %eq3A_583, %get3A_576, %broadcast_in_dim3A_585 : vector<1x256xi1>, vector<1x256xf32>
    %add3A_587 = arith.addf %select_n3A_581, %select_n3A_586 : vector<1x256xf32>
    %slice3A_588 = vector.extract_strided_slice %dot_general3A_17 {offsets = [1792, 0], sizes = [256, 128], strides = [1, 1]} : vector<2048x128xf32> to vector<256x128xf32>
    %add3A_589 = vector.broadcast %get3A_554 : vector<1x128xf32> to vector<256x128xf32>
    %add3A_590 = arith.addf %slice3A_588, %add3A_589 : vector<256x128xf32>
    %tanh3A_591 = math.tanh %add3A_590 : vector<256x128xf32>
    %get3A_592 = arith.constant 0 : index
    %get3A_593 = arith.constant 0 : index
    %get3A_594 = vector.load %arg10[%get3A_592, %get3A_593] : memref<1x128xf32, #tpu.memory_space<vmem>>, vector<1x128xf32>
    %transpose3A_595 = tpu.transpose %tanh3A_591, [1, 0] : vector<256x128xf32> -> vector<128x256xf32>
    %dot_general3A_596 = arith.constant dense<0.000000e+00> : vector<1x256xf32>
    %dot_general3A_597 = tpu.matmul %get3A_594, %transpose3A_595, %dot_general3A_596 {dimension_numbers = #tpu.dot_dimension_numbers<[1], [0], [0], [1], [0, 0, 1, 1], [], []>, transpose_lhs_hint = false} : vector<1x128xf32>, vector<128x256xf32>, vector<1x256xf32> -> vector<1x256xf32>
    %get3A_598 = arith.constant 0 : index
    %get3A_599 = arith.constant 0 : index
    %get3A_600 = vector.load %arg11[%get3A_598, %get3A_599] : memref<1x1xf32, #tpu.memory_space<vmem>>, vector<1x1xf32>
    %add3A_601 = vector.broadcast %get3A_600 : vector<1x1xf32> to vector<1x256xf32>
    %add3A_602 = arith.addf %dot_general3A_597, %add3A_601 : vector<1x256xf32>
    %iota3A_603 = tpu.iota {dimensions = array<i32: 1>} : vector<1x256xi32>
    %add3A_604 = arith.constant 256 : i32
    %add3A_605 = vector.broadcast %add3A_604 : i32 to vector<1x256xi32>
    %add3A_606 = arith.addi %iota3A_603, %add3A_605 : vector<1x256xi32>
    %get3A_607 = arith.constant 0 : index
    %get3A_608 = arith.constant 256 : index
    %get3A_609 = vector.load %arg14[%get3A_607, %get3A_608] : memref<1x512xf32, #tpu.memory_space<vmem>>, vector<1x256xf32>
    %lt3A_610 = vector.broadcast %add3A_551 : i32 to vector<1x256xi32>
    %lt3A_611 = arith.cmpi slt, %add3A_606, %lt3A_610 : vector<1x256xi32>
    %jit3A_612 = arith.constant 0.000000e+00 : f32
    %broadcast_in_dim3A_613 = vector.broadcast %jit3A_612 : f32 to vector<1x256xf32>
    %select_n3A_614 = arith.select %lt3A_611, %add3A_602, %broadcast_in_dim3A_613 : vector<1x256xi1>, vector<1x256xf32>
    %eq3A_615 = vector.broadcast %add3A_551 : i32 to vector<1x256xi32>
    %eq3A_616 = arith.cmpi eq, %add3A_606, %eq3A_615 : vector<1x256xi32>
    %jit3A_617 = arith.constant 0.000000e+00 : f32
    %broadcast_in_dim3A_618 = vector.broadcast %jit3A_617 : f32 to vector<1x256xf32>
    %select_n3A_619 = arith.select %eq3A_616, %get3A_609, %broadcast_in_dim3A_618 : vector<1x256xi1>, vector<1x256xf32>
    %add3A_620 = arith.addf %select_n3A_614, %select_n3A_619 : vector<1x256xf32>
    %concatenate3A_621 = tpu.concatenate %add3A_587, %add3A_620 in 1 : vector<1x256xf32>, vector<1x256xf32> -> vector<1x512xf32>
    %swap3A_622 = arith.constant 7 : index
    %swap3A_623 = arith.constant 0 : index
    %swap3A_624 = vector.load %arg12[%swap3A_622, %swap3A_623] : memref<8x512xf32, #tpu.memory_space<vmem>>, vector<1x512xf32>
    tpu.vector_store %arg12[%swap3A_622, %swap3A_623], %concatenate3A_621 {strides = array<i32>} : memref<8x512xf32, #tpu.memory_space<vmem>>, vector<1x512xf32>,
    return
  }
  func.func @transform_0(%arg0: i32) -> (i32, i32) {
    %c0_i32 = arith.constant 0 : i32
    %c0_i32_0 = arith.constant 0 : i32
    return %arg0, %c0_i32 : i32, i32
  }
  func.func @transform_1(%arg0: i32) -> (i32, i32) {
    %c0_i32 = arith.constant 0 : i32
    %c0_i32_0 = arith.constant 0 : i32
    %c0_i32_1 = arith.constant 0 : i32
    return %c0_i32, %c0_i32_0 : i32, i32
  }
  func.func @transform_2(%arg0: i32) -> (i32, i32) {
    %c0_i32 = arith.constant 0 : i32
    %c0_i32_0 = arith.constant 0 : i32
    %c0_i32_1 = arith.constant 0 : i32
    return %c0_i32, %c0_i32_0 : i32, i32
  }
  func.func @transform_3(%arg0: i32) -> (i32, i32) {
    %c0_i32 = arith.constant 0 : i32
    %c0_i32_0 = arith.constant 0 : i32
    %c0_i32_1 = arith.constant 0 : i32
    return %c0_i32, %c0_i32_0 : i32, i32
  }
  func.func @transform_4(%arg0: i32) -> (i32, i32) {
    %c0_i32 = arith.constant 0 : i32
    %c0_i32_0 = arith.constant 0 : i32
    %c0_i32_1 = arith.constant 0 : i32
    return %c0_i32, %c0_i32_0 : i32, i32
  }
  func.func @transform_5(%arg0: i32) -> (i32, i32) {
    %c0_i32 = arith.constant 0 : i32
    %c0_i32_0 = arith.constant 0 : i32
    %c0_i32_1 = arith.constant 0 : i32
    return %c0_i32, %c0_i32_0 : i32, i32
  }
  func.func @transform_6(%arg0: i32) -> (i32, i32) {
    %c0_i32 = arith.constant 0 : i32
    %c0_i32_0 = arith.constant 0 : i32
    %c0_i32_1 = arith.constant 0 : i32
    return %c0_i32, %c0_i32_0 : i32, i32
  }
  func.func @transform_7(%arg0: i32) -> (i32, i32) {
    %c0_i32 = arith.constant 0 : i32
    %c0_i32_0 = arith.constant 0 : i32
    %c0_i32_1 = arith.constant 0 : i32
    return %c0_i32, %c0_i32_0 : i32, i32
  }
  func.func @transform_8(%arg0: i32) -> (i32, i32) {
    %c0_i32 = arith.constant 0 : i32
    %c0_i32_0 = arith.constant 0 : i32
    %c0_i32_1 = arith.constant 0 : i32
    return %c0_i32, %c0_i32_0 : i32, i32
  }
  func.func @transform_9(%arg0: i32) -> (i32, i32) {
    %c0_i32 = arith.constant 0 : i32
    %c0_i32_0 = arith.constant 0 : i32
    %c0_i32_1 = arith.constant 0 : i32
    return %c0_i32, %c0_i32_0 : i32, i32
  }
  func.func @transform_10(%arg0: i32) -> (i32, i32) {
    %c0_i32 = arith.constant 0 : i32
    %c0_i32_0 = arith.constant 0 : i32
    %c0_i32_1 = arith.constant 0 : i32
    return %c0_i32, %c0_i32_0 : i32, i32
  }
  func.func @transform_11(%arg0: i32) -> (i32, i32) {
    %c0_i32 = arith.constant 0 : i32
    %c0_i32_0 = arith.constant 0 : i32
    return %arg0, %c0_i32 : i32, i32
  }
}

</mosaic_0001>

<sc_bundles>
// kernel: kernel.4.cloned.1.call-start
scs
__scs_entry_jumppad:
0x0: {  	(pc) =	sbr.rel $0x88, $3  }
0x1: {  	(tag) =	ssettag $0x0;
	lr =	simm.s32 $0x1  }
0x2: {  	[smem:$0x3F95] =	sst lr;
	_ =	strace $0xD0000000  }
0x3: {  	_ = 	snop  }
0x4: {  	_ = 	snop  }
0x5: {  	_ = 	snop  }
0x6: {  	_ = 	snop  }
0x7: {  	_ = 	snop  }
__scs_overlays_trampoline_lowered:
0x8: {  	[smem:$0x3FA4] =	sst s0  }
0x9: {  	[smem:$0x3FA5] =	sst s1  }
0xa: {  	[smem:$0x3FA6] =	sst s2  }
0xb: {  	[smem:$0x3FA7] =	sst s3  }
0xc: {  	[smem:$0x3FA8] =	sst s4  }
0xd: {  	[smem:$0x3FA9] =	sst s5  }
0xe: {  	[smem:$0x3FAA] =	sst s6  }
0xf: {  	[smem:$0x3FAB] =	sst s7  }
0x10: {  	[smem:$0x3FAC] =	sst s8  }
0x11: {  	[smem:$0x3FAD] =	sst s9;
	s0 =	simm.s32 @!p0 $0x0  }
0x12: {  	s1 =	sld [smem:$0x3F93];
	s0 =	simm.s32 @p0 $0x1  }
0x13: {  	[smem:$0x3FAE] =	sst s0;
	s0 =	simm.s32 @!p1 $0x0  }
0x14: {  	s2 =	sld [smem:$0x3F92];
	s0 =	simm.s32 @p1 $0x1  }
0x15: {  	[smem:$0x3FAF] =	sst s0;
	s0 =	simm.s32 @!p2 $0x0  }
0x16: {  	s3 =	sld [smem:$0x3FDB];
	s0 =	simm.s32 @p2 $0x1  }
0x17: {  	s4 =	simm.s32 $0x1BF5;
	[smem:$0x3FB1] =	sst s0  }
0x18: {  	s0 =	sld [smem:$0x3F94];
	_ =	swait.ge [sflag:s4], $0x0  }
0x19: {  	s7 =	sld [smem:$0x3F95]  }
0x1a: {  	s8 =	sadd.s32 $0xFFFFE003, lr  }
0x1b: {  	s9 =	sadd.s32 $0xFFFFFEF7, lr;
	s5 =	simm.s32 $0xFFFFFFFF;
	p2 =	slt.u32 s8, $0xFFFFF086  }
0x1c: {  	p1 =	slt.u32 s9, $0xF7A;
	s5 =	simm.s32 @!p2 $0x0  }
0x1d: {  	s5 =	simm.s32 @p1 $0x1;
	p0 =	seq.s32 s7, s2  }
0x1e: {  	s7 =	smul.u32 @!p0 $0xF7A, s2;
	p2 =	seq.s32 @!p0 s5, $0x0  }
0x1f: {  	s9 =	smul.u32 $0xF7A, s1;
	s8 =	simm.s32 @!p0 $0x1BF5;
	p2 =	por !p2, p0  }
0x20: {  	[sflag:s8] =	ssyncset.s32 @!p0 $0xFFFFF086;
	s6 =	sadd.s32 @!p0 s3, s7;
	s7 =	simm.s32 @!p0 $0x108  }
0x21: {  	s3 =	sadd.s32 s3, s9;
	s6 =	sadd.s32 @!p0 $0x88, s6;
	s7 =	simm.s32 @p2 $0x1082  }
0x22: {  	[simem:s7], [sflag:s8] =	dma.local @!p0 [hbm:s6], $0xF7A  }
0x23: {  	s9 =	sor.u32 $0xD0000000, s2;
	s6 =	simm.s32 $0x108;
	_ =	swait.ge @!p0 [sflag:s8], $0x0  }
0x24: {  	s3 =	sadd.s32 $0x88, s3;
	s6 =	simm.s32 @!p1 $0x1082;
	[sflag:s4] =	ssyncset.s32 $0xFFFFF086  }
0x25: {  	[simem:s6], [sflag:s4] =	dma.local [hbm:s3], $0xF7A  }
0x26: {  	[smem:$0x3F95] =	sst s1;
	(tag) =	ssettag s2;
	_ =	strace s9  }
0x27: {  	s1 =	sld [smem:$0x3FA5]  }
0x28: {  	s2 =	sld [smem:$0x3FA6]  }
0x29: {  	s4 =	sld [smem:$0x3FA8]  }
0x2a: {  	p0 =	seq.s32 s5, $0x0;
	s5 =	sld [smem:$0x3FA9]  }
0x2b: {  	s6 =	sld [smem:$0x3FAA]  }
0x2c: {  	s7 =	sld [smem:$0x3FAB]  }
0x2d: {  	s3 =	simm.s32 $0x108;
	s8 =	sld [smem:$0x3FAC]  }
0x2e: {  	s3 =	simm.s32 @!p0 $0x1082;
	s9 =	sld [smem:$0x3FAD]  }
0x2f: {  	lr =	sadd.s32 s0, s3;
	s0 =	sld [smem:$0x3FA4]  }
0x30: {  	s3 =	sld [smem:$0x3FA7]  }
0x31: {  	[smem:$0x3FB0] =	sst s10  }
0x32: {  	s10 =	sld [smem:$0x3FAE];
	_ =	sdelay $0x3  }
0x33: {  	p0 =	seq.s32 s10, $0x1;
	s10 =	sld [smem:$0x3FB0];
	_ =	sdelay $0x3  }
0x34: {  	[smem:$0x3FB0] =	sst s10  }
0x35: {  	s10 =	sld [smem:$0x3FAF];
	_ =	sdelay $0x3  }
0x36: {  	p1 =	seq.s32 s10, $0x1;
	s10 =	sld [smem:$0x3FB0];
	_ =	sdelay $0x3  }
0x37: {  	[smem:$0x3FB0] =	sst s10  }
0x38: {  	s10 =	sld [smem:$0x3FB1]  }
0x39: {  	_ = 	snop;
	(pc) =	sbr.ind lr, $3  }
0x3a: {  	_ = 	snop  }
0x3b: {  	_ = 	snop  }
0x3c: {  	p2 =	seq.s32 s10, $0x1;
	s10 =	sld [smem:$0x3FB0]  }
0x3d: {  	_ =	shalt  }
0x3e: {  	_ =	shalt  }
0x3f: {  	_ =	shalt  }
0x40: {  	_ =	shalt  }
0x41: {  	_ =	shalt  }
0x42: {  	_ =	shalt  }
0x43: {  	_ =	shalt  }
0x44: {  	_ =	shalt  }
0x45: {  	_ =	shalt  }
0x46: {  	_ =	shalt  }
0x47: {  	_ =	shalt  }
0x48: {  	_ =	shalt  }
0x49: {  	_ =	shalt  }
0x4a: {  	_ =	shalt  }
0x4b: {  	_ =	shalt  }
0x4c: {  	_ =	shalt  }
0x4d: {  	_ =	shalt  }
0x4e: {  	_ =	shalt  }
0x4f: {  	_ =	shalt  }
0x50: {  	_ =	shalt  }
0x51: {  	_ =	shalt  }
0x52: {  	_ =	shalt  }
0x53: {  	_ =	shalt  }
0x54: {  	_ =	shalt  }
0x55: {  	_ =	shalt  }
0x56: {  	_ =	shalt  }
0x57: {  	_ =	shalt  }
0x58: {  	_ =	shalt  }
0x59: {  	_ =	shalt  }
0x5a: {  	_ =	shalt  }
0x5b: {  	_ =	shalt  }
0x5c: {  	_ =	shalt  }
0x5d: {  	_ =	shalt  }
0x5e: {  	_ =	shalt  }
0x5f: {  	_ =	shalt  }
0x60: {  	_ =	shalt  }
0x61: {  	_ =	shalt  }
0x62: {  	_ =	shalt  }
0x63: {  	_ =	shalt  }
0x64: {  	_ =	shalt  }
0x65: {  	_ =	shalt  }
0x66: {  	_ =	shalt  }
0x67: {  	_ =	shalt  }
0x68: {  	_ =	shalt  }
0x69: {  	_ =	shalt  }
0x6a: {  	_ =	shalt  }
0x6b: {  	_ =	shalt  }
0x6c: {  	_ =	shalt  }
0x6d: {  	_ =	shalt  }
0x6e: {  	_ =	shalt  }
0x6f: {  	_ =	shalt  }
0x70: {  	_ =	shalt  }
0x71: {  	_ =	shalt  }
0x72: {  	_ =	shalt  }
0x73: {  	_ =	shalt  }
0x74: {  	_ =	shalt  }
0x75: {  	_ =	shalt  }
0x76: {  	_ =	shalt  }
0x77: {  	_ =	shalt  }
0x78: {  	_ =	shalt  }
0x79: {  	_ =	shalt  }
0x7a: {  	_ =	shalt  }
0x7b: {  	_ =	shalt  }
0x7c: {  	_ =	shalt  }
0x7d: {  	_ =	shalt  }
0x7e: {  	_ =	shalt  }
0x7f: {  	_ =	shalt  }
0x80: {  	_ =	shalt  }
0x81: {  	_ =	shalt  }
0x82: {  	_ =	shalt  }
0x83: {  	_ =	shalt  }
0x84: {  	_ =	shalt  }
0x85: {  	_ =	shalt  }
0x86: {  	_ =	shalt  }
0x87: {  	_ =	shalt  }
.Lfunc_end0:
.L_simem_size_0:
called_computation_lowered:
.L_overlay_start_0:
0x88: {  	s2 =	sld [smem:$0x3FD9]  }
0x89: {  	s3 =	sld [smem:$0x3FFE];
	_ =	sdelay $0x1  }
0x8a: {  	s1 =	srdreg.scid  }
0x8b: {  	s0 =	sand.u32 $0x1, s1  }
0x8c: {  	s17 =	sshll.u32 s0, $0xA;
	s2 =	sadd.s32 s3, s2  }
0x8d: {  	s2 =	sadd.s32 s2, s17  }
0x8e: {  	[smem:$0x3FBC] =	sst s2  }
0x8f: {  	_ = 	snop  }
0x90: {  	s2 =	sld [smem:$0x3FD0];
	(tm) =	ssettm $0x1  }
0x91: {  	s18 =	sld [smem:$0x3FFB];
	_ =	sdelay $0x3  }
0x92: {  	_ =	strace s18  }
0x93: {  	s3 =	sld [smem:$0x3FFC];
	_ =	sdelay $0x3  }
0x94: {  	_ =	strace s3  }
0x95: {  	s3 =	sld [smem:$0x3FFD];
	_ =	sdelay $0x3  }
0x96: {  	_ =	strace s3  }
0x97: {  	_ =	strace $0x8FFFFFFF  }
0x98: {  	s19 =	sld [smem:$0x3FDB];
	_ =	sdelay $0x1  }
0x99: {  	s4 =	simm.s32 $_scs_section_size  }
0x9a: {  	s5 =	simm.s32 $_size__tile_overlayer_lowered;
	s6 =	simm.s32 $_tile_overlayer_lowered  }
0x9b: {  	s22 =	simm.s32 $0x1BFF;
	s21 =	sshll.u32 s6, $0x1;
	s3 =	sadd.s32 s4, s19  }
0x9c: {  	s7 =	simm.s32 $0x0;
	s20 =	sshll.u32 s5, $0x1;
	s5 =	sadd.s32 s21, s3  }
0x9d: {  	[timem:s7], [sflag:s22] =	dma.local [hbm:s5], s20  }
0x9e: {  	_ =	swait.ge [sflag:s22], s20  }
0x9f: {  	s4 =	ssub.s32 $0x0, s20;
	[sflag:s22] =	ssyncset.done $0x0  }
0xa0: {  	[sflag:s22] =	ssyncadd.s32 s4;
	_ =	sdelay $0x1  }
0xa1: {  	s23 =	simm.s32 $0x1B8B  }
0xa2: {  	_ =	swait.ge [sflag:s23], $0x1  }
0xa3: {  	[sflag:s23] =	ssyncset.done $0x0  }
0xa4: {  	s25 =	simm.s32 $0x1B8E;
	s24 =	sld [smem:$0x3FFE];
	[sflag:s23] =	ssyncadd.s32 $0xFFFFFFFF  }
0xa5: {  	s26 =	simm.s32 $execute0_lowered;
	[smem:$0x3FD2] =	sst s25  }
0xa6: {  	s5 =	sshll.u32 s26, $0x1;
	_ =	strace $0x80000046;
	[dreg:$0x1] =	wrdreg $0xFFFFFFFF  }
0xa7: {  	s28 =	simm.s32 $_size_execute0_lowered;
	s3 =	sadd.s32 s3, s5;
	[dreg:$0x0] =	wrdreg $0x0  }
0xa8: {  	s5 =	sshll.u32 s28, $0x1;
	[dreg:$0x2] =	wrdreg s3  }
0xa9: {  	[dreg:$0x3] =	wrdreg s5  }
0xaa: {  	[dreg:$0x4] =	wrdreg $0xC0  }
0xab: {  	_ =	task [dreg:s7], $0x5FFFF  }
0xac: {  	[dreg:$0x1] =	wrdreg $0xFFFFFFFF  }
0xad: {  	[dreg:$0x0] =	wrdreg $0x60  }
0xae: {  	[dreg:$0x2] =	wrdreg s24  }
0xaf: {  	[dreg:$0x3] =	wrdreg s2  }
0xb0: {  	[dreg:$0x4] =	wrdreg $0x9  }
0xb1: {  	_ =	task.clear_ibuf [dreg:s7], $0x5FFFF;
	_ =	strace $0x90000046  }
0xb2: {  	s29 =	simm.s32 $0x9;
	_ =	strace $0x80000048  }
0xb3: {  	_ =	swait.ge [sflag:s29], $0x1  }
0xb4: {  	[sflag:s29] =	ssyncadd.s32 $0xFFFFFFFF  }
0xb5: {  	_ =	strace $0x90000048  }
0xb6: {  	_ =	sfence  }
0xb7: {  	s30 =	sld [smem:$0x0];
	_ =	sdelay $0x2  }
0xb8: {  	s31 =	sshll.u32 s1, $0xD;
	s1 =	sshrl.u32 s1, $0x2  }
0xb9: {  	s3 =	sand.u32 $0x4000, s31;
	s1 =	sadd.s32 s1, s30  }
0xba: {  	s0 =	sor.u32 s3, s0;
	s1 =	sshll.u32 s1, $0x11  }
0xbb: {  	s0 =	sor.u32 s1, s0  }
0xbc: {  	s0 =	sadd.s32 $0x8F2B, s0  }
0xbd: {  	[sflag:s0] =	ssyncadd.remote.s32 $0x1  }
0xbe: {  	_ =	sfence.sel $0xFFFF  }
0xbf: {  	[dreg:$0x0] =	wrdreg $0xFFFFFFFF;
	(pc) =	sbr.abs _section_cstart, $3  }
0xc0: {  	[dreg:$0x1] =	wrdreg $0xFFFFFFFF  }
0xc1: {  	_ =	task.clear_ibuf [dreg:s7], $0x2FFFF;
	_ =	strace $0x9FFFFFFF  }
0xc2: {  	(tm) =	ssettm $0x7FFFFFFF  }
0xc3: {  	_ =	shalt  }
tec
execute0_lowered:
.L_overlay_start_1:
0x0: {  	(tag) =	ssettag $0x1  }
0x1: {  	s0 =	rddreg [dreg:$0x0];
	s3 =	simm.s32 $0x0  }
0x2: {  	s1 =	srdreg.scid;
	s2 =	stileid.u32;
	s15 =	simm.s32 $0x3  }
0x3: {  	s16 =	simm.s32 $0x40;
	s18 =	simm.s32 $0x1;
	s19 =	simm.s32 $0xAA00  }
0x4: {  	s20 =	simm.s32 $0xBA00;
	s21 =	simm.s32 $0xCA00;
	s22 =	simm.s32 $0xDA00  }
0x5: {  	s23 =	simm.s32 $0xEA00;
	s28 =	simm.s32 $0x12A00;
	s29 =	simm.s32 $0x13A00  }
0x6: {  	s30 =	simm.s32 $0x14A00;
	s31 =	simm.s32 $0x2;
	[smem:$0x7FF] =	sst s3  }
0x7: {  	s1 =	sand.u32 $0x1, s1;
	s4 =	sshll.u32 s2, $0x1;
	s5 =	sadd.s32 $0x3200, s0  }
0x8: {  	s6 =	sadd.s32 $0x189E00, s0;
	p0 =	sgt.u32 s2, $0x3;
	s10 =	sor.u32 s1, s4  }
0x9: {  	_ =	strace $0x80000047;
	s1 =	ssub.s32 $0x2, s1;
	s7 =	smul.u32 $0xA0, s10  }
0xa: {  	s4 =	sadd.s32 $0x24D400, s0;
	s8 =	sshll.u32 s10, $0x9;
	s12 =	sshrl.u32 s1, $0x1  }
0xb: {  	s1 =	ssub.s32 s1, s12;
	s11 =	sadd.s32 s7, s0;
	s7 =	sadd.s32 $0x310A00, s0  }
0xc: {  	s0 =	sadd.s32 s8, s0;
	s8 =	sshll.u32 s10, $0x6;
	s10 =	smul.u32 $0x2800, s10  }
0xd: {  	s26 =	smax.u32 s1, $0x1;
	s1 =	simm.s32 $0x4;
	s9 =	sxor.u32 $0x7FC, s8  }
.Ltmp0:
0xe: {  	s11 =	sadd.s32 $0x53000, s11;
	[dreg:$0x6] =	wrdreg s26;
	(pc) =	sbr.rel .LBB2_1-.Ltmp0, $4  }
0xf: {  	s0 =	sadd.s32 $0x53600, s0;
	s26 =	simm.s32 $0x11A00;
	[dreg:$0x3] =	wrdreg s11  }
0x10: {  	s24 =	smin.u32 s9, $0x40;
	[dreg:$0x4] =	wrdreg s0;
	s25 =	sadd.s32 s5, s10  }
0x11: {  	s0 =	simm.s32 $0x15A00;
	s10 =	simm.s32 $0x0;
	[dreg:$0x5] =	wrdreg s25  }
0x12: {  	s13 =	sadd.s32 $0xFFFFFFFF, s24;
	s24 =	simm.s32 $0xFA00;
	s25 =	simm.s32 $0x10A00  }
.LBB2_15:
0x13: {  	s10 =	rddreg [dreg:$0x7]  }
0x14: {  	s2 =	rddreg [dreg:$0x6];
	s10 =	sadd.s32 $0x1, s10  }
0x15: {  	p1 =	sne.s32 s10, s2  }
.Ltmp1:
0x16: {  	_ = 	snop;
	(pc) =	sbr.rel @!p1 .LBB2_16-.Ltmp1, $1  }
0x17: {  	_ =	sdelay $0x3  }
.LBB2_1:
.Ltmp2:
0x18: {  	(pc) =	sbr.rel @p0 .LBB2_7-.Ltmp2, $2  }
0x19: {  	_ =	sdelay $0x2  }
0x1a: {  	[dreg:$0x7] =	wrdreg s10  }
0x1b: {  	s10 =	simm.s32 $0x0;
	s2 =	rddreg [dreg:$0x3]  }
0x1c: {  	[tilespmem:s10], [sflag:$0x3] =	stream.linear.gather [hbm4b:s2+s10], $0x500, $0x38;
	[tilespmem:$0x15A40] =	vst v63  }
0x1d: {  	_ =	swait.ge [sflag:s15], $0x500  }
0x1e: {  	[sflag:s15] =	ssyncset.done $0x0  }
0x1f: {  	s17 =	simm.s32 $0xA00;
	[sflag:s15] =	ssyncadd.s32 $0xFFFFFB00  }
0x20: {  	[tilespmem:s17], [sflag:$0x1] =	stream.indirect.gather [hbm4b:s6+s16], $0x40, s10, s16, $0xb8;
	[tilespmem:$0x15A40] =	vst v63  }
0x21: {  	_ =	swait.ge [sflag:s18], $0x1000  }
0x22: {  	[sflag:s18] =	ssyncset.done $0x0  }
0x23: {  	s10 =	simm.s32 $0x1A00;
	[sflag:s18] =	ssyncadd.s32 $0xFFFFF000  }
0x24: {  	[tilespmem:s10], [sflag:$0x1] =	stream.indirect.gather [hbm4b:s6+s16], $0x40, s16, s16, $0xb8;
	[tilespmem:$0x15A40] =	vst v63  }
0x25: {  	_ =	swait.ge [sflag:s18], $0x1000  }
0x26: {  	[sflag:s18] =	ssyncset.done $0x0  }
0x27: {  	s11 =	simm.s32 $0x80;
	s12 =	simm.s32 $0x2A00;
	[sflag:s18] =	ssyncadd.s32 $0xFFFFF000  }
0x28: {  	[tilespmem:s12], [sflag:$0x1] =	stream.indirect.gather [hbm4b:s6+s16], $0x40, s11, s16, $0xb8;
	[tilespmem:$0x15A40] =	vst v63  }
0x29: {  	_ =	swait.ge [sflag:s18], $0x1000  }
0x2a: {  	[sflag:s18] =	ssyncset.done $0x0  }
0x2b: {  	s14 =	simm.s32 $0xC0;
	s17 =	simm.s32 $0x3A00;
	[sflag:s18] =	ssyncadd.s32 $0xFFFFF000  }
0x2c: {  	[tilespmem:s17], [sflag:$0x1] =	stream.indirect.gather [hbm4b:s6+s16], $0x40, s14, s16, $0xb8;
	[tilespmem:$0x15A40] =	vst v63  }
0x2d: {  	_ =	swait.ge [sflag:s18], $0x1000  }
0x2e: {  	[sflag:s18] =	ssyncset.done $0x0  }
0x2f: {  	s11 =	simm.s32 $0x100;
	s12 =	simm.s32 $0x4A00;
	[sflag:s18] =	ssyncadd.s32 $0xFFFFF000  }
0x30: {  	[tilespmem:s12], [sflag:$0x1] =	stream.indirect.gather [hbm4b:s6+s16], $0x40, s11, s16, $0xb8;
	[tilespmem:$0x15A40] =	vst v63  }
0x31: {  	_ =	swait.ge [sflag:s18], $0x1000  }
0x32: {  	[sflag:s18] =	ssyncset.done $0x0  }
0x33: {  	s14 =	simm.s32 $0x140;
	s17 =	simm.s32 $0x5A00;
	[sflag:s18] =	ssyncadd.s32 $0xFFFFF000  }
0x34: {  	[tilespmem:s17], [sflag:$0x1] =	stream.indirect.gather [hbm4b:s6+s16], $0x40, s14, s16, $0xb8;
	[tilespmem:$0x15A40] =	vst v63  }
0x35: {  	_ =	swait.ge [sflag:s18], $0x1000  }
0x36: {  	[sflag:s18] =	ssyncset.done $0x0  }
0x37: {  	s11 =	simm.s32 $0x180;
	s12 =	simm.s32 $0x6A00;
	[sflag:s18] =	ssyncadd.s32 $0xFFFFF000  }
0x38: {  	[tilespmem:s12], [sflag:$0x1] =	stream.indirect.gather [hbm4b:s6+s16], $0x40, s11, s16, $0xb8;
	[tilespmem:$0x15A40] =	vst v63  }
0x39: {  	_ =	swait.ge [sflag:s18], $0x1000  }
0x3a: {  	[sflag:s18] =	ssyncset.done $0x0  }
0x3b: {  	s14 =	simm.s32 $0x1C0;
	s17 =	simm.s32 $0x7A00;
	[sflag:s18] =	ssyncadd.s32 $0xFFFFF000  }
0x3c: {  	[tilespmem:s17], [sflag:$0x1] =	stream.indirect.gather [hbm4b:s6+s16], $0x40, s14, s16, $0xb8;
	[tilespmem:$0x15A40] =	vst v63  }
0x3d: {  	_ =	swait.ge [sflag:s18], $0x1000  }
0x3e: {  	[sflag:s18] =	ssyncset.done $0x0  }
0x3f: {  	s11 =	simm.s32 $0x200;
	s12 =	simm.s32 $0x8A00;
	[sflag:s18] =	ssyncadd.s32 $0xFFFFF000  }
0x40: {  	[tilespmem:s12], [sflag:$0x1] =	stream.indirect.gather [hbm4b:s6+s16], $0x40, s11, s16, $0xb8;
	[tilespmem:$0x15A40] =	vst v63  }
0x41: {  	_ =	swait.ge [sflag:s18], $0x1000  }
0x42: {  	[sflag:s18] =	ssyncset.done $0x0  }
0x43: {  	s14 =	simm.s32 $0x240;
	s17 =	simm.s32 $0x9A00;
	[sflag:s18] =	ssyncadd.s32 $0xFFFFF000  }
0x44: {  	[tilespmem:s17], [sflag:$0x1] =	stream.indirect.gather [hbm4b:s6+s16], $0x40, s14, s16, $0xb8;
	[tilespmem:$0x15A40] =	vst v63  }
0x45: {  	_ =	swait.ge [sflag:s18], $0x1000  }
0x46: {  	[sflag:s18] =	ssyncset.done $0x0  }
0x47: {  	s11 =	simm.s32 $0x0;
	[sflag:s18] =	ssyncadd.s32 $0xFFFFF000  }
0x48: {  	v0 =	vld [tilespmem:s11+$0xA30]  }
0x49: {  	v1 =	vld [tilespmem:s11+$0x1A30]  }
0x4a: {  	v2 =	vld [tilespmem:s11+$0xA00]  }
0x4b: {  	v3 =	vld [tilespmem:s11+$0x2A30]  }
0x4c: {  	v4 =	vld [tilespmem:s11+$0x1A00]  }
0x4d: {  	v5 =	vld [tilespmem:s11+$0x3A30]  }
0x4e: {  	v6 =	vld [tilespmem:s11+$0xA10]  }
0x4f: {  	v7 =	vld [tilespmem:s11+$0x1A10]  }
0x50: {  	v8 =	vld [tilespmem:s11+$0xA20]  }
0x51: {  	v9 =	vld [tilespmem:s11+$0x1A20]  }
0x52: {  	v10 =	vld [tilespmem:s11+$0x2A00]  }
0x53: {  	v11 =	vld [tilespmem:s11+$0x2A10];
	v0 =	vadd.f32 v1, v0  }
0x54: {  	v1 =	vld [tilespmem:s11+$0x4A30]  }
0x55: {  	v12 =	vld [tilespmem:s11+$0x2A20];
	v0 =	vadd.f32 v3, v0  }
0x56: {  	v3 =	vld [tilespmem:s11+$0x5A30]  }
0x57: {  	v13 =	vld [tilespmem:s11+$0x3A10];
	v0 =	vadd.f32 v5, v0  }
0x58: {  	v5 =	vld [tilespmem:s11+$0x6A30]  }
0x59: {  	v14 =	vld [tilespmem:s11+$0x4A00];
	v0 =	vadd.f32 v1, v0  }
0x5a: {  	v1 =	vld [tilespmem:s11+$0x7A30]  }
0x5b: {  	v15 =	vld [tilespmem:s11+$0x4A20];
	v0 =	vadd.f32 v3, v0  }
0x5c: {  	v3 =	vld [tilespmem:s11+$0x8A30]  }
0x5d: {  	v60 =	vld [tilespmem:s11+$0x6A00];
	v0 =	vadd.f32 v5, v0  }
0x5e: {  	v5 =	vld [tilespmem:s11+$0x9A30]  }
0x5f: {  	v61 =	vld [tilespmem:s11+$0x6A10];
	v0 =	vadd.f32 v1, v0  }
0x60: {  	v62 =	vld [tilespmem:s11+$0x7A20]  }
0x61: {  	v1 =	vld [tilespmem:s11+$0x3A00];
	v0 =	vadd.f32 v3, v0  }
0x62: {  	v2 =	vadd.f32 v4, v2;
	v4 =	vadd.f32 v7, v6;
	v3 =	vld [tilespmem:s11+$0x3A20]  }
0x63: {  	v7 =	vadd.f32 v9, v8;
	v0 =	vadd.f32 v5, v0;
	v5 =	vld [tilespmem:s11+$0x4A10]  }
0x64: {  	v6 =	vld [tilespmem:s11+$0x5A10];
	v2 =	vadd.f32 v10, v2;
	v4 =	vadd.f32 v11, v4  }
0x65: {  	v7 =	vadd.f32 v12, v7;
	[tilespmem:s11+$0x14A30] =	vst v0;
	v0 =	vld [tilespmem:s11+$0x5A00]  }
0x66: {  	v8 =	vld [tilespmem:s11+$0x5A20];
	v1 =	vadd.f32 v1, v2;
	v2 =	vadd.f32 v13, v4  }
0x67: {  	v4 =	vld [tilespmem:s11+$0x6A20];
	v3 =	vadd.f32 v3, v7  }
0x68: {  	v7 =	vld [tilespmem:s11+$0x7A00];
	v1 =	vadd.f32 v14, v1;
	v2 =	vadd.f32 v5, v2  }
0x69: {  	v5 =	vld [tilespmem:s11+$0x7A10];
	v3 =	vadd.f32 v15, v3  }
0x6a: {  	v0 =	vadd.f32 v0, v1;
	v1 =	vadd.f32 v6, v2;
	v6 =	vld [tilespmem:s11+$0x8A00]  }
0x6b: {  	v2 =	vadd.f32 v8, v3;
	v8 =	vld [tilespmem:s11+$0x8A10]  }
0x6c: {  	v0 =	vadd.f32 v60, v0;
	v63 =	vadd.f32 v61, v1;
	v1 =	vld [tilespmem:s11+$0x8A20]  }
0x6d: {  	v3 =	vld [tilespmem:s11+$0x9A00];
	v4 =	vadd.f32 v4, v2  }
0x6e: {  	v2 =	vld [tilespmem:s11+$0x9A10];
	v0 =	vadd.f32 v7, v0;
	v7 =	vadd.f32 v5, v63  }
0x6f: {  	s14 =	simm.s32 $0x40;
	v5 =	vadd.f32 v62, v4;
	v4 =	vld [tilespmem:s11+$0x9A20]  }
0x70: {  	s12 =	simm.s32 $0x200;
	v6 =	vadd.f32 v6, v0;
	v0 =	vld [tilespmem:s14+$0xA30];
	v7 =	vadd.f32 v8, v7  }
.LBB2_3:
0x71: {  	p1 =	sne.s32 s12, $0x3F00;
	v8 =	vld [tilespmem:s14+$0x1A30];
	v1 =	vadd.f32 v1, v5  }
0x72: {  	v5 =	vld [tilespmem:s14+$0xA00];
	v3 =	vadd.f32 v3, v6  }
0x73: {  	v6 =	vld [tilespmem:s14+$0x2A30];
	v2 =	vadd.f32 v2, v7  }
0x74: {  	v7 =	vld [tilespmem:s14+$0x1A00];
	[tilespmem:s11+$0x14A00] =	vst v3;
	v1 =	vadd.f32 v4, v1  }
0x75: {  	v3 =	vld [tilespmem:s14+$0x3A30];
	[tilespmem:s11+$0x14A10] =	vst v2  }
0x76: {  	v2 =	vld [tilespmem:s14+$0xA10];
	v0 =	vadd.f32 v8, v0;
	[tilespmem:s11+$0x14A20] =	vst v1;
	s11 =	smov.u32 s14  }
0x77: {  	v1 =	vld [tilespmem:s11+$0x4A30]  }
0x78: {  	v4 =	vld [tilespmem:s11+$0x1A10];
	v0 =	vadd.f32 v6, v0  }
0x79: {  	v5 =	vadd.f32 v7, v5;
	v6 =	vld [tilespmem:s11+$0x5A30]  }
0x7a: {  	v7 =	vld [tilespmem:s11+$0xA20];
	v0 =	vadd.f32 v3, v0  }
0x7b: {  	v3 =	vld [tilespmem:s11+$0x6A30]  }
0x7c: {  	v8 =	vld [tilespmem:s11+$0x1A20];
	v0 =	vadd.f32 v1, v0  }
0x7d: {  	v1 =	vadd.f32 v4, v2;
	v2 =	vld [tilespmem:s11+$0x7A30]  }
0x7e: {  	v4 =	vld [tilespmem:s11+$0x2A00];
	v0 =	vadd.f32 v6, v0  }
0x7f: {  	v6 =	vld [tilespmem:s11+$0x8A30]  }
0x80: {  	v9 =	vld [tilespmem:s11+$0x2A10];
	v0 =	vadd.f32 v3, v0  }
0x81: {  	v3 =	vadd.f32 v8, v7;
	v7 =	vld [tilespmem:s11+$0x9A30]  }
0x82: {  	v8 =	vld [tilespmem:s11+$0x2A20];
	v0 =	vadd.f32 v2, v0  }
0x83: {  	v2 =	vadd.f32 v4, v5;
	v4 =	vld [tilespmem:s11+$0x3A00]  }
0x84: {  	v5 =	vld [tilespmem:s11+$0x3A10];
	v0 =	vadd.f32 v6, v0  }
0x85: {  	v1 =	vadd.f32 v9, v1;
	v6 =	vld [tilespmem:s11+$0x3A20]  }
0x86: {  	v9 =	vld [tilespmem:s11+$0x4A00];
	v0 =	vadd.f32 v7, v0  }
0x87: {  	v7 =	vld [tilespmem:s11+$0x4A10];
	v3 =	vadd.f32 v8, v3  }
0x88: {  	v2 =	vadd.f32 v4, v2;
	v4 =	vld [tilespmem:s11+$0x4A20];
	[tilespmem:s11+$0x14A30] =	vst v0  }
0x89: {  	v0 =	vld [tilespmem:s11+$0x5A00];
	v1 =	vadd.f32 v5, v1  }
0x8a: {  	v5 =	vld [tilespmem:s11+$0x5A10];
	v3 =	vadd.f32 v6, v3  }
0x8b: {  	v2 =	vadd.f32 v9, v2;
	v6 =	vld [tilespmem:s11+$0x5A20]  }
0x8c: {  	v8 =	vld [tilespmem:s11+$0x6A00];
	v1 =	vadd.f32 v7, v1  }
0x8d: {  	v7 =	vld [tilespmem:s11+$0x6A10];
	v3 =	vadd.f32 v4, v3  }
0x8e: {  	v0 =	vadd.f32 v0, v2;
	v2 =	vld [tilespmem:s11+$0x6A20]  }
0x8f: {  	v4 =	vld [tilespmem:s11+$0x7A00];
	v1 =	vadd.f32 v5, v1  }
0x90: {  	v5 =	vld [tilespmem:s11+$0x7A10];
	v3 =	vadd.f32 v6, v3  }
0x91: {  	v0 =	vadd.f32 v8, v0;
	v6 =	vld [tilespmem:s11+$0x7A20]  }
0x92: {  	v8 =	vld [tilespmem:s11+$0x8A00];
	v7 =	vadd.f32 v7, v1  }
0x93: {  	v9 =	vld [tilespmem:s11+$0x8A10];
	v10 =	vadd.f32 v2, v3  }
.Ltmp3:
0x94: {  	v0 =	vadd.f32 v4, v0;
	v1 =	vld [tilespmem:s11+$0x8A20];
	(pc) =	sbr.rel @p1 .LBB2_3-.Ltmp3, $4  }
0x95: {  	v3 =	vld [tilespmem:s11+$0x9A00];
	v7 =	vadd.f32 v5, v7  }
0x96: {  	v2 =	vld [tilespmem:s11+$0x9A10];
	v5 =	vadd.f32 v6, v10  }
0x97: {  	s14 =	sshra.s32 s12, $0x2;
	v6 =	vadd.f32 v8, v0;
	v4 =	vld [tilespmem:s11+$0x9A20]  }
0x98: {  	s12 =	sadd.s32 $0x100, s12;
	v0 =	vld [tilespmem:s14+$0xA30];
	v7 =	vadd.f32 v9, v7  }
0x99: {  	v8 =	vld [tilespmem:s14+$0x1A30]  }
0x9a: {  	v9 =	vld [tilespmem:s14+$0xA00];
	v1 =	vadd.f32 v1, v5;
	v3 =	vadd.f32 v3, v6  }
0x9b: {  	v10 =	vld [tilespmem:s14+$0x1A00];
	v2 =	vadd.f32 v2, v7  }
0x9c: {  	v6 =	vld [tilespmem:s14+$0x2A30];
	[tilespmem:s11+$0x14A00] =	vst v3;
	v1 =	vadd.f32 v4, v1  }
0x9d: {  	v3 =	vld [tilespmem:s14+$0x3A30];
	[tilespmem:s11+$0x14A10] =	vst v2  }
0x9e: {  	v2 =	vld [tilespmem:s14+$0xA10];
	[tilespmem:s11+$0x14A20] =	vst v1  }
0x9f: {  	v1 =	vld [tilespmem:s14+$0x4A30]  }
0xa0: {  	v4 =	vld [tilespmem:s14+$0x1A10]  }
0xa1: {  	v5 =	vld [tilespmem:s14+$0x5A30]  }
0xa2: {  	v7 =	vld [tilespmem:s14+$0x1A20]  }
0xa3: {  	v0 =	vadd.f32 v8, v0;
	v8 =	vld [tilespmem:s14+$0x2A00]  }
0xa4: {  	v11 =	vld [tilespmem:s14+$0x2A10]  }
0xa5: {  	v12 =	vld [tilespmem:s14+$0x2A20];
	v0 =	vadd.f32 v6, v0  }
0xa6: {  	v13 =	vld [tilespmem:s14+$0x3A10]  }
0xa7: {  	v14 =	vld [tilespmem:s14+$0x4A00];
	v0 =	vadd.f32 v3, v0  }
0xa8: {  	v3 =	vld [tilespmem:s14+$0x6A30]  }
0xa9: {  	v15 =	vld [tilespmem:s14+$0x4A20];
	v0 =	vadd.f32 v1, v0  }
0xaa: {  	v1 =	vld [tilespmem:s14+$0x7A30]  }
0xab: {  	v6 =	vld [tilespmem:s14+$0xA20];
	v0 =	vadd.f32 v5, v0  }
0xac: {  	v5 =	vld [tilespmem:s14+$0x8A30]  }
0xad: {  	v9 =	vadd.f32 v10, v9;
	v10 =	vld [tilespmem:s14+$0x5A10];
	v0 =	vadd.f32 v3, v0  }
0xae: {  	v3 =	vld [tilespmem:s14+$0x9A30]  }
0xaf: {  	v2 =	vadd.f32 v4, v2;
	v4 =	vld [tilespmem:s14+$0x5A20];
	v0 =	vadd.f32 v1, v0  }
0xb0: {  	v6 =	vadd.f32 v7, v6;
	v7 =	vadd.f32 v8, v9;
	v8 =	vld [tilespmem:s14+$0x6A00]  }
0xb1: {  	v1 =	vld [tilespmem:s14+$0x3A00];
	v0 =	vadd.f32 v5, v0  }
0xb2: {  	v9 =	vld [tilespmem:s14+$0x6A10]  }
0xb3: {  	v5 =	vld [tilespmem:s14+$0x3A20];
	v0 =	vadd.f32 v3, v0  }
0xb4: {  	v3 =	vld [tilespmem:s14+$0x4A10]  }
0xb5: {  	v2 =	vadd.f32 v11, v2;
	[tilespmem:s14+$0x14A30] =	vst v0;
	v0 =	vld [tilespmem:s14+$0x5A00]  }
0xb6: {  	v11 =	vld [tilespmem:s14+$0x7A00];
	v6 =	vadd.f32 v12, v6;
	v1 =	vadd.f32 v1, v7  }
0xb7: {  	v2 =	vadd.f32 v13, v2;
	v7 =	vld [tilespmem:s14+$0x6A20]  }
0xb8: {  	v5 =	vadd.f32 v5, v6;
	v1 =	vadd.f32 v14, v1;
	v6 =	vld [tilespmem:s14+$0x7A10]  }
0xb9: {  	v2 =	vadd.f32 v3, v2;
	v3 =	vld [tilespmem:s14+$0x7A20]  }
0xba: {  	v5 =	vadd.f32 v15, v5;
	v0 =	vadd.f32 v0, v1;
	v1 =	vld [tilespmem:s14+$0x8A00]  }
0xbb: {  	v2 =	vadd.f32 v10, v2;
	v10 =	vld [tilespmem:s14+$0x8A10]  }
0xbc: {  	v4 =	vadd.f32 v4, v5;
	v5 =	vld [tilespmem:s14+$0x8A20];
	v0 =	vadd.f32 v8, v0  }
0xbd: {  	v2 =	vadd.f32 v9, v2;
	v8 =	vld [tilespmem:s14+$0x9A00]  }
0xbe: {  	v4 =	vadd.f32 v7, v4;
	v7 =	vld [tilespmem:s14+$0x9A10];
	v0 =	vadd.f32 v11, v0  }
0xbf: {  	v2 =	vadd.f32 v6, v2;
	v6 =	vld [tilespmem:s14+$0x9A20]  }
0xc0: {  	v3 =	vadd.f32 v3, v4;
	v0 =	vadd.f32 v1, v0  }
0xc1: {  	v1 =	vadd.f32 v10, v2  }
0xc2: {  	v2 =	vadd.f32 v5, v3;
	v0 =	vadd.f32 v8, v0  }
0xc3: {  	v1 =	vadd.f32 v7, v1  }
0xc4: {  	[tilespmem:s14+$0x14A00] =	vst v0;
	v0 =	vadd.f32 v6, v2  }
0xc5: {  	[tilespmem:s14+$0x14A10] =	vst v1  }
0xc6: {  	s2 =	simm.s32 $0x280;
	[tilespmem:s14+$0x14A20] =	vst v0  }
0xc7: {  	[tilespmem:s19], [sflag:$0x1] =	stream.indirect.gather [hbm4b:s6+s16], $0x40, s2, s16, $0xb8;
	[tilespmem:$0x15A40] =	vst v63  }
0xc8: {  	_ =	swait.ge [sflag:s18], $0x1000  }
0xc9: {  	[sflag:s18] =	ssyncset.done $0x0  }
0xca: {  	s11 =	simm.s32 $0x2C0;
	[sflag:s18] =	ssyncadd.s32 $0xFFFFF000  }
0xcb: {  	[tilespmem:s20], [sflag:$0x1] =	stream.indirect.gather [hbm4b:s6+s16], $0x40, s11, s16, $0xb8;
	[tilespmem:$0x15A40] =	vst v63  }
0xcc: {  	_ =	swait.ge [sflag:s18], $0x1000  }
0xcd: {  	[sflag:s18] =	ssyncset.done $0x0  }
0xce: {  	s12 =	simm.s32 $0x300;
	[sflag:s18] =	ssyncadd.s32 $0xFFFFF000  }
0xcf: {  	[tilespmem:s21], [sflag:$0x1] =	stream.indirect.gather [hbm4b:s6+s16], $0x40, s12, s16, $0xb8;
	[tilespmem:$0x15A40] =	vst v63  }
0xd0: {  	_ =	swait.ge [sflag:s18], $0x1000  }
0xd1: {  	[sflag:s18] =	ssyncset.done $0x0  }
0xd2: {  	s14 =	simm.s32 $0x340;
	[sflag:s18] =	ssyncadd.s32 $0xFFFFF000  }
0xd3: {  	[tilespmem:s22], [sflag:$0x1] =	stream.indirect.gather [hbm4b:s6+s16], $0x40, s14, s16, $0xb8;
	[tilespmem:$0x15A40] =	vst v63  }
0xd4: {  	_ =	swait.ge [sflag:s18], $0x1000  }
0xd5: {  	[sflag:s18] =	ssyncset.done $0x0  }
0xd6: {  	s17 =	simm.s32 $0x380;
	[sflag:s18] =	ssyncadd.s32 $0xFFFFF000  }
0xd7: {  	[tilespmem:s23], [sflag:$0x1] =	stream.indirect.gather [hbm4b:s6+s16], $0x40, s17, s16, $0xb8;
	[tilespmem:$0x15A40] =	vst v63  }
0xd8: {  	_ =	swait.ge [sflag:s18], $0x1000  }
0xd9: {  	[sflag:s18] =	ssyncset.done $0x0  }
0xda: {  	s10 =	simm.s32 $0x3C0;
	[sflag:s18] =	ssyncadd.s32 $0xFFFFF000  }
0xdb: {  	[tilespmem:s24], [sflag:$0x1] =	stream.indirect.gather [hbm4b:s6+s16], $0x40, s10, s16, $0xb8;
	[tilespmem:$0x15A40] =	vst v63  }
0xdc: {  	_ =	swait.ge [sflag:s18], $0x1000  }
0xdd: {  	[sflag:s18] =	ssyncset.done $0x0  }
0xde: {  	s11 =	simm.s32 $0x400;
	[sflag:s18] =	ssyncadd.s32 $0xFFFFF000  }
0xdf: {  	[tilespmem:s25], [sflag:$0x1] =	stream.indirect.gather [hbm4b:s6+s16], $0x40, s11, s16, $0xb8;
	[tilespmem:$0x15A40] =	vst v63  }
0xe0: {  	_ =	swait.ge [sflag:s18], $0x1000  }
0xe1: {  	[sflag:s18] =	ssyncset.done $0x0  }
0xe2: {  	s12 =	simm.s32 $0x440;
	[sflag:s18] =	ssyncadd.s32 $0xFFFFF000  }
0xe3: {  	[tilespmem:s26], [sflag:$0x1] =	stream.indirect.gather [hbm4b:s6+s16], $0x40, s12, s16, $0xb8;
	[tilespmem:$0x15A40] =	vst v63  }
0xe4: {  	_ =	swait.ge [sflag:s18], $0x1000  }
0xe5: {  	[sflag:s18] =	ssyncset.done $0x0  }
0xe6: {  	s14 =	simm.s32 $0x480;
	[sflag:s18] =	ssyncadd.s32 $0xFFFFF000  }
0xe7: {  	[tilespmem:s28], [sflag:$0x1] =	stream.indirect.gather [hbm4b:s6+s16], $0x40, s14, s16, $0xb8;
	[tilespmem:$0x15A40] =	vst v63  }
0xe8: {  	_ =	swait.ge [sflag:s18], $0x1000  }
0xe9: {  	[sflag:s18] =	ssyncset.done $0x0  }
0xea: {  	s17 =	simm.s32 $0x4C0;
	[sflag:s18] =	ssyncadd.s32 $0xFFFFF000  }
0xeb: {  	[tilespmem:s29], [sflag:$0x1] =	stream.indirect.gather [hbm4b:s6+s16], $0x40, s17, s16, $0xb8;
	[tilespmem:$0x15A40] =	vst v63  }
0xec: {  	_ =	swait.ge [sflag:s18], $0x1000  }
0xed: {  	[sflag:s18] =	ssyncset.done $0x0  }
0xee: {  	s11 =	simm.s32 $0x0;
	[sflag:s18] =	ssyncadd.s32 $0xFFFFF000  }
0xef: {  	v3 =	vld [tilespmem:s11+$0x13A00]  }
0xf0: {  	v2 =	vld [tilespmem:s11+$0x13A10]  }
0xf1: {  	v1 =	vld [tilespmem:s11+$0x13A20]  }
0xf2: {  	v0 =	vld [tilespmem:s11+$0x13A30]  }
0xf3: {  	v5 =	vld [tilespmem:s11+$0x12A00]  }
0xf4: {  	v4 =	vld [tilespmem:s11+$0x12A10]  }
0xf5: {  	v7 =	vld [tilespmem:s11+$0x11A00]  }
0xf6: {  	v6 =	vld [tilespmem:s11+$0x11A10]  }
0xf7: {  	v9 =	vld [tilespmem:s11+$0x10A00]  }
0xf8: {  	v8 =	vld [tilespmem:s11+$0x10A10]  }
0xf9: {  	v11 =	vld [tilespmem:s11+$0xFA00]  }
0xfa: {  	v10 =	vld [tilespmem:s11+$0xFA10]  }
0xfb: {  	v13 =	vld [tilespmem:s11+$0xEA00]  }
0xfc: {  	v12 =	vld [tilespmem:s11+$0xEA10]  }
0xfd: {  	v15 =	vld [tilespmem:s11+$0xDA00]  }
0xfe: {  	v14 =	vld [tilespmem:s11+$0xDA10]  }
0xff: {  	v17 =	vld [tilespmem:s11+$0xCA00]  }
0x100: {  	v16 =	vld [tilespmem:s11+$0xCA10]  }
0x101: {  	v19 =	vld [tilespmem:s11+$0xAA00]  }
0x102: {  	v22 =	vld [tilespmem:s11+$0xBA00]  }
0x103: {  	v21 =	vld [tilespmem:s11+$0xAA10]  }
0x104: {  	v24 =	vld [tilespmem:s11+$0xBA10]  }
0x105: {  	v20 =	vld [tilespmem:s11+$0xAA20]  }
0x106: {  	v23 =	vld [tilespmem:s11+$0xBA20]  }
0x107: {  	s12 =	simm.s32 $0x100;
	v18 =	vld [tilespmem:s11+$0xAA30]  }
.LBB2_5:
0x108: {  	p1 =	sne.s32 s12, $0x3F00;
	v25 =	vld [tilespmem:s11+$0xBA30]  }
0x109: {  	v26 =	vld [tilespmem:s11+$0xCA20]  }
0x10a: {  	v19 =	vadd.f32 v22, v19;
	v22 =	vld [tilespmem:s11+$0xCA30]  }
0x10b: {  	v21 =	vadd.f32 v24, v21;
	v24 =	vld [tilespmem:s11+$0xDA20]  }
0x10c: {  	v17 =	vadd.f32 v17, v19;
	v19 =	vadd.f32 v23, v20;
	v20 =	vld [tilespmem:s11+$0xDA30]  }
0x10d: {  	v16 =	vadd.f32 v16, v21;
	v21 =	vld [tilespmem:s11+$0xEA20];
	v18 =	vadd.f32 v25, v18  }
0x10e: {  	v15 =	vadd.f32 v15, v17;
	v17 =	vadd.f32 v26, v19;
	v19 =	vld [tilespmem:s11+$0xEA30]  }
0x10f: {  	v14 =	vadd.f32 v14, v16;
	v16 =	vld [tilespmem:s11+$0xFA20];
	v18 =	vadd.f32 v22, v18  }
0x110: {  	v13 =	vadd.f32 v13, v15;
	v15 =	vadd.f32 v24, v17;
	v17 =	vld [tilespmem:s11+$0xFA30]  }
0x111: {  	v12 =	vadd.f32 v12, v14;
	v14 =	vld [tilespmem:s11+$0x10A20];
	v18 =	vadd.f32 v20, v18  }
0x112: {  	v11 =	vadd.f32 v11, v13;
	v13 =	vadd.f32 v21, v15;
	v15 =	vld [tilespmem:s11+$0x10A30]  }
0x113: {  	v10 =	vadd.f32 v10, v12;
	v12 =	vld [tilespmem:s11+$0x11A20];
	v18 =	vadd.f32 v19, v18  }
0x114: {  	v9 =	vadd.f32 v9, v11;
	v11 =	vadd.f32 v16, v13;
	v13 =	vld [tilespmem:s11+$0x11A30]  }
0x115: {  	v8 =	vadd.f32 v8, v10;
	v10 =	vld [tilespmem:s11+$0x12A20];
	v16 =	vadd.f32 v17, v18  }
0x116: {  	v7 =	vadd.f32 v7, v9;
	v9 =	vadd.f32 v14, v11;
	v11 =	vld [tilespmem:s11+$0x12A30]  }
0x117: {  	v6 =	vadd.f32 v6, v8;
	v14 =	vld [tilespmem:s11+$0x14A00];
	v8 =	vadd.f32 v15, v16  }
0x118: {  	v5 =	vadd.f32 v5, v7;
	v7 =	vld [tilespmem:s11+$0x14A10];
	v9 =	vadd.f32 v12, v9  }
0x119: {  	v4 =	vadd.f32 v4, v6;
	v6 =	vld [tilespmem:s11+$0x14A20];
	v8 =	vadd.f32 v13, v8  }
0x11a: {  	s10 =	sshra.s32 s12, $0x2;
	v5 =	vadd.f32 v3, v5;
	v9 =	vadd.f32 v10, v9;
	v10 =	vld [tilespmem:s11+$0x14A30]  }
0x11b: {  	v4 =	vadd.f32 v2, v4;
	v3 =	vld [tilespmem:s10+$0x13A00];
	v8 =	vadd.f32 v11, v8  }
0x11c: {  	v2 =	vld [tilespmem:s10+$0x13A10];
	v5 =	vadd.f32 v14, v5;
	v9 =	vadd.f32 v1, v9  }
0x11d: {  	v1 =	vld [tilespmem:s10+$0x13A20];
	v4 =	vadd.f32 v7, v4;
	v7 =	vadd.f32 v0, v8  }
0x11e: {  	v0 =	vld [tilespmem:s10+$0x13A30];
	[tilespmem:s11+$0x14A00] =	vst v5;
	v6 =	vadd.f32 v6, v9  }
0x11f: {  	v5 =	vld [tilespmem:s10+$0x12A00];
	[tilespmem:s11+$0x14A10] =	vst v4;
	v8 =	vadd.f32 v10, v7  }
0x120: {  	v4 =	vld [tilespmem:s10+$0x12A10];
	[tilespmem:s11+$0x14A20] =	vst v6  }
0x121: {  	v7 =	vld [tilespmem:s10+$0x11A00];
	[tilespmem:s11+$0x14A30] =	vst v8;
	s11 =	smov.u32 s10  }
0x122: {  	v6 =	vld [tilespmem:s11+$0x11A10]  }
0x123: {  	v9 =	vld [tilespmem:s11+$0x10A00]  }
0x124: {  	v8 =	vld [tilespmem:s11+$0x10A10]  }
0x125: {  	v11 =	vld [tilespmem:s11+$0xFA00]  }
0x126: {  	v10 =	vld [tilespmem:s11+$0xFA10]  }
0x127: {  	v13 =	vld [tilespmem:s11+$0xEA00]  }
0x128: {  	v12 =	vld [tilespmem:s11+$0xEA10]  }
0x129: {  	v15 =	vld [tilespmem:s11+$0xDA00]  }
0x12a: {  	v14 =	vld [tilespmem:s11+$0xDA10]  }
0x12b: {  	v17 =	vld [tilespmem:s11+$0xCA00]  }
0x12c: {  	v16 =	vld [tilespmem:s11+$0xCA10]  }
0x12d: {  	v19 =	vld [tilespmem:s11+$0xAA00]  }
0x12e: {  	v22 =	vld [tilespmem:s11+$0xBA00]  }
.Ltmp4:
0x12f: {  	v21 =	vld [tilespmem:s11+$0xAA10];
	(pc) =	sbr.rel @p1 .LBB2_5-.Ltmp4, $4  }
0x130: {  	v24 =	vld [tilespmem:s11+$0xBA10]  }
0x131: {  	v20 =	vld [tilespmem:s11+$0xAA20]  }
0x132: {  	v23 =	vld [tilespmem:s11+$0xBA20]  }
0x133: {  	s12 =	sadd.s32 $0x100, s12;
	v18 =	vld [tilespmem:s11+$0xAA30]  }
0x134: {  	v25 =	vld [tilespmem:s11+$0xBA30]  }
0x135: {  	v26 =	vld [tilespmem:s11+$0xCA20]  }
0x136: {  	v19 =	vadd.f32 v22, v19;
	v37 =	vld [tilespmem:s11+$0xCA30]  }
0x137: {  	v38 =	vld [tilespmem:s11+$0xDA20];
	v21 =	vadd.f32 v24, v21  }
0x138: {  	v40 =	vld [tilespmem:s11+$0xDA30];
	v17 =	vadd.f32 v17, v19;
	v39 =	vadd.f32 v23, v20  }
0x139: {  	v41 =	vld [tilespmem:s11+$0xEA20];
	v16 =	vadd.f32 v16, v21;
	v18 =	vadd.f32 v25, v18  }
0x13a: {  	v43 =	vld [tilespmem:s11+$0xEA30];
	v15 =	vadd.f32 v15, v17;
	v42 =	vadd.f32 v26, v39  }
0x13b: {  	v44 =	vld [tilespmem:s11+$0xFA20];
	v14 =	vadd.f32 v14, v16;
	v18 =	vadd.f32 v37, v18  }
0x13c: {  	v46 =	vld [tilespmem:s11+$0xFA30];
	v13 =	vadd.f32 v13, v15;
	v45 =	vadd.f32 v38, v42  }
0x13d: {  	v47 =	vld [tilespmem:s11+$0x10A20];
	v12 =	vadd.f32 v12, v14;
	v18 =	vadd.f32 v40, v18  }
0x13e: {  	v49 =	vld [tilespmem:s11+$0x10A30];
	v11 =	vadd.f32 v11, v13;
	v48 =	vadd.f32 v41, v45  }
0x13f: {  	v50 =	vld [tilespmem:s11+$0x11A20];
	v10 =	vadd.f32 v10, v12;
	v18 =	vadd.f32 v43, v18  }
0x140: {  	v52 =	vld [tilespmem:s11+$0x11A30];
	v9 =	vadd.f32 v9, v11;
	v51 =	vadd.f32 v44, v48  }
0x141: {  	v53 =	vld [tilespmem:s11+$0x12A20];
	v8 =	vadd.f32 v8, v10;
	v54 =	vadd.f32 v46, v18  }
0x142: {  	v56 =	vld [tilespmem:s11+$0x12A30];
	v7 =	vadd.f32 v7, v9;
	v55 =	vadd.f32 v47, v51  }
0x143: {  	v57 =	vld [tilespmem:s11+$0x14A00];
	v6 =	vadd.f32 v6, v8;
	v58 =	vadd.f32 v49, v54  }
0x144: {  	v59 =	vld [tilespmem:s11+$0x14A10];
	v5 =	vadd.f32 v5, v7;
	v9 =	vadd.f32 v50, v55  }
0x145: {  	v60 =	vld [tilespmem:s11+$0x14A20];
	v4 =	vadd.f32 v4, v6;
	v8 =	vadd.f32 v52, v58  }
0x146: {  	v62 =	vld [tilespmem:s11+$0x14A30];
	v3 =	vadd.f32 v3, v5;
	v61 =	vadd.f32 v53, v9  }
0x147: {  	v2 =	vadd.f32 v2, v4;
	v63 =	vadd.f32 v56, v8  }
0x148: {  	v3 =	vadd.f32 v57, v3;
	v1 =	vadd.f32 v1, v61  }
0x149: {  	v2 =	vadd.f32 v59, v2;
	v0 =	vadd.f32 v0, v63  }
0x14a: {  	[tilespmem:s11+$0x14A00] =	vst v3;
	v1 =	vadd.f32 v60, v1  }
0x14b: {  	[tilespmem:s11+$0x14A10] =	vst v2;
	v0 =	vadd.f32 v62, v0  }
0x14c: {  	[tilespmem:s11+$0x14A20] =	vst v1  }
0x14d: {  	s2 =	rddreg [dreg:$0x4];
	[tilespmem:s11+$0x14A30] =	vst v0  }
0x14e: {  	[hbm4b:s2+s3] =	stream.linear.scatter [tilespmem:s30], [sflag:$0x3], $0x1000, $0x38;
	[tilespmem:$0x15A40] =	vst v63  }
0x14f: {  	_ =	swait.ge [sflag:s15], $0x1000  }
0x150: {  	[sflag:s15] =	ssyncset.done $0x0  }
0x151: {  	[sflag:s15] =	ssyncadd.s32 $0xFFFFF000  }
.LBB2_7:
0x152: {  	s11 =	simm.s32 $0x0;
	s2 =	rddreg [dreg:$0x5]  }
0x153: {  	[tilespmem:s11], [sflag:$0x3] =	stream.linear.gather [hbm4b:s2+s11], $0x500, $0x38;
	[tilespmem:$0x15A40] =	vst v63  }
0x154: {  	_ =	swait.ge [sflag:s15], $0x500  }
0x155: {  	[sflag:s15] =	ssyncset.done $0x0  }
0x156: {  	s17 =	simm.s32 $0xA00;
	[sflag:s15] =	ssyncadd.s32 $0xFFFFFB00  }
0x157: {  	[tilespmem:s17], [sflag:$0x1] =	stream.indirect.gather [hbm4b:s4+s16], $0x40, s11, s16, $0xb8;
	[tilespmem:$0x15A40] =	vst v63  }
0x158: {  	s10 =	simm.s32 $0x1A00  }
0x159: {  	[tilespmem:s10], [sflag:$0x1] =	stream.indirect.gather [hbm4b:s4+s16], $0x40, s16, s16, $0xb8;
	[tilespmem:$0x15A40] =	vst v63  }
0x15a: {  	s12 =	simm.s32 $0x80;
	s10 =	simm.s32 $0x2A00  }
0x15b: {  	[tilespmem:s10], [sflag:$0x1] =	stream.indirect.gather [hbm4b:s4+s16], $0x40, s12, s16, $0xb8;
	[tilespmem:$0x15A40] =	vst v63  }
0x15c: {  	s14 =	simm.s32 $0xC0;
	s17 =	simm.s32 $0x3A00  }
0x15d: {  	[tilespmem:s17], [sflag:$0x1] =	stream.indirect.gather [hbm4b:s4+s16], $0x40, s14, s16, $0xb8;
	[tilespmem:$0x15A40] =	vst v63  }
0x15e: {  	s10 =	simm.s32 $0x100;
	s12 =	simm.s32 $0x4A00  }
0x15f: {  	[tilespmem:s12], [sflag:$0x1] =	stream.indirect.gather [hbm4b:s4+s16], $0x40, s10, s16, $0xb8;
	[tilespmem:$0x15A40] =	vst v63  }
0x160: {  	s14 =	simm.s32 $0x140;
	s17 =	simm.s32 $0x5A00  }
0x161: {  	[tilespmem:s17], [sflag:$0x1] =	stream.indirect.gather [hbm4b:s4+s16], $0x40, s14, s16, $0xb8;
	[tilespmem:$0x15A40] =	vst v63  }
0x162: {  	s10 =	simm.s32 $0x180;
	s12 =	simm.s32 $0x6A00  }
0x163: {  	[tilespmem:s12], [sflag:$0x1] =	stream.indirect.gather [hbm4b:s4+s16], $0x40, s10, s16, $0xb8;
	[tilespmem:$0x15A40] =	vst v63  }
0x164: {  	s14 =	simm.s32 $0x1C0;
	s17 =	simm.s32 $0x7A00  }
0x165: {  	[tilespmem:s17], [sflag:$0x1] =	stream.indirect.gather [hbm4b:s4+s16], $0x40, s14, s16, $0xb8;
	[tilespmem:$0x15A40] =	vst v63  }
.Ltmp5:
0x166: {  	_ = 	snop;
	(pc) =	sbr.rel .LBB2_8-.Ltmp5, $4  }
0x167: {  	s10 =	simm.s32 $0x200;
	s12 =	simm.s32 $0x8A00  }
0x168: {  	[tilespmem:s12], [sflag:$0x1] =	stream.indirect.gather [hbm4b:s4+s16], $0x40, s10, s16, $0xb8;
	[tilespmem:$0x15A40] =	vst v63  }
0x169: {  	s14 =	simm.s32 $0x240;
	s17 =	simm.s32 $0x9A00  }
0x16a: {  	[tilespmem:s17], [sflag:$0x1] =	stream.indirect.gather [hbm4b:s4+s16], $0x40, s14, s16, $0xb8;
	[tilespmem:$0x15A40] =	vst v63  }
.LBB2_14:
0x16b: {  	s11 =	sadd.s32 $0x1, s11  }
0x16c: {  	p1 =	sne.s32 s11, $0x40  }
.Ltmp6:
0x16d: {  	_ = 	snop;
	(pc) =	sbr.rel @!p1 .LBB2_15-.Ltmp6, $1  }
0x16e: {  	_ =	sdelay $0x3  }
.LBB2_8:
0x16f: {  	p1 =	sle.u32 s9, s11  }
.Ltmp7:
0x170: {  	_ = 	snop;
	(pc) =	sbr.rel @p1 .LBB2_14-.Ltmp7, $1  }
0x171: {  	_ =	sdelay $0x3  }
0x172: {  	_ =	swait.ge [sflag:s18], $0x1000  }
0x173: {  	[sflag:s18] =	ssyncset.done $0x0  }
0x174: {  	[sflag:s18] =	ssyncadd.s32 $0xFFFFF000  }
0x175: {  	_ =	swait.ge [sflag:s18], $0x1000  }
0x176: {  	[sflag:s18] =	ssyncset.done $0x0  }
0x177: {  	[sflag:s18] =	ssyncadd.s32 $0xFFFFF000  }
0x178: {  	_ =	swait.ge [sflag:s18], $0x1000  }
0x179: {  	[sflag:s18] =	ssyncset.done $0x0  }
0x17a: {  	[sflag:s18] =	ssyncadd.s32 $0xFFFFF000  }
0x17b: {  	_ =	swait.ge [sflag:s18], $0x1000  }
0x17c: {  	[sflag:s18] =	ssyncset.done $0x0  }
0x17d: {  	[sflag:s18] =	ssyncadd.s32 $0xFFFFF000  }
0x17e: {  	_ =	swait.ge [sflag:s18], $0x1000  }
0x17f: {  	[sflag:s18] =	ssyncset.done $0x0  }
0x180: {  	[sflag:s18] =	ssyncadd.s32 $0xFFFFF000  }
0x181: {  	_ =	swait.ge [sflag:s18], $0x1000  }
0x182: {  	[sflag:s18] =	ssyncset.done $0x0  }
0x183: {  	[sflag:s18] =	ssyncadd.s32 $0xFFFFF000  }
0x184: {  	_ =	swait.ge [sflag:s18], $0x1000  }
0x185: {  	[sflag:s18] =	ssyncset.done $0x0  }
0x186: {  	[sflag:s18] =	ssyncadd.s32 $0xFFFFF000  }
0x187: {  	_ =	swait.ge [sflag:s18], $0x1000  }
0x188: {  	[sflag:s18] =	ssyncset.done $0x0  }
0x189: {  	[sflag:s18] =	ssyncadd.s32 $0xFFFFF000  }
0x18a: {  	_ =	swait.ge [sflag:s18], $0x1000  }
0x18b: {  	s17 =	sand.u32 $0x1, s11;
	[sflag:s18] =	ssyncset.done $0x0  }
0x18c: {  	s10 =	smul.u32 $0x1400, s17;
	[sflag:s18] =	ssyncadd.s32 $0xFFFFF000  }
0x18d: {  	_ =	swait.ge [sflag:s18], $0x1000  }
0x18e: {  	s10 =	sshrl.u32 s10, $0x2;
	[sflag:s18] =	ssyncset.done $0x0  }
0x18f: {  	s12 =	sadd.s32 $0x280, s10;
	[sflag:s18] =	ssyncadd.s32 $0xFFFFF000  }
0x190: {  	[tilespmem:s19], [sflag:$0x2] =	stream.indirect.gather [hbm4b:s4+s16], $0x40, s12, s16, $0xb8;
	[tilespmem:$0x15A40] =	vst v63  }
0x191: {  	s2 =	sadd.s32 $0x2C0, s10  }
0x192: {  	[tilespmem:s20], [sflag:$0x2] =	stream.indirect.gather [hbm4b:s4+s16], $0x40, s2, s16, $0xb8;
	[tilespmem:$0x15A40] =	vst v63  }
0x193: {  	s14 =	sadd.s32 $0x300, s10  }
0x194: {  	[tilespmem:s21], [sflag:$0x2] =	stream.indirect.gather [hbm4b:s4+s16], $0x40, s14, s16, $0xb8;
	[tilespmem:$0x15A40] =	vst v63  }
0x195: {  	s2 =	sadd.s32 $0x340, s10  }
0x196: {  	[tilespmem:s22], [sflag:$0x2] =	stream.indirect.gather [hbm4b:s4+s16], $0x40, s2, s16, $0xb8;
	[tilespmem:$0x15A40] =	vst v63  }
0x197: {  	s14 =	sadd.s32 $0x380, s10  }
0x198: {  	[tilespmem:s23], [sflag:$0x2] =	stream.indirect.gather [hbm4b:s4+s16], $0x40, s14, s16, $0xb8;
	[tilespmem:$0x15A40] =	vst v63  }
0x199: {  	s2 =	sadd.s32 $0x3C0, s10  }
0x19a: {  	[tilespmem:s24], [sflag:$0x2] =	stream.indirect.gather [hbm4b:s4+s16], $0x40, s2, s16, $0xb8;
	[tilespmem:$0x15A40] =	vst v63  }
0x19b: {  	s14 =	sadd.s32 $0x400, s10  }
0x19c: {  	[tilespmem:s25], [sflag:$0x2] =	stream.indirect.gather [hbm4b:s4+s16], $0x40, s14, s16, $0xb8;
	[tilespmem:$0x15A40] =	vst v63  }
0x19d: {  	s2 =	sadd.s32 $0x440, s10  }
0x19e: {  	[tilespmem:s26], [sflag:$0x2] =	stream.indirect.gather [hbm4b:s4+s16], $0x40, s2, s16, $0xb8;
	[tilespmem:$0x15A40] =	vst v63  }
0x19f: {  	s14 =	sadd.s32 $0x480, s10  }
0x1a0: {  	[tilespmem:s28], [sflag:$0x2] =	stream.indirect.gather [hbm4b:s4+s16], $0x40, s14, s16, $0xb8;
	[tilespmem:$0x15A40] =	vst v63  }
0x1a1: {  	s12 =	simm.s32 $0x0;
	s10 =	sadd.s32 $0x4C0, s10  }
0x1a2: {  	[tilespmem:s29], [sflag:$0x2] =	stream.indirect.gather [hbm4b:s4+s16], $0x40, s10, s16, $0xb8;
	[tilespmem:$0x15A40] =	vst v63  }
0x1a3: {  	v0 =	vld [tilespmem:s12+$0xA30]  }
0x1a4: {  	v1 =	vld [tilespmem:s12+$0x1A30]  }
0x1a5: {  	v2 =	vld [tilespmem:s12+$0xA00]  }
0x1a6: {  	v3 =	vld [tilespmem:s12+$0x2A30]  }
0x1a7: {  	v4 =	vld [tilespmem:s12+$0x1A00]  }
0x1a8: {  	v5 =	vld [tilespmem:s12+$0x3A30]  }
0x1a9: {  	v6 =	vld [tilespmem:s12+$0xA10]  }
0x1aa: {  	v7 =	vld [tilespmem:s12+$0x1A10]  }
0x1ab: {  	v8 =	vld [tilespmem:s12+$0xA20]  }
0x1ac: {  	v9 =	vld [tilespmem:s12+$0x1A20]  }
0x1ad: {  	v10 =	vld [tilespmem:s12+$0x2A00]  }
0x1ae: {  	v11 =	vld [tilespmem:s12+$0x2A10];
	v0 =	vadd.f32 v1, v0  }
0x1af: {  	v1 =	vld [tilespmem:s12+$0x4A30]  }
0x1b0: {  	v12 =	vld [tilespmem:s12+$0x2A20];
	v0 =	vadd.f32 v3, v0  }
0x1b1: {  	v3 =	vld [tilespmem:s12+$0x5A30]  }
0x1b2: {  	v13 =	vld [tilespmem:s12+$0x3A10];
	v0 =	vadd.f32 v5, v0  }
0x1b3: {  	v5 =	vld [tilespmem:s12+$0x6A30]  }
0x1b4: {  	v14 =	vld [tilespmem:s12+$0x4A00];
	v0 =	vadd.f32 v1, v0  }
0x1b5: {  	v1 =	vld [tilespmem:s12+$0x7A30]  }
0x1b6: {  	v15 =	vld [tilespmem:s12+$0x4A20];
	v0 =	vadd.f32 v3, v0  }
0x1b7: {  	v3 =	vld [tilespmem:s12+$0x8A30]  }
0x1b8: {  	v60 =	vld [tilespmem:s12+$0x6A00];
	v0 =	vadd.f32 v5, v0  }
0x1b9: {  	v5 =	vld [tilespmem:s12+$0x9A30]  }
0x1ba: {  	v61 =	vld [tilespmem:s12+$0x6A10];
	v0 =	vadd.f32 v1, v0  }
0x1bb: {  	v62 =	vld [tilespmem:s12+$0x7A20]  }
0x1bc: {  	v1 =	vld [tilespmem:s12+$0x3A00];
	v0 =	vadd.f32 v3, v0  }
0x1bd: {  	v2 =	vadd.f32 v4, v2;
	v4 =	vadd.f32 v7, v6;
	v3 =	vld [tilespmem:s12+$0x3A20]  }
0x1be: {  	v7 =	vadd.f32 v9, v8;
	v0 =	vadd.f32 v5, v0;
	v5 =	vld [tilespmem:s12+$0x4A10]  }
0x1bf: {  	v6 =	vld [tilespmem:s12+$0x5A10];
	v2 =	vadd.f32 v10, v2;
	v4 =	vadd.f32 v11, v4  }
0x1c0: {  	v7 =	vadd.f32 v12, v7;
	[tilespmem:s12+$0x14A30] =	vst v0;
	v0 =	vld [tilespmem:s12+$0x5A00]  }
0x1c1: {  	v8 =	vld [tilespmem:s12+$0x5A20];
	v1 =	vadd.f32 v1, v2;
	v2 =	vadd.f32 v13, v4  }
0x1c2: {  	v4 =	vld [tilespmem:s12+$0x6A20];
	v3 =	vadd.f32 v3, v7  }
0x1c3: {  	v7 =	vld [tilespmem:s12+$0x7A00];
	v1 =	vadd.f32 v14, v1;
	v2 =	vadd.f32 v5, v2  }
0x1c4: {  	v5 =	vld [tilespmem:s12+$0x7A10];
	v3 =	vadd.f32 v15, v3  }
0x1c5: {  	v0 =	vadd.f32 v0, v1;
	v1 =	vadd.f32 v6, v2;
	v6 =	vld [tilespmem:s12+$0x8A00]  }
0x1c6: {  	v2 =	vadd.f32 v8, v3;
	v8 =	vld [tilespmem:s12+$0x8A10]  }
0x1c7: {  	v0 =	vadd.f32 v60, v0;
	v63 =	vadd.f32 v61, v1;
	v1 =	vld [tilespmem:s12+$0x8A20]  }
0x1c8: {  	v3 =	vld [tilespmem:s12+$0x9A00];
	v4 =	vadd.f32 v4, v2  }
0x1c9: {  	v2 =	vld [tilespmem:s12+$0x9A10];
	v0 =	vadd.f32 v7, v0;
	v7 =	vadd.f32 v5, v63  }
0x1ca: {  	s10 =	simm.s32 $0x40;
	v5 =	vadd.f32 v62, v4;
	v4 =	vld [tilespmem:s12+$0x9A20]  }
0x1cb: {  	s14 =	simm.s32 $0x200;
	v6 =	vadd.f32 v6, v0;
	v0 =	vld [tilespmem:s10+$0xA30];
	v7 =	vadd.f32 v8, v7  }
.LBB2_10:
0x1cc: {  	p1 =	sne.s32 s14, $0x3F00;
	v8 =	vld [tilespmem:s10+$0x1A30];
	v1 =	vadd.f32 v1, v5  }
0x1cd: {  	v5 =	vld [tilespmem:s10+$0xA00];
	v3 =	vadd.f32 v3, v6  }
0x1ce: {  	v6 =	vld [tilespmem:s10+$0x2A30];
	v2 =	vadd.f32 v2, v7  }
0x1cf: {  	v7 =	vld [tilespmem:s10+$0x1A00];
	[tilespmem:s12+$0x14A00] =	vst v3;
	v1 =	vadd.f32 v4, v1  }
0x1d0: {  	v3 =	vld [tilespmem:s10+$0x3A30];
	[tilespmem:s12+$0x14A10] =	vst v2  }
0x1d1: {  	v2 =	vld [tilespmem:s10+$0xA10];
	v0 =	vadd.f32 v8, v0;
	[tilespmem:s12+$0x14A20] =	vst v1;
	s12 =	smov.u32 s10  }
0x1d2: {  	v1 =	vld [tilespmem:s12+$0x4A30]  }
0x1d3: {  	v4 =	vld [tilespmem:s12+$0x1A10];
	v0 =	vadd.f32 v6, v0  }
0x1d4: {  	v5 =	vadd.f32 v7, v5;
	v6 =	vld [tilespmem:s12+$0x5A30]  }
0x1d5: {  	v7 =	vld [tilespmem:s12+$0xA20];
	v0 =	vadd.f32 v3, v0  }
0x1d6: {  	v3 =	vld [tilespmem:s12+$0x6A30]  }
0x1d7: {  	v8 =	vld [tilespmem:s12+$0x1A20];
	v0 =	vadd.f32 v1, v0  }
0x1d8: {  	v1 =	vadd.f32 v4, v2;
	v2 =	vld [tilespmem:s12+$0x7A30]  }
0x1d9: {  	v4 =	vld [tilespmem:s12+$0x2A00];
	v0 =	vadd.f32 v6, v0  }
0x1da: {  	v6 =	vld [tilespmem:s12+$0x8A30]  }
0x1db: {  	v9 =	vld [tilespmem:s12+$0x2A10];
	v0 =	vadd.f32 v3, v0  }
0x1dc: {  	v3 =	vadd.f32 v8, v7;
	v7 =	vld [tilespmem:s12+$0x9A30]  }
0x1dd: {  	v8 =	vld [tilespmem:s12+$0x2A20];
	v0 =	vadd.f32 v2, v0  }
0x1de: {  	v2 =	vadd.f32 v4, v5;
	v4 =	vld [tilespmem:s12+$0x3A00]  }
0x1df: {  	v5 =	vld [tilespmem:s12+$0x3A10];
	v0 =	vadd.f32 v6, v0  }
0x1e0: {  	v1 =	vadd.f32 v9, v1;
	v6 =	vld [tilespmem:s12+$0x3A20]  }
0x1e1: {  	v9 =	vld [tilespmem:s12+$0x4A00];
	v0 =	vadd.f32 v7, v0  }
0x1e2: {  	v7 =	vld [tilespmem:s12+$0x4A10];
	v3 =	vadd.f32 v8, v3  }
0x1e3: {  	v2 =	vadd.f32 v4, v2;
	v4 =	vld [tilespmem:s12+$0x4A20];
	[tilespmem:s12+$0x14A30] =	vst v0  }
0x1e4: {  	v0 =	vld [tilespmem:s12+$0x5A00];
	v1 =	vadd.f32 v5, v1  }
0x1e5: {  	v5 =	vld [tilespmem:s12+$0x5A10];
	v3 =	vadd.f32 v6, v3  }
0x1e6: {  	v2 =	vadd.f32 v9, v2;
	v6 =	vld [tilespmem:s12+$0x5A20]  }
0x1e7: {  	v8 =	vld [tilespmem:s12+$0x6A00];
	v1 =	vadd.f32 v7, v1  }
0x1e8: {  	v7 =	vld [tilespmem:s12+$0x6A10];
	v3 =	vadd.f32 v4, v3  }
0x1e9: {  	v0 =	vadd.f32 v0, v2;
	v2 =	vld [tilespmem:s12+$0x6A20]  }
0x1ea: {  	v4 =	vld [tilespmem:s12+$0x7A00];
	v1 =	vadd.f32 v5, v1  }
0x1eb: {  	v5 =	vld [tilespmem:s12+$0x7A10];
	v3 =	vadd.f32 v6, v3  }
0x1ec: {  	v0 =	vadd.f32 v8, v0;
	v6 =	vld [tilespmem:s12+$0x7A20]  }
0x1ed: {  	v8 =	vld [tilespmem:s12+$0x8A00];
	v7 =	vadd.f32 v7, v1  }
0x1ee: {  	v9 =	vld [tilespmem:s12+$0x8A10];
	v10 =	vadd.f32 v2, v3  }
.Ltmp8:
0x1ef: {  	v0 =	vadd.f32 v4, v0;
	v1 =	vld [tilespmem:s12+$0x8A20];
	(pc) =	sbr.rel @p1 .LBB2_10-.Ltmp8, $4  }
0x1f0: {  	v3 =	vld [tilespmem:s12+$0x9A00];
	v7 =	vadd.f32 v5, v7  }
0x1f1: {  	v2 =	vld [tilespmem:s12+$0x9A10];
	v5 =	vadd.f32 v6, v10  }
0x1f2: {  	s10 =	sshra.s32 s14, $0x2;
	v6 =	vadd.f32 v8, v0;
	v4 =	vld [tilespmem:s12+$0x9A20]  }
0x1f3: {  	s14 =	sadd.s32 $0x100, s14;
	v0 =	vld [tilespmem:s10+$0xA30];
	v7 =	vadd.f32 v9, v7  }
0x1f4: {  	v8 =	vld [tilespmem:s10+$0x1A30]  }
0x1f5: {  	v9 =	vld [tilespmem:s10+$0xA00];
	v1 =	vadd.f32 v1, v5;
	v3 =	vadd.f32 v3, v6  }
0x1f6: {  	v10 =	vld [tilespmem:s10+$0x1A00];
	v2 =	vadd.f32 v2, v7  }
0x1f7: {  	v6 =	vld [tilespmem:s10+$0x2A30];
	[tilespmem:s12+$0x14A00] =	vst v3;
	v1 =	vadd.f32 v4, v1  }
0x1f8: {  	v3 =	vld [tilespmem:s10+$0x3A30];
	[tilespmem:s12+$0x14A10] =	vst v2  }
0x1f9: {  	v2 =	vld [tilespmem:s10+$0xA10];
	[tilespmem:s12+$0x14A20] =	vst v1  }
0x1fa: {  	v1 =	vld [tilespmem:s10+$0x4A30]  }
0x1fb: {  	v4 =	vld [tilespmem:s10+$0x1A10]  }
0x1fc: {  	v5 =	vld [tilespmem:s10+$0x5A30]  }
0x1fd: {  	v7 =	vld [tilespmem:s10+$0x1A20]  }
0x1fe: {  	v0 =	vadd.f32 v8, v0;
	v8 =	vld [tilespmem:s10+$0x2A00]  }
0x1ff: {  	v11 =	vld [tilespmem:s10+$0x2A10]  }
0x200: {  	v12 =	vld [tilespmem:s10+$0x2A20];
	v0 =	vadd.f32 v6, v0  }
0x201: {  	v13 =	vld [tilespmem:s10+$0x3A10]  }
0x202: {  	v14 =	vld [tilespmem:s10+$0x4A00];
	v0 =	vadd.f32 v3, v0  }
0x203: {  	v3 =	vld [tilespmem:s10+$0x6A30]  }
0x204: {  	v15 =	vld [tilespmem:s10+$0x4A20];
	v0 =	vadd.f32 v1, v0  }
0x205: {  	v1 =	vld [tilespmem:s10+$0x7A30]  }
0x206: {  	v6 =	vld [tilespmem:s10+$0xA20];
	v0 =	vadd.f32 v5, v0  }
0x207: {  	v5 =	vld [tilespmem:s10+$0x8A30]  }
0x208: {  	v9 =	vadd.f32 v10, v9;
	v10 =	vld [tilespmem:s10+$0x5A10];
	v0 =	vadd.f32 v3, v0  }
0x209: {  	v3 =	vld [tilespmem:s10+$0x9A30]  }
0x20a: {  	v2 =	vadd.f32 v4, v2;
	v4 =	vld [tilespmem:s10+$0x5A20];
	v0 =	vadd.f32 v1, v0  }
0x20b: {  	v6 =	vadd.f32 v7, v6;
	v7 =	vadd.f32 v8, v9;
	v8 =	vld [tilespmem:s10+$0x6A00]  }
0x20c: {  	v1 =	vld [tilespmem:s10+$0x3A00];
	v0 =	vadd.f32 v5, v0  }
0x20d: {  	v9 =	vld [tilespmem:s10+$0x6A10]  }
0x20e: {  	v5 =	vld [tilespmem:s10+$0x3A20];
	v0 =	vadd.f32 v3, v0  }
0x20f: {  	v3 =	vld [tilespmem:s10+$0x4A10]  }
0x210: {  	v2 =	vadd.f32 v11, v2;
	[tilespmem:s10+$0x14A30] =	vst v0;
	v0 =	vld [tilespmem:s10+$0x5A00]  }
0x211: {  	v11 =	vld [tilespmem:s10+$0x7A00];
	v6 =	vadd.f32 v12, v6;
	v1 =	vadd.f32 v1, v7  }
0x212: {  	v2 =	vadd.f32 v13, v2;
	v7 =	vld [tilespmem:s10+$0x6A20]  }
0x213: {  	v5 =	vadd.f32 v5, v6;
	v1 =	vadd.f32 v14, v1;
	v6 =	vld [tilespmem:s10+$0x7A10]  }
0x214: {  	v2 =	vadd.f32 v3, v2;
	v3 =	vld [tilespmem:s10+$0x7A20]  }
0x215: {  	v5 =	vadd.f32 v15, v5;
	v0 =	vadd.f32 v0, v1;
	v1 =	vld [tilespmem:s10+$0x8A00]  }
0x216: {  	v2 =	vadd.f32 v10, v2;
	v10 =	vld [tilespmem:s10+$0x8A10]  }
0x217: {  	v4 =	vadd.f32 v4, v5;
	v5 =	vld [tilespmem:s10+$0x8A20];
	v0 =	vadd.f32 v8, v0  }
0x218: {  	v2 =	vadd.f32 v9, v2;
	v8 =	vld [tilespmem:s10+$0x9A00]  }
0x219: {  	v4 =	vadd.f32 v7, v4;
	v7 =	vld [tilespmem:s10+$0x9A10];
	v0 =	vadd.f32 v11, v0  }
0x21a: {  	v2 =	vadd.f32 v6, v2;
	v6 =	vld [tilespmem:s10+$0x9A20]  }
0x21b: {  	v3 =	vadd.f32 v3, v4;
	v0 =	vadd.f32 v1, v0  }
0x21c: {  	v1 =	vadd.f32 v10, v2  }
0x21d: {  	v2 =	vadd.f32 v5, v3;
	v0 =	vadd.f32 v8, v0  }
0x21e: {  	v1 =	vadd.f32 v7, v1  }
0x21f: {  	[tilespmem:s10+$0x14A00] =	vst v0;
	v0 =	vadd.f32 v6, v2  }
0x220: {  	[tilespmem:s10+$0x14A10] =	vst v1  }
0x221: {  	[tilespmem:s10+$0x14A20] =	vst v0  }
0x222: {  	_ =	swait.ge [sflag:s31], $0x1000  }
0x223: {  	[sflag:s31] =	ssyncset.done $0x0  }
0x224: {  	[sflag:s31] =	ssyncadd.s32 $0xFFFFF000  }
0x225: {  	_ =	swait.ge [sflag:s31], $0x1000  }
0x226: {  	[sflag:s31] =	ssyncset.done $0x0  }
0x227: {  	[sflag:s31] =	ssyncadd.s32 $0xFFFFF000  }
0x228: {  	_ =	swait.ge [sflag:s31], $0x1000  }
0x229: {  	[sflag:s31] =	ssyncset.done $0x0  }
0x22a: {  	[sflag:s31] =	ssyncadd.s32 $0xFFFFF000  }
0x22b: {  	_ =	swait.ge [sflag:s31], $0x1000  }
0x22c: {  	[sflag:s31] =	ssyncset.done $0x0  }
0x22d: {  	[sflag:s31] =	ssyncadd.s32 $0xFFFFF000  }
0x22e: {  	_ =	swait.ge [sflag:s31], $0x1000  }
0x22f: {  	[sflag:s31] =	ssyncset.done $0x0  }
0x230: {  	[sflag:s31] =	ssyncadd.s32 $0xFFFFF000  }
0x231: {  	_ =	swait.ge [sflag:s31], $0x1000  }
0x232: {  	[sflag:s31] =	ssyncset.done $0x0  }
0x233: {  	[sflag:s31] =	ssyncadd.s32 $0xFFFFF000  }
0x234: {  	_ =	swait.ge [sflag:s31], $0x1000  }
0x235: {  	[sflag:s31] =	ssyncset.done $0x0  }
0x236: {  	[sflag:s31] =	ssyncadd.s32 $0xFFFFF000  }
0x237: {  	_ =	swait.ge [sflag:s31], $0x1000  }
0x238: {  	[sflag:s31] =	ssyncset.done $0x0  }
0x239: {  	[sflag:s31] =	ssyncadd.s32 $0xFFFFF000  }
0x23a: {  	p1 =	sge.u32 s11, s13;
	s12 =	sor.u32 s8, s11;
	_ =	swait.ge [sflag:s31], $0x1000  }
0x23b: {  	s10 =	smul.u32 @!p1 $0x500, s12;
	[sflag:s31] =	ssyncset.done $0x0  }
0x23c: {  	s14 =	sxor.u32 @!p1 $0x1, s17;
	[sflag:s31] =	ssyncadd.s32 $0xFFFFF000  }
0x23d: {  	s14 =	smul.u32 @!p1 $0x1400, s14;
	s10 =	sshrl.u32 @!p1 s10, $0x3;
	_ =	swait.ge [sflag:s31], $0x1000  }
0x23e: {  	s17 =	simm.s32 @!p1 $0x0;
	s10 =	sadd.s32 @!p1 s5, s10;
	[sflag:s31] =	ssyncset.done $0x0  }
0x23f: {  	s14 =	sshrl.u32 @!p1 s14, $0x2;
	s10 =	sadd.s32 @!p1 $0xA0, s10;
	[sflag:s31] =	ssyncadd.s32 $0xFFFFF000  }
0x240: {  	[tilespmem:s14], [sflag:$0x4] =	stream.linear.gather @!p1 [hbm4b:s10+s17], $0x500, $0x38;
	[tilespmem:$0x15A40] =	vst v63  }
0x241: {  	s10 =	simm.s32 @!p1 $0x4  }
0x242: {  	_ =	swait.ge @!p1 [sflag:s10], $0x500  }
0x243: {  	[sflag:s10] =	ssyncset.done @!p1 $0x0  }
0x244: {  	s17 =	simm.s32 @!p1 $0xA00;
	[sflag:s10] =	ssyncadd.s32 @!p1 $0xFFFFFB00;
	s10 =	simm.s32 @!p1 $0x40  }
0x245: {  	[tilespmem:s17], [sflag:$0x1] =	stream.indirect.gather @!p1 [hbm4b:s4+s10], $0x40, s14, s10, $0xb8;
	[tilespmem:$0x15A40] =	vst v63  }
0x246: {  	s2 =	simm.s32 @!p1 $0x1A00;
	s17 =	sor.u32 @!p1 $0x40, s14  }
0x247: {  	[tilespmem:s2], [sflag:$0x1] =	stream.indirect.gather @!p1 [hbm4b:s4+s10], $0x40, s17, s10, $0xb8;
	[tilespmem:$0x15A40] =	vst v63  }
0x248: {  	s2 =	sor.u32 @!p1 $0x80, s14;
	s17 =	simm.s32 @!p1 $0x2A00  }
0x249: {  	[tilespmem:s17], [sflag:$0x1] =	stream.indirect.gather @!p1 [hbm4b:s4+s10], $0x40, s2, s10, $0xb8;
	[tilespmem:$0x15A40] =	vst v63  }
0x24a: {  	s2 =	sor.u32 @!p1 $0xC0, s14;
	s17 =	simm.s32 @!p1 $0x3A00  }
0x24b: {  	[tilespmem:s17], [sflag:$0x1] =	stream.indirect.gather @!p1 [hbm4b:s4+s10], $0x40, s2, s10, $0xb8;
	[tilespmem:$0x15A40] =	vst v63  }
0x24c: {  	s2 =	sadd.s32 @!p1 $0x100, s14;
	s17 =	simm.s32 @!p1 $0x4A00  }
0x24d: {  	[tilespmem:s17], [sflag:$0x1] =	stream.indirect.gather @!p1 [hbm4b:s4+s10], $0x40, s2, s10, $0xb8;
	[tilespmem:$0x15A40] =	vst v63  }
0x24e: {  	s2 =	sadd.s32 @!p1 $0x140, s14;
	s17 =	simm.s32 @!p1 $0x5A00  }
0x24f: {  	[tilespmem:s17], [sflag:$0x1] =	stream.indirect.gather @!p1 [hbm4b:s4+s10], $0x40, s2, s10, $0xb8;
	[tilespmem:$0x15A40] =	vst v63  }
0x250: {  	s2 =	sadd.s32 @!p1 $0x180, s14;
	s17 =	simm.s32 @!p1 $0x6A00  }
0x251: {  	[tilespmem:s17], [sflag:$0x1] =	stream.indirect.gather @!p1 [hbm4b:s4+s10], $0x40, s2, s10, $0xb8;
	[tilespmem:$0x15A40] =	vst v63  }
0x252: {  	s2 =	sadd.s32 @!p1 $0x1C0, s14;
	s17 =	simm.s32 @!p1 $0x7A00  }
0x253: {  	[tilespmem:s17], [sflag:$0x1] =	stream.indirect.gather @!p1 [hbm4b:s4+s10], $0x40, s2, s10, $0xb8;
	[tilespmem:$0x15A40] =	vst v63  }
0x254: {  	s2 =	sadd.s32 @!p1 $0x200, s14;
	s17 =	simm.s32 @!p1 $0x8A00  }
0x255: {  	[tilespmem:s17], [sflag:$0x1] =	stream.indirect.gather @!p1 [hbm4b:s4+s10], $0x40, s2, s10, $0xb8;
	[tilespmem:$0x15A40] =	vst v63  }
0x256: {  	s2 =	sadd.s32 @!p1 $0x240, s14;
	s14 =	simm.s32 @!p1 $0x9A00;
	s17 =	simm.s32 $0x0  }
0x257: {  	[tilespmem:s14], [sflag:$0x1] =	stream.indirect.gather @!p1 [hbm4b:s4+s10], $0x40, s2, s10, $0xb8;
	[tilespmem:$0x15A40] =	vst v63  }
0x258: {  	v3 =	vld [tilespmem:s17+$0x13A00]  }
0x259: {  	v2 =	vld [tilespmem:s17+$0x13A10]  }
0x25a: {  	v1 =	vld [tilespmem:s17+$0x13A20]  }
0x25b: {  	v0 =	vld [tilespmem:s17+$0x13A30]  }
0x25c: {  	v5 =	vld [tilespmem:s17+$0x12A00]  }
0x25d: {  	v4 =	vld [tilespmem:s17+$0x12A10]  }
0x25e: {  	v7 =	vld [tilespmem:s17+$0x11A00]  }
0x25f: {  	v6 =	vld [tilespmem:s17+$0x11A10]  }
0x260: {  	v9 =	vld [tilespmem:s17+$0x10A00]  }
0x261: {  	v8 =	vld [tilespmem:s17+$0x10A10]  }
0x262: {  	v11 =	vld [tilespmem:s17+$0xFA00]  }
0x263: {  	v10 =	vld [tilespmem:s17+$0xFA10]  }
0x264: {  	v13 =	vld [tilespmem:s17+$0xEA00]  }
0x265: {  	v12 =	vld [tilespmem:s17+$0xEA10]  }
0x266: {  	v15 =	vld [tilespmem:s17+$0xDA00]  }
0x267: {  	v14 =	vld [tilespmem:s17+$0xDA10]  }
0x268: {  	v17 =	vld [tilespmem:s17+$0xCA00]  }
0x269: {  	v16 =	vld [tilespmem:s17+$0xCA10]  }
0x26a: {  	v19 =	vld [tilespmem:s17+$0xAA00]  }
0x26b: {  	v22 =	vld [tilespmem:s17+$0xBA00]  }
0x26c: {  	v21 =	vld [tilespmem:s17+$0xAA10]  }
0x26d: {  	v24 =	vld [tilespmem:s17+$0xBA10]  }
0x26e: {  	v20 =	vld [tilespmem:s17+$0xAA20]  }
0x26f: {  	v23 =	vld [tilespmem:s17+$0xBA20]  }
0x270: {  	s14 =	simm.s32 $0x100;
	v18 =	vld [tilespmem:s17+$0xAA30]  }
.LBB2_12:
0x271: {  	p1 =	sne.s32 s14, $0x3F00;
	v25 =	vld [tilespmem:s17+$0xBA30]  }
0x272: {  	v26 =	vld [tilespmem:s17+$0xCA20]  }
0x273: {  	v19 =	vadd.f32 v22, v19;
	v22 =	vld [tilespmem:s17+$0xCA30]  }
0x274: {  	v21 =	vadd.f32 v24, v21;
	v24 =	vld [tilespmem:s17+$0xDA20]  }
0x275: {  	v17 =	vadd.f32 v17, v19;
	v19 =	vadd.f32 v23, v20;
	v20 =	vld [tilespmem:s17+$0xDA30]  }
0x276: {  	v16 =	vadd.f32 v16, v21;
	v21 =	vld [tilespmem:s17+$0xEA20];
	v18 =	vadd.f32 v25, v18  }
0x277: {  	v15 =	vadd.f32 v15, v17;
	v17 =	vadd.f32 v26, v19;
	v19 =	vld [tilespmem:s17+$0xEA30]  }
0x278: {  	v14 =	vadd.f32 v14, v16;
	v16 =	vld [tilespmem:s17+$0xFA20];
	v18 =	vadd.f32 v22, v18  }
0x279: {  	v13 =	vadd.f32 v13, v15;
	v15 =	vadd.f32 v24, v17;
	v17 =	vld [tilespmem:s17+$0xFA30]  }
0x27a: {  	v12 =	vadd.f32 v12, v14;
	v14 =	vld [tilespmem:s17+$0x10A20];
	v18 =	vadd.f32 v20, v18  }
0x27b: {  	v11 =	vadd.f32 v11, v13;
	v13 =	vadd.f32 v21, v15;
	v15 =	vld [tilespmem:s17+$0x10A30]  }
0x27c: {  	v10 =	vadd.f32 v10, v12;
	v12 =	vld [tilespmem:s17+$0x11A20];
	v18 =	vadd.f32 v19, v18  }
0x27d: {  	v9 =	vadd.f32 v9, v11;
	v11 =	vadd.f32 v16, v13;
	v13 =	vld [tilespmem:s17+$0x11A30]  }
0x27e: {  	v8 =	vadd.f32 v8, v10;
	v10 =	vld [tilespmem:s17+$0x12A20];
	v16 =	vadd.f32 v17, v18  }
0x27f: {  	v7 =	vadd.f32 v7, v9;
	v9 =	vadd.f32 v14, v11;
	v11 =	vld [tilespmem:s17+$0x12A30]  }
0x280: {  	v6 =	vadd.f32 v6, v8;
	v14 =	vld [tilespmem:s17+$0x14A00];
	v8 =	vadd.f32 v15, v16  }
0x281: {  	v5 =	vadd.f32 v5, v7;
	v7 =	vld [tilespmem:s17+$0x14A10];
	v9 =	vadd.f32 v12, v9  }
0x282: {  	v4 =	vadd.f32 v4, v6;
	v6 =	vld [tilespmem:s17+$0x14A20];
	v8 =	vadd.f32 v13, v8  }
0x283: {  	s2 =	sshra.s32 s14, $0x2;
	v5 =	vadd.f32 v3, v5;
	v9 =	vadd.f32 v10, v9;
	v10 =	vld [tilespmem:s17+$0x14A30]  }
0x284: {  	v4 =	vadd.f32 v2, v4;
	v3 =	vld [tilespmem:s2+$0x13A00];
	v8 =	vadd.f32 v11, v8  }
0x285: {  	v2 =	vld [tilespmem:s2+$0x13A10];
	v5 =	vadd.f32 v14, v5;
	v9 =	vadd.f32 v1, v9  }
0x286: {  	v1 =	vld [tilespmem:s2+$0x13A20];
	v4 =	vadd.f32 v7, v4;
	v7 =	vadd.f32 v0, v8  }
0x287: {  	v0 =	vld [tilespmem:s2+$0x13A30];
	[tilespmem:s17+$0x14A00] =	vst v5;
	v6 =	vadd.f32 v6, v9  }
0x288: {  	v5 =	vld [tilespmem:s2+$0x12A00];
	[tilespmem:s17+$0x14A10] =	vst v4;
	v8 =	vadd.f32 v10, v7  }
0x289: {  	v4 =	vld [tilespmem:s2+$0x12A10];
	[tilespmem:s17+$0x14A20] =	vst v6  }
0x28a: {  	v7 =	vld [tilespmem:s2+$0x11A00];
	[tilespmem:s17+$0x14A30] =	vst v8;
	s17 =	smov.u32 s2  }
0x28b: {  	v6 =	vld [tilespmem:s17+$0x11A10]  }
0x28c: {  	v9 =	vld [tilespmem:s17+$0x10A00]  }
0x28d: {  	v8 =	vld [tilespmem:s17+$0x10A10]  }
0x28e: {  	v11 =	vld [tilespmem:s17+$0xFA00]  }
0x28f: {  	v10 =	vld [tilespmem:s17+$0xFA10]  }
0x290: {  	v13 =	vld [tilespmem:s17+$0xEA00]  }
0x291: {  	v12 =	vld [tilespmem:s17+$0xEA10]  }
0x292: {  	v15 =	vld [tilespmem:s17+$0xDA00]  }
0x293: {  	v14 =	vld [tilespmem:s17+$0xDA10]  }
0x294: {  	v17 =	vld [tilespmem:s17+$0xCA00]  }
0x295: {  	v16 =	vld [tilespmem:s17+$0xCA10]  }
0x296: {  	v19 =	vld [tilespmem:s17+$0xAA00]  }
0x297: {  	v22 =	vld [tilespmem:s17+$0xBA00]  }
.Ltmp9:
0x298: {  	v21 =	vld [tilespmem:s17+$0xAA10];
	(pc) =	sbr.rel @p1 .LBB2_12-.Ltmp9, $4  }
0x299: {  	v24 =	vld [tilespmem:s17+$0xBA10]  }
0x29a: {  	v20 =	vld [tilespmem:s17+$0xAA20]  }
0x29b: {  	v23 =	vld [tilespmem:s17+$0xBA20]  }
0x29c: {  	s14 =	sadd.s32 $0x100, s14;
	v18 =	vld [tilespmem:s17+$0xAA30]  }
0x29d: {  	v25 =	vld [tilespmem:s17+$0xBA30]  }
0x29e: {  	v26 =	vld [tilespmem:s17+$0xCA20]  }
0x29f: {  	v19 =	vadd.f32 v22, v19;
	v37 =	vld [tilespmem:s17+$0xCA30]  }
0x2a0: {  	v38 =	vld [tilespmem:s17+$0xDA20];
	v21 =	vadd.f32 v24, v21  }
0x2a1: {  	v40 =	vld [tilespmem:s17+$0xDA30];
	v17 =	vadd.f32 v17, v19;
	v39 =	vadd.f32 v23, v20  }
0x2a2: {  	v41 =	vld [tilespmem:s17+$0xEA20];
	v16 =	vadd.f32 v16, v21;
	v18 =	vadd.f32 v25, v18  }
0x2a3: {  	v43 =	vld [tilespmem:s17+$0xEA30];
	v15 =	vadd.f32 v15, v17;
	v42 =	vadd.f32 v26, v39  }
0x2a4: {  	v44 =	vld [tilespmem:s17+$0xFA20];
	v14 =	vadd.f32 v14, v16;
	v18 =	vadd.f32 v37, v18  }
0x2a5: {  	v46 =	vld [tilespmem:s17+$0xFA30];
	v13 =	vadd.f32 v13, v15;
	v45 =	vadd.f32 v38, v42  }
0x2a6: {  	v47 =	vld [tilespmem:s17+$0x10A20];
	v12 =	vadd.f32 v12, v14;
	v18 =	vadd.f32 v40, v18  }
0x2a7: {  	v49 =	vld [tilespmem:s17+$0x10A30];
	v11 =	vadd.f32 v11, v13;
	v48 =	vadd.f32 v41, v45  }
0x2a8: {  	v50 =	vld [tilespmem:s17+$0x11A20];
	v10 =	vadd.f32 v10, v12;
	v18 =	vadd.f32 v43, v18  }
0x2a9: {  	v52 =	vld [tilespmem:s17+$0x11A30];
	v9 =	vadd.f32 v9, v11;
	v51 =	vadd.f32 v44, v48  }
0x2aa: {  	v53 =	vld [tilespmem:s17+$0x12A20];
	v8 =	vadd.f32 v8, v10;
	v54 =	vadd.f32 v46, v18  }
0x2ab: {  	v56 =	vld [tilespmem:s17+$0x12A30];
	v7 =	vadd.f32 v7, v9;
	v55 =	vadd.f32 v47, v51  }
0x2ac: {  	v57 =	vld [tilespmem:s17+$0x14A00];
	v6 =	vadd.f32 v6, v8;
	v58 =	vadd.f32 v49, v54  }
0x2ad: {  	v59 =	vld [tilespmem:s17+$0x14A10];
	v5 =	vadd.f32 v5, v7;
	v9 =	vadd.f32 v50, v55  }
0x2ae: {  	v60 =	vld [tilespmem:s17+$0x14A20];
	v4 =	vadd.f32 v4, v6;
	v8 =	vadd.f32 v52, v58  }
0x2af: {  	v62 =	vld [tilespmem:s17+$0x14A30];
	v3 =	vadd.f32 v3, v5;
	v61 =	vadd.f32 v53, v9  }
0x2b0: {  	v2 =	vadd.f32 v2, v4;
	v63 =	vadd.f32 v56, v8  }
0x2b1: {  	v3 =	vadd.f32 v57, v3;
	v1 =	vadd.f32 v1, v61  }
0x2b2: {  	v2 =	vadd.f32 v59, v2;
	v0 =	vadd.f32 v0, v63  }
0x2b3: {  	[tilespmem:s17+$0x14A00] =	vst v3;
	v1 =	vadd.f32 v60, v1  }
0x2b4: {  	[tilespmem:s17+$0x14A10] =	vst v2;
	v0 =	vadd.f32 v62, v0  }
0x2b5: {  	s2 =	sshll.u32 s12, $0x3;
	s10 =	rddreg [dreg:$0x1];
	[tilespmem:s17+$0x14A20] =	vst v1  }
0x2b6: {  	s2 =	sadd.s32 s10, s2;
	[tilespmem:s17+$0x14A30] =	vst v0  }
0x2b7: {  	[tilespmem:s0], [sflag:$0x4] =	stream.linear.gather [hbm4b:s2+s3], $0x40, $0x38;
	[tilespmem:$0x15A40] =	vst v63  }
0x2b8: {  	_ =	swait.ge [sflag:s1], $0x40  }
0x2b9: {  	[sflag:s1] =	ssyncset.done $0x0  }
.Ltmp10:
0x2ba: {  	[sflag:s1] =	ssyncadd.s32 $0xFFFFFFC0;
	(pc) =	sbr.rel .LBB2_14-.Ltmp10, $4  }
0x2bb: {  	[hbm4b:s7+s16] =	stream.indirect.scatter [tilespmem:s30], [sflag:$0x3], $0x40, s0, s16, $0xb8;
	[tilespmem:$0x15A40] =	vst v63  }
0x2bc: {  	_ =	swait.ge [sflag:s15], $0x1000  }
0x2bd: {  	[sflag:s15] =	ssyncset.done $0x0  }
0x2be: {  	[sflag:s15] =	ssyncadd.s32 $0xFFFFF000  }
.LBB2_16:
0x2bf: {  	_ =	sfence.sel $0x180000  }
0x2c0: {  	[bflag:$0x0] =	sbarrier.arrive $0xFFFF  }
0x2c1: {  	_ =	strace $0x90000047  }
0x2c2: {  	s0 =	stileid.u32;
	[bflag:$0x2] =	sbarrier.arrive $0xFFFF  }
0x2c3: {  	p0 =	sne.s32 s0, $0x0;
	s0 =	rddreg [dreg:$0x2]  }
0x2c4: {  	s0 =	sadd.s32 @!p0 $0x100000, s0  }
0x2c5: {  	[sflag:s0] =	ssyncadd.tile.s32 @!p0 $0x1;
	_ =	shalt  }
.Lfunc_end2:
_tile_overlayer_lowered:
.L_overlay_start_2:
0x2c6: {  	(tag) =	ssettag $0x2  }
0x2c7: {  	s0 =	rddreg [dreg:$0x0];
	s2 =	stileid.u32  }
0x2c8: {  	s1 =	rddreg [dreg:$0x1];
	p0 =	sne.s32 s2, $0x0  }
0x2c9: {  	s3 =	rddreg [dreg:$0x2];
	[bflag:$0x3] =	sbarrier.arrive $0xFFFF;
	s2 =	simm.s32 @!p0 $0x1C03  }
0x2ca: {  	[timem:s3], [sflag:s2] =	dma.local @!p0 [hbm:s0], s1  }
0x2cb: {  	s0 =	simm.s32 @!p0 $0x3  }
0x2cc: {  	_ =	swait.ge @!p0 [sflag:s0], s1  }
0x2cd: {  	s1 =	ssub.s32 @!p0 $0x0, s1;
	[sflag:s0] =	ssyncset.done @!p0 $0x0  }
0x2ce: {  	[sflag:s0] =	ssyncadd.s32 @!p0 s1  }
0x2cf: {  	[bflag:$0x3] =	sbarrier.arrive $0xFFFF  }
0x2d0: {  	_ =	shalt  }

</sc_bundles>
